<compile_context>
chip_gen: v7x
topology: tpu7x:2x2x1
jax: 0.10.2.dev20260603
libtpu: 0.0.44.dev20260713+nightly
codegen_flags: <defaults>
</compile_context>

<pallas_src>
import functools

import jax
import jax.numpy as jnp
from jax import lax
from jax.experimental import pallas as pl
from jax.experimental.pallas import tpu as pltpu
from jax.experimental.pallas import tpu_sc as plsc

_FEAT_STRIDE = 16.0
_PRE_NMS = 6000
_POST_NMS = 300
_NMS_THRESH = 0.7
_LANES = 128

_NW = 32
_CH_ROWS = 36
_CH = _CH_ROWS * _LANES
_CROWS = 49
_PAD = _CROWS * _LANES
_META = 48


def _transform_kernel(im_ref, sb_ref, dx_ref, dy_ref, dw_ref, dh_ref,
                      cx_ref, cy_ref, aw_ref, ah_ref,
                      x1_o, y1_o, x2_o, y2_o, ar_o, meta_o,
                      *, rows, pre_nms):
    b = pl.program_id(0)
    n = rows * _LANES

    ww = aw_ref[...]
    hh = ah_ref[...]
    pcx = dx_ref[0] * ww + cx_ref[...]
    pcy = dy_ref[0] * hh + cy_ref[...]
    pw = jnp.exp(dw_ref[0]) * ww
    ph = jnp.exp(dh_ref[0]) * hh
    maxw = im_ref[b, 1] - 1.0
    maxh = im_ref[b, 0] - 1.0
    x1 = jnp.minimum(jnp.maximum(pcx - 0.5 * pw, 0.0), maxw)
    y1 = jnp.minimum(jnp.maximum(pcy - 0.5 * ph, 0.0), maxh)
    x2 = jnp.minimum(jnp.maximum(pcx + 0.5 * pw, 0.0), maxw)
    y2 = jnp.minimum(jnp.maximum(pcy + 0.5 * ph, 0.0), maxh)
    x1_o[0] = x1
    y1_o[0] = y1
    x2_o[0] = x2
    y2_o[0] = y2
    ar_o[0] = (x2 - x1 + 1.0) * (y2 - y1 + 1.0)

    sbits = sb_ref[0]
    iota = (lax.broadcasted_iota(jnp.int32, (rows, _LANES), 0) * _LANES
            + lax.broadcasted_iota(jnp.int32, (rows, _LANES), 1))

    def _count_gt(t):
        return jnp.sum(jnp.where(sbits > t, 1.0, 0.0))

    kf = jnp.float32(pre_nms)

    def _bis_body(_, carry):
        lo, hi = carry
        mid = lax.div(lo + hi, 2)
        gt = _count_gt(mid) >= kf
        return (jnp.where(gt, mid, lo), jnp.where(gt, hi, mid))

    _, tbits = lax.fori_loop(0, 31, _bis_body,
                             (jnp.int32(-1), jnp.int32(1 << 30)))

    count_gt = _count_gt(tbits)
    r = kf - count_gt
    eq = sbits == tbits

    def _tie_body(_, carry):
        lo, hi = carry
        mid = lax.div(lo + hi, 2)
        cnt = jnp.sum(jnp.where(eq & (iota <= mid), 1.0, 0.0))
        ge = cnt >= r
        return (jnp.where(ge, lo, mid), jnp.where(ge, mid, hi))

    _, mcut = lax.fori_loop(0, 18, _tie_body, (jnp.int32(-1),
                                               jnp.int32(n - 1)))

    member = (sbits > tbits) | (eq & (iota <= mcut))
    meta_o[0, 0, 0] = tbits
    meta_o[0, 0, 1] = mcut
    base = jnp.float32(0.0)
    for s in range(_NW):
        meta_o[0, 0, 2 + s] = base.astype(jnp.int32)
        base = base + jnp.sum(
            jnp.where(member[s * _CH_ROWS:(s + 1) * _CH_ROWS, :], 1.0, 0.0))


def _sc_compact_kernel(sb_hbm, meta_hbm, x1_hbm, y1_hbm, x2_hbm, y2_hbm,
                       ar_hbm, x1o, y1o, x2o, y2o, aro, sbo,
                       sb_v, idx_v, meta_v, x1_v, y1_v, x2_v, y2_v, ar_v,
                       x1_sh, y1_sh, x2_sh, y2_sh, ar_sh, sb_sh,
                       sem, sem2, *, nimg):
    cid = lax.axis_index("c")
    sid = lax.axis_index("s")
    l16 = lax.iota(jnp.int32, 16)

    @pl.when(cid == 0)
    def _compact():
        for b in range(nimg):
            pltpu.sync_copy(meta_hbm.at[b, 0], meta_v)
            m0 = meta_v[pl.ds(0, 16)]
            m1 = meta_v[pl.ds(16, 16)]
            m2 = meta_v[pl.ds(32, 16)]
            tbits = jnp.sum(jnp.where(l16 == 0, m0, 0))
            mcut = jnp.sum(jnp.where(l16 == 1, m0, 0))
            out0 = b * _PAD
            for k in range(2):
                chunk = sid + k * 16
                e0 = chunk * _CH
                mpos = chunk + 2
                vsel = jnp.where(mpos < 16, m0,
                                 jnp.where(mpos < 32, m1, m2))
                base = jnp.sum(jnp.where(l16 == (mpos % 16), vsel, 0))
                trash = out0 + _NW * 192 + chunk

                stage = [pltpu.async_copy(src.at[b, pl.ds(e0, _CH)], dst,
                                          sem2)
                         for src, dst in ((x1_hbm, x1_v), (y1_hbm, y1_v),
                                          (x2_hbm, x2_v), (y2_hbm, y2_v),
                                          (ar_hbm, ar_v))]
                pltpu.sync_copy(sb_hbm.at[b, pl.ds(e0, _CH)], sb_v)

                def _row_body(r, run):
                    for c8 in range(8):
                        off = r * _LANES + c8 * 16
                        sb = sb_v[pl.ds(off, 16)]
                        gidx = e0 + off + l16
                        m = (sb > tbits) | ((sb == tbits) & (gidx <= mcut))
                        mi = m.astype(jnp.int32)
                        inc = plsc.cumsum(mi)
                        posv = out0 + base + run + (inc - mi)
                        idx_v[r, pl.ds(c8 * 16, 16)] = jnp.where(m, posv,
                                                                 trash)
                        run = run + jnp.sum(mi)
                    return run

                lax.fori_loop(0, _CH_ROWS, _row_body, jnp.int32(0))

                for h in stage:
                    h.wait()

                def _scat_body(j, c):
                    for src, dst in ((x1_v, x1_sh), (y1_v, y1_sh),
                                     (x2_v, x2_sh), (y2_v, y2_sh),
                                     (ar_v, ar_sh), (sb_v, sb_sh)):
                        pltpu.async_copy(
                            src.at[pl.ds(j * _LANES, _LANES)],
                            dst.at[idx_v.at[j]], sem)
                    return c

                lax.fori_loop(0, _CH_ROWS, _scat_body, 0)
                for _ in range(6):
                    pltpu.make_async_copy(
                        sb_hbm.at[b, pl.ds(e0, _CH)], sb_v, sem).wait()

    plsc.subcore_barrier()

    @pl.when((cid == 0) & (sid == 0))
    def _flush():
        pltpu.sync_copy(x1_sh, x1o)
        pltpu.sync_copy(y1_sh, y1o)
        pltpu.sync_copy(x2_sh, x2o)
        pltpu.sync_copy(y2_sh, y2o)
        pltpu.sync_copy(ar_sh, aro)
        pltpu.sync_copy(sb_sh, sbo)


def _nms_kernel(x1_ref, y1_ref, x2_ref, y2_ref, ar_ref, sb_ref, out_ref,
                sm_s, *, pre_nms, post_nms, thresh, nimg):
    iota = (lax.broadcasted_iota(jnp.int32, (_CROWS, _LANES), 0) * _LANES
            + lax.broadcasted_iota(jnp.int32, (_CROWS, _LANES), 1))
    for b in range(nimg):
        sm_s[b] = jnp.where(iota < pre_nms, sb_ref[b], jnp.int32(-1))

    def _nms_body(j, carry):
        for b in range(nimg):
            x1 = x1_ref[b]
            y1 = y1_ref[b]
            x2 = x2_ref[b]
            y2 = y2_ref[b]
            ar = ar_ref[b]
            smv = sm_s[b]
            mv = jnp.max(smv)
            sel = smv == mv
            idxv = jnp.min(jnp.where(sel, iota, jnp.int32(_PAD)))
            one = iota == idxv
            bx1 = jnp.sum(jnp.where(one, x1, 0.0))
            by1 = jnp.sum(jnp.where(one, y1, 0.0))
            bx2 = jnp.sum(jnp.where(one, x2, 0.0))
            by2 = jnp.sum(jnp.where(one, y2, 0.0))
            bar = jnp.sum(jnp.where(one, ar, 0.0))
            xx1 = jnp.maximum(bx1, x1)
            yy1 = jnp.maximum(by1, y1)
            xx2 = jnp.minimum(bx2, x2)
            yy2 = jnp.minimum(by2, y2)
            iw = jnp.maximum(0.0, xx2 - xx1 + 1.0)
            ih = jnp.maximum(0.0, yy2 - yy1 + 1.0)
            inter = iw * ih
            iou = inter / ((bar + ar) - inter)
            sm_s[b] = jnp.where(iou <= thresh, smv, jnp.int32(-1))
            valid = mv >= 0
            out_ref[b, j, 0] = jnp.where(valid, bx1, 0.0)
            out_ref[b, j, 1] = jnp.where(valid, by1, 0.0)
            out_ref[b, j, 2] = jnp.where(valid, bx2, 0.0)
            out_ref[b, j, 3] = jnp.where(valid, by2, 0.0)
        return carry

    lax.fori_loop(0, post_nms, _nms_body, 0)


def kernel(scores, bbox_deltas, im_info, anchors):
    B = scores.shape[0]
    A = anchors.shape[0]
    H = scores.shape[2]
    W = scores.shape[3]
    K = H * W
    N = K * A
    rows = N // _LANES

    sc = jnp.transpose(scores[:, A:, :, :], (0, 2, 3, 1)).reshape(B, rows,
                                                                  _LANES)
    sbits = lax.bitcast_convert_type(sc, jnp.int32)
    dl = jnp.transpose(bbox_deltas, (0, 2, 3, 1)).reshape(B, K, A, 4)
    dx = dl[..., 0].reshape(B, rows, _LANES)
    dy = dl[..., 1].reshape(B, rows, _LANES)
    dw = dl[..., 2].reshape(B, rows, _LANES)
    dh = dl[..., 3].reshape(B, rows, _LANES)

    aw = anchors[:, 2] - anchors[:, 0] + 1.0
    ah = anchors[:, 3] - anchors[:, 1] + 1.0
    acx = anchors[:, 0] + 0.5 * aw
    acy = anchors[:, 1] + 0.5 * ah
    shift_x = jnp.arange(W, dtype=jnp.float32) * _FEAT_STRIDE
    shift_y = jnp.arange(H, dtype=jnp.float32) * _FEAT_STRIDE
    sx, sy = jnp.meshgrid(shift_x, shift_y)
    cx = (sx.ravel()[:, None] + acx[None, :]).reshape(rows, _LANES)
    cy = (sy.ravel()[:, None] + acy[None, :]).reshape(rows, _LANES)
    awf = jnp.broadcast_to(aw[None, :], (K, A)).reshape(rows, _LANES)
    ahf = jnp.broadcast_to(ah[None, :], (K, A)).reshape(rows, _LANES)

    tbody = functools.partial(_transform_kernel, rows=rows,
                              pre_nms=_PRE_NMS)
    img_spec = pl.BlockSpec((1, rows, _LANES), lambda b: (b, 0, 0))
    shared_spec = pl.BlockSpec((rows, _LANES), lambda b: (0, 0))
    big = jax.ShapeDtypeStruct((B, rows, _LANES), jnp.float32)
    x1f, y1f, x2f, y2f, arf, meta = pl.pallas_call(
        tbody,
        grid=(B,),
        in_specs=[
            pl.BlockSpec(memory_space=pltpu.SMEM),
            img_spec, img_spec, img_spec, img_spec, img_spec,
            shared_spec, shared_spec, shared_spec, shared_spec,
        ],
        out_specs=[img_spec] * 5 + [
            pl.BlockSpec((1, 1, _META), lambda b: (b, 0, 0),
                         memory_space=pltpu.SMEM)],
        out_shape=[big] * 5 + [
            jax.ShapeDtypeStruct((B, 1, _META), jnp.int32)],
    )(im_info, sbits, dx, dy, dw, dh, cx, cy, awf, ahf)

    scbody = functools.partial(_sc_compact_kernel, nimg=B)
    flat = jax.ShapeDtypeStruct((B * _PAD,), jnp.float32)
    mesh = plsc.VectorSubcoreMesh(core_axis_name="c", subcore_axis_name="s")
    ch_f32 = pltpu.VMEM((_CH,), jnp.float32)
    ch_i32 = pltpu.VMEM((_CH,), jnp.int32)
    x1c, y1c, x2c, y2c, arc, sbc = pl.kernel(
        scbody,
        out_type=[flat] * 5 + [jax.ShapeDtypeStruct((B * _PAD,),
                                                    jnp.int32)],
        mesh=mesh,
        scratch_types=[ch_i32,
                       pltpu.VMEM((_CH_ROWS, _LANES), jnp.int32),
                       pltpu.VMEM((_META,), jnp.int32),
                       ch_f32, ch_f32, ch_f32, ch_f32, ch_f32,
                       pltpu.VMEM_SHARED((B * _PAD,), jnp.float32),
                       pltpu.VMEM_SHARED((B * _PAD,), jnp.float32),
                       pltpu.VMEM_SHARED((B * _PAD,), jnp.float32),
                       pltpu.VMEM_SHARED((B * _PAD,), jnp.float32),
                       pltpu.VMEM_SHARED((B * _PAD,), jnp.float32),
                       pltpu.VMEM_SHARED((B * _PAD,), jnp.int32),
                       pltpu.SemaphoreType.DMA, pltpu.SemaphoreType.DMA],
        compiler_params=pltpu.CompilerParams(needs_layout_passes=False),
    )(sbits.reshape(B, N), meta, x1f.reshape(B, N), y1f.reshape(B, N),
      x2f.reshape(B, N), y2f.reshape(B, N), arf.reshape(B, N))

    nbody = functools.partial(_nms_kernel, pre_nms=_PRE_NMS,
                              post_nms=_POST_NMS, thresh=_NMS_THRESH,
                              nimg=B)
    out = pl.pallas_call(
        nbody,
        out_specs=pl.BlockSpec(memory_space=pltpu.SMEM),
        out_shape=jax.ShapeDtypeStruct((B, _POST_NMS, 4), jnp.float32),
        scratch_shapes=[pltpu.VMEM((B, _CROWS, _LANES), jnp.int32)],
    )(x1c.reshape(B, _CROWS, _LANES), y1c.reshape(B, _CROWS, _LANES),
      x2c.reshape(B, _CROWS, _LANES), y2c.reshape(B, _CROWS, _LANES),
      arc.reshape(B, _CROWS, _LANES), sbc.reshape(B, _CROWS, _LANES))

    col0 = jnp.broadcast_to(
        jnp.arange(B, dtype=jnp.float32)[:, None, None], (B, _POST_NMS, 1))
    return jnp.concatenate([col0, out], axis=2)

# --- scband reference (transcript-rebuilt; emitter-appended) ---
"""Pipeline reference for scband-proposal-layer-54631984005138 (READ-ONLY COPY).

The authoritative reference and input builder live on the scoring server;
editing this copy changes nothing except your own understanding.
"""

import jax, jax.numpy as jnp
import numpy as np

FEAT_STRIDE = 16
PRE_NMS = 6000
POST_NMS = 300
NMS_THRESH = 0.7


def generate_anchors(base_size=16, ratios=np.array([0.5, 1.0, 2.0]), scales=np.array([8.0, 16.0, 32.0])):
    base = np.array([1.0, 1.0, base_size, base_size]) - 1.0
    w = base[2] - base[0] + 1.0
    h = base[3] - base[1] + 1.0
    x = base[0] + 0.5 * (w - 1.0)
    y = base[1] + 0.5 * (h - 1.0)
    size = w * h
    sr = size / ratios
    ws = np.round(np.sqrt(sr))
    hs = np.round(ws * ratios)
    ratio_anchors = np.stack([x - 0.5 * (ws - 1.0), y - 0.5 * (hs - 1.0), x + 0.5 * (ws - 1.0), y + 0.5 * (hs - 1.0)], axis=1)
    out = []
    for i in range(ratio_anchors.shape[0]):
        a = ratio_anchors[i]
        w = a[2] - a[0] + 1.0
        h = a[3] - a[1] + 1.0
        x = a[0] + 0.5 * (w - 1.0)
        y = a[1] + 0.5 * (h - 1.0)
        ws = w * scales
        hs = h * scales
        out.append(np.stack([x - 0.5 * (ws - 1.0), y - 0.5 * (hs - 1.0), x + 0.5 * (ws - 1.0), y + 0.5 * (hs - 1.0)], axis=1))
    return np.vstack(out).astype(np.float32)


def _nms(props, thresh, post_n):
    x1 = props[:, 0]; y1 = props[:, 1]; x2 = props[:, 2]; y2 = props[:, 3]
    areas = (x2 - x1 + 1.0) * (y2 - y1 + 1.0)

    def body(mask, _):
        idx = jnp.argmax(mask)
        valid = mask[idx]
        box = props[idx]
        xx1 = jnp.maximum(box[0], x1)
        yy1 = jnp.maximum(box[1], y1)
        xx2 = jnp.minimum(box[2], x2)
        yy2 = jnp.minimum(box[3], y2)
        w = jnp.maximum(0.0, xx2 - xx1 + 1.0)
        h = jnp.maximum(0.0, yy2 - yy1 + 1.0)
        inter = w * h
        iou = inter / (areas[idx] + areas - inter)
        new_mask = mask & (iou <= thresh)
        return new_mask, (idx, valid)

    _, (keep_idx, valid_flags) = jax.lax.scan(body, jnp.ones(props.shape[0], dtype=bool), None, length=post_n)
    return keep_idx, valid_flags


def setup_inputs(seed: int = 0) -> dict:
    key = jax.random.key(seed)
    k1, k2 = jax.random.split(key)
    scores = jax.random.uniform(k1, (2, 18, 128, 128), dtype=jnp.float32)
    bbox_deltas = jax.random.normal(k2, (2, 36, 128, 128), dtype=jnp.float32) * 0.1
    im_info = jnp.array([[2048.0, 2048.0, 1.0], [2048.0, 2048.0, 1.0]], dtype=jnp.float32)
    anchors = jnp.asarray(generate_anchors())
    return {"scores": scores, "bbox_deltas": bbox_deltas, "im_info": im_info, "anchors": anchors}


def reference(scores, bbox_deltas, im_info, anchors):
    A = anchors.shape[0]
    sc = scores[:, A:, :, :]
    B = bbox_deltas.shape[0]
    H = sc.shape[2]
    W = sc.shape[3]
    shift_x = jnp.arange(W, dtype=jnp.float32) * FEAT_STRIDE
    shift_y = jnp.arange(H, dtype=jnp.float32) * FEAT_STRIDE
    sx, sy = jnp.meshgrid(shift_x, shift_y)
    shifts = jnp.stack([sx.ravel(), sy.ravel(), sx.ravel(), sy.ravel()], axis=1)
    K = shifts.shape[0]
    anc = (anchors[None, :, :] + shifts[:, None, :]).reshape(1, K * A, 4)
    anc = jnp.broadcast_to(anc, (B, K * A, 4))
    deltas = jnp.transpose(bbox_deltas, (0, 2, 3, 1)).reshape(B, -1, 4)
    sc = jnp.transpose(sc, (0, 2, 3, 1)).reshape(B, -1)
    widths = anc[:, :, 2] - anc[:, :, 0] + 1.0
    heights = anc[:, :, 3] - anc[:, :, 1] + 1.0
    ctr_x = anc[:, :, 0] + 0.5 * widths
    ctr_y = anc[:, :, 1] + 0.5 * heights
    dx = deltas[:, :, 0]; dy = deltas[:, :, 1]; dw = deltas[:, :, 2]; dh = deltas[:, :, 3]
    pcx = dx * widths + ctr_x
    pcy = dy * heights + ctr_y
    pw = jnp.exp(dw) * widths
    ph = jnp.exp(dh) * heights
    proposals = jnp.stack([pcx - 0.5 * pw, pcy - 0.5 * ph, pcx + 0.5 * pw, pcy + 0.5 * ph], axis=2)
    maxw = im_info[:, 1][:, None] - 1.0
    maxh = im_info[:, 0][:, None] - 1.0
    x1 = jnp.minimum(jnp.maximum(proposals[:, :, 0], 0.0), maxw)
    y1 = jnp.minimum(jnp.maximum(proposals[:, :, 1], 0.0), maxh)
    x2 = jnp.minimum(jnp.maximum(proposals[:, :, 2], 0.0), maxw)
    y2 = jnp.minimum(jnp.maximum(proposals[:, :, 3], 0.0), maxh)
    proposals = jnp.stack([x1, y1, x2, y2], axis=2)
    outs = []
    for i in range(B):
        _, order = jax.lax.top_k(sc[i], PRE_NMS)
        p_top = proposals[i][order]
        keep_idx, valid = _nms(p_top, NMS_THRESH, POST_NMS)
        kept = p_top[keep_idx] * valid[:, None].astype(jnp.float32)
        col0 = jnp.full((POST_NMS, 1), float(i), dtype=jnp.float32)
        outs.append(jnp.concatenate([col0, kept], axis=1))
    return jnp.stack(outs, axis=0)

if __name__ == "__main__":
    import jax
    _d = setup_inputs()
    print(jax.jit(kernel)(*tuple(_d.values())))

</pallas_src>

<mosaic_0001>
#map = affine_map<(d0, d1) -> (0, 0)>
#map1 = affine_map<(d0, d1) -> (0, 0, 0)>
#map2 = affine_map<(d0, d1) -> (0)>
module attributes {stable_mosaic.version = 14 : i64} {
  func.func @_sc_compact_kernel(%arg0: i32, %arg1: i32, %arg2: memref<2x147456xi32, #tpu.memory_space<hbm>>, %arg3: memref<2x1x48xi32, #tpu.memory_space<hbm>>, %arg4: memref<2x147456xf32, #tpu.memory_space<hbm>>, %arg5: memref<2x147456xf32, #tpu.memory_space<hbm>>, %arg6: memref<2x147456xf32, #tpu.memory_space<hbm>>, %arg7: memref<2x147456xf32, #tpu.memory_space<hbm>>, %arg8: memref<2x147456xf32, #tpu.memory_space<hbm>>, %arg9: memref<12544xf32, #tpu.memory_space<hbm>>, %arg10: memref<12544xf32, #tpu.memory_space<hbm>>, %arg11: memref<12544xf32, #tpu.memory_space<hbm>>, %arg12: memref<12544xf32, #tpu.memory_space<hbm>>, %arg13: memref<12544xf32, #tpu.memory_space<hbm>>, %arg14: memref<12544xi32, #tpu.memory_space<hbm>>, %arg15: memref<4608xi32, #tpu.memory_space<vmem>>, %arg16: memref<36x128xi32, #tpu.memory_space<vmem>>, %arg17: memref<48xi32, #tpu.memory_space<vmem>>, %arg18: memref<4608xf32, #tpu.memory_space<vmem>>, %arg19: memref<4608xf32, #tpu.memory_space<vmem>>, %arg20: memref<4608xf32, #tpu.memory_space<vmem>>, %arg21: memref<4608xf32, #tpu.memory_space<vmem>>, %arg22: memref<4608xf32, #tpu.memory_space<vmem>>, %arg23: memref<12544xf32, #tpu.memory_space<vmem_shared>>, %arg24: memref<12544xf32, #tpu.memory_space<vmem_shared>>, %arg25: memref<12544xf32, #tpu.memory_space<vmem_shared>>, %arg26: memref<12544xf32, #tpu.memory_space<vmem_shared>>, %arg27: memref<12544xf32, #tpu.memory_space<vmem_shared>>, %arg28: memref<12544xi32, #tpu.memory_space<vmem_shared>>, %arg29: memref<!tpu.dma_semaphore, #tpu.memory_space<semaphore_mem>>, %arg30: memref<!tpu.dma_semaphore, #tpu.memory_space<semaphore_mem>>) attributes {dimension_semantics = [#tpu.dimension_semantics<core_parallel>, #tpu.dimension_semantics<subcore_parallel>], iteration_bounds = array<i64: 2, 16>, scalar_prefetch = 0 : i64, scratch_operands = 16 : i64, tpu.core_type = #tpu.core_type<sc_vector_subcore>, window_params = [{transform_indices = #map}, {transform_indices = #map1}, {transform_indices = #map}, {transform_indices = #map}, {transform_indices = #map}, {transform_indices = #map}, {transform_indices = #map}, {transform_indices = #map2}, {transform_indices = #map2}, {transform_indices = #map2}, {transform_indices = #map2}, {transform_indices = #map2}, {transform_indices = #map2}]} {
    %iota3A = tpu.iota {dimensions = array<i32: 0>} : vector<16xi32>
    %eq3A = arith.constant 0 : i32
    %eq3A_0 = arith.cmpi eq, %arg0, %eq3A : i32
    %convert_element_type3A = arith.extui %eq3A_0 : i1 to i32
    %cond3A = arith.constant 0 : i32
    %cond3A_1 = arith.cmpi ne, %convert_element_type3A, %cond3A : i32
    scf.if %cond3A_1 {
      %run_scoped3A = arith.constant 0 : i32
      %run_scoped3A_9 = arith.constant 0 : i32
      "tpu.region"() ({
        %run_scoped3A_583 = tpu.sem_alloc : memref<!tpu.dma_semaphore, #tpu.memory_space<semaphore_mem>>
        %dma_start3A_584 = arith.constant 0 : i32
        %dma_start3A_585 = tpu.memref_slice %arg3[%run_scoped3A, %run_scoped3A_9, %dma_start3A_584] : memref<2x1x48xi32, #tpu.memory_space<hbm>> -> memref<1x1x48xi32, #tpu.memory_space<hbm>>
        %dma_start3A_586 = tpu.memref_squeeze %dma_start3A_585 : memref<1x1x48xi32, #tpu.memory_space<hbm>> -> memref<48xi32, #tpu.memory_space<hbm>>
        %dma_start3A_587 = arith.constant 0 : i32
        %dma_start3A_588 = tpu.memref_slice %arg3[%run_scoped3A, %run_scoped3A_9, %dma_start3A_587] : memref<2x1x48xi32, #tpu.memory_space<hbm>> -> memref<1x1x48xi32, #tpu.memory_space<hbm>>
        %dma_start3A_589 = tpu.memref_squeeze %dma_start3A_588 : memref<1x1x48xi32, #tpu.memory_space<hbm>> -> memref<48xi32, #tpu.memory_space<hbm>>
        tpu.enqueue_dma source(%dma_start3A_589 : memref<48xi32, #tpu.memory_space<hbm>>) target(%arg17 : memref<48xi32, #tpu.memory_space<vmem>>) target_semaphore(%run_scoped3A_583 : memref<!tpu.dma_semaphore, #tpu.memory_space<semaphore_mem>>)
        %dma_wait3A_590 = arith.constant 0 : i32
        %dma_wait3A_591 = tpu.memref_slice %arg3[%run_scoped3A, %run_scoped3A_9, %dma_wait3A_590] : memref<2x1x48xi32, #tpu.memory_space<hbm>> -> memref<1x1x48xi32, #tpu.memory_space<hbm>>
        %dma_wait3A_592 = tpu.memref_squeeze %dma_wait3A_591 : memref<1x1x48xi32, #tpu.memory_space<hbm>> -> memref<48xi32, #tpu.memory_space<hbm>>
        %dma_wait3A_593 = arith.constant 0 : i32
        %dma_wait3A_594 = tpu.memref_slice %arg3[%run_scoped3A, %run_scoped3A_9, %dma_wait3A_593] : memref<2x1x48xi32, #tpu.memory_space<hbm>> -> memref<1x1x48xi32, #tpu.memory_space<hbm>>
        %dma_wait3A_595 = tpu.memref_squeeze %dma_wait3A_594 : memref<1x1x48xi32, #tpu.memory_space<hbm>> -> memref<48xi32, #tpu.memory_space<hbm>>
        tpu.wait_dma2 semaphore(%run_scoped3A_583 : memref<!tpu.dma_semaphore, #tpu.memory_space<semaphore_mem>>) src(%dma_wait3A_595 : memref<48xi32, #tpu.memory_space<hbm>>) dst(%arg17 : memref<48xi32, #tpu.memory_space<vmem>>)
        tpu.yield
      }) : () -> ()
      %get3A = arith.constant 0 : index
      %get3A_10 = tpu.vector_load %arg17[%get3A] {strides = array<i32>} : memref<48xi32, #tpu.memory_space<vmem>>, vector<16xi32>,
      %get3A_11 = arith.constant 16 : index
      %get3A_12 = tpu.vector_load %arg17[%get3A_11] {strides = array<i32>} : memref<48xi32, #tpu.memory_space<vmem>>, vector<16xi32>,
      %get3A_13 = arith.constant 32 : index
      %get3A_14 = tpu.vector_load %arg17[%get3A_13] {strides = array<i32>} : memref<48xi32, #tpu.memory_space<vmem>>, vector<16xi32>,
      %eq3A_15 = arith.constant 0 : i32
      %eq3A_16 = vector.broadcast %eq3A_15 : i32 to vector<16xi32>
      %eq3A_17 = arith.cmpi eq, %iota3A, %eq3A_16 : vector<16xi32>
      %jit3A = arith.constant 0 : i32
      %broadcast_in_dim3A = vector.broadcast %jit3A : i32 to vector<16xi32>
      %select_n3A = arith.select %eq3A_17, %get3A_10, %broadcast_in_dim3A : vector<16xi1>, vector<16xi32>
      %reduce_sum3A = arith.constant true
      %reduce_sum3A_18 = vector.broadcast %reduce_sum3A : i1 to vector<16xi1>
      %reduce_sum3A_19 = tpu.scan <sum>, %select_n3A masked %reduce_sum3A_18 : vector<16xi32>, vector<16xi1> -> vector<16xi32>
      %reduce_sum3A_20 = vector.extract %reduce_sum3A_19[15] : i32 from vector<16xi32>
      %eq3A_21 = arith.constant 1 : i32
      %eq3A_22 = vector.broadcast %eq3A_21 : i32 to vector<16xi32>
      %eq3A_23 = arith.cmpi eq, %iota3A, %eq3A_22 : vector<16xi32>
      %jit3A_24 = arith.constant 0 : i32
      %broadcast_in_dim3A_25 = vector.broadcast %jit3A_24 : i32 to vector<16xi32>
      %select_n3A_26 = arith.select %eq3A_23, %get3A_10, %broadcast_in_dim3A_25 : vector<16xi1>, vector<16xi32>
      %reduce_sum3A_27 = arith.constant true
      %reduce_sum3A_28 = vector.broadcast %reduce_sum3A_27 : i1 to vector<16xi1>
      %reduce_sum3A_29 = tpu.scan <sum>, %select_n3A_26 masked %reduce_sum3A_28 : vector<16xi32>, vector<16xi1> -> vector<16xi32>
      %reduce_sum3A_30 = vector.extract %reduce_sum3A_29[15] : i32 from vector<16xi32>
      %add3A = arith.constant 0 : i32
      %add3A_31 = arith.addi %arg1, %add3A : i32
      %mul3A = arith.constant 4608 : i32
      %mul3A_32 = arith.muli %add3A_31, %mul3A : i32
      %add3A_33 = arith.constant 2 : i32
      %add3A_34 = arith.addi %add3A_31, %add3A_33 : i32
      %lt3A = arith.constant 16 : i32
      %lt3A_35 = arith.cmpi slt, %add3A_34, %lt3A : i32
      %lt3A_36 = arith.constant 32 : i32
      %lt3A_37 = arith.cmpi slt, %add3A_34, %lt3A_36 : i32
      %select_n3A_38 = arith.select %lt3A_37, %get3A_12, %get3A_14 : vector<16xi32>
      %select_n3A_39 = arith.select %lt3A_35, %get3A_10, %select_n3A_38 : vector<16xi32>
      %jit3A_40 = arith.constant 16 : i32
      %eq3A_41 = arith.constant 0 : i32
      %eq3A_42 = arith.cmpi eq, %jit3A_40, %eq3A_41 : i32
      %jit3A_43 = arith.constant 1 : i32
      %select_n3A_44 = arith.select %eq3A_42, %jit3A_43, %jit3A_40 : i32
      %rem3A = arith.remsi %add3A_34, %select_n3A_44 : i32
      %ne3A = arith.constant 0 : i32
      %ne3A_45 = arith.cmpi ne, %rem3A, %ne3A : i32
      %lt3A_46 = arith.constant 0 : i32
      %lt3A_47 = arith.cmpi slt, %rem3A, %lt3A_46 : i32
      %lt3A_48 = arith.constant 0 : i32
      %lt3A_49 = arith.cmpi slt, %select_n3A_44, %lt3A_48 : i32
      %ne3A_50 = arith.xori %lt3A_47, %lt3A_49 : i1
      %and3A_51 = arith.andi %ne3A_50, %ne3A_45 : i1
      %add3A_52 = arith.addi %rem3A, %select_n3A_44 : i32
      %select_n3A_53 = arith.select %and3A_51, %add3A_52, %rem3A : i32
      %eq3A_54 = vector.broadcast %select_n3A_53 : i32 to vector<16xi32>
      %eq3A_55 = arith.cmpi eq, %iota3A, %eq3A_54 : vector<16xi32>
      %jit3A_56 = arith.constant 0 : i32
      %broadcast_in_dim3A_57 = vector.broadcast %jit3A_56 : i32 to vector<16xi32>
      %select_n3A_58 = arith.select %eq3A_55, %select_n3A_39, %broadcast_in_dim3A_57 : vector<16xi1>, vector<16xi32>
      %reduce_sum3A_59 = arith.constant true
      %reduce_sum3A_60 = vector.broadcast %reduce_sum3A_59 : i1 to vector<16xi1>
      %reduce_sum3A_61 = tpu.scan <sum>, %select_n3A_58 masked %reduce_sum3A_60 : vector<16xi32>, vector<16xi1> -> vector<16xi32>
      %reduce_sum3A_62 = vector.extract %reduce_sum3A_61[15] : i32 from vector<16xi32>
      %add3A_63 = arith.constant 6144 : i32
      %add3A_64 = arith.addi %add3A_63, %add3A_31 : i32
      %dma_start3A = arith.constant 0 : i32
      %dma_start3A_65 = tpu.memref_slice %arg4[%dma_start3A, %mul3A_32] : memref<2x147456xf32, #tpu.memory_space<hbm>> -> memref<1x4608xf32, #tpu.memory_space<hbm>>
      %dma_start3A_66 = tpu.memref_squeeze %dma_start3A_65 : memref<1x4608xf32, #tpu.memory_space<hbm>> -> memref<4608xf32, #tpu.memory_space<hbm>>
      %dma_start3A_67 = tpu.memref_slice %arg4[%dma_start3A, %mul3A_32] : memref<2x147456xf32, #tpu.memory_space<hbm>> -> memref<1x4608xf32, #tpu.memory_space<hbm>>
      %dma_start3A_68 = tpu.memref_squeeze %dma_start3A_67 : memref<1x4608xf32, #tpu.memory_space<hbm>> -> memref<4608xf32, #tpu.memory_space<hbm>>
      tpu.enqueue_dma source(%dma_start3A_68 : memref<4608xf32, #tpu.memory_space<hbm>>) target(%arg18 : memref<4608xf32, #tpu.memory_space<vmem>>) target_semaphore(%arg30 : memref<!tpu.dma_semaphore, #tpu.memory_space<semaphore_mem>>)
      %dma_start3A_69 = arith.constant 0 : i32
      %dma_start3A_70 = tpu.memref_slice %arg5[%dma_start3A_69, %mul3A_32] : memref<2x147456xf32, #tpu.memory_space<hbm>> -> memref<1x4608xf32, #tpu.memory_space<hbm>>
      %dma_start3A_71 = tpu.memref_squeeze %dma_start3A_70 : memref<1x4608xf32, #tpu.memory_space<hbm>> -> memref<4608xf32, #tpu.memory_space<hbm>>
      %dma_start3A_72 = tpu.memref_slice %arg5[%dma_start3A_69, %mul3A_32] : memref<2x147456xf32, #tpu.memory_space<hbm>> -> memref<1x4608xf32, #tpu.memory_space<hbm>>
      %dma_start3A_73 = tpu.memref_squeeze %dma_start3A_72 : memref<1x4608xf32, #tpu.memory_space<hbm>> -> memref<4608xf32, #tpu.memory_space<hbm>>
      tpu.enqueue_dma source(%dma_start3A_73 : memref<4608xf32, #tpu.memory_space<hbm>>) target(%arg19 : memref<4608xf32, #tpu.memory_space<vmem>>) target_semaphore(%arg30 : memref<!tpu.dma_semaphore, #tpu.memory_space<semaphore_mem>>)
      %dma_start3A_74 = arith.constant 0 : i32
      %dma_start3A_75 = tpu.memref_slice %arg6[%dma_start3A_74, %mul3A_32] : memref<2x147456xf32, #tpu.memory_space<hbm>> -> memref<1x4608xf32, #tpu.memory_space<hbm>>
      %dma_start3A_76 = tpu.memref_squeeze %dma_start3A_75 : memref<1x4608xf32, #tpu.memory_space<hbm>> -> memref<4608xf32, #tpu.memory_space<hbm>>
      %dma_start3A_77 = tpu.memref_slice %arg6[%dma_start3A_74, %mul3A_32] : memref<2x147456xf32, #tpu.memory_space<hbm>> -> memref<1x4608xf32, #tpu.memory_space<hbm>>
      %dma_start3A_78 = tpu.memref_squeeze %dma_start3A_77 : memref<1x4608xf32, #tpu.memory_space<hbm>> -> memref<4608xf32, #tpu.memory_space<hbm>>
      tpu.enqueue_dma source(%dma_start3A_78 : memref<4608xf32, #tpu.memory_space<hbm>>) target(%arg20 : memref<4608xf32, #tpu.memory_space<vmem>>) target_semaphore(%arg30 : memref<!tpu.dma_semaphore, #tpu.memory_space<semaphore_mem>>)
      %dma_start3A_79 = arith.constant 0 : i32
      %dma_start3A_80 = tpu.memref_slice %arg7[%dma_start3A_79, %mul3A_32] : memref<2x147456xf32, #tpu.memory_space<hbm>> -> memref<1x4608xf32, #tpu.memory_space<hbm>>
      %dma_start3A_81 = tpu.memref_squeeze %dma_start3A_80 : memref<1x4608xf32, #tpu.memory_space<hbm>> -> memref<4608xf32, #tpu.memory_space<hbm>>
      %dma_start3A_82 = tpu.memref_slice %arg7[%dma_start3A_79, %mul3A_32] : memref<2x147456xf32, #tpu.memory_space<hbm>> -> memref<1x4608xf32, #tpu.memory_space<hbm>>
      %dma_start3A_83 = tpu.memref_squeeze %dma_start3A_82 : memref<1x4608xf32, #tpu.memory_space<hbm>> -> memref<4608xf32, #tpu.memory_space<hbm>>
      tpu.enqueue_dma source(%dma_start3A_83 : memref<4608xf32, #tpu.memory_space<hbm>>) target(%arg21 : memref<4608xf32, #tpu.memory_space<vmem>>) target_semaphore(%arg30 : memref<!tpu.dma_semaphore, #tpu.memory_space<semaphore_mem>>)
      %dma_start3A_84 = arith.constant 0 : i32
      %dma_start3A_85 = tpu.memref_slice %arg8[%dma_start3A_84, %mul3A_32] : memref<2x147456xf32, #tpu.memory_space<hbm>> -> memref<1x4608xf32, #tpu.memory_space<hbm>>
      %dma_start3A_86 = tpu.memref_squeeze %dma_start3A_85 : memref<1x4608xf32, #tpu.memory_space<hbm>> -> memref<4608xf32, #tpu.memory_space<hbm>>
      %dma_start3A_87 = tpu.memref_slice %arg8[%dma_start3A_84, %mul3A_32] : memref<2x147456xf32, #tpu.memory_space<hbm>> -> memref<1x4608xf32, #tpu.memory_space<hbm>>
      %dma_start3A_88 = tpu.memref_squeeze %dma_start3A_87 : memref<1x4608xf32, #tpu.memory_space<hbm>> -> memref<4608xf32, #tpu.memory_space<hbm>>
      tpu.enqueue_dma source(%dma_start3A_88 : memref<4608xf32, #tpu.memory_space<hbm>>) target(%arg22 : memref<4608xf32, #tpu.memory_space<vmem>>) target_semaphore(%arg30 : memref<!tpu.dma_semaphore, #tpu.memory_space<semaphore_mem>>)
      %run_scoped3A_89 = arith.constant 0 : i32
      "tpu.region"() ({
        %run_scoped3A_583 = tpu.sem_alloc : memref<!tpu.dma_semaphore, #tpu.memory_space<semaphore_mem>>
        %dma_start3A_584 = tpu.memref_slice %arg2[%run_scoped3A_89, %mul3A_32] : memref<2x147456xi32, #tpu.memory_space<hbm>> -> memref<1x4608xi32, #tpu.memory_space<hbm>>
        %dma_start3A_585 = tpu.memref_squeeze %dma_start3A_584 : memref<1x4608xi32, #tpu.memory_space<hbm>> -> memref<4608xi32, #tpu.memory_space<hbm>>
        %dma_start3A_586 = tpu.memref_slice %arg2[%run_scoped3A_89, %mul3A_32] : memref<2x147456xi32, #tpu.memory_space<hbm>> -> memref<1x4608xi32, #tpu.memory_space<hbm>>
        %dma_start3A_587 = tpu.memref_squeeze %dma_start3A_586 : memref<1x4608xi32, #tpu.memory_space<hbm>> -> memref<4608xi32, #tpu.memory_space<hbm>>
        tpu.enqueue_dma source(%dma_start3A_587 : memref<4608xi32, #tpu.memory_space<hbm>>) target(%arg15 : memref<4608xi32, #tpu.memory_space<vmem>>) target_semaphore(%run_scoped3A_583 : memref<!tpu.dma_semaphore, #tpu.memory_space<semaphore_mem>>)
        %dma_wait3A_588 = tpu.memref_slice %arg2[%run_scoped3A_89, %mul3A_32] : memref<2x147456xi32, #tpu.memory_space<hbm>> -> memref<1x4608xi32, #tpu.memory_space<hbm>>
        %dma_wait3A_589 = tpu.memref_squeeze %dma_wait3A_588 : memref<1x4608xi32, #tpu.memory_space<hbm>> -> memref<4608xi32, #tpu.memory_space<hbm>>
        %dma_wait3A_590 = tpu.memref_slice %arg2[%run_scoped3A_89, %mul3A_32] : memref<2x147456xi32, #tpu.memory_space<hbm>> -> memref<1x4608xi32, #tpu.memory_space<hbm>>
        %dma_wait3A_591 = tpu.memref_squeeze %dma_wait3A_590 : memref<1x4608xi32, #tpu.memory_space<hbm>> -> memref<4608xi32, #tpu.memory_space<hbm>>
        tpu.wait_dma2 semaphore(%run_scoped3A_583 : memref<!tpu.dma_semaphore, #tpu.memory_space<semaphore_mem>>) src(%dma_wait3A_591 : memref<4608xi32, #tpu.memory_space<hbm>>) dst(%arg15 : memref<4608xi32, #tpu.memory_space<vmem>>)
        tpu.yield
      }) : () -> ()
      %scan3A = arith.constant 0 : i32
      %scan3A_90 = arith.constant 0 : i32
      %scan3A_91 = arith.constant 36 : i32
      %scan3A_92 = arith.addi %scan3A_90, %scan3A_91 : i32
      %scan3A_93 = arith.constant 1 : i32
      %scan3A_94 = scf.for %scan3A_583 = %scan3A_90 to %scan3A_92 step %scan3A_93 iter_args(%scan3A_584 = %scan3A) -> (i32)  : i32 {
        %mul3A_585 = arith.constant 128 : i32
        %mul3A_586 = arith.muli %scan3A_583, %mul3A_585 : i32
        %add3A_587 = arith.constant 0 : i32
        %add3A_588 = arith.addi %mul3A_586, %add3A_587 : i32
        %get3A_589 = arith.index_cast %add3A_588 : i32 to index
        %get3A_590 = tpu.vector_load %arg15[%get3A_589] {strides = array<i32>} : memref<4608xi32, #tpu.memory_space<vmem>>, vector<16xi32>,
        %add3A_591 = arith.addi %mul3A_32, %add3A_588 : i32
        %add3A_592 = vector.broadcast %add3A_591 : i32 to vector<16xi32>
        %add3A_593 = arith.addi %add3A_592, %iota3A : vector<16xi32>
        %gt3A = vector.broadcast %reduce_sum3A_20 : i32 to vector<16xi32>
        %gt3A_594 = arith.cmpi sgt, %get3A_590, %gt3A : vector<16xi32>
        %eq3A_595 = vector.broadcast %reduce_sum3A_20 : i32 to vector<16xi32>
        %eq3A_596 = arith.cmpi eq, %get3A_590, %eq3A_595 : vector<16xi32>
        %le3A = vector.broadcast %reduce_sum3A_30 : i32 to vector<16xi32>
        %le3A_597 = arith.cmpi sle, %add3A_593, %le3A : vector<16xi32>
        %and3A_598 = arith.andi %eq3A_596, %le3A_597 : vector<16xi1>
        %or3A = arith.ori %gt3A_594, %and3A_598 : vector<16xi1>
        %convert_element_type3A_599 = arith.extui %or3A : vector<16xi1> to vector<16xi32>
        %broadcast_in_dim3A_600 = arith.constant true
        %broadcast_in_dim3A_601 = vector.broadcast %broadcast_in_dim3A_600 : i1 to vector<16xi1>
        %masked_cumsum3A = tpu.scan <sum>, %convert_element_type3A_599 masked %broadcast_in_dim3A_601 : vector<16xi32>, vector<16xi1> -> vector<16xi32>
        %add3A_602 = arith.constant 0 : i32
        %add3A_603 = arith.addi %add3A_602, %reduce_sum3A_62 : i32
        %add3A_604 = arith.addi %add3A_603, %scan3A_584 : i32
        %sub3A = arith.subi %masked_cumsum3A, %convert_element_type3A_599 : vector<16xi32>
        %add3A_605 = vector.broadcast %add3A_604 : i32 to vector<16xi32>
        %add3A_606 = arith.addi %add3A_605, %sub3A : vector<16xi32>
        %broadcast_in_dim3A_607 = vector.broadcast %add3A_64 : i32 to vector<16xi32>
        %select_n3A_608 = arith.select %or3A, %add3A_606, %broadcast_in_dim3A_607 : vector<16xi1>, vector<16xi32>
        %swap3A = arith.index_cast %scan3A_583 : i32 to index
        %swap3A_609 = arith.constant 0 : index
        %swap3A_610 = tpu.vector_load %arg16[%swap3A, %swap3A_609] {strides = array<i32>} : memref<36x128xi32, #tpu.memory_space<vmem>>, vector<16xi32>,
        tpu.vector_store %arg16[%swap3A, %swap3A_609], %select_n3A_608 {strides = array<i32>} : memref<36x128xi32, #tpu.memory_space<vmem>>, vector<16xi32>,
        %reduce_sum3A_611 = arith.constant true
        %reduce_sum3A_612 = vector.broadcast %reduce_sum3A_611 : i1 to vector<16xi1>
        %reduce_sum3A_613 = tpu.scan <sum>, %convert_element_type3A_599 masked %reduce_sum3A_612 : vector<16xi32>, vector<16xi1> -> vector<16xi32>
        %reduce_sum3A_614 = vector.extract %reduce_sum3A_613[15] : i32 from vector<16xi32>
        %add3A_615 = arith.addi %scan3A_584, %reduce_sum3A_614 : i32
        %mul3A_616 = arith.constant 128 : i32
        %mul3A_617 = arith.muli %scan3A_583, %mul3A_616 : i32
        %add3A_618 = arith.constant 16 : i32
        %add3A_619 = arith.addi %mul3A_617, %add3A_618 : i32
        %get3A_620 = arith.index_cast %add3A_619 : i32 to index
        %get3A_621 = tpu.vector_load %arg15[%get3A_620] {strides = array<i32>} : memref<4608xi32, #tpu.memory_space<vmem>>, vector<16xi32>,
        %add3A_622 = arith.addi %mul3A_32, %add3A_619 : i32
        %add3A_623 = vector.broadcast %add3A_622 : i32 to vector<16xi32>
        %add3A_624 = arith.addi %add3A_623, %iota3A : vector<16xi32>
        %gt3A_625 = vector.broadcast %reduce_sum3A_20 : i32 to vector<16xi32>
        %gt3A_626 = arith.cmpi sgt, %get3A_621, %gt3A_625 : vector<16xi32>
        %eq3A_627 = vector.broadcast %reduce_sum3A_20 : i32 to vector<16xi32>
        %eq3A_628 = arith.cmpi eq, %get3A_621, %eq3A_627 : vector<16xi32>
        %le3A_629 = vector.broadcast %reduce_sum3A_30 : i32 to vector<16xi32>
        %le3A_630 = arith.cmpi sle, %add3A_624, %le3A_629 : vector<16xi32>
        %and3A_631 = arith.andi %eq3A_628, %le3A_630 : vector<16xi1>
        %or3A_632 = arith.ori %gt3A_626, %and3A_631 : vector<16xi1>
        %convert_element_type3A_633 = arith.extui %or3A_632 : vector<16xi1> to vector<16xi32>
        %broadcast_in_dim3A_634 = arith.constant true
        %broadcast_in_dim3A_635 = vector.broadcast %broadcast_in_dim3A_634 : i1 to vector<16xi1>
        %masked_cumsum3A_636 = tpu.scan <sum>, %convert_element_type3A_633 masked %broadcast_in_dim3A_635 : vector<16xi32>, vector<16xi1> -> vector<16xi32>
        %add3A_637 = arith.constant 0 : i32
        %add3A_638 = arith.addi %add3A_637, %reduce_sum3A_62 : i32
        %add3A_639 = arith.addi %add3A_638, %add3A_615 : i32
        %sub3A_640 = arith.subi %masked_cumsum3A_636, %convert_element_type3A_633 : vector<16xi32>
        %add3A_641 = vector.broadcast %add3A_639 : i32 to vector<16xi32>
        %add3A_642 = arith.addi %add3A_641, %sub3A_640 : vector<16xi32>
        %broadcast_in_dim3A_643 = vector.broadcast %add3A_64 : i32 to vector<16xi32>
        %select_n3A_644 = arith.select %or3A_632, %add3A_642, %broadcast_in_dim3A_643 : vector<16xi1>, vector<16xi32>
        %swap3A_645 = arith.index_cast %scan3A_583 : i32 to index
        %swap3A_646 = arith.constant 16 : index
        %swap3A_647 = tpu.vector_load %arg16[%swap3A_645, %swap3A_646] {strides = array<i32>} : memref<36x128xi32, #tpu.memory_space<vmem>>, vector<16xi32>,
        tpu.vector_store %arg16[%swap3A_645, %swap3A_646], %select_n3A_644 {strides = array<i32>} : memref<36x128xi32, #tpu.memory_space<vmem>>, vector<16xi32>,
        %reduce_sum3A_648 = arith.constant true
        %reduce_sum3A_649 = vector.broadcast %reduce_sum3A_648 : i1 to vector<16xi1>
        %reduce_sum3A_650 = tpu.scan <sum>, %convert_element_type3A_633 masked %reduce_sum3A_649 : vector<16xi32>, vector<16xi1> -> vector<16xi32>
        %reduce_sum3A_651 = vector.extract %reduce_sum3A_650[15] : i32 from vector<16xi32>
        %add3A_652 = arith.addi %add3A_615, %reduce_sum3A_651 : i32
        %mul3A_653 = arith.constant 128 : i32
        %mul3A_654 = arith.muli %scan3A_583, %mul3A_653 : i32
        %add3A_655 = arith.constant 32 : i32
        %add3A_656 = arith.addi %mul3A_654, %add3A_655 : i32
        %get3A_657 = arith.index_cast %add3A_656 : i32 to index
        %get3A_658 = tpu.vector_load %arg15[%get3A_657] {strides = array<i32>} : memref<4608xi32, #tpu.memory_space<vmem>>, vector<16xi32>,
        %add3A_659 = arith.addi %mul3A_32, %add3A_656 : i32
        %add3A_660 = vector.broadcast %add3A_659 : i32 to vector<16xi32>
        %add3A_661 = arith.addi %add3A_660, %iota3A : vector<16xi32>
        %gt3A_662 = vector.broadcast %reduce_sum3A_20 : i32 to vector<16xi32>
        %gt3A_663 = arith.cmpi sgt, %get3A_658, %gt3A_662 : vector<16xi32>
        %eq3A_664 = vector.broadcast %reduce_sum3A_20 : i32 to vector<16xi32>
        %eq3A_665 = arith.cmpi eq, %get3A_658, %eq3A_664 : vector<16xi32>
        %le3A_666 = vector.broadcast %reduce_sum3A_30 : i32 to vector<16xi32>
        %le3A_667 = arith.cmpi sle, %add3A_661, %le3A_666 : vector<16xi32>
        %and3A_668 = arith.andi %eq3A_665, %le3A_667 : vector<16xi1>
        %or3A_669 = arith.ori %gt3A_663, %and3A_668 : vector<16xi1>
        %convert_element_type3A_670 = arith.extui %or3A_669 : vector<16xi1> to vector<16xi32>
        %broadcast_in_dim3A_671 = arith.constant true
        %broadcast_in_dim3A_672 = vector.broadcast %broadcast_in_dim3A_671 : i1 to vector<16xi1>
        %masked_cumsum3A_673 = tpu.scan <sum>, %convert_element_type3A_670 masked %broadcast_in_dim3A_672 : vector<16xi32>, vector<16xi1> -> vector<16xi32>
        %add3A_674 = arith.constant 0 : i32
        %add3A_675 = arith.addi %add3A_674, %reduce_sum3A_62 : i32
        %add3A_676 = arith.addi %add3A_675, %add3A_652 : i32
        %sub3A_677 = arith.subi %masked_cumsum3A_673, %convert_element_type3A_670 : vector<16xi32>
        %add3A_678 = vector.broadcast %add3A_676 : i32 to vector<16xi32>
        %add3A_679 = arith.addi %add3A_678, %sub3A_677 : vector<16xi32>
        %broadcast_in_dim3A_680 = vector.broadcast %add3A_64 : i32 to vector<16xi32>
        %select_n3A_681 = arith.select %or3A_669, %add3A_679, %broadcast_in_dim3A_680 : vector<16xi1>, vector<16xi32>
        %swap3A_682 = arith.index_cast %scan3A_583 : i32 to index
        %swap3A_683 = arith.constant 32 : index
        %swap3A_684 = tpu.vector_load %arg16[%swap3A_682, %swap3A_683] {strides = array<i32>} : memref<36x128xi32, #tpu.memory_space<vmem>>, vector<16xi32>,
        tpu.vector_store %arg16[%swap3A_682, %swap3A_683], %select_n3A_681 {strides = array<i32>} : memref<36x128xi32, #tpu.memory_space<vmem>>, vector<16xi32>,
        %reduce_sum3A_685 = arith.constant true
        %reduce_sum3A_686 = vector.broadcast %reduce_sum3A_685 : i1 to vector<16xi1>
        %reduce_sum3A_687 = tpu.scan <sum>, %convert_element_type3A_670 masked %reduce_sum3A_686 : vector<16xi32>, vector<16xi1> -> vector<16xi32>
        %reduce_sum3A_688 = vector.extract %reduce_sum3A_687[15] : i32 from vector<16xi32>
        %add3A_689 = arith.addi %add3A_652, %reduce_sum3A_688 : i32
        %mul3A_690 = arith.constant 128 : i32
        %mul3A_691 = arith.muli %scan3A_583, %mul3A_690 : i32
        %add3A_692 = arith.constant 48 : i32
        %add3A_693 = arith.addi %mul3A_691, %add3A_692 : i32
        %get3A_694 = arith.index_cast %add3A_693 : i32 to index
        %get3A_695 = tpu.vector_load %arg15[%get3A_694] {strides = array<i32>} : memref<4608xi32, #tpu.memory_space<vmem>>, vector<16xi32>,
        %add3A_696 = arith.addi %mul3A_32, %add3A_693 : i32
        %add3A_697 = vector.broadcast %add3A_696 : i32 to vector<16xi32>
        %add3A_698 = arith.addi %add3A_697, %iota3A : vector<16xi32>
        %gt3A_699 = vector.broadcast %reduce_sum3A_20 : i32 to vector<16xi32>
        %gt3A_700 = arith.cmpi sgt, %get3A_695, %gt3A_699 : vector<16xi32>
        %eq3A_701 = vector.broadcast %reduce_sum3A_20 : i32 to vector<16xi32>
        %eq3A_702 = arith.cmpi eq, %get3A_695, %eq3A_701 : vector<16xi32>
        %le3A_703 = vector.broadcast %reduce_sum3A_30 : i32 to vector<16xi32>
        %le3A_704 = arith.cmpi sle, %add3A_698, %le3A_703 : vector<16xi32>
        %and3A_705 = arith.andi %eq3A_702, %le3A_704 : vector<16xi1>
        %or3A_706 = arith.ori %gt3A_700, %and3A_705 : vector<16xi1>
        %convert_element_type3A_707 = arith.extui %or3A_706 : vector<16xi1> to vector<16xi32>
        %broadcast_in_dim3A_708 = arith.constant true
        %broadcast_in_dim3A_709 = vector.broadcast %broadcast_in_dim3A_708 : i1 to vector<16xi1>
        %masked_cumsum3A_710 = tpu.scan <sum>, %convert_element_type3A_707 masked %broadcast_in_dim3A_709 : vector<16xi32>, vector<16xi1> -> vector<16xi32>
        %add3A_711 = arith.constant 0 : i32
        %add3A_712 = arith.addi %add3A_711, %reduce_sum3A_62 : i32
        %add3A_713 = arith.addi %add3A_712, %add3A_689 : i32
        %sub3A_714 = arith.subi %masked_cumsum3A_710, %convert_element_type3A_707 : vector<16xi32>
        %add3A_715 = vector.broadcast %add3A_713 : i32 to vector<16xi32>
        %add3A_716 = arith.addi %add3A_715, %sub3A_714 : vector<16xi32>
        %broadcast_in_dim3A_717 = vector.broadcast %add3A_64 : i32 to vector<16xi32>
        %select_n3A_718 = arith.select %or3A_706, %add3A_716, %broadcast_in_dim3A_717 : vector<16xi1>, vector<16xi32>
        %swap3A_719 = arith.index_cast %scan3A_583 : i32 to index
        %swap3A_720 = arith.constant 48 : index
        %swap3A_721 = tpu.vector_load %arg16[%swap3A_719, %swap3A_720] {strides = array<i32>} : memref<36x128xi32, #tpu.memory_space<vmem>>, vector<16xi32>,
        tpu.vector_store %arg16[%swap3A_719, %swap3A_720], %select_n3A_718 {strides = array<i32>} : memref<36x128xi32, #tpu.memory_space<vmem>>, vector<16xi32>,
        %reduce_sum3A_722 = arith.constant true
        %reduce_sum3A_723 = vector.broadcast %reduce_sum3A_722 : i1 to vector<16xi1>
        %reduce_sum3A_724 = tpu.scan <sum>, %convert_element_type3A_707 masked %reduce_sum3A_723 : vector<16xi32>, vector<16xi1> -> vector<16xi32>
        %reduce_sum3A_725 = vector.extract %reduce_sum3A_724[15] : i32 from vector<16xi32>
        %add3A_726 = arith.addi %add3A_689, %reduce_sum3A_725 : i32
        %mul3A_727 = arith.constant 128 : i32
        %mul3A_728 = arith.muli %scan3A_583, %mul3A_727 : i32
        %add3A_729 = arith.constant 64 : i32
        %add3A_730 = arith.addi %mul3A_728, %add3A_729 : i32
        %get3A_731 = arith.index_cast %add3A_730 : i32 to index
        %get3A_732 = tpu.vector_load %arg15[%get3A_731] {strides = array<i32>} : memref<4608xi32, #tpu.memory_space<vmem>>, vector<16xi32>,
        %add3A_733 = arith.addi %mul3A_32, %add3A_730 : i32
        %add3A_734 = vector.broadcast %add3A_733 : i32 to vector<16xi32>
        %add3A_735 = arith.addi %add3A_734, %iota3A : vector<16xi32>
        %gt3A_736 = vector.broadcast %reduce_sum3A_20 : i32 to vector<16xi32>
        %gt3A_737 = arith.cmpi sgt, %get3A_732, %gt3A_736 : vector<16xi32>
        %eq3A_738 = vector.broadcast %reduce_sum3A_20 : i32 to vector<16xi32>
        %eq3A_739 = arith.cmpi eq, %get3A_732, %eq3A_738 : vector<16xi32>
        %le3A_740 = vector.broadcast %reduce_sum3A_30 : i32 to vector<16xi32>
        %le3A_741 = arith.cmpi sle, %add3A_735, %le3A_740 : vector<16xi32>
        %and3A_742 = arith.andi %eq3A_739, %le3A_741 : vector<16xi1>
        %or3A_743 = arith.ori %gt3A_737, %and3A_742 : vector<16xi1>
        %convert_element_type3A_744 = arith.extui %or3A_743 : vector<16xi1> to vector<16xi32>
        %broadcast_in_dim3A_745 = arith.constant true
        %broadcast_in_dim3A_746 = vector.broadcast %broadcast_in_dim3A_745 : i1 to vector<16xi1>
        %masked_cumsum3A_747 = tpu.scan <sum>, %convert_element_type3A_744 masked %broadcast_in_dim3A_746 : vector<16xi32>, vector<16xi1> -> vector<16xi32>
        %add3A_748 = arith.constant 0 : i32
        %add3A_749 = arith.addi %add3A_748, %reduce_sum3A_62 : i32
        %add3A_750 = arith.addi %add3A_749, %add3A_726 : i32
        %sub3A_751 = arith.subi %masked_cumsum3A_747, %convert_element_type3A_744 : vector<16xi32>
        %add3A_752 = vector.broadcast %add3A_750 : i32 to vector<16xi32>
        %add3A_753 = arith.addi %add3A_752, %sub3A_751 : vector<16xi32>
        %broadcast_in_dim3A_754 = vector.broadcast %add3A_64 : i32 to vector<16xi32>
        %select_n3A_755 = arith.select %or3A_743, %add3A_753, %broadcast_in_dim3A_754 : vector<16xi1>, vector<16xi32>
        %swap3A_756 = arith.index_cast %scan3A_583 : i32 to index
        %swap3A_757 = arith.constant 64 : index
        %swap3A_758 = tpu.vector_load %arg16[%swap3A_756, %swap3A_757] {strides = array<i32>} : memref<36x128xi32, #tpu.memory_space<vmem>>, vector<16xi32>,
        tpu.vector_store %arg16[%swap3A_756, %swap3A_757], %select_n3A_755 {strides = array<i32>} : memref<36x128xi32, #tpu.memory_space<vmem>>, vector<16xi32>,
        %reduce_sum3A_759 = arith.constant true
        %reduce_sum3A_760 = vector.broadcast %reduce_sum3A_759 : i1 to vector<16xi1>
        %reduce_sum3A_761 = tpu.scan <sum>, %convert_element_type3A_744 masked %reduce_sum3A_760 : vector<16xi32>, vector<16xi1> -> vector<16xi32>
        %reduce_sum3A_762 = vector.extract %reduce_sum3A_761[15] : i32 from vector<16xi32>
        %add3A_763 = arith.addi %add3A_726, %reduce_sum3A_762 : i32
        %mul3A_764 = arith.constant 128 : i32
        %mul3A_765 = arith.muli %scan3A_583, %mul3A_764 : i32
        %add3A_766 = arith.constant 80 : i32
        %add3A_767 = arith.addi %mul3A_765, %add3A_766 : i32
        %get3A_768 = arith.index_cast %add3A_767 : i32 to index
        %get3A_769 = tpu.vector_load %arg15[%get3A_768] {strides = array<i32>} : memref<4608xi32, #tpu.memory_space<vmem>>, vector<16xi32>,
        %add3A_770 = arith.addi %mul3A_32, %add3A_767 : i32
        %add3A_771 = vector.broadcast %add3A_770 : i32 to vector<16xi32>
        %add3A_772 = arith.addi %add3A_771, %iota3A : vector<16xi32>
        %gt3A_773 = vector.broadcast %reduce_sum3A_20 : i32 to vector<16xi32>
        %gt3A_774 = arith.cmpi sgt, %get3A_769, %gt3A_773 : vector<16xi32>
        %eq3A_775 = vector.broadcast %reduce_sum3A_20 : i32 to vector<16xi32>
        %eq3A_776 = arith.cmpi eq, %get3A_769, %eq3A_775 : vector<16xi32>
        %le3A_777 = vector.broadcast %reduce_sum3A_30 : i32 to vector<16xi32>
        %le3A_778 = arith.cmpi sle, %add3A_772, %le3A_777 : vector<16xi32>
        %and3A_779 = arith.andi %eq3A_776, %le3A_778 : vector<16xi1>
        %or3A_780 = arith.ori %gt3A_774, %and3A_779 : vector<16xi1>
        %convert_element_type3A_781 = arith.extui %or3A_780 : vector<16xi1> to vector<16xi32>
        %broadcast_in_dim3A_782 = arith.constant true
        %broadcast_in_dim3A_783 = vector.broadcast %broadcast_in_dim3A_782 : i1 to vector<16xi1>
        %masked_cumsum3A_784 = tpu.scan <sum>, %convert_element_type3A_781 masked %broadcast_in_dim3A_783 : vector<16xi32>, vector<16xi1> -> vector<16xi32>
        %add3A_785 = arith.constant 0 : i32
        %add3A_786 = arith.addi %add3A_785, %reduce_sum3A_62 : i32
        %add3A_787 = arith.addi %add3A_786, %add3A_763 : i32
        %sub3A_788 = arith.subi %masked_cumsum3A_784, %convert_element_type3A_781 : vector<16xi32>
        %add3A_789 = vector.broadcast %add3A_787 : i32 to vector<16xi32>
        %add3A_790 = arith.addi %add3A_789, %sub3A_788 : vector<16xi32>
        %broadcast_in_dim3A_791 = vector.broadcast %add3A_64 : i32 to vector<16xi32>
        %select_n3A_792 = arith.select %or3A_780, %add3A_790, %broadcast_in_dim3A_791 : vector<16xi1>, vector<16xi32>
        %swap3A_793 = arith.index_cast %scan3A_583 : i32 to index
        %swap3A_794 = arith.constant 80 : index
        %swap3A_795 = tpu.vector_load %arg16[%swap3A_793, %swap3A_794] {strides = array<i32>} : memref<36x128xi32, #tpu.memory_space<vmem>>, vector<16xi32>,
        tpu.vector_store %arg16[%swap3A_793, %swap3A_794], %select_n3A_792 {strides = array<i32>} : memref<36x128xi32, #tpu.memory_space<vmem>>, vector<16xi32>,
        %reduce_sum3A_796 = arith.constant true
        %reduce_sum3A_797 = vector.broadcast %reduce_sum3A_796 : i1 to vector<16xi1>
        %reduce_sum3A_798 = tpu.scan <sum>, %convert_element_type3A_781 masked %reduce_sum3A_797 : vector<16xi32>, vector<16xi1> -> vector<16xi32>
        %reduce_sum3A_799 = vector.extract %reduce_sum3A_798[15] : i32 from vector<16xi32>
        %add3A_800 = arith.addi %add3A_763, %reduce_sum3A_799 : i32
        %mul3A_801 = arith.constant 128 : i32
        %mul3A_802 = arith.muli %scan3A_583, %mul3A_801 : i32
        %add3A_803 = arith.constant 96 : i32
        %add3A_804 = arith.addi %mul3A_802, %add3A_803 : i32
        %get3A_805 = arith.index_cast %add3A_804 : i32 to index
        %get3A_806 = tpu.vector_load %arg15[%get3A_805] {strides = array<i32>} : memref<4608xi32, #tpu.memory_space<vmem>>, vector<16xi32>,
        %add3A_807 = arith.addi %mul3A_32, %add3A_804 : i32
        %add3A_808 = vector.broadcast %add3A_807 : i32 to vector<16xi32>
        %add3A_809 = arith.addi %add3A_808, %iota3A : vector<16xi32>
        %gt3A_810 = vector.broadcast %reduce_sum3A_20 : i32 to vector<16xi32>
        %gt3A_811 = arith.cmpi sgt, %get3A_806, %gt3A_810 : vector<16xi32>
        %eq3A_812 = vector.broadcast %reduce_sum3A_20 : i32 to vector<16xi32>
        %eq3A_813 = arith.cmpi eq, %get3A_806, %eq3A_812 : vector<16xi32>
        %le3A_814 = vector.broadcast %reduce_sum3A_30 : i32 to vector<16xi32>
        %le3A_815 = arith.cmpi sle, %add3A_809, %le3A_814 : vector<16xi32>
        %and3A_816 = arith.andi %eq3A_813, %le3A_815 : vector<16xi1>
        %or3A_817 = arith.ori %gt3A_811, %and3A_816 : vector<16xi1>
        %convert_element_type3A_818 = arith.extui %or3A_817 : vector<16xi1> to vector<16xi32>
        %broadcast_in_dim3A_819 = arith.constant true
        %broadcast_in_dim3A_820 = vector.broadcast %broadcast_in_dim3A_819 : i1 to vector<16xi1>
        %masked_cumsum3A_821 = tpu.scan <sum>, %convert_element_type3A_818 masked %broadcast_in_dim3A_820 : vector<16xi32>, vector<16xi1> -> vector<16xi32>
        %add3A_822 = arith.constant 0 : i32
        %add3A_823 = arith.addi %add3A_822, %reduce_sum3A_62 : i32
        %add3A_824 = arith.addi %add3A_823, %add3A_800 : i32
        %sub3A_825 = arith.subi %masked_cumsum3A_821, %convert_element_type3A_818 : vector<16xi32>
        %add3A_826 = vector.broadcast %add3A_824 : i32 to vector<16xi32>
        %add3A_827 = arith.addi %add3A_826, %sub3A_825 : vector<16xi32>
        %broadcast_in_dim3A_828 = vector.broadcast %add3A_64 : i32 to vector<16xi32>
        %select_n3A_829 = arith.select %or3A_817, %add3A_827, %broadcast_in_dim3A_828 : vector<16xi1>, vector<16xi32>
        %swap3A_830 = arith.index_cast %scan3A_583 : i32 to index
        %swap3A_831 = arith.constant 96 : index
        %swap3A_832 = tpu.vector_load %arg16[%swap3A_830, %swap3A_831] {strides = array<i32>} : memref<36x128xi32, #tpu.memory_space<vmem>>, vector<16xi32>,
        tpu.vector_store %arg16[%swap3A_830, %swap3A_831], %select_n3A_829 {strides = array<i32>} : memref<36x128xi32, #tpu.memory_space<vmem>>, vector<16xi32>,
        %reduce_sum3A_833 = arith.constant true
        %reduce_sum3A_834 = vector.broadcast %reduce_sum3A_833 : i1 to vector<16xi1>
        %reduce_sum3A_835 = tpu.scan <sum>, %convert_element_type3A_818 masked %reduce_sum3A_834 : vector<16xi32>, vector<16xi1> -> vector<16xi32>
        %reduce_sum3A_836 = vector.extract %reduce_sum3A_835[15] : i32 from vector<16xi32>
        %add3A_837 = arith.addi %add3A_800, %reduce_sum3A_836 : i32
        %mul3A_838 = arith.constant 128 : i32
        %mul3A_839 = arith.muli %scan3A_583, %mul3A_838 : i32
        %add3A_840 = arith.constant 112 : i32
        %add3A_841 = arith.addi %mul3A_839, %add3A_840 : i32
        %get3A_842 = arith.index_cast %add3A_841 : i32 to index
        %get3A_843 = tpu.vector_load %arg15[%get3A_842] {strides = array<i32>} : memref<4608xi32, #tpu.memory_space<vmem>>, vector<16xi32>,
        %add3A_844 = arith.addi %mul3A_32, %add3A_841 : i32
        %add3A_845 = vector.broadcast %add3A_844 : i32 to vector<16xi32>
        %add3A_846 = arith.addi %add3A_845, %iota3A : vector<16xi32>
        %gt3A_847 = vector.broadcast %reduce_sum3A_20 : i32 to vector<16xi32>
        %gt3A_848 = arith.cmpi sgt, %get3A_843, %gt3A_847 : vector<16xi32>
        %eq3A_849 = vector.broadcast %reduce_sum3A_20 : i32 to vector<16xi32>
        %eq3A_850 = arith.cmpi eq, %get3A_843, %eq3A_849 : vector<16xi32>
        %le3A_851 = vector.broadcast %reduce_sum3A_30 : i32 to vector<16xi32>
        %le3A_852 = arith.cmpi sle, %add3A_846, %le3A_851 : vector<16xi32>
        %and3A_853 = arith.andi %eq3A_850, %le3A_852 : vector<16xi1>
        %or3A_854 = arith.ori %gt3A_848, %and3A_853 : vector<16xi1>
        %convert_element_type3A_855 = arith.extui %or3A_854 : vector<16xi1> to vector<16xi32>
        %broadcast_in_dim3A_856 = arith.constant true
        %broadcast_in_dim3A_857 = vector.broadcast %broadcast_in_dim3A_856 : i1 to vector<16xi1>
        %masked_cumsum3A_858 = tpu.scan <sum>, %convert_element_type3A_855 masked %broadcast_in_dim3A_857 : vector<16xi32>, vector<16xi1> -> vector<16xi32>
        %add3A_859 = arith.constant 0 : i32
        %add3A_860 = arith.addi %add3A_859, %reduce_sum3A_62 : i32
        %add3A_861 = arith.addi %add3A_860, %add3A_837 : i32
        %sub3A_862 = arith.subi %masked_cumsum3A_858, %convert_element_type3A_855 : vector<16xi32>
        %add3A_863 = vector.broadcast %add3A_861 : i32 to vector<16xi32>
        %add3A_864 = arith.addi %add3A_863, %sub3A_862 : vector<16xi32>
        %broadcast_in_dim3A_865 = vector.broadcast %add3A_64 : i32 to vector<16xi32>
        %select_n3A_866 = arith.select %or3A_854, %add3A_864, %broadcast_in_dim3A_865 : vector<16xi1>, vector<16xi32>
        %swap3A_867 = arith.index_cast %scan3A_583 : i32 to index
        %swap3A_868 = arith.constant 112 : index
        %swap3A_869 = tpu.vector_load %arg16[%swap3A_867, %swap3A_868] {strides = array<i32>} : memref<36x128xi32, #tpu.memory_space<vmem>>, vector<16xi32>,
        tpu.vector_store %arg16[%swap3A_867, %swap3A_868], %select_n3A_866 {strides = array<i32>} : memref<36x128xi32, #tpu.memory_space<vmem>>, vector<16xi32>,
        %reduce_sum3A_870 = arith.constant true
        %reduce_sum3A_871 = vector.broadcast %reduce_sum3A_870 : i1 to vector<16xi1>
        %reduce_sum3A_872 = tpu.scan <sum>, %convert_element_type3A_855 masked %reduce_sum3A_871 : vector<16xi32>, vector<16xi1> -> vector<16xi32>
        %reduce_sum3A_873 = vector.extract %reduce_sum3A_872[15] : i32 from vector<16xi32>
        %add3A_874 = arith.addi %add3A_837, %reduce_sum3A_873 : i32
        scf.yield %add3A_874 : i32
      }
      %scan3A_95 = arith.constant 36 : i32
      %dma_wait3A = arith.constant 0 : i32
      %dma_wait3A_96 = tpu.memref_slice %arg4[%dma_wait3A, %mul3A_32] : memref<2x147456xf32, #tpu.memory_space<hbm>> -> memref<1x4608xf32, #tpu.memory_space<hbm>>
      %dma_wait3A_97 = tpu.memref_squeeze %dma_wait3A_96 : memref<1x4608xf32, #tpu.memory_space<hbm>> -> memref<4608xf32, #tpu.memory_space<hbm>>
      %dma_wait3A_98 = tpu.memref_slice %arg4[%dma_wait3A, %mul3A_32] : memref<2x147456xf32, #tpu.memory_space<hbm>> -> memref<1x4608xf32, #tpu.memory_space<hbm>>
      %dma_wait3A_99 = tpu.memref_squeeze %dma_wait3A_98 : memref<1x4608xf32, #tpu.memory_space<hbm>> -> memref<4608xf32, #tpu.memory_space<hbm>>
      tpu.wait_dma2 semaphore(%arg30 : memref<!tpu.dma_semaphore, #tpu.memory_space<semaphore_mem>>) src(%dma_wait3A_99 : memref<4608xf32, #tpu.memory_space<hbm>>) dst(%arg18 : memref<4608xf32, #tpu.memory_space<vmem>>)
      %dma_wait3A_100 = arith.constant 0 : i32
      %dma_wait3A_101 = tpu.memref_slice %arg5[%dma_wait3A_100, %mul3A_32] : memref<2x147456xf32, #tpu.memory_space<hbm>> -> memref<1x4608xf32, #tpu.memory_space<hbm>>
      %dma_wait3A_102 = tpu.memref_squeeze %dma_wait3A_101 : memref<1x4608xf32, #tpu.memory_space<hbm>> -> memref<4608xf32, #tpu.memory_space<hbm>>
      %dma_wait3A_103 = tpu.memref_slice %arg5[%dma_wait3A_100, %mul3A_32] : memref<2x147456xf32, #tpu.memory_space<hbm>> -> memref<1x4608xf32, #tpu.memory_space<hbm>>
      %dma_wait3A_104 = tpu.memref_squeeze %dma_wait3A_103 : memref<1x4608xf32, #tpu.memory_space<hbm>> -> memref<4608xf32, #tpu.memory_space<hbm>>
      tpu.wait_dma2 semaphore(%arg30 : memref<!tpu.dma_semaphore, #tpu.memory_space<semaphore_mem>>) src(%dma_wait3A_104 : memref<4608xf32, #tpu.memory_space<hbm>>) dst(%arg19 : memref<4608xf32, #tpu.memory_space<vmem>>)
      %dma_wait3A_105 = arith.constant 0 : i32
      %dma_wait3A_106 = tpu.memref_slice %arg6[%dma_wait3A_105, %mul3A_32] : memref<2x147456xf32, #tpu.memory_space<hbm>> -> memref<1x4608xf32, #tpu.memory_space<hbm>>
      %dma_wait3A_107 = tpu.memref_squeeze %dma_wait3A_106 : memref<1x4608xf32, #tpu.memory_space<hbm>> -> memref<4608xf32, #tpu.memory_space<hbm>>
      %dma_wait3A_108 = tpu.memref_slice %arg6[%dma_wait3A_105, %mul3A_32] : memref<2x147456xf32, #tpu.memory_space<hbm>> -> memref<1x4608xf32, #tpu.memory_space<hbm>>
      %dma_wait3A_109 = tpu.memref_squeeze %dma_wait3A_108 : memref<1x4608xf32, #tpu.memory_space<hbm>> -> memref<4608xf32, #tpu.memory_space<hbm>>
      tpu.wait_dma2 semaphore(%arg30 : memref<!tpu.dma_semaphore, #tpu.memory_space<semaphore_mem>>) src(%dma_wait3A_109 : memref<4608xf32, #tpu.memory_space<hbm>>) dst(%arg20 : memref<4608xf32, #tpu.memory_space<vmem>>)
      %dma_wait3A_110 = arith.constant 0 : i32
      %dma_wait3A_111 = tpu.memref_slice %arg7[%dma_wait3A_110, %mul3A_32] : memref<2x147456xf32, #tpu.memory_space<hbm>> -> memref<1x4608xf32, #tpu.memory_space<hbm>>
      %dma_wait3A_112 = tpu.memref_squeeze %dma_wait3A_111 : memref<1x4608xf32, #tpu.memory_space<hbm>> -> memref<4608xf32, #tpu.memory_space<hbm>>
      %dma_wait3A_113 = tpu.memref_slice %arg7[%dma_wait3A_110, %mul3A_32] : memref<2x147456xf32, #tpu.memory_space<hbm>> -> memref<1x4608xf32, #tpu.memory_space<hbm>>
      %dma_wait3A_114 = tpu.memref_squeeze %dma_wait3A_113 : memref<1x4608xf32, #tpu.memory_space<hbm>> -> memref<4608xf32, #tpu.memory_space<hbm>>
      tpu.wait_dma2 semaphore(%arg30 : memref<!tpu.dma_semaphore, #tpu.memory_space<semaphore_mem>>) src(%dma_wait3A_114 : memref<4608xf32, #tpu.memory_space<hbm>>) dst(%arg21 : memref<4608xf32, #tpu.memory_space<vmem>>)
      %dma_wait3A_115 = arith.constant 0 : i32
      %dma_wait3A_116 = tpu.memref_slice %arg8[%dma_wait3A_115, %mul3A_32] : memref<2x147456xf32, #tpu.memory_space<hbm>> -> memref<1x4608xf32, #tpu.memory_space<hbm>>
      %dma_wait3A_117 = tpu.memref_squeeze %dma_wait3A_116 : memref<1x4608xf32, #tpu.memory_space<hbm>> -> memref<4608xf32, #tpu.memory_space<hbm>>
      %dma_wait3A_118 = tpu.memref_slice %arg8[%dma_wait3A_115, %mul3A_32] : memref<2x147456xf32, #tpu.memory_space<hbm>> -> memref<1x4608xf32, #tpu.memory_space<hbm>>
      %dma_wait3A_119 = tpu.memref_squeeze %dma_wait3A_118 : memref<1x4608xf32, #tpu.memory_space<hbm>> -> memref<4608xf32, #tpu.memory_space<hbm>>
      tpu.wait_dma2 semaphore(%arg30 : memref<!tpu.dma_semaphore, #tpu.memory_space<semaphore_mem>>) src(%dma_wait3A_119 : memref<4608xf32, #tpu.memory_space<hbm>>) dst(%arg22 : memref<4608xf32, #tpu.memory_space<vmem>>)
      %scan3A_120 = arith.constant 0 : i32
      %scan3A_121 = arith.constant 0 : i32
      %scan3A_122 = arith.constant 36 : i32
      %scan3A_123 = arith.addi %scan3A_121, %scan3A_122 : i32
      %scan3A_124 = arith.constant 1 : i32
      scf.for %scan3A_583 = %scan3A_121 to %scan3A_123 step %scan3A_124  : i32 {
        %mul3A_584 = arith.constant 128 : i32
        %mul3A_585 = arith.muli %scan3A_583, %mul3A_584 : i32
        %dma_start3A_586 = tpu.memref_slice %arg18[%mul3A_585] : memref<4608xf32, #tpu.memory_space<vmem>> -> memref<128xf32, #tpu.memory_space<vmem>>
        %dma_start3A_587 = arith.constant 0 : i32
        %dma_start3A_588 = tpu.memref_slice %arg16[%scan3A_583, %dma_start3A_587] : memref<36x128xi32, #tpu.memory_space<vmem>> -> memref<1x128xi32, #tpu.memory_space<vmem>>
        %dma_start3A_589 = tpu.memref_squeeze %dma_start3A_588 : memref<1x128xi32, #tpu.memory_space<vmem>> -> memref<128xi32, #tpu.memory_space<vmem>>
        %dma_start3A_590 = arith.constant 0 : i32
        %dma_start3A_591 = tpu.memref_slice %arg23[%dma_start3A_590] : memref<12544xf32, #tpu.memory_space<vmem_shared>> -> memref<12544xf32, #tpu.memory_space<vmem_shared>>
        tpu.enqueue_indirect_dma source(%dma_start3A_586 : memref<128xf32, #tpu.memory_space<vmem>>) target(%dma_start3A_591 : memref<12544xf32, #tpu.memory_space<vmem_shared>>) offsets(%dma_start3A_589 : memref<128xi32, #tpu.memory_space<vmem>>) semaphore(%arg29 : memref<!tpu.dma_semaphore, #tpu.memory_space<semaphore_mem>>)
        %mul3A_592 = arith.constant 128 : i32
        %mul3A_593 = arith.muli %scan3A_583, %mul3A_592 : i32
        %dma_start3A_594 = tpu.memref_slice %arg19[%mul3A_593] : memref<4608xf32, #tpu.memory_space<vmem>> -> memref<128xf32, #tpu.memory_space<vmem>>
        %dma_start3A_595 = arith.constant 0 : i32
        %dma_start3A_596 = tpu.memref_slice %arg16[%scan3A_583, %dma_start3A_595] : memref<36x128xi32, #tpu.memory_space<vmem>> -> memref<1x128xi32, #tpu.memory_space<vmem>>
        %dma_start3A_597 = tpu.memref_squeeze %dma_start3A_596 : memref<1x128xi32, #tpu.memory_space<vmem>> -> memref<128xi32, #tpu.memory_space<vmem>>
        %dma_start3A_598 = arith.constant 0 : i32
        %dma_start3A_599 = tpu.memref_slice %arg24[%dma_start3A_598] : memref<12544xf32, #tpu.memory_space<vmem_shared>> -> memref<12544xf32, #tpu.memory_space<vmem_shared>>
        tpu.enqueue_indirect_dma source(%dma_start3A_594 : memref<128xf32, #tpu.memory_space<vmem>>) target(%dma_start3A_599 : memref<12544xf32, #tpu.memory_space<vmem_shared>>) offsets(%dma_start3A_597 : memref<128xi32, #tpu.memory_space<vmem>>) semaphore(%arg29 : memref<!tpu.dma_semaphore, #tpu.memory_space<semaphore_mem>>)
        %mul3A_600 = arith.constant 128 : i32
        %mul3A_601 = arith.muli %scan3A_583, %mul3A_600 : i32
        %dma_start3A_602 = tpu.memref_slice %arg20[%mul3A_601] : memref<4608xf32, #tpu.memory_space<vmem>> -> memref<128xf32, #tpu.memory_space<vmem>>
        %dma_start3A_603 = arith.constant 0 : i32
        %dma_start3A_604 = tpu.memref_slice %arg16[%scan3A_583, %dma_start3A_603] : memref<36x128xi32, #tpu.memory_space<vmem>> -> memref<1x128xi32, #tpu.memory_space<vmem>>
        %dma_start3A_605 = tpu.memref_squeeze %dma_start3A_604 : memref<1x128xi32, #tpu.memory_space<vmem>> -> memref<128xi32, #tpu.memory_space<vmem>>
        %dma_start3A_606 = arith.constant 0 : i32
        %dma_start3A_607 = tpu.memref_slice %arg25[%dma_start3A_606] : memref<12544xf32, #tpu.memory_space<vmem_shared>> -> memref<12544xf32, #tpu.memory_space<vmem_shared>>
        tpu.enqueue_indirect_dma source(%dma_start3A_602 : memref<128xf32, #tpu.memory_space<vmem>>) target(%dma_start3A_607 : memref<12544xf32, #tpu.memory_space<vmem_shared>>) offsets(%dma_start3A_605 : memref<128xi32, #tpu.memory_space<vmem>>) semaphore(%arg29 : memref<!tpu.dma_semaphore, #tpu.memory_space<semaphore_mem>>)
        %mul3A_608 = arith.constant 128 : i32
        %mul3A_609 = arith.muli %scan3A_583, %mul3A_608 : i32
        %dma_start3A_610 = tpu.memref_slice %arg21[%mul3A_609] : memref<4608xf32, #tpu.memory_space<vmem>> -> memref<128xf32, #tpu.memory_space<vmem>>
        %dma_start3A_611 = arith.constant 0 : i32
        %dma_start3A_612 = tpu.memref_slice %arg16[%scan3A_583, %dma_start3A_611] : memref<36x128xi32, #tpu.memory_space<vmem>> -> memref<1x128xi32, #tpu.memory_space<vmem>>
        %dma_start3A_613 = tpu.memref_squeeze %dma_start3A_612 : memref<1x128xi32, #tpu.memory_space<vmem>> -> memref<128xi32, #tpu.memory_space<vmem>>
        %dma_start3A_614 = arith.constant 0 : i32
        %dma_start3A_615 = tpu.memref_slice %arg26[%dma_start3A_614] : memref<12544xf32, #tpu.memory_space<vmem_shared>> -> memref<12544xf32, #tpu.memory_space<vmem_shared>>
        tpu.enqueue_indirect_dma source(%dma_start3A_610 : memref<128xf32, #tpu.memory_space<vmem>>) target(%dma_start3A_615 : memref<12544xf32, #tpu.memory_space<vmem_shared>>) offsets(%dma_start3A_613 : memref<128xi32, #tpu.memory_space<vmem>>) semaphore(%arg29 : memref<!tpu.dma_semaphore, #tpu.memory_space<semaphore_mem>>)
        %mul3A_616 = arith.constant 128 : i32
        %mul3A_617 = arith.muli %scan3A_583, %mul3A_616 : i32
        %dma_start3A_618 = tpu.memref_slice %arg22[%mul3A_617] : memref<4608xf32, #tpu.memory_space<vmem>> -> memref<128xf32, #tpu.memory_space<vmem>>
        %dma_start3A_619 = arith.constant 0 : i32
        %dma_start3A_620 = tpu.memref_slice %arg16[%scan3A_583, %dma_start3A_619] : memref<36x128xi32, #tpu.memory_space<vmem>> -> memref<1x128xi32, #tpu.memory_space<vmem>>
        %dma_start3A_621 = tpu.memref_squeeze %dma_start3A_620 : memref<1x128xi32, #tpu.memory_space<vmem>> -> memref<128xi32, #tpu.memory_space<vmem>>
        %dma_start3A_622 = arith.constant 0 : i32
        %dma_start3A_623 = tpu.memref_slice %arg27[%dma_start3A_622] : memref<12544xf32, #tpu.memory_space<vmem_shared>> -> memref<12544xf32, #tpu.memory_space<vmem_shared>>
        tpu.enqueue_indirect_dma source(%dma_start3A_618 : memref<128xf32, #tpu.memory_space<vmem>>) target(%dma_start3A_623 : memref<12544xf32, #tpu.memory_space<vmem_shared>>) offsets(%dma_start3A_621 : memref<128xi32, #tpu.memory_space<vmem>>) semaphore(%arg29 : memref<!tpu.dma_semaphore, #tpu.memory_space<semaphore_mem>>)
        %mul3A_624 = arith.constant 128 : i32
        %mul3A_625 = arith.muli %scan3A_583, %mul3A_624 : i32
        %dma_start3A_626 = tpu.memref_slice %arg15[%mul3A_625] : memref<4608xi32, #tpu.memory_space<vmem>> -> memref<128xi32, #tpu.memory_space<vmem>>
        %dma_start3A_627 = arith.constant 0 : i32
        %dma_start3A_628 = tpu.memref_slice %arg16[%scan3A_583, %dma_start3A_627] : memref<36x128xi32, #tpu.memory_space<vmem>> -> memref<1x128xi32, #tpu.memory_space<vmem>>
        %dma_start3A_629 = tpu.memref_squeeze %dma_start3A_628 : memref<1x128xi32, #tpu.memory_space<vmem>> -> memref<128xi32, #tpu.memory_space<vmem>>
        %dma_start3A_630 = arith.constant 0 : i32
        %dma_start3A_631 = tpu.memref_slice %arg28[%dma_start3A_630] : memref<12544xi32, #tpu.memory_space<vmem_shared>> -> memref<12544xi32, #tpu.memory_space<vmem_shared>>
        tpu.enqueue_indirect_dma source(%dma_start3A_626 : memref<128xi32, #tpu.memory_space<vmem>>) target(%dma_start3A_631 : memref<12544xi32, #tpu.memory_space<vmem_shared>>) offsets(%dma_start3A_629 : memref<128xi32, #tpu.memory_space<vmem>>) semaphore(%arg29 : memref<!tpu.dma_semaphore, #tpu.memory_space<semaphore_mem>>)
      }
      %scan3A_125 = arith.constant 36 : i32
      %dma_wait3A_126 = arith.constant 0 : i32
      %dma_wait3A_127 = tpu.memref_slice %arg2[%dma_wait3A_126, %mul3A_32] : memref<2x147456xi32, #tpu.memory_space<hbm>> -> memref<1x4608xi32, #tpu.memory_space<hbm>>
      %dma_wait3A_128 = tpu.memref_squeeze %dma_wait3A_127 : memref<1x4608xi32, #tpu.memory_space<hbm>> -> memref<4608xi32, #tpu.memory_space<hbm>>
      %dma_wait3A_129 = tpu.memref_slice %arg2[%dma_wait3A_126, %mul3A_32] : memref<2x147456xi32, #tpu.memory_space<hbm>> -> memref<1x4608xi32, #tpu.memory_space<hbm>>
      %dma_wait3A_130 = tpu.memref_squeeze %dma_wait3A_129 : memref<1x4608xi32, #tpu.memory_space<hbm>> -> memref<4608xi32, #tpu.memory_space<hbm>>
      tpu.wait_dma2 semaphore(%arg29 : memref<!tpu.dma_semaphore, #tpu.memory_space<semaphore_mem>>) src(%dma_wait3A_130 : memref<4608xi32, #tpu.memory_space<hbm>>) dst(%arg15 : memref<4608xi32, #tpu.memory_space<vmem>>)
      %dma_wait3A_131 = arith.constant 0 : i32
      %dma_wait3A_132 = tpu.memref_slice %arg2[%dma_wait3A_131, %mul3A_32] : memref<2x147456xi32, #tpu.memory_space<hbm>> -> memref<1x4608xi32, #tpu.memory_space<hbm>>
      %dma_wait3A_133 = tpu.memref_squeeze %dma_wait3A_132 : memref<1x4608xi32, #tpu.memory_space<hbm>> -> memref<4608xi32, #tpu.memory_space<hbm>>
      %dma_wait3A_134 = tpu.memref_slice %arg2[%dma_wait3A_131, %mul3A_32] : memref<2x147456xi32, #tpu.memory_space<hbm>> -> memref<1x4608xi32, #tpu.memory_space<hbm>>
      %dma_wait3A_135 = tpu.memref_squeeze %dma_wait3A_134 : memref<1x4608xi32, #tpu.memory_space<hbm>> -> memref<4608xi32, #tpu.memory_space<hbm>>
      tpu.wait_dma2 semaphore(%arg29 : memref<!tpu.dma_semaphore, #tpu.memory_space<semaphore_mem>>) src(%dma_wait3A_135 : memref<4608xi32, #tpu.memory_space<hbm>>) dst(%arg15 : memref<4608xi32, #tpu.memory_space<vmem>>)
      %dma_wait3A_136 = arith.constant 0 : i32
      %dma_wait3A_137 = tpu.memref_slice %arg2[%dma_wait3A_136, %mul3A_32] : memref<2x147456xi32, #tpu.memory_space<hbm>> -> memref<1x4608xi32, #tpu.memory_space<hbm>>
      %dma_wait3A_138 = tpu.memref_squeeze %dma_wait3A_137 : memref<1x4608xi32, #tpu.memory_space<hbm>> -> memref<4608xi32, #tpu.memory_space<hbm>>
      %dma_wait3A_139 = tpu.memref_slice %arg2[%dma_wait3A_136, %mul3A_32] : memref<2x147456xi32, #tpu.memory_space<hbm>> -> memref<1x4608xi32, #tpu.memory_space<hbm>>
      %dma_wait3A_140 = tpu.memref_squeeze %dma_wait3A_139 : memref<1x4608xi32, #tpu.memory_space<hbm>> -> memref<4608xi32, #tpu.memory_space<hbm>>
      tpu.wait_dma2 semaphore(%arg29 : memref<!tpu.dma_semaphore, #tpu.memory_space<semaphore_mem>>) src(%dma_wait3A_140 : memref<4608xi32, #tpu.memory_space<hbm>>) dst(%arg15 : memref<4608xi32, #tpu.memory_space<vmem>>)
      %dma_wait3A_141 = arith.constant 0 : i32
      %dma_wait3A_142 = tpu.memref_slice %arg2[%dma_wait3A_141, %mul3A_32] : memref<2x147456xi32, #tpu.memory_space<hbm>> -> memref<1x4608xi32, #tpu.memory_space<hbm>>
      %dma_wait3A_143 = tpu.memref_squeeze %dma_wait3A_142 : memref<1x4608xi32, #tpu.memory_space<hbm>> -> memref<4608xi32, #tpu.memory_space<hbm>>
      %dma_wait3A_144 = tpu.memref_slice %arg2[%dma_wait3A_141, %mul3A_32] : memref<2x147456xi32, #tpu.memory_space<hbm>> -> memref<1x4608xi32, #tpu.memory_space<hbm>>
      %dma_wait3A_145 = tpu.memref_squeeze %dma_wait3A_144 : memref<1x4608xi32, #tpu.memory_space<hbm>> -> memref<4608xi32, #tpu.memory_space<hbm>>
      tpu.wait_dma2 semaphore(%arg29 : memref<!tpu.dma_semaphore, #tpu.memory_space<semaphore_mem>>) src(%dma_wait3A_145 : memref<4608xi32, #tpu.memory_space<hbm>>) dst(%arg15 : memref<4608xi32, #tpu.memory_space<vmem>>)
      %dma_wait3A_146 = arith.constant 0 : i32
      %dma_wait3A_147 = tpu.memref_slice %arg2[%dma_wait3A_146, %mul3A_32] : memref<2x147456xi32, #tpu.memory_space<hbm>> -> memref<1x4608xi32, #tpu.memory_space<hbm>>
      %dma_wait3A_148 = tpu.memref_squeeze %dma_wait3A_147 : memref<1x4608xi32, #tpu.memory_space<hbm>> -> memref<4608xi32, #tpu.memory_space<hbm>>
      %dma_wait3A_149 = tpu.memref_slice %arg2[%dma_wait3A_146, %mul3A_32] : memref<2x147456xi32, #tpu.memory_space<hbm>> -> memref<1x4608xi32, #tpu.memory_space<hbm>>
      %dma_wait3A_150 = tpu.memref_squeeze %dma_wait3A_149 : memref<1x4608xi32, #tpu.memory_space<hbm>> -> memref<4608xi32, #tpu.memory_space<hbm>>
      tpu.wait_dma2 semaphore(%arg29 : memref<!tpu.dma_semaphore, #tpu.memory_space<semaphore_mem>>) src(%dma_wait3A_150 : memref<4608xi32, #tpu.memory_space<hbm>>) dst(%arg15 : memref<4608xi32, #tpu.memory_space<vmem>>)
      %dma_wait3A_151 = arith.constant 0 : i32
      %dma_wait3A_152 = tpu.memref_slice %arg2[%dma_wait3A_151, %mul3A_32] : memref<2x147456xi32, #tpu.memory_space<hbm>> -> memref<1x4608xi32, #tpu.memory_space<hbm>>
      %dma_wait3A_153 = tpu.memref_squeeze %dma_wait3A_152 : memref<1x4608xi32, #tpu.memory_space<hbm>> -> memref<4608xi32, #tpu.memory_space<hbm>>
      %dma_wait3A_154 = tpu.memref_slice %arg2[%dma_wait3A_151, %mul3A_32] : memref<2x147456xi32, #tpu.memory_space<hbm>> -> memref<1x4608xi32, #tpu.memory_space<hbm>>
      %dma_wait3A_155 = tpu.memref_squeeze %dma_wait3A_154 : memref<1x4608xi32, #tpu.memory_space<hbm>> -> memref<4608xi32, #tpu.memory_space<hbm>>
      tpu.wait_dma2 semaphore(%arg29 : memref<!tpu.dma_semaphore, #tpu.memory_space<semaphore_mem>>) src(%dma_wait3A_155 : memref<4608xi32, #tpu.memory_space<hbm>>) dst(%arg15 : memref<4608xi32, #tpu.memory_space<vmem>>)
      %add3A_156 = arith.constant 16 : i32
      %add3A_157 = arith.addi %arg1, %add3A_156 : i32
      %mul3A_158 = arith.constant 4608 : i32
      %mul3A_159 = arith.muli %add3A_157, %mul3A_158 : i32
      %add3A_160 = arith.constant 2 : i32
      %add3A_161 = arith.addi %add3A_157, %add3A_160 : i32
      %lt3A_162 = arith.constant 16 : i32
      %lt3A_163 = arith.cmpi slt, %add3A_161, %lt3A_162 : i32
      %lt3A_164 = arith.constant 32 : i32
      %lt3A_165 = arith.cmpi slt, %add3A_161, %lt3A_164 : i32
      %select_n3A_166 = arith.select %lt3A_165, %get3A_12, %get3A_14 : vector<16xi32>
      %select_n3A_167 = arith.select %lt3A_163, %get3A_10, %select_n3A_166 : vector<16xi32>
      %jit3A_168 = arith.constant 16 : i32
      %eq3A_169 = arith.constant 0 : i32
      %eq3A_170 = arith.cmpi eq, %jit3A_168, %eq3A_169 : i32
      %jit3A_171 = arith.constant 1 : i32
      %select_n3A_172 = arith.select %eq3A_170, %jit3A_171, %jit3A_168 : i32
      %rem3A_173 = arith.remsi %add3A_161, %select_n3A_172 : i32
      %ne3A_174 = arith.constant 0 : i32
      %ne3A_175 = arith.cmpi ne, %rem3A_173, %ne3A_174 : i32
      %lt3A_176 = arith.constant 0 : i32
      %lt3A_177 = arith.cmpi slt, %rem3A_173, %lt3A_176 : i32
      %lt3A_178 = arith.constant 0 : i32
      %lt3A_179 = arith.cmpi slt, %select_n3A_172, %lt3A_178 : i32
      %ne3A_180 = arith.xori %lt3A_177, %lt3A_179 : i1
      %and3A_181 = arith.andi %ne3A_180, %ne3A_175 : i1
      %add3A_182 = arith.addi %rem3A_173, %select_n3A_172 : i32
      %select_n3A_183 = arith.select %and3A_181, %add3A_182, %rem3A_173 : i32
      %eq3A_184 = vector.broadcast %select_n3A_183 : i32 to vector<16xi32>
      %eq3A_185 = arith.cmpi eq, %iota3A, %eq3A_184 : vector<16xi32>
      %jit3A_186 = arith.constant 0 : i32
      %broadcast_in_dim3A_187 = vector.broadcast %jit3A_186 : i32 to vector<16xi32>
      %select_n3A_188 = arith.select %eq3A_185, %select_n3A_167, %broadcast_in_dim3A_187 : vector<16xi1>, vector<16xi32>
      %reduce_sum3A_189 = arith.constant true
      %reduce_sum3A_190 = vector.broadcast %reduce_sum3A_189 : i1 to vector<16xi1>
      %reduce_sum3A_191 = tpu.scan <sum>, %select_n3A_188 masked %reduce_sum3A_190 : vector<16xi32>, vector<16xi1> -> vector<16xi32>
      %reduce_sum3A_192 = vector.extract %reduce_sum3A_191[15] : i32 from vector<16xi32>
      %add3A_193 = arith.constant 6144 : i32
      %add3A_194 = arith.addi %add3A_193, %add3A_157 : i32
      %dma_start3A_195 = arith.constant 0 : i32
      %dma_start3A_196 = tpu.memref_slice %arg4[%dma_start3A_195, %mul3A_159] : memref<2x147456xf32, #tpu.memory_space<hbm>> -> memref<1x4608xf32, #tpu.memory_space<hbm>>
      %dma_start3A_197 = tpu.memref_squeeze %dma_start3A_196 : memref<1x4608xf32, #tpu.memory_space<hbm>> -> memref<4608xf32, #tpu.memory_space<hbm>>
      %dma_start3A_198 = tpu.memref_slice %arg4[%dma_start3A_195, %mul3A_159] : memref<2x147456xf32, #tpu.memory_space<hbm>> -> memref<1x4608xf32, #tpu.memory_space<hbm>>
      %dma_start3A_199 = tpu.memref_squeeze %dma_start3A_198 : memref<1x4608xf32, #tpu.memory_space<hbm>> -> memref<4608xf32, #tpu.memory_space<hbm>>
      tpu.enqueue_dma source(%dma_start3A_199 : memref<4608xf32, #tpu.memory_space<hbm>>) target(%arg18 : memref<4608xf32, #tpu.memory_space<vmem>>) target_semaphore(%arg30 : memref<!tpu.dma_semaphore, #tpu.memory_space<semaphore_mem>>)
      %dma_start3A_200 = arith.constant 0 : i32
      %dma_start3A_201 = tpu.memref_slice %arg5[%dma_start3A_200, %mul3A_159] : memref<2x147456xf32, #tpu.memory_space<hbm>> -> memref<1x4608xf32, #tpu.memory_space<hbm>>
      %dma_start3A_202 = tpu.memref_squeeze %dma_start3A_201 : memref<1x4608xf32, #tpu.memory_space<hbm>> -> memref<4608xf32, #tpu.memory_space<hbm>>
      %dma_start3A_203 = tpu.memref_slice %arg5[%dma_start3A_200, %mul3A_159] : memref<2x147456xf32, #tpu.memory_space<hbm>> -> memref<1x4608xf32, #tpu.memory_space<hbm>>
      %dma_start3A_204 = tpu.memref_squeeze %dma_start3A_203 : memref<1x4608xf32, #tpu.memory_space<hbm>> -> memref<4608xf32, #tpu.memory_space<hbm>>
      tpu.enqueue_dma source(%dma_start3A_204 : memref<4608xf32, #tpu.memory_space<hbm>>) target(%arg19 : memref<4608xf32, #tpu.memory_space<vmem>>) target_semaphore(%arg30 : memref<!tpu.dma_semaphore, #tpu.memory_space<semaphore_mem>>)
      %dma_start3A_205 = arith.constant 0 : i32
      %dma_start3A_206 = tpu.memref_slice %arg6[%dma_start3A_205, %mul3A_159] : memref<2x147456xf32, #tpu.memory_space<hbm>> -> memref<1x4608xf32, #tpu.memory_space<hbm>>
      %dma_start3A_207 = tpu.memref_squeeze %dma_start3A_206 : memref<1x4608xf32, #tpu.memory_space<hbm>> -> memref<4608xf32, #tpu.memory_space<hbm>>
      %dma_start3A_208 = tpu.memref_slice %arg6[%dma_start3A_205, %mul3A_159] : memref<2x147456xf32, #tpu.memory_space<hbm>> -> memref<1x4608xf32, #tpu.memory_space<hbm>>
      %dma_start3A_209 = tpu.memref_squeeze %dma_start3A_208 : memref<1x4608xf32, #tpu.memory_space<hbm>> -> memref<4608xf32, #tpu.memory_space<hbm>>
      tpu.enqueue_dma source(%dma_start3A_209 : memref<4608xf32, #tpu.memory_space<hbm>>) target(%arg20 : memref<4608xf32, #tpu.memory_space<vmem>>) target_semaphore(%arg30 : memref<!tpu.dma_semaphore, #tpu.memory_space<semaphore_mem>>)
      %dma_start3A_210 = arith.constant 0 : i32
      %dma_start3A_211 = tpu.memref_slice %arg7[%dma_start3A_210, %mul3A_159] : memref<2x147456xf32, #tpu.memory_space<hbm>> -> memref<1x4608xf32, #tpu.memory_space<hbm>>
      %dma_start3A_212 = tpu.memref_squeeze %dma_start3A_211 : memref<1x4608xf32, #tpu.memory_space<hbm>> -> memref<4608xf32, #tpu.memory_space<hbm>>
      %dma_start3A_213 = tpu.memref_slice %arg7[%dma_start3A_210, %mul3A_159] : memref<2x147456xf32, #tpu.memory_space<hbm>> -> memref<1x4608xf32, #tpu.memory_space<hbm>>
      %dma_start3A_214 = tpu.memref_squeeze %dma_start3A_213 : memref<1x4608xf32, #tpu.memory_space<hbm>> -> memref<4608xf32, #tpu.memory_space<hbm>>
      tpu.enqueue_dma source(%dma_start3A_214 : memref<4608xf32, #tpu.memory_space<hbm>>) target(%arg21 : memref<4608xf32, #tpu.memory_space<vmem>>) target_semaphore(%arg30 : memref<!tpu.dma_semaphore, #tpu.memory_space<semaphore_mem>>)
      %dma_start3A_215 = arith.constant 0 : i32
      %dma_start3A_216 = tpu.memref_slice %arg8[%dma_start3A_215, %mul3A_159] : memref<2x147456xf32, #tpu.memory_space<hbm>> -> memref<1x4608xf32, #tpu.memory_space<hbm>>
      %dma_start3A_217 = tpu.memref_squeeze %dma_start3A_216 : memref<1x4608xf32, #tpu.memory_space<hbm>> -> memref<4608xf32, #tpu.memory_space<hbm>>
      %dma_start3A_218 = tpu.memref_slice %arg8[%dma_start3A_215, %mul3A_159] : memref<2x147456xf32, #tpu.memory_space<hbm>> -> memref<1x4608xf32, #tpu.memory_space<hbm>>
      %dma_start3A_219 = tpu.memref_squeeze %dma_start3A_218 : memref<1x4608xf32, #tpu.memory_space<hbm>> -> memref<4608xf32, #tpu.memory_space<hbm>>
      tpu.enqueue_dma source(%dma_start3A_219 : memref<4608xf32, #tpu.memory_space<hbm>>) target(%arg22 : memref<4608xf32, #tpu.memory_space<vmem>>) target_semaphore(%arg30 : memref<!tpu.dma_semaphore, #tpu.memory_space<semaphore_mem>>)
      %run_scoped3A_220 = arith.constant 0 : i32
      "tpu.region"() ({
        %run_scoped3A_583 = tpu.sem_alloc : memref<!tpu.dma_semaphore, #tpu.memory_space<semaphore_mem>>
        %dma_start3A_584 = tpu.memref_slice %arg2[%run_scoped3A_220, %mul3A_159] : memref<2x147456xi32, #tpu.memory_space<hbm>> -> memref<1x4608xi32, #tpu.memory_space<hbm>>
        %dma_start3A_585 = tpu.memref_squeeze %dma_start3A_584 : memref<1x4608xi32, #tpu.memory_space<hbm>> -> memref<4608xi32, #tpu.memory_space<hbm>>
        %dma_start3A_586 = tpu.memref_slice %arg2[%run_scoped3A_220, %mul3A_159] : memref<2x147456xi32, #tpu.memory_space<hbm>> -> memref<1x4608xi32, #tpu.memory_space<hbm>>
        %dma_start3A_587 = tpu.memref_squeeze %dma_start3A_586 : memref<1x4608xi32, #tpu.memory_space<hbm>> -> memref<4608xi32, #tpu.memory_space<hbm>>
        tpu.enqueue_dma source(%dma_start3A_587 : memref<4608xi32, #tpu.memory_space<hbm>>) target(%arg15 : memref<4608xi32, #tpu.memory_space<vmem>>) target_semaphore(%run_scoped3A_583 : memref<!tpu.dma_semaphore, #tpu.memory_space<semaphore_mem>>)
        %dma_wait3A_588 = tpu.memref_slice %arg2[%run_scoped3A_220, %mul3A_159] : memref<2x147456xi32, #tpu.memory_space<hbm>> -> memref<1x4608xi32, #tpu.memory_space<hbm>>
        %dma_wait3A_589 = tpu.memref_squeeze %dma_wait3A_588 : memref<1x4608xi32, #tpu.memory_space<hbm>> -> memref<4608xi32, #tpu.memory_space<hbm>>
        %dma_wait3A_590 = tpu.memref_slice %arg2[%run_scoped3A_220, %mul3A_159] : memref<2x147456xi32, #tpu.memory_space<hbm>> -> memref<1x4608xi32, #tpu.memory_space<hbm>>
        %dma_wait3A_591 = tpu.memref_squeeze %dma_wait3A_590 : memref<1x4608xi32, #tpu.memory_space<hbm>> -> memref<4608xi32, #tpu.memory_space<hbm>>
        tpu.wait_dma2 semaphore(%run_scoped3A_583 : memref<!tpu.dma_semaphore, #tpu.memory_space<semaphore_mem>>) src(%dma_wait3A_591 : memref<4608xi32, #tpu.memory_space<hbm>>) dst(%arg15 : memref<4608xi32, #tpu.memory_space<vmem>>)
        tpu.yield
      }) : () -> ()
      %scan3A_221 = arith.constant 0 : i32
      %scan3A_222 = arith.constant 0 : i32
      %scan3A_223 = arith.constant 36 : i32
      %scan3A_224 = arith.addi %scan3A_222, %scan3A_223 : i32
      %scan3A_225 = arith.constant 1 : i32
      %scan3A_226 = scf.for %scan3A_583 = %scan3A_222 to %scan3A_224 step %scan3A_225 iter_args(%scan3A_584 = %scan3A_221) -> (i32)  : i32 {
        %mul3A_585 = arith.constant 128 : i32
        %mul3A_586 = arith.muli %scan3A_583, %mul3A_585 : i32
        %add3A_587 = arith.constant 0 : i32
        %add3A_588 = arith.addi %mul3A_586, %add3A_587 : i32
        %get3A_589 = arith.index_cast %add3A_588 : i32 to index
        %get3A_590 = tpu.vector_load %arg15[%get3A_589] {strides = array<i32>} : memref<4608xi32, #tpu.memory_space<vmem>>, vector<16xi32>,
        %add3A_591 = arith.addi %mul3A_159, %add3A_588 : i32
        %add3A_592 = vector.broadcast %add3A_591 : i32 to vector<16xi32>
        %add3A_593 = arith.addi %add3A_592, %iota3A : vector<16xi32>
        %gt3A = vector.broadcast %reduce_sum3A_20 : i32 to vector<16xi32>
        %gt3A_594 = arith.cmpi sgt, %get3A_590, %gt3A : vector<16xi32>
        %eq3A_595 = vector.broadcast %reduce_sum3A_20 : i32 to vector<16xi32>
        %eq3A_596 = arith.cmpi eq, %get3A_590, %eq3A_595 : vector<16xi32>
        %le3A = vector.broadcast %reduce_sum3A_30 : i32 to vector<16xi32>
        %le3A_597 = arith.cmpi sle, %add3A_593, %le3A : vector<16xi32>
        %and3A_598 = arith.andi %eq3A_596, %le3A_597 : vector<16xi1>
        %or3A = arith.ori %gt3A_594, %and3A_598 : vector<16xi1>
        %convert_element_type3A_599 = arith.extui %or3A : vector<16xi1> to vector<16xi32>
        %broadcast_in_dim3A_600 = arith.constant true
        %broadcast_in_dim3A_601 = vector.broadcast %broadcast_in_dim3A_600 : i1 to vector<16xi1>
        %masked_cumsum3A = tpu.scan <sum>, %convert_element_type3A_599 masked %broadcast_in_dim3A_601 : vector<16xi32>, vector<16xi1> -> vector<16xi32>
        %add3A_602 = arith.constant 0 : i32
        %add3A_603 = arith.addi %add3A_602, %reduce_sum3A_192 : i32
        %add3A_604 = arith.addi %add3A_603, %scan3A_584 : i32
        %sub3A = arith.subi %masked_cumsum3A, %convert_element_type3A_599 : vector<16xi32>
        %add3A_605 = vector.broadcast %add3A_604 : i32 to vector<16xi32>
        %add3A_606 = arith.addi %add3A_605, %sub3A : vector<16xi32>
        %broadcast_in_dim3A_607 = vector.broadcast %add3A_194 : i32 to vector<16xi32>
        %select_n3A_608 = arith.select %or3A, %add3A_606, %broadcast_in_dim3A_607 : vector<16xi1>, vector<16xi32>
        %swap3A = arith.index_cast %scan3A_583 : i32 to index
        %swap3A_609 = arith.constant 0 : index
        %swap3A_610 = tpu.vector_load %arg16[%swap3A, %swap3A_609] {strides = array<i32>} : memref<36x128xi32, #tpu.memory_space<vmem>>, vector<16xi32>,
        tpu.vector_store %arg16[%swap3A, %swap3A_609], %select_n3A_608 {strides = array<i32>} : memref<36x128xi32, #tpu.memory_space<vmem>>, vector<16xi32>,
        %reduce_sum3A_611 = arith.constant true
        %reduce_sum3A_612 = vector.broadcast %reduce_sum3A_611 : i1 to vector<16xi1>
        %reduce_sum3A_613 = tpu.scan <sum>, %convert_element_type3A_599 masked %reduce_sum3A_612 : vector<16xi32>, vector<16xi1> -> vector<16xi32>
        %reduce_sum3A_614 = vector.extract %reduce_sum3A_613[15] : i32 from vector<16xi32>
        %add3A_615 = arith.addi %scan3A_584, %reduce_sum3A_614 : i32
        %mul3A_616 = arith.constant 128 : i32
        %mul3A_617 = arith.muli %scan3A_583, %mul3A_616 : i32
        %add3A_618 = arith.constant 16 : i32
        %add3A_619 = arith.addi %mul3A_617, %add3A_618 : i32
        %get3A_620 = arith.index_cast %add3A_619 : i32 to index
        %get3A_621 = tpu.vector_load %arg15[%get3A_620] {strides = array<i32>} : memref<4608xi32, #tpu.memory_space<vmem>>, vector<16xi32>,
        %add3A_622 = arith.addi %mul3A_159, %add3A_619 : i32
        %add3A_623 = vector.broadcast %add3A_622 : i32 to vector<16xi32>
        %add3A_624 = arith.addi %add3A_623, %iota3A : vector<16xi32>
        %gt3A_625 = vector.broadcast %reduce_sum3A_20 : i32 to vector<16xi32>
        %gt3A_626 = arith.cmpi sgt, %get3A_621, %gt3A_625 : vector<16xi32>
        %eq3A_627 = vector.broadcast %reduce_sum3A_20 : i32 to vector<16xi32>
        %eq3A_628 = arith.cmpi eq, %get3A_621, %eq3A_627 : vector<16xi32>
        %le3A_629 = vector.broadcast %reduce_sum3A_30 : i32 to vector<16xi32>
        %le3A_630 = arith.cmpi sle, %add3A_624, %le3A_629 : vector<16xi32>
        %and3A_631 = arith.andi %eq3A_628, %le3A_630 : vector<16xi1>
        %or3A_632 = arith.ori %gt3A_626, %and3A_631 : vector<16xi1>
        %convert_element_type3A_633 = arith.extui %or3A_632 : vector<16xi1> to vector<16xi32>
        %broadcast_in_dim3A_634 = arith.constant true
        %broadcast_in_dim3A_635 = vector.broadcast %broadcast_in_dim3A_634 : i1 to vector<16xi1>
        %masked_cumsum3A_636 = tpu.scan <sum>, %convert_element_type3A_633 masked %broadcast_in_dim3A_635 : vector<16xi32>, vector<16xi1> -> vector<16xi32>
        %add3A_637 = arith.constant 0 : i32
        %add3A_638 = arith.addi %add3A_637, %reduce_sum3A_192 : i32
        %add3A_639 = arith.addi %add3A_638, %add3A_615 : i32
        %sub3A_640 = arith.subi %masked_cumsum3A_636, %convert_element_type3A_633 : vector<16xi32>
        %add3A_641 = vector.broadcast %add3A_639 : i32 to vector<16xi32>
        %add3A_642 = arith.addi %add3A_641, %sub3A_640 : vector<16xi32>
        %broadcast_in_dim3A_643 = vector.broadcast %add3A_194 : i32 to vector<16xi32>
        %select_n3A_644 = arith.select %or3A_632, %add3A_642, %broadcast_in_dim3A_643 : vector<16xi1>, vector<16xi32>
        %swap3A_645 = arith.index_cast %scan3A_583 : i32 to index
        %swap3A_646 = arith.constant 16 : index
        %swap3A_647 = tpu.vector_load %arg16[%swap3A_645, %swap3A_646] {strides = array<i32>} : memref<36x128xi32, #tpu.memory_space<vmem>>, vector<16xi32>,
        tpu.vector_store %arg16[%swap3A_645, %swap3A_646], %select_n3A_644 {strides = array<i32>} : memref<36x128xi32, #tpu.memory_space<vmem>>, vector<16xi32>,
        %reduce_sum3A_648 = arith.constant true
        %reduce_sum3A_649 = vector.broadcast %reduce_sum3A_648 : i1 to vector<16xi1>
        %reduce_sum3A_650 = tpu.scan <sum>, %convert_element_type3A_633 masked %reduce_sum3A_649 : vector<16xi32>, vector<16xi1> -> vector<16xi32>
        %reduce_sum3A_651 = vector.extract %reduce_sum3A_650[15] : i32 from vector<16xi32>
        %add3A_652 = arith.addi %add3A_615, %reduce_sum3A_651 : i32
        %mul3A_653 = arith.constant 128 : i32
        %mul3A_654 = arith.muli %scan3A_583, %mul3A_653 : i32
        %add3A_655 = arith.constant 32 : i32
        %add3A_656 = arith.addi %mul3A_654, %add3A_655 : i32
        %get3A_657 = arith.index_cast %add3A_656 : i32 to index
        %get3A_658 = tpu.vector_load %arg15[%get3A_657] {strides = array<i32>} : memref<4608xi32, #tpu.memory_space<vmem>>, vector<16xi32>,
        %add3A_659 = arith.addi %mul3A_159, %add3A_656 : i32
        %add3A_660 = vector.broadcast %add3A_659 : i32 to vector<16xi32>
        %add3A_661 = arith.addi %add3A_660, %iota3A : vector<16xi32>
        %gt3A_662 = vector.broadcast %reduce_sum3A_20 : i32 to vector<16xi32>
        %gt3A_663 = arith.cmpi sgt, %get3A_658, %gt3A_662 : vector<16xi32>
        %eq3A_664 = vector.broadcast %reduce_sum3A_20 : i32 to vector<16xi32>
        %eq3A_665 = arith.cmpi eq, %get3A_658, %eq3A_664 : vector<16xi32>
        %le3A_666 = vector.broadcast %reduce_sum3A_30 : i32 to vector<16xi32>
        %le3A_667 = arith.cmpi sle, %add3A_661, %le3A_666 : vector<16xi32>
        %and3A_668 = arith.andi %eq3A_665, %le3A_667 : vector<16xi1>
        %or3A_669 = arith.ori %gt3A_663, %and3A_668 : vector<16xi1>
        %convert_element_type3A_670 = arith.extui %or3A_669 : vector<16xi1> to vector<16xi32>
        %broadcast_in_dim3A_671 = arith.constant true
        %broadcast_in_dim3A_672 = vector.broadcast %broadcast_in_dim3A_671 : i1 to vector<16xi1>
        %masked_cumsum3A_673 = tpu.scan <sum>, %convert_element_type3A_670 masked %broadcast_in_dim3A_672 : vector<16xi32>, vector<16xi1> -> vector<16xi32>
        %add3A_674 = arith.constant 0 : i32
        %add3A_675 = arith.addi %add3A_674, %reduce_sum3A_192 : i32
        %add3A_676 = arith.addi %add3A_675, %add3A_652 : i32
        %sub3A_677 = arith.subi %masked_cumsum3A_673, %convert_element_type3A_670 : vector<16xi32>
        %add3A_678 = vector.broadcast %add3A_676 : i32 to vector<16xi32>
        %add3A_679 = arith.addi %add3A_678, %sub3A_677 : vector<16xi32>
        %broadcast_in_dim3A_680 = vector.broadcast %add3A_194 : i32 to vector<16xi32>
        %select_n3A_681 = arith.select %or3A_669, %add3A_679, %broadcast_in_dim3A_680 : vector<16xi1>, vector<16xi32>
        %swap3A_682 = arith.index_cast %scan3A_583 : i32 to index
        %swap3A_683 = arith.constant 32 : index
        %swap3A_684 = tpu.vector_load %arg16[%swap3A_682, %swap3A_683] {strides = array<i32>} : memref<36x128xi32, #tpu.memory_space<vmem>>, vector<16xi32>,
        tpu.vector_store %arg16[%swap3A_682, %swap3A_683], %select_n3A_681 {strides = array<i32>} : memref<36x128xi32, #tpu.memory_space<vmem>>, vector<16xi32>,
        %reduce_sum3A_685 = arith.constant true
        %reduce_sum3A_686 = vector.broadcast %reduce_sum3A_685 : i1 to vector<16xi1>
        %reduce_sum3A_687 = tpu.scan <sum>, %convert_element_type3A_670 masked %reduce_sum3A_686 : vector<16xi32>, vector<16xi1> -> vector<16xi32>
        %reduce_sum3A_688 = vector.extract %reduce_sum3A_687[15] : i32 from vector<16xi32>
        %add3A_689 = arith.addi %add3A_652, %reduce_sum3A_688 : i32
        %mul3A_690 = arith.constant 128 : i32
        %mul3A_691 = arith.muli %scan3A_583, %mul3A_690 : i32
        %add3A_692 = arith.constant 48 : i32
        %add3A_693 = arith.addi %mul3A_691, %add3A_692 : i32
        %get3A_694 = arith.index_cast %add3A_693 : i32 to index
        %get3A_695 = tpu.vector_load %arg15[%get3A_694] {strides = array<i32>} : memref<4608xi32, #tpu.memory_space<vmem>>, vector<16xi32>,
        %add3A_696 = arith.addi %mul3A_159, %add3A_693 : i32
        %add3A_697 = vector.broadcast %add3A_696 : i32 to vector<16xi32>
        %add3A_698 = arith.addi %add3A_697, %iota3A : vector<16xi32>
        %gt3A_699 = vector.broadcast %reduce_sum3A_20 : i32 to vector<16xi32>
        %gt3A_700 = arith.cmpi sgt, %get3A_695, %gt3A_699 : vector<16xi32>
        %eq3A_701 = vector.broadcast %reduce_sum3A_20 : i32 to vector<16xi32>
        %eq3A_702 = arith.cmpi eq, %get3A_695, %eq3A_701 : vector<16xi32>
        %le3A_703 = vector.broadcast %reduce_sum3A_30 : i32 to vector<16xi32>
        %le3A_704 = arith.cmpi sle, %add3A_698, %le3A_703 : vector<16xi32>
        %and3A_705 = arith.andi %eq3A_702, %le3A_704 : vector<16xi1>
        %or3A_706 = arith.ori %gt3A_700, %and3A_705 : vector<16xi1>
        %convert_element_type3A_707 = arith.extui %or3A_706 : vector<16xi1> to vector<16xi32>
        %broadcast_in_dim3A_708 = arith.constant true
        %broadcast_in_dim3A_709 = vector.broadcast %broadcast_in_dim3A_708 : i1 to vector<16xi1>
        %masked_cumsum3A_710 = tpu.scan <sum>, %convert_element_type3A_707 masked %broadcast_in_dim3A_709 : vector<16xi32>, vector<16xi1> -> vector<16xi32>
        %add3A_711 = arith.constant 0 : i32
        %add3A_712 = arith.addi %add3A_711, %reduce_sum3A_192 : i32
        %add3A_713 = arith.addi %add3A_712, %add3A_689 : i32
        %sub3A_714 = arith.subi %masked_cumsum3A_710, %convert_element_type3A_707 : vector<16xi32>
        %add3A_715 = vector.broadcast %add3A_713 : i32 to vector<16xi32>
        %add3A_716 = arith.addi %add3A_715, %sub3A_714 : vector<16xi32>
        %broadcast_in_dim3A_717 = vector.broadcast %add3A_194 : i32 to vector<16xi32>
        %select_n3A_718 = arith.select %or3A_706, %add3A_716, %broadcast_in_dim3A_717 : vector<16xi1>, vector<16xi32>
        %swap3A_719 = arith.index_cast %scan3A_583 : i32 to index
        %swap3A_720 = arith.constant 48 : index
        %swap3A_721 = tpu.vector_load %arg16[%swap3A_719, %swap3A_720] {strides = array<i32>} : memref<36x128xi32, #tpu.memory_space<vmem>>, vector<16xi32>,
        tpu.vector_store %arg16[%swap3A_719, %swap3A_720], %select_n3A_718 {strides = array<i32>} : memref<36x128xi32, #tpu.memory_space<vmem>>, vector<16xi32>,
        %reduce_sum3A_722 = arith.constant true
        %reduce_sum3A_723 = vector.broadcast %reduce_sum3A_722 : i1 to vector<16xi1>
        %reduce_sum3A_724 = tpu.scan <sum>, %convert_element_type3A_707 masked %reduce_sum3A_723 : vector<16xi32>, vector<16xi1> -> vector<16xi32>
        %reduce_sum3A_725 = vector.extract %reduce_sum3A_724[15] : i32 from vector<16xi32>
        %add3A_726 = arith.addi %add3A_689, %reduce_sum3A_725 : i32
        %mul3A_727 = arith.constant 128 : i32
        %mul3A_728 = arith.muli %scan3A_583, %mul3A_727 : i32
        %add3A_729 = arith.constant 64 : i32
        %add3A_730 = arith.addi %mul3A_728, %add3A_729 : i32
        %get3A_731 = arith.index_cast %add3A_730 : i32 to index
        %get3A_732 = tpu.vector_load %arg15[%get3A_731] {strides = array<i32>} : memref<4608xi32, #tpu.memory_space<vmem>>, vector<16xi32>,
        %add3A_733 = arith.addi %mul3A_159, %add3A_730 : i32
        %add3A_734 = vector.broadcast %add3A_733 : i32 to vector<16xi32>
        %add3A_735 = arith.addi %add3A_734, %iota3A : vector<16xi32>
        %gt3A_736 = vector.broadcast %reduce_sum3A_20 : i32 to vector<16xi32>
        %gt3A_737 = arith.cmpi sgt, %get3A_732, %gt3A_736 : vector<16xi32>
        %eq3A_738 = vector.broadcast %reduce_sum3A_20 : i32 to vector<16xi32>
        %eq3A_739 = arith.cmpi eq, %get3A_732, %eq3A_738 : vector<16xi32>
        %le3A_740 = vector.broadcast %reduce_sum3A_30 : i32 to vector<16xi32>
        %le3A_741 = arith.cmpi sle, %add3A_735, %le3A_740 : vector<16xi32>
        %and3A_742 = arith.andi %eq3A_739, %le3A_741 : vector<16xi1>
        %or3A_743 = arith.ori %gt3A_737, %and3A_742 : vector<16xi1>
        %convert_element_type3A_744 = arith.extui %or3A_743 : vector<16xi1> to vector<16xi32>
        %broadcast_in_dim3A_745 = arith.constant true
        %broadcast_in_dim3A_746 = vector.broadcast %broadcast_in_dim3A_745 : i1 to vector<16xi1>
        %masked_cumsum3A_747 = tpu.scan <sum>, %convert_element_type3A_744 masked %broadcast_in_dim3A_746 : vector<16xi32>, vector<16xi1> -> vector<16xi32>
        %add3A_748 = arith.constant 0 : i32
        %add3A_749 = arith.addi %add3A_748, %reduce_sum3A_192 : i32
        %add3A_750 = arith.addi %add3A_749, %add3A_726 : i32
        %sub3A_751 = arith.subi %masked_cumsum3A_747, %convert_element_type3A_744 : vector<16xi32>
        %add3A_752 = vector.broadcast %add3A_750 : i32 to vector<16xi32>
        %add3A_753 = arith.addi %add3A_752, %sub3A_751 : vector<16xi32>
        %broadcast_in_dim3A_754 = vector.broadcast %add3A_194 : i32 to vector<16xi32>
        %select_n3A_755 = arith.select %or3A_743, %add3A_753, %broadcast_in_dim3A_754 : vector<16xi1>, vector<16xi32>
        %swap3A_756 = arith.index_cast %scan3A_583 : i32 to index
        %swap3A_757 = arith.constant 64 : index
        %swap3A_758 = tpu.vector_load %arg16[%swap3A_756, %swap3A_757] {strides = array<i32>} : memref<36x128xi32, #tpu.memory_space<vmem>>, vector<16xi32>,
        tpu.vector_store %arg16[%swap3A_756, %swap3A_757], %select_n3A_755 {strides = array<i32>} : memref<36x128xi32, #tpu.memory_space<vmem>>, vector<16xi32>,
        %reduce_sum3A_759 = arith.constant true
        %reduce_sum3A_760 = vector.broadcast %reduce_sum3A_759 : i1 to vector<16xi1>
        %reduce_sum3A_761 = tpu.scan <sum>, %convert_element_type3A_744 masked %reduce_sum3A_760 : vector<16xi32>, vector<16xi1> -> vector<16xi32>
        %reduce_sum3A_762 = vector.extract %reduce_sum3A_761[15] : i32 from vector<16xi32>
        %add3A_763 = arith.addi %add3A_726, %reduce_sum3A_762 : i32
        %mul3A_764 = arith.constant 128 : i32
        %mul3A_765 = arith.muli %scan3A_583, %mul3A_764 : i32
        %add3A_766 = arith.constant 80 : i32
        %add3A_767 = arith.addi %mul3A_765, %add3A_766 : i32
        %get3A_768 = arith.index_cast %add3A_767 : i32 to index
        %get3A_769 = tpu.vector_load %arg15[%get3A_768] {strides = array<i32>} : memref<4608xi32, #tpu.memory_space<vmem>>, vector<16xi32>,
        %add3A_770 = arith.addi %mul3A_159, %add3A_767 : i32
        %add3A_771 = vector.broadcast %add3A_770 : i32 to vector<16xi32>
        %add3A_772 = arith.addi %add3A_771, %iota3A : vector<16xi32>
        %gt3A_773 = vector.broadcast %reduce_sum3A_20 : i32 to vector<16xi32>
        %gt3A_774 = arith.cmpi sgt, %get3A_769, %gt3A_773 : vector<16xi32>
        %eq3A_775 = vector.broadcast %reduce_sum3A_20 : i32 to vector<16xi32>
        %eq3A_776 = arith.cmpi eq, %get3A_769, %eq3A_775 : vector<16xi32>
        %le3A_777 = vector.broadcast %reduce_sum3A_30 : i32 to vector<16xi32>
        %le3A_778 = arith.cmpi sle, %add3A_772, %le3A_777 : vector<16xi32>
        %and3A_779 = arith.andi %eq3A_776, %le3A_778 : vector<16xi1>
        %or3A_780 = arith.ori %gt3A_774, %and3A_779 : vector<16xi1>
        %convert_element_type3A_781 = arith.extui %or3A_780 : vector<16xi1> to vector<16xi32>
        %broadcast_in_dim3A_782 = arith.constant true
        %broadcast_in_dim3A_783 = vector.broadcast %broadcast_in_dim3A_782 : i1 to vector<16xi1>
        %masked_cumsum3A_784 = tpu.scan <sum>, %convert_element_type3A_781 masked %broadcast_in_dim3A_783 : vector<16xi32>, vector<16xi1> -> vector<16xi32>
        %add3A_785 = arith.constant 0 : i32
        %add3A_786 = arith.addi %add3A_785, %reduce_sum3A_192 : i32
        %add3A_787 = arith.addi %add3A_786, %add3A_763 : i32
        %sub3A_788 = arith.subi %masked_cumsum3A_784, %convert_element_type3A_781 : vector<16xi32>
        %add3A_789 = vector.broadcast %add3A_787 : i32 to vector<16xi32>
        %add3A_790 = arith.addi %add3A_789, %sub3A_788 : vector<16xi32>
        %broadcast_in_dim3A_791 = vector.broadcast %add3A_194 : i32 to vector<16xi32>
        %select_n3A_792 = arith.select %or3A_780, %add3A_790, %broadcast_in_dim3A_791 : vector<16xi1>, vector<16xi32>
        %swap3A_793 = arith.index_cast %scan3A_583 : i32 to index
        %swap3A_794 = arith.constant 80 : index
        %swap3A_795 = tpu.vector_load %arg16[%swap3A_793, %swap3A_794] {strides = array<i32>} : memref<36x128xi32, #tpu.memory_space<vmem>>, vector<16xi32>,
        tpu.vector_store %arg16[%swap3A_793, %swap3A_794], %select_n3A_792 {strides = array<i32>} : memref<36x128xi32, #tpu.memory_space<vmem>>, vector<16xi32>,
        %reduce_sum3A_796 = arith.constant true
        %reduce_sum3A_797 = vector.broadcast %reduce_sum3A_796 : i1 to vector<16xi1>
        %reduce_sum3A_798 = tpu.scan <sum>, %convert_element_type3A_781 masked %reduce_sum3A_797 : vector<16xi32>, vector<16xi1> -> vector<16xi32>
        %reduce_sum3A_799 = vector.extract %reduce_sum3A_798[15] : i32 from vector<16xi32>
        %add3A_800 = arith.addi %add3A_763, %reduce_sum3A_799 : i32
        %mul3A_801 = arith.constant 128 : i32
        %mul3A_802 = arith.muli %scan3A_583, %mul3A_801 : i32
        %add3A_803 = arith.constant 96 : i32
        %add3A_804 = arith.addi %mul3A_802, %add3A_803 : i32
        %get3A_805 = arith.index_cast %add3A_804 : i32 to index
        %get3A_806 = tpu.vector_load %arg15[%get3A_805] {strides = array<i32>} : memref<4608xi32, #tpu.memory_space<vmem>>, vector<16xi32>,
        %add3A_807 = arith.addi %mul3A_159, %add3A_804 : i32
        %add3A_808 = vector.broadcast %add3A_807 : i32 to vector<16xi32>
        %add3A_809 = arith.addi %add3A_808, %iota3A : vector<16xi32>
        %gt3A_810 = vector.broadcast %reduce_sum3A_20 : i32 to vector<16xi32>
        %gt3A_811 = arith.cmpi sgt, %get3A_806, %gt3A_810 : vector<16xi32>
        %eq3A_812 = vector.broadcast %reduce_sum3A_20 : i32 to vector<16xi32>
        %eq3A_813 = arith.cmpi eq, %get3A_806, %eq3A_812 : vector<16xi32>
        %le3A_814 = vector.broadcast %reduce_sum3A_30 : i32 to vector<16xi32>
        %le3A_815 = arith.cmpi sle, %add3A_809, %le3A_814 : vector<16xi32>
        %and3A_816 = arith.andi %eq3A_813, %le3A_815 : vector<16xi1>
        %or3A_817 = arith.ori %gt3A_811, %and3A_816 : vector<16xi1>
        %convert_element_type3A_818 = arith.extui %or3A_817 : vector<16xi1> to vector<16xi32>
        %broadcast_in_dim3A_819 = arith.constant true
        %broadcast_in_dim3A_820 = vector.broadcast %broadcast_in_dim3A_819 : i1 to vector<16xi1>
        %masked_cumsum3A_821 = tpu.scan <sum>, %convert_element_type3A_818 masked %broadcast_in_dim3A_820 : vector<16xi32>, vector<16xi1> -> vector<16xi32>
        %add3A_822 = arith.constant 0 : i32
        %add3A_823 = arith.addi %add3A_822, %reduce_sum3A_192 : i32
        %add3A_824 = arith.addi %add3A_823, %add3A_800 : i32
        %sub3A_825 = arith.subi %masked_cumsum3A_821, %convert_element_type3A_818 : vector<16xi32>
        %add3A_826 = vector.broadcast %add3A_824 : i32 to vector<16xi32>
        %add3A_827 = arith.addi %add3A_826, %sub3A_825 : vector<16xi32>
        %broadcast_in_dim3A_828 = vector.broadcast %add3A_194 : i32 to vector<16xi32>
        %select_n3A_829 = arith.select %or3A_817, %add3A_827, %broadcast_in_dim3A_828 : vector<16xi1>, vector<16xi32>
        %swap3A_830 = arith.index_cast %scan3A_583 : i32 to index
        %swap3A_831 = arith.constant 96 : index
        %swap3A_832 = tpu.vector_load %arg16[%swap3A_830, %swap3A_831] {strides = array<i32>} : memref<36x128xi32, #tpu.memory_space<vmem>>, vector<16xi32>,
        tpu.vector_store %arg16[%swap3A_830, %swap3A_831], %select_n3A_829 {strides = array<i32>} : memref<36x128xi32, #tpu.memory_space<vmem>>, vector<16xi32>,
        %reduce_sum3A_833 = arith.constant true
        %reduce_sum3A_834 = vector.broadcast %reduce_sum3A_833 : i1 to vector<16xi1>
        %reduce_sum3A_835 = tpu.scan <sum>, %convert_element_type3A_818 masked %reduce_sum3A_834 : vector<16xi32>, vector<16xi1> -> vector<16xi32>
        %reduce_sum3A_836 = vector.extract %reduce_sum3A_835[15] : i32 from vector<16xi32>
        %add3A_837 = arith.addi %add3A_800, %reduce_sum3A_836 : i32
        %mul3A_838 = arith.constant 128 : i32
        %mul3A_839 = arith.muli %scan3A_583, %mul3A_838 : i32
        %add3A_840 = arith.constant 112 : i32
        %add3A_841 = arith.addi %mul3A_839, %add3A_840 : i32
        %get3A_842 = arith.index_cast %add3A_841 : i32 to index
        %get3A_843 = tpu.vector_load %arg15[%get3A_842] {strides = array<i32>} : memref<4608xi32, #tpu.memory_space<vmem>>, vector<16xi32>,
        %add3A_844 = arith.addi %mul3A_159, %add3A_841 : i32
        %add3A_845 = vector.broadcast %add3A_844 : i32 to vector<16xi32>
        %add3A_846 = arith.addi %add3A_845, %iota3A : vector<16xi32>
        %gt3A_847 = vector.broadcast %reduce_sum3A_20 : i32 to vector<16xi32>
        %gt3A_848 = arith.cmpi sgt, %get3A_843, %gt3A_847 : vector<16xi32>
        %eq3A_849 = vector.broadcast %reduce_sum3A_20 : i32 to vector<16xi32>
        %eq3A_850 = arith.cmpi eq, %get3A_843, %eq3A_849 : vector<16xi32>
        %le3A_851 = vector.broadcast %reduce_sum3A_30 : i32 to vector<16xi32>
        %le3A_852 = arith.cmpi sle, %add3A_846, %le3A_851 : vector<16xi32>
        %and3A_853 = arith.andi %eq3A_850, %le3A_852 : vector<16xi1>
        %or3A_854 = arith.ori %gt3A_848, %and3A_853 : vector<16xi1>
        %convert_element_type3A_855 = arith.extui %or3A_854 : vector<16xi1> to vector<16xi32>
        %broadcast_in_dim3A_856 = arith.constant true
        %broadcast_in_dim3A_857 = vector.broadcast %broadcast_in_dim3A_856 : i1 to vector<16xi1>
        %masked_cumsum3A_858 = tpu.scan <sum>, %convert_element_type3A_855 masked %broadcast_in_dim3A_857 : vector<16xi32>, vector<16xi1> -> vector<16xi32>
        %add3A_859 = arith.constant 0 : i32
        %add3A_860 = arith.addi %add3A_859, %reduce_sum3A_192 : i32
        %add3A_861 = arith.addi %add3A_860, %add3A_837 : i32
        %sub3A_862 = arith.subi %masked_cumsum3A_858, %convert_element_type3A_855 : vector<16xi32>
        %add3A_863 = vector.broadcast %add3A_861 : i32 to vector<16xi32>
        %add3A_864 = arith.addi %add3A_863, %sub3A_862 : vector<16xi32>
        %broadcast_in_dim3A_865 = vector.broadcast %add3A_194 : i32 to vector<16xi32>
        %select_n3A_866 = arith.select %or3A_854, %add3A_864, %broadcast_in_dim3A_865 : vector<16xi1>, vector<16xi32>
        %swap3A_867 = arith.index_cast %scan3A_583 : i32 to index
        %swap3A_868 = arith.constant 112 : index
        %swap3A_869 = tpu.vector_load %arg16[%swap3A_867, %swap3A_868] {strides = array<i32>} : memref<36x128xi32, #tpu.memory_space<vmem>>, vector<16xi32>,
        tpu.vector_store %arg16[%swap3A_867, %swap3A_868], %select_n3A_866 {strides = array<i32>} : memref<36x128xi32, #tpu.memory_space<vmem>>, vector<16xi32>,
        %reduce_sum3A_870 = arith.constant true
        %reduce_sum3A_871 = vector.broadcast %reduce_sum3A_870 : i1 to vector<16xi1>
        %reduce_sum3A_872 = tpu.scan <sum>, %convert_element_type3A_855 masked %reduce_sum3A_871 : vector<16xi32>, vector<16xi1> -> vector<16xi32>
        %reduce_sum3A_873 = vector.extract %reduce_sum3A_872[15] : i32 from vector<16xi32>
        %add3A_874 = arith.addi %add3A_837, %reduce_sum3A_873 : i32
        scf.yield %add3A_874 : i32
      }
      %scan3A_227 = arith.constant 36 : i32
      %dma_wait3A_228 = arith.constant 0 : i32
      %dma_wait3A_229 = tpu.memref_slice %arg4[%dma_wait3A_228, %mul3A_159] : memref<2x147456xf32, #tpu.memory_space<hbm>> -> memref<1x4608xf32, #tpu.memory_space<hbm>>
      %dma_wait3A_230 = tpu.memref_squeeze %dma_wait3A_229 : memref<1x4608xf32, #tpu.memory_space<hbm>> -> memref<4608xf32, #tpu.memory_space<hbm>>
      %dma_wait3A_231 = tpu.memref_slice %arg4[%dma_wait3A_228, %mul3A_159] : memref<2x147456xf32, #tpu.memory_space<hbm>> -> memref<1x4608xf32, #tpu.memory_space<hbm>>
      %dma_wait3A_232 = tpu.memref_squeeze %dma_wait3A_231 : memref<1x4608xf32, #tpu.memory_space<hbm>> -> memref<4608xf32, #tpu.memory_space<hbm>>
      tpu.wait_dma2 semaphore(%arg30 : memref<!tpu.dma_semaphore, #tpu.memory_space<semaphore_mem>>) src(%dma_wait3A_232 : memref<4608xf32, #tpu.memory_space<hbm>>) dst(%arg18 : memref<4608xf32, #tpu.memory_space<vmem>>)
      %dma_wait3A_233 = arith.constant 0 : i32
      %dma_wait3A_234 = tpu.memref_slice %arg5[%dma_wait3A_233, %mul3A_159] : memref<2x147456xf32, #tpu.memory_space<hbm>> -> memref<1x4608xf32, #tpu.memory_space<hbm>>
      %dma_wait3A_235 = tpu.memref_squeeze %dma_wait3A_234 : memref<1x4608xf32, #tpu.memory_space<hbm>> -> memref<4608xf32, #tpu.memory_space<hbm>>
      %dma_wait3A_236 = tpu.memref_slice %arg5[%dma_wait3A_233, %mul3A_159] : memref<2x147456xf32, #tpu.memory_space<hbm>> -> memref<1x4608xf32, #tpu.memory_space<hbm>>
      %dma_wait3A_237 = tpu.memref_squeeze %dma_wait3A_236 : memref<1x4608xf32, #tpu.memory_space<hbm>> -> memref<4608xf32, #tpu.memory_space<hbm>>
      tpu.wait_dma2 semaphore(%arg30 : memref<!tpu.dma_semaphore, #tpu.memory_space<semaphore_mem>>) src(%dma_wait3A_237 : memref<4608xf32, #tpu.memory_space<hbm>>) dst(%arg19 : memref<4608xf32, #tpu.memory_space<vmem>>)
      %dma_wait3A_238 = arith.constant 0 : i32
      %dma_wait3A_239 = tpu.memref_slice %arg6[%dma_wait3A_238, %mul3A_159] : memref<2x147456xf32, #tpu.memory_space<hbm>> -> memref<1x4608xf32, #tpu.memory_space<hbm>>
      %dma_wait3A_240 = tpu.memref_squeeze %dma_wait3A_239 : memref<1x4608xf32, #tpu.memory_space<hbm>> -> memref<4608xf32, #tpu.memory_space<hbm>>
      %dma_wait3A_241 = tpu.memref_slice %arg6[%dma_wait3A_238, %mul3A_159] : memref<2x147456xf32, #tpu.memory_space<hbm>> -> memref<1x4608xf32, #tpu.memory_space<hbm>>
      %dma_wait3A_242 = tpu.memref_squeeze %dma_wait3A_241 : memref<1x4608xf32, #tpu.memory_space<hbm>> -> memref<4608xf32, #tpu.memory_space<hbm>>
      tpu.wait_dma2 semaphore(%arg30 : memref<!tpu.dma_semaphore, #tpu.memory_space<semaphore_mem>>) src(%dma_wait3A_242 : memref<4608xf32, #tpu.memory_space<hbm>>) dst(%arg20 : memref<4608xf32, #tpu.memory_space<vmem>>)
      %dma_wait3A_243 = arith.constant 0 : i32
      %dma_wait3A_244 = tpu.memref_slice %arg7[%dma_wait3A_243, %mul3A_159] : memref<2x147456xf32, #tpu.memory_space<hbm>> -> memref<1x4608xf32, #tpu.memory_space<hbm>>
      %dma_wait3A_245 = tpu.memref_squeeze %dma_wait3A_244 : memref<1x4608xf32, #tpu.memory_space<hbm>> -> memref<4608xf32, #tpu.memory_space<hbm>>
      %dma_wait3A_246 = tpu.memref_slice %arg7[%dma_wait3A_243, %mul3A_159] : memref<2x147456xf32, #tpu.memory_space<hbm>> -> memref<1x4608xf32, #tpu.memory_space<hbm>>
      %dma_wait3A_247 = tpu.memref_squeeze %dma_wait3A_246 : memref<1x4608xf32, #tpu.memory_space<hbm>> -> memref<4608xf32, #tpu.memory_space<hbm>>
      tpu.wait_dma2 semaphore(%arg30 : memref<!tpu.dma_semaphore, #tpu.memory_space<semaphore_mem>>) src(%dma_wait3A_247 : memref<4608xf32, #tpu.memory_space<hbm>>) dst(%arg21 : memref<4608xf32, #tpu.memory_space<vmem>>)
      %dma_wait3A_248 = arith.constant 0 : i32
      %dma_wait3A_249 = tpu.memref_slice %arg8[%dma_wait3A_248, %mul3A_159] : memref<2x147456xf32, #tpu.memory_space<hbm>> -> memref<1x4608xf32, #tpu.memory_space<hbm>>
      %dma_wait3A_250 = tpu.memref_squeeze %dma_wait3A_249 : memref<1x4608xf32, #tpu.memory_space<hbm>> -> memref<4608xf32, #tpu.memory_space<hbm>>
      %dma_wait3A_251 = tpu.memref_slice %arg8[%dma_wait3A_248, %mul3A_159] : memref<2x147456xf32, #tpu.memory_space<hbm>> -> memref<1x4608xf32, #tpu.memory_space<hbm>>
      %dma_wait3A_252 = tpu.memref_squeeze %dma_wait3A_251 : memref<1x4608xf32, #tpu.memory_space<hbm>> -> memref<4608xf32, #tpu.memory_space<hbm>>
      tpu.wait_dma2 semaphore(%arg30 : memref<!tpu.dma_semaphore, #tpu.memory_space<semaphore_mem>>) src(%dma_wait3A_252 : memref<4608xf32, #tpu.memory_space<hbm>>) dst(%arg22 : memref<4608xf32, #tpu.memory_space<vmem>>)
      %scan3A_253 = arith.constant 0 : i32
      %scan3A_254 = arith.constant 0 : i32
      %scan3A_255 = arith.constant 36 : i32
      %scan3A_256 = arith.addi %scan3A_254, %scan3A_255 : i32
      %scan3A_257 = arith.constant 1 : i32
      scf.for %scan3A_583 = %scan3A_254 to %scan3A_256 step %scan3A_257  : i32 {
        %mul3A_584 = arith.constant 128 : i32
        %mul3A_585 = arith.muli %scan3A_583, %mul3A_584 : i32
        %dma_start3A_586 = tpu.memref_slice %arg18[%mul3A_585] : memref<4608xf32, #tpu.memory_space<vmem>> -> memref<128xf32, #tpu.memory_space<vmem>>
        %dma_start3A_587 = arith.constant 0 : i32
        %dma_start3A_588 = tpu.memref_slice %arg16[%scan3A_583, %dma_start3A_587] : memref<36x128xi32, #tpu.memory_space<vmem>> -> memref<1x128xi32, #tpu.memory_space<vmem>>
        %dma_start3A_589 = tpu.memref_squeeze %dma_start3A_588 : memref<1x128xi32, #tpu.memory_space<vmem>> -> memref<128xi32, #tpu.memory_space<vmem>>
        %dma_start3A_590 = arith.constant 0 : i32
        %dma_start3A_591 = tpu.memref_slice %arg23[%dma_start3A_590] : memref<12544xf32, #tpu.memory_space<vmem_shared>> -> memref<12544xf32, #tpu.memory_space<vmem_shared>>
        tpu.enqueue_indirect_dma source(%dma_start3A_586 : memref<128xf32, #tpu.memory_space<vmem>>) target(%dma_start3A_591 : memref<12544xf32, #tpu.memory_space<vmem_shared>>) offsets(%dma_start3A_589 : memref<128xi32, #tpu.memory_space<vmem>>) semaphore(%arg29 : memref<!tpu.dma_semaphore, #tpu.memory_space<semaphore_mem>>)
        %mul3A_592 = arith.constant 128 : i32
        %mul3A_593 = arith.muli %scan3A_583, %mul3A_592 : i32
        %dma_start3A_594 = tpu.memref_slice %arg19[%mul3A_593] : memref<4608xf32, #tpu.memory_space<vmem>> -> memref<128xf32, #tpu.memory_space<vmem>>
        %dma_start3A_595 = arith.constant 0 : i32
        %dma_start3A_596 = tpu.memref_slice %arg16[%scan3A_583, %dma_start3A_595] : memref<36x128xi32, #tpu.memory_space<vmem>> -> memref<1x128xi32, #tpu.memory_space<vmem>>
        %dma_start3A_597 = tpu.memref_squeeze %dma_start3A_596 : memref<1x128xi32, #tpu.memory_space<vmem>> -> memref<128xi32, #tpu.memory_space<vmem>>
        %dma_start3A_598 = arith.constant 0 : i32
        %dma_start3A_599 = tpu.memref_slice %arg24[%dma_start3A_598] : memref<12544xf32, #tpu.memory_space<vmem_shared>> -> memref<12544xf32, #tpu.memory_space<vmem_shared>>
        tpu.enqueue_indirect_dma source(%dma_start3A_594 : memref<128xf32, #tpu.memory_space<vmem>>) target(%dma_start3A_599 : memref<12544xf32, #tpu.memory_space<vmem_shared>>) offsets(%dma_start3A_597 : memref<128xi32, #tpu.memory_space<vmem>>) semaphore(%arg29 : memref<!tpu.dma_semaphore, #tpu.memory_space<semaphore_mem>>)
        %mul3A_600 = arith.constant 128 : i32
        %mul3A_601 = arith.muli %scan3A_583, %mul3A_600 : i32
        %dma_start3A_602 = tpu.memref_slice %arg20[%mul3A_601] : memref<4608xf32, #tpu.memory_space<vmem>> -> memref<128xf32, #tpu.memory_space<vmem>>
        %dma_start3A_603 = arith.constant 0 : i32
        %dma_start3A_604 = tpu.memref_slice %arg16[%scan3A_583, %dma_start3A_603] : memref<36x128xi32, #tpu.memory_space<vmem>> -> memref<1x128xi32, #tpu.memory_space<vmem>>
        %dma_start3A_605 = tpu.memref_squeeze %dma_start3A_604 : memref<1x128xi32, #tpu.memory_space<vmem>> -> memref<128xi32, #tpu.memory_space<vmem>>
        %dma_start3A_606 = arith.constant 0 : i32
        %dma_start3A_607 = tpu.memref_slice %arg25[%dma_start3A_606] : memref<12544xf32, #tpu.memory_space<vmem_shared>> -> memref<12544xf32, #tpu.memory_space<vmem_shared>>
        tpu.enqueue_indirect_dma source(%dma_start3A_602 : memref<128xf32, #tpu.memory_space<vmem>>) target(%dma_start3A_607 : memref<12544xf32, #tpu.memory_space<vmem_shared>>) offsets(%dma_start3A_605 : memref<128xi32, #tpu.memory_space<vmem>>) semaphore(%arg29 : memref<!tpu.dma_semaphore, #tpu.memory_space<semaphore_mem>>)
        %mul3A_608 = arith.constant 128 : i32
        %mul3A_609 = arith.muli %scan3A_583, %mul3A_608 : i32
        %dma_start3A_610 = tpu.memref_slice %arg21[%mul3A_609] : memref<4608xf32, #tpu.memory_space<vmem>> -> memref<128xf32, #tpu.memory_space<vmem>>
        %dma_start3A_611 = arith.constant 0 : i32
        %dma_start3A_612 = tpu.memref_slice %arg16[%scan3A_583, %dma_start3A_611] : memref<36x128xi32, #tpu.memory_space<vmem>> -> memref<1x128xi32, #tpu.memory_space<vmem>>
        %dma_start3A_613 = tpu.memref_squeeze %dma_start3A_612 : memref<1x128xi32, #tpu.memory_space<vmem>> -> memref<128xi32, #tpu.memory_space<vmem>>
        %dma_start3A_614 = arith.constant 0 : i32
        %dma_start3A_615 = tpu.memref_slice %arg26[%dma_start3A_614] : memref<12544xf32, #tpu.memory_space<vmem_shared>> -> memref<12544xf32, #tpu.memory_space<vmem_shared>>
        tpu.enqueue_indirect_dma source(%dma_start3A_610 : memref<128xf32, #tpu.memory_space<vmem>>) target(%dma_start3A_615 : memref<12544xf32, #tpu.memory_space<vmem_shared>>) offsets(%dma_start3A_613 : memref<128xi32, #tpu.memory_space<vmem>>) semaphore(%arg29 : memref<!tpu.dma_semaphore, #tpu.memory_space<semaphore_mem>>)
        %mul3A_616 = arith.constant 128 : i32
        %mul3A_617 = arith.muli %scan3A_583, %mul3A_616 : i32
        %dma_start3A_618 = tpu.memref_slice %arg22[%mul3A_617] : memref<4608xf32, #tpu.memory_space<vmem>> -> memref<128xf32, #tpu.memory_space<vmem>>
        %dma_start3A_619 = arith.constant 0 : i32
        %dma_start3A_620 = tpu.memref_slice %arg16[%scan3A_583, %dma_start3A_619] : memref<36x128xi32, #tpu.memory_space<vmem>> -> memref<1x128xi32, #tpu.memory_space<vmem>>
        %dma_start3A_621 = tpu.memref_squeeze %dma_start3A_620 : memref<1x128xi32, #tpu.memory_space<vmem>> -> memref<128xi32, #tpu.memory_space<vmem>>
        %dma_start3A_622 = arith.constant 0 : i32
        %dma_start3A_623 = tpu.memref_slice %arg27[%dma_start3A_622] : memref<12544xf32, #tpu.memory_space<vmem_shared>> -> memref<12544xf32, #tpu.memory_space<vmem_shared>>
        tpu.enqueue_indirect_dma source(%dma_start3A_618 : memref<128xf32, #tpu.memory_space<vmem>>) target(%dma_start3A_623 : memref<12544xf32, #tpu.memory_space<vmem_shared>>) offsets(%dma_start3A_621 : memref<128xi32, #tpu.memory_space<vmem>>) semaphore(%arg29 : memref<!tpu.dma_semaphore, #tpu.memory_space<semaphore_mem>>)
        %mul3A_624 = arith.constant 128 : i32
        %mul3A_625 = arith.muli %scan3A_583, %mul3A_624 : i32
        %dma_start3A_626 = tpu.memref_slice %arg15[%mul3A_625] : memref<4608xi32, #tpu.memory_space<vmem>> -> memref<128xi32, #tpu.memory_space<vmem>>
        %dma_start3A_627 = arith.constant 0 : i32
        %dma_start3A_628 = tpu.memref_slice %arg16[%scan3A_583, %dma_start3A_627] : memref<36x128xi32, #tpu.memory_space<vmem>> -> memref<1x128xi32, #tpu.memory_space<vmem>>
        %dma_start3A_629 = tpu.memref_squeeze %dma_start3A_628 : memref<1x128xi32, #tpu.memory_space<vmem>> -> memref<128xi32, #tpu.memory_space<vmem>>
        %dma_start3A_630 = arith.constant 0 : i32
        %dma_start3A_631 = tpu.memref_slice %arg28[%dma_start3A_630] : memref<12544xi32, #tpu.memory_space<vmem_shared>> -> memref<12544xi32, #tpu.memory_space<vmem_shared>>
        tpu.enqueue_indirect_dma source(%dma_start3A_626 : memref<128xi32, #tpu.memory_space<vmem>>) target(%dma_start3A_631 : memref<12544xi32, #tpu.memory_space<vmem_shared>>) offsets(%dma_start3A_629 : memref<128xi32, #tpu.memory_space<vmem>>) semaphore(%arg29 : memref<!tpu.dma_semaphore, #tpu.memory_space<semaphore_mem>>)
      }
      %scan3A_258 = arith.constant 36 : i32
      %dma_wait3A_259 = arith.constant 0 : i32
      %dma_wait3A_260 = tpu.memref_slice %arg2[%dma_wait3A_259, %mul3A_159] : memref<2x147456xi32, #tpu.memory_space<hbm>> -> memref<1x4608xi32, #tpu.memory_space<hbm>>
      %dma_wait3A_261 = tpu.memref_squeeze %dma_wait3A_260 : memref<1x4608xi32, #tpu.memory_space<hbm>> -> memref<4608xi32, #tpu.memory_space<hbm>>
      %dma_wait3A_262 = tpu.memref_slice %arg2[%dma_wait3A_259, %mul3A_159] : memref<2x147456xi32, #tpu.memory_space<hbm>> -> memref<1x4608xi32, #tpu.memory_space<hbm>>
      %dma_wait3A_263 = tpu.memref_squeeze %dma_wait3A_262 : memref<1x4608xi32, #tpu.memory_space<hbm>> -> memref<4608xi32, #tpu.memory_space<hbm>>
      tpu.wait_dma2 semaphore(%arg29 : memref<!tpu.dma_semaphore, #tpu.memory_space<semaphore_mem>>) src(%dma_wait3A_263 : memref<4608xi32, #tpu.memory_space<hbm>>) dst(%arg15 : memref<4608xi32, #tpu.memory_space<vmem>>)
      %dma_wait3A_264 = arith.constant 0 : i32
      %dma_wait3A_265 = tpu.memref_slice %arg2[%dma_wait3A_264, %mul3A_159] : memref<2x147456xi32, #tpu.memory_space<hbm>> -> memref<1x4608xi32, #tpu.memory_space<hbm>>
      %dma_wait3A_266 = tpu.memref_squeeze %dma_wait3A_265 : memref<1x4608xi32, #tpu.memory_space<hbm>> -> memref<4608xi32, #tpu.memory_space<hbm>>
      %dma_wait3A_267 = tpu.memref_slice %arg2[%dma_wait3A_264, %mul3A_159] : memref<2x147456xi32, #tpu.memory_space<hbm>> -> memref<1x4608xi32, #tpu.memory_space<hbm>>
      %dma_wait3A_268 = tpu.memref_squeeze %dma_wait3A_267 : memref<1x4608xi32, #tpu.memory_space<hbm>> -> memref<4608xi32, #tpu.memory_space<hbm>>
      tpu.wait_dma2 semaphore(%arg29 : memref<!tpu.dma_semaphore, #tpu.memory_space<semaphore_mem>>) src(%dma_wait3A_268 : memref<4608xi32, #tpu.memory_space<hbm>>) dst(%arg15 : memref<4608xi32, #tpu.memory_space<vmem>>)
      %dma_wait3A_269 = arith.constant 0 : i32
      %dma_wait3A_270 = tpu.memref_slice %arg2[%dma_wait3A_269, %mul3A_159] : memref<2x147456xi32, #tpu.memory_space<hbm>> -> memref<1x4608xi32, #tpu.memory_space<hbm>>
      %dma_wait3A_271 = tpu.memref_squeeze %dma_wait3A_270 : memref<1x4608xi32, #tpu.memory_space<hbm>> -> memref<4608xi32, #tpu.memory_space<hbm>>
      %dma_wait3A_272 = tpu.memref_slice %arg2[%dma_wait3A_269, %mul3A_159] : memref<2x147456xi32, #tpu.memory_space<hbm>> -> memref<1x4608xi32, #tpu.memory_space<hbm>>
      %dma_wait3A_273 = tpu.memref_squeeze %dma_wait3A_272 : memref<1x4608xi32, #tpu.memory_space<hbm>> -> memref<4608xi32, #tpu.memory_space<hbm>>
      tpu.wait_dma2 semaphore(%arg29 : memref<!tpu.dma_semaphore, #tpu.memory_space<semaphore_mem>>) src(%dma_wait3A_273 : memref<4608xi32, #tpu.memory_space<hbm>>) dst(%arg15 : memref<4608xi32, #tpu.memory_space<vmem>>)
      %dma_wait3A_274 = arith.constant 0 : i32
      %dma_wait3A_275 = tpu.memref_slice %arg2[%dma_wait3A_274, %mul3A_159] : memref<2x147456xi32, #tpu.memory_space<hbm>> -> memref<1x4608xi32, #tpu.memory_space<hbm>>
      %dma_wait3A_276 = tpu.memref_squeeze %dma_wait3A_275 : memref<1x4608xi32, #tpu.memory_space<hbm>> -> memref<4608xi32, #tpu.memory_space<hbm>>
      %dma_wait3A_277 = tpu.memref_slice %arg2[%dma_wait3A_274, %mul3A_159] : memref<2x147456xi32, #tpu.memory_space<hbm>> -> memref<1x4608xi32, #tpu.memory_space<hbm>>
      %dma_wait3A_278 = tpu.memref_squeeze %dma_wait3A_277 : memref<1x4608xi32, #tpu.memory_space<hbm>> -> memref<4608xi32, #tpu.memory_space<hbm>>
      tpu.wait_dma2 semaphore(%arg29 : memref<!tpu.dma_semaphore, #tpu.memory_space<semaphore_mem>>) src(%dma_wait3A_278 : memref<4608xi32, #tpu.memory_space<hbm>>) dst(%arg15 : memref<4608xi32, #tpu.memory_space<vmem>>)
      %dma_wait3A_279 = arith.constant 0 : i32
      %dma_wait3A_280 = tpu.memref_slice %arg2[%dma_wait3A_279, %mul3A_159] : memref<2x147456xi32, #tpu.memory_space<hbm>> -> memref<1x4608xi32, #tpu.memory_space<hbm>>
      %dma_wait3A_281 = tpu.memref_squeeze %dma_wait3A_280 : memref<1x4608xi32, #tpu.memory_space<hbm>> -> memref<4608xi32, #tpu.memory_space<hbm>>
      %dma_wait3A_282 = tpu.memref_slice %arg2[%dma_wait3A_279, %mul3A_159] : memref<2x147456xi32, #tpu.memory_space<hbm>> -> memref<1x4608xi32, #tpu.memory_space<hbm>>
      %dma_wait3A_283 = tpu.memref_squeeze %dma_wait3A_282 : memref<1x4608xi32, #tpu.memory_space<hbm>> -> memref<4608xi32, #tpu.memory_space<hbm>>
      tpu.wait_dma2 semaphore(%arg29 : memref<!tpu.dma_semaphore, #tpu.memory_space<semaphore_mem>>) src(%dma_wait3A_283 : memref<4608xi32, #tpu.memory_space<hbm>>) dst(%arg15 : memref<4608xi32, #tpu.memory_space<vmem>>)
      %dma_wait3A_284 = arith.constant 0 : i32
      %dma_wait3A_285 = tpu.memref_slice %arg2[%dma_wait3A_284, %mul3A_159] : memref<2x147456xi32, #tpu.memory_space<hbm>> -> memref<1x4608xi32, #tpu.memory_space<hbm>>
      %dma_wait3A_286 = tpu.memref_squeeze %dma_wait3A_285 : memref<1x4608xi32, #tpu.memory_space<hbm>> -> memref<4608xi32, #tpu.memory_space<hbm>>
      %dma_wait3A_287 = tpu.memref_slice %arg2[%dma_wait3A_284, %mul3A_159] : memref<2x147456xi32, #tpu.memory_space<hbm>> -> memref<1x4608xi32, #tpu.memory_space<hbm>>
      %dma_wait3A_288 = tpu.memref_squeeze %dma_wait3A_287 : memref<1x4608xi32, #tpu.memory_space<hbm>> -> memref<4608xi32, #tpu.memory_space<hbm>>
      tpu.wait_dma2 semaphore(%arg29 : memref<!tpu.dma_semaphore, #tpu.memory_space<semaphore_mem>>) src(%dma_wait3A_288 : memref<4608xi32, #tpu.memory_space<hbm>>) dst(%arg15 : memref<4608xi32, #tpu.memory_space<vmem>>)
      %run_scoped3A_289 = arith.constant 1 : i32
      %run_scoped3A_290 = arith.constant 0 : i32
      "tpu.region"() ({
        %run_scoped3A_583 = tpu.sem_alloc : memref<!tpu.dma_semaphore, #tpu.memory_space<semaphore_mem>>
        %dma_start3A_584 = arith.constant 0 : i32
        %dma_start3A_585 = tpu.memref_slice %arg3[%run_scoped3A_289, %run_scoped3A_290, %dma_start3A_584] : memref<2x1x48xi32, #tpu.memory_space<hbm>> -> memref<1x1x48xi32, #tpu.memory_space<hbm>>
        %dma_start3A_586 = tpu.memref_squeeze %dma_start3A_585 : memref<1x1x48xi32, #tpu.memory_space<hbm>> -> memref<48xi32, #tpu.memory_space<hbm>>
        %dma_start3A_587 = arith.constant 0 : i32
        %dma_start3A_588 = tpu.memref_slice %arg3[%run_scoped3A_289, %run_scoped3A_290, %dma_start3A_587] : memref<2x1x48xi32, #tpu.memory_space<hbm>> -> memref<1x1x48xi32, #tpu.memory_space<hbm>>
        %dma_start3A_589 = tpu.memref_squeeze %dma_start3A_588 : memref<1x1x48xi32, #tpu.memory_space<hbm>> -> memref<48xi32, #tpu.memory_space<hbm>>
        tpu.enqueue_dma source(%dma_start3A_589 : memref<48xi32, #tpu.memory_space<hbm>>) target(%arg17 : memref<48xi32, #tpu.memory_space<vmem>>) target_semaphore(%run_scoped3A_583 : memref<!tpu.dma_semaphore, #tpu.memory_space<semaphore_mem>>)
        %dma_wait3A_590 = arith.constant 0 : i32
        %dma_wait3A_591 = tpu.memref_slice %arg3[%run_scoped3A_289, %run_scoped3A_290, %dma_wait3A_590] : memref<2x1x48xi32, #tpu.memory_space<hbm>> -> memref<1x1x48xi32, #tpu.memory_space<hbm>>
        %dma_wait3A_592 = tpu.memref_squeeze %dma_wait3A_591 : memref<1x1x48xi32, #tpu.memory_space<hbm>> -> memref<48xi32, #tpu.memory_space<hbm>>
        %dma_wait3A_593 = arith.constant 0 : i32
        %dma_wait3A_594 = tpu.memref_slice %arg3[%run_scoped3A_289, %run_scoped3A_290, %dma_wait3A_593] : memref<2x1x48xi32, #tpu.memory_space<hbm>> -> memref<1x1x48xi32, #tpu.memory_space<hbm>>
        %dma_wait3A_595 = tpu.memref_squeeze %dma_wait3A_594 : memref<1x1x48xi32, #tpu.memory_space<hbm>> -> memref<48xi32, #tpu.memory_space<hbm>>
        tpu.wait_dma2 semaphore(%run_scoped3A_583 : memref<!tpu.dma_semaphore, #tpu.memory_space<semaphore_mem>>) src(%dma_wait3A_595 : memref<48xi32, #tpu.memory_space<hbm>>) dst(%arg17 : memref<48xi32, #tpu.memory_space<vmem>>)
        tpu.yield
      }) : () -> ()
      %get3A_291 = arith.constant 0 : index
      %get3A_292 = tpu.vector_load %arg17[%get3A_291] {strides = array<i32>} : memref<48xi32, #tpu.memory_space<vmem>>, vector<16xi32>,
      %get3A_293 = arith.constant 16 : index
      %get3A_294 = tpu.vector_load %arg17[%get3A_293] {strides = array<i32>} : memref<48xi32, #tpu.memory_space<vmem>>, vector<16xi32>,
      %get3A_295 = arith.constant 32 : index
      %get3A_296 = tpu.vector_load %arg17[%get3A_295] {strides = array<i32>} : memref<48xi32, #tpu.memory_space<vmem>>, vector<16xi32>,
      %eq3A_297 = arith.constant 0 : i32
      %eq3A_298 = vector.broadcast %eq3A_297 : i32 to vector<16xi32>
      %eq3A_299 = arith.cmpi eq, %iota3A, %eq3A_298 : vector<16xi32>
      %jit3A_300 = arith.constant 0 : i32
      %broadcast_in_dim3A_301 = vector.broadcast %jit3A_300 : i32 to vector<16xi32>
      %select_n3A_302 = arith.select %eq3A_299, %get3A_292, %broadcast_in_dim3A_301 : vector<16xi1>, vector<16xi32>
      %reduce_sum3A_303 = arith.constant true
      %reduce_sum3A_304 = vector.broadcast %reduce_sum3A_303 : i1 to vector<16xi1>
      %reduce_sum3A_305 = tpu.scan <sum>, %select_n3A_302 masked %reduce_sum3A_304 : vector<16xi32>, vector<16xi1> -> vector<16xi32>
      %reduce_sum3A_306 = vector.extract %reduce_sum3A_305[15] : i32 from vector<16xi32>
      %eq3A_307 = arith.constant 1 : i32
      %eq3A_308 = vector.broadcast %eq3A_307 : i32 to vector<16xi32>
      %eq3A_309 = arith.cmpi eq, %iota3A, %eq3A_308 : vector<16xi32>
      %jit3A_310 = arith.constant 0 : i32
      %broadcast_in_dim3A_311 = vector.broadcast %jit3A_310 : i32 to vector<16xi32>
      %select_n3A_312 = arith.select %eq3A_309, %get3A_292, %broadcast_in_dim3A_311 : vector<16xi1>, vector<16xi32>
      %reduce_sum3A_313 = arith.constant true
      %reduce_sum3A_314 = vector.broadcast %reduce_sum3A_313 : i1 to vector<16xi1>
      %reduce_sum3A_315 = tpu.scan <sum>, %select_n3A_312 masked %reduce_sum3A_314 : vector<16xi32>, vector<16xi1> -> vector<16xi32>
      %reduce_sum3A_316 = vector.extract %reduce_sum3A_315[15] : i32 from vector<16xi32>
      %add3A_317 = arith.constant 0 : i32
      %add3A_318 = arith.addi %arg1, %add3A_317 : i32
      %mul3A_319 = arith.constant 4608 : i32
      %mul3A_320 = arith.muli %add3A_318, %mul3A_319 : i32
      %add3A_321 = arith.constant 2 : i32
      %add3A_322 = arith.addi %add3A_318, %add3A_321 : i32
      %lt3A_323 = arith.constant 16 : i32
      %lt3A_324 = arith.cmpi slt, %add3A_322, %lt3A_323 : i32
      %lt3A_325 = arith.constant 32 : i32
      %lt3A_326 = arith.cmpi slt, %add3A_322, %lt3A_325 : i32
      %select_n3A_327 = arith.select %lt3A_326, %get3A_294, %get3A_296 : vector<16xi32>
      %select_n3A_328 = arith.select %lt3A_324, %get3A_292, %select_n3A_327 : vector<16xi32>
      %jit3A_329 = arith.constant 16 : i32
      %eq3A_330 = arith.constant 0 : i32
      %eq3A_331 = arith.cmpi eq, %jit3A_329, %eq3A_330 : i32
      %jit3A_332 = arith.constant 1 : i32
      %select_n3A_333 = arith.select %eq3A_331, %jit3A_332, %jit3A_329 : i32
      %rem3A_334 = arith.remsi %add3A_322, %select_n3A_333 : i32
      %ne3A_335 = arith.constant 0 : i32
      %ne3A_336 = arith.cmpi ne, %rem3A_334, %ne3A_335 : i32
      %lt3A_337 = arith.constant 0 : i32
      %lt3A_338 = arith.cmpi slt, %rem3A_334, %lt3A_337 : i32
      %lt3A_339 = arith.constant 0 : i32
      %lt3A_340 = arith.cmpi slt, %select_n3A_333, %lt3A_339 : i32
      %ne3A_341 = arith.xori %lt3A_338, %lt3A_340 : i1
      %and3A_342 = arith.andi %ne3A_341, %ne3A_336 : i1
      %add3A_343 = arith.addi %rem3A_334, %select_n3A_333 : i32
      %select_n3A_344 = arith.select %and3A_342, %add3A_343, %rem3A_334 : i32
      %eq3A_345 = vector.broadcast %select_n3A_344 : i32 to vector<16xi32>
      %eq3A_346 = arith.cmpi eq, %iota3A, %eq3A_345 : vector<16xi32>
      %jit3A_347 = arith.constant 0 : i32
      %broadcast_in_dim3A_348 = vector.broadcast %jit3A_347 : i32 to vector<16xi32>
      %select_n3A_349 = arith.select %eq3A_346, %select_n3A_328, %broadcast_in_dim3A_348 : vector<16xi1>, vector<16xi32>
      %reduce_sum3A_350 = arith.constant true
      %reduce_sum3A_351 = vector.broadcast %reduce_sum3A_350 : i1 to vector<16xi1>
      %reduce_sum3A_352 = tpu.scan <sum>, %select_n3A_349 masked %reduce_sum3A_351 : vector<16xi32>, vector<16xi1> -> vector<16xi32>
      %reduce_sum3A_353 = vector.extract %reduce_sum3A_352[15] : i32 from vector<16xi32>
      %add3A_354 = arith.constant 12416 : i32
      %add3A_355 = arith.addi %add3A_354, %add3A_318 : i32
      %dma_start3A_356 = arith.constant 1 : i32
      %dma_start3A_357 = tpu.memref_slice %arg4[%dma_start3A_356, %mul3A_320] : memref<2x147456xf32, #tpu.memory_space<hbm>> -> memref<1x4608xf32, #tpu.memory_space<hbm>>
      %dma_start3A_358 = tpu.memref_squeeze %dma_start3A_357 : memref<1x4608xf32, #tpu.memory_space<hbm>> -> memref<4608xf32, #tpu.memory_space<hbm>>
      %dma_start3A_359 = tpu.memref_slice %arg4[%dma_start3A_356, %mul3A_320] : memref<2x147456xf32, #tpu.memory_space<hbm>> -> memref<1x4608xf32, #tpu.memory_space<hbm>>
      %dma_start3A_360 = tpu.memref_squeeze %dma_start3A_359 : memref<1x4608xf32, #tpu.memory_space<hbm>> -> memref<4608xf32, #tpu.memory_space<hbm>>
      tpu.enqueue_dma source(%dma_start3A_360 : memref<4608xf32, #tpu.memory_space<hbm>>) target(%arg18 : memref<4608xf32, #tpu.memory_space<vmem>>) target_semaphore(%arg30 : memref<!tpu.dma_semaphore, #tpu.memory_space<semaphore_mem>>)
      %dma_start3A_361 = arith.constant 1 : i32
      %dma_start3A_362 = tpu.memref_slice %arg5[%dma_start3A_361, %mul3A_320] : memref<2x147456xf32, #tpu.memory_space<hbm>> -> memref<1x4608xf32, #tpu.memory_space<hbm>>
      %dma_start3A_363 = tpu.memref_squeeze %dma_start3A_362 : memref<1x4608xf32, #tpu.memory_space<hbm>> -> memref<4608xf32, #tpu.memory_space<hbm>>
      %dma_start3A_364 = tpu.memref_slice %arg5[%dma_start3A_361, %mul3A_320] : memref<2x147456xf32, #tpu.memory_space<hbm>> -> memref<1x4608xf32, #tpu.memory_space<hbm>>
      %dma_start3A_365 = tpu.memref_squeeze %dma_start3A_364 : memref<1x4608xf32, #tpu.memory_space<hbm>> -> memref<4608xf32, #tpu.memory_space<hbm>>
      tpu.enqueue_dma source(%dma_start3A_365 : memref<4608xf32, #tpu.memory_space<hbm>>) target(%arg19 : memref<4608xf32, #tpu.memory_space<vmem>>) target_semaphore(%arg30 : memref<!tpu.dma_semaphore, #tpu.memory_space<semaphore_mem>>)
      %dma_start3A_366 = arith.constant 1 : i32
      %dma_start3A_367 = tpu.memref_slice %arg6[%dma_start3A_366, %mul3A_320] : memref<2x147456xf32, #tpu.memory_space<hbm>> -> memref<1x4608xf32, #tpu.memory_space<hbm>>
      %dma_start3A_368 = tpu.memref_squeeze %dma_start3A_367 : memref<1x4608xf32, #tpu.memory_space<hbm>> -> memref<4608xf32, #tpu.memory_space<hbm>>
      %dma_start3A_369 = tpu.memref_slice %arg6[%dma_start3A_366, %mul3A_320] : memref<2x147456xf32, #tpu.memory_space<hbm>> -> memref<1x4608xf32, #tpu.memory_space<hbm>>
      %dma_start3A_370 = tpu.memref_squeeze %dma_start3A_369 : memref<1x4608xf32, #tpu.memory_space<hbm>> -> memref<4608xf32, #tpu.memory_space<hbm>>
      tpu.enqueue_dma source(%dma_start3A_370 : memref<4608xf32, #tpu.memory_space<hbm>>) target(%arg20 : memref<4608xf32, #tpu.memory_space<vmem>>) target_semaphore(%arg30 : memref<!tpu.dma_semaphore, #tpu.memory_space<semaphore_mem>>)
      %dma_start3A_371 = arith.constant 1 : i32
      %dma_start3A_372 = tpu.memref_slice %arg7[%dma_start3A_371, %mul3A_320] : memref<2x147456xf32, #tpu.memory_space<hbm>> -> memref<1x4608xf32, #tpu.memory_space<hbm>>
      %dma_start3A_373 = tpu.memref_squeeze %dma_start3A_372 : memref<1x4608xf32, #tpu.memory_space<hbm>> -> memref<4608xf32, #tpu.memory_space<hbm>>
      %dma_start3A_374 = tpu.memref_slice %arg7[%dma_start3A_371, %mul3A_320] : memref<2x147456xf32, #tpu.memory_space<hbm>> -> memref<1x4608xf32, #tpu.memory_space<hbm>>
      %dma_start3A_375 = tpu.memref_squeeze %dma_start3A_374 : memref<1x4608xf32, #tpu.memory_space<hbm>> -> memref<4608xf32, #tpu.memory_space<hbm>>
      tpu.enqueue_dma source(%dma_start3A_375 : memref<4608xf32, #tpu.memory_space<hbm>>) target(%arg21 : memref<4608xf32, #tpu.memory_space<vmem>>) target_semaphore(%arg30 : memref<!tpu.dma_semaphore, #tpu.memory_space<semaphore_mem>>)
      %dma_start3A_376 = arith.constant 1 : i32
      %dma_start3A_377 = tpu.memref_slice %arg8[%dma_start3A_376, %mul3A_320] : memref<2x147456xf32, #tpu.memory_space<hbm>> -> memref<1x4608xf32, #tpu.memory_space<hbm>>
      %dma_start3A_378 = tpu.memref_squeeze %dma_start3A_377 : memref<1x4608xf32, #tpu.memory_space<hbm>> -> memref<4608xf32, #tpu.memory_space<hbm>>
      %dma_start3A_379 = tpu.memref_slice %arg8[%dma_start3A_376, %mul3A_320] : memref<2x147456xf32, #tpu.memory_space<hbm>> -> memref<1x4608xf32, #tpu.memory_space<hbm>>
      %dma_start3A_380 = tpu.memref_squeeze %dma_start3A_379 : memref<1x4608xf32, #tpu.memory_space<hbm>> -> memref<4608xf32, #tpu.memory_space<hbm>>
      tpu.enqueue_dma source(%dma_start3A_380 : memref<4608xf32, #tpu.memory_space<hbm>>) target(%arg22 : memref<4608xf32, #tpu.memory_space<vmem>>) target_semaphore(%arg30 : memref<!tpu.dma_semaphore, #tpu.memory_space<semaphore_mem>>)
      %run_scoped3A_381 = arith.constant 1 : i32
      "tpu.region"() ({
        %run_scoped3A_583 = tpu.sem_alloc : memref<!tpu.dma_semaphore, #tpu.memory_space<semaphore_mem>>
        %dma_start3A_584 = tpu.memref_slice %arg2[%run_scoped3A_381, %mul3A_320] : memref<2x147456xi32, #tpu.memory_space<hbm>> -> memref<1x4608xi32, #tpu.memory_space<hbm>>
        %dma_start3A_585 = tpu.memref_squeeze %dma_start3A_584 : memref<1x4608xi32, #tpu.memory_space<hbm>> -> memref<4608xi32, #tpu.memory_space<hbm>>
        %dma_start3A_586 = tpu.memref_slice %arg2[%run_scoped3A_381, %mul3A_320] : memref<2x147456xi32, #tpu.memory_space<hbm>> -> memref<1x4608xi32, #tpu.memory_space<hbm>>
        %dma_start3A_587 = tpu.memref_squeeze %dma_start3A_586 : memref<1x4608xi32, #tpu.memory_space<hbm>> -> memref<4608xi32, #tpu.memory_space<hbm>>
        tpu.enqueue_dma source(%dma_start3A_587 : memref<4608xi32, #tpu.memory_space<hbm>>) target(%arg15 : memref<4608xi32, #tpu.memory_space<vmem>>) target_semaphore(%run_scoped3A_583 : memref<!tpu.dma_semaphore, #tpu.memory_space<semaphore_mem>>)
        %dma_wait3A_588 = tpu.memref_slice %arg2[%run_scoped3A_381, %mul3A_320] : memref<2x147456xi32, #tpu.memory_space<hbm>> -> memref<1x4608xi32, #tpu.memory_space<hbm>>
        %dma_wait3A_589 = tpu.memref_squeeze %dma_wait3A_588 : memref<1x4608xi32, #tpu.memory_space<hbm>> -> memref<4608xi32, #tpu.memory_space<hbm>>
        %dma_wait3A_590 = tpu.memref_slice %arg2[%run_scoped3A_381, %mul3A_320] : memref<2x147456xi32, #tpu.memory_space<hbm>> -> memref<1x4608xi32, #tpu.memory_space<hbm>>
        %dma_wait3A_591 = tpu.memref_squeeze %dma_wait3A_590 : memref<1x4608xi32, #tpu.memory_space<hbm>> -> memref<4608xi32, #tpu.memory_space<hbm>>
        tpu.wait_dma2 semaphore(%run_scoped3A_583 : memref<!tpu.dma_semaphore, #tpu.memory_space<semaphore_mem>>) src(%dma_wait3A_591 : memref<4608xi32, #tpu.memory_space<hbm>>) dst(%arg15 : memref<4608xi32, #tpu.memory_space<vmem>>)
        tpu.yield
      }) : () -> ()
      %scan3A_382 = arith.constant 0 : i32
      %scan3A_383 = arith.constant 0 : i32
      %scan3A_384 = arith.constant 36 : i32
      %scan3A_385 = arith.addi %scan3A_383, %scan3A_384 : i32
      %scan3A_386 = arith.constant 1 : i32
      %scan3A_387 = scf.for %scan3A_583 = %scan3A_383 to %scan3A_385 step %scan3A_386 iter_args(%scan3A_584 = %scan3A_382) -> (i32)  : i32 {
        %mul3A_585 = arith.constant 128 : i32
        %mul3A_586 = arith.muli %scan3A_583, %mul3A_585 : i32
        %add3A_587 = arith.constant 0 : i32
        %add3A_588 = arith.addi %mul3A_586, %add3A_587 : i32
        %get3A_589 = arith.index_cast %add3A_588 : i32 to index
        %get3A_590 = tpu.vector_load %arg15[%get3A_589] {strides = array<i32>} : memref<4608xi32, #tpu.memory_space<vmem>>, vector<16xi32>,
        %add3A_591 = arith.addi %mul3A_320, %add3A_588 : i32
        %add3A_592 = vector.broadcast %add3A_591 : i32 to vector<16xi32>
        %add3A_593 = arith.addi %add3A_592, %iota3A : vector<16xi32>
        %gt3A = vector.broadcast %reduce_sum3A_306 : i32 to vector<16xi32>
        %gt3A_594 = arith.cmpi sgt, %get3A_590, %gt3A : vector<16xi32>
        %eq3A_595 = vector.broadcast %reduce_sum3A_306 : i32 to vector<16xi32>
        %eq3A_596 = arith.cmpi eq, %get3A_590, %eq3A_595 : vector<16xi32>
        %le3A = vector.broadcast %reduce_sum3A_316 : i32 to vector<16xi32>
        %le3A_597 = arith.cmpi sle, %add3A_593, %le3A : vector<16xi32>
        %and3A_598 = arith.andi %eq3A_596, %le3A_597 : vector<16xi1>
        %or3A = arith.ori %gt3A_594, %and3A_598 : vector<16xi1>
        %convert_element_type3A_599 = arith.extui %or3A : vector<16xi1> to vector<16xi32>
        %broadcast_in_dim3A_600 = arith.constant true
        %broadcast_in_dim3A_601 = vector.broadcast %broadcast_in_dim3A_600 : i1 to vector<16xi1>
        %masked_cumsum3A = tpu.scan <sum>, %convert_element_type3A_599 masked %broadcast_in_dim3A_601 : vector<16xi32>, vector<16xi1> -> vector<16xi32>
        %add3A_602 = arith.constant 6272 : i32
        %add3A_603 = arith.addi %add3A_602, %reduce_sum3A_353 : i32
        %add3A_604 = arith.addi %add3A_603, %scan3A_584 : i32
        %sub3A = arith.subi %masked_cumsum3A, %convert_element_type3A_599 : vector<16xi32>
        %add3A_605 = vector.broadcast %add3A_604 : i32 to vector<16xi32>
        %add3A_606 = arith.addi %add3A_605, %sub3A : vector<16xi32>
        %broadcast_in_dim3A_607 = vector.broadcast %add3A_355 : i32 to vector<16xi32>
        %select_n3A_608 = arith.select %or3A, %add3A_606, %broadcast_in_dim3A_607 : vector<16xi1>, vector<16xi32>
        %swap3A = arith.index_cast %scan3A_583 : i32 to index
        %swap3A_609 = arith.constant 0 : index
        %swap3A_610 = tpu.vector_load %arg16[%swap3A, %swap3A_609] {strides = array<i32>} : memref<36x128xi32, #tpu.memory_space<vmem>>, vector<16xi32>,
        tpu.vector_store %arg16[%swap3A, %swap3A_609], %select_n3A_608 {strides = array<i32>} : memref<36x128xi32, #tpu.memory_space<vmem>>, vector<16xi32>,
        %reduce_sum3A_611 = arith.constant true
        %reduce_sum3A_612 = vector.broadcast %reduce_sum3A_611 : i1 to vector<16xi1>
        %reduce_sum3A_613 = tpu.scan <sum>, %convert_element_type3A_599 masked %reduce_sum3A_612 : vector<16xi32>, vector<16xi1> -> vector<16xi32>
        %reduce_sum3A_614 = vector.extract %reduce_sum3A_613[15] : i32 from vector<16xi32>
        %add3A_615 = arith.addi %scan3A_584, %reduce_sum3A_614 : i32
        %mul3A_616 = arith.constant 128 : i32
        %mul3A_617 = arith.muli %scan3A_583, %mul3A_616 : i32
        %add3A_618 = arith.constant 16 : i32
        %add3A_619 = arith.addi %mul3A_617, %add3A_618 : i32
        %get3A_620 = arith.index_cast %add3A_619 : i32 to index
        %get3A_621 = tpu.vector_load %arg15[%get3A_620] {strides = array<i32>} : memref<4608xi32, #tpu.memory_space<vmem>>, vector<16xi32>,
        %add3A_622 = arith.addi %mul3A_320, %add3A_619 : i32
        %add3A_623 = vector.broadcast %add3A_622 : i32 to vector<16xi32>
        %add3A_624 = arith.addi %add3A_623, %iota3A : vector<16xi32>
        %gt3A_625 = vector.broadcast %reduce_sum3A_306 : i32 to vector<16xi32>
        %gt3A_626 = arith.cmpi sgt, %get3A_621, %gt3A_625 : vector<16xi32>
        %eq3A_627 = vector.broadcast %reduce_sum3A_306 : i32 to vector<16xi32>
        %eq3A_628 = arith.cmpi eq, %get3A_621, %eq3A_627 : vector<16xi32>
        %le3A_629 = vector.broadcast %reduce_sum3A_316 : i32 to vector<16xi32>
        %le3A_630 = arith.cmpi sle, %add3A_624, %le3A_629 : vector<16xi32>
        %and3A_631 = arith.andi %eq3A_628, %le3A_630 : vector<16xi1>
        %or3A_632 = arith.ori %gt3A_626, %and3A_631 : vector<16xi1>
        %convert_element_type3A_633 = arith.extui %or3A_632 : vector<16xi1> to vector<16xi32>
        %broadcast_in_dim3A_634 = arith.constant true
        %broadcast_in_dim3A_635 = vector.broadcast %broadcast_in_dim3A_634 : i1 to vector<16xi1>
        %masked_cumsum3A_636 = tpu.scan <sum>, %convert_element_type3A_633 masked %broadcast_in_dim3A_635 : vector<16xi32>, vector<16xi1> -> vector<16xi32>
        %add3A_637 = arith.constant 6272 : i32
        %add3A_638 = arith.addi %add3A_637, %reduce_sum3A_353 : i32
        %add3A_639 = arith.addi %add3A_638, %add3A_615 : i32
        %sub3A_640 = arith.subi %masked_cumsum3A_636, %convert_element_type3A_633 : vector<16xi32>
        %add3A_641 = vector.broadcast %add3A_639 : i32 to vector<16xi32>
        %add3A_642 = arith.addi %add3A_641, %sub3A_640 : vector<16xi32>
        %broadcast_in_dim3A_643 = vector.broadcast %add3A_355 : i32 to vector<16xi32>
        %select_n3A_644 = arith.select %or3A_632, %add3A_642, %broadcast_in_dim3A_643 : vector<16xi1>, vector<16xi32>
        %swap3A_645 = arith.index_cast %scan3A_583 : i32 to index
        %swap3A_646 = arith.constant 16 : index
        %swap3A_647 = tpu.vector_load %arg16[%swap3A_645, %swap3A_646] {strides = array<i32>} : memref<36x128xi32, #tpu.memory_space<vmem>>, vector<16xi32>,
        tpu.vector_store %arg16[%swap3A_645, %swap3A_646], %select_n3A_644 {strides = array<i32>} : memref<36x128xi32, #tpu.memory_space<vmem>>, vector<16xi32>,
        %reduce_sum3A_648 = arith.constant true
        %reduce_sum3A_649 = vector.broadcast %reduce_sum3A_648 : i1 to vector<16xi1>
        %reduce_sum3A_650 = tpu.scan <sum>, %convert_element_type3A_633 masked %reduce_sum3A_649 : vector<16xi32>, vector<16xi1> -> vector<16xi32>
        %reduce_sum3A_651 = vector.extract %reduce_sum3A_650[15] : i32 from vector<16xi32>
        %add3A_652 = arith.addi %add3A_615, %reduce_sum3A_651 : i32
        %mul3A_653 = arith.constant 128 : i32
        %mul3A_654 = arith.muli %scan3A_583, %mul3A_653 : i32
        %add3A_655 = arith.constant 32 : i32
        %add3A_656 = arith.addi %mul3A_654, %add3A_655 : i32
        %get3A_657 = arith.index_cast %add3A_656 : i32 to index
        %get3A_658 = tpu.vector_load %arg15[%get3A_657] {strides = array<i32>} : memref<4608xi32, #tpu.memory_space<vmem>>, vector<16xi32>,
        %add3A_659 = arith.addi %mul3A_320, %add3A_656 : i32
        %add3A_660 = vector.broadcast %add3A_659 : i32 to vector<16xi32>
        %add3A_661 = arith.addi %add3A_660, %iota3A : vector<16xi32>
        %gt3A_662 = vector.broadcast %reduce_sum3A_306 : i32 to vector<16xi32>
        %gt3A_663 = arith.cmpi sgt, %get3A_658, %gt3A_662 : vector<16xi32>
        %eq3A_664 = vector.broadcast %reduce_sum3A_306 : i32 to vector<16xi32>
        %eq3A_665 = arith.cmpi eq, %get3A_658, %eq3A_664 : vector<16xi32>
        %le3A_666 = vector.broadcast %reduce_sum3A_316 : i32 to vector<16xi32>
        %le3A_667 = arith.cmpi sle, %add3A_661, %le3A_666 : vector<16xi32>
        %and3A_668 = arith.andi %eq3A_665, %le3A_667 : vector<16xi1>
        %or3A_669 = arith.ori %gt3A_663, %and3A_668 : vector<16xi1>
        %convert_element_type3A_670 = arith.extui %or3A_669 : vector<16xi1> to vector<16xi32>
        %broadcast_in_dim3A_671 = arith.constant true
        %broadcast_in_dim3A_672 = vector.broadcast %broadcast_in_dim3A_671 : i1 to vector<16xi1>
        %masked_cumsum3A_673 = tpu.scan <sum>, %convert_element_type3A_670 masked %broadcast_in_dim3A_672 : vector<16xi32>, vector<16xi1> -> vector<16xi32>
        %add3A_674 = arith.constant 6272 : i32
        %add3A_675 = arith.addi %add3A_674, %reduce_sum3A_353 : i32
        %add3A_676 = arith.addi %add3A_675, %add3A_652 : i32
        %sub3A_677 = arith.subi %masked_cumsum3A_673, %convert_element_type3A_670 : vector<16xi32>
        %add3A_678 = vector.broadcast %add3A_676 : i32 to vector<16xi32>
        %add3A_679 = arith.addi %add3A_678, %sub3A_677 : vector<16xi32>
        %broadcast_in_dim3A_680 = vector.broadcast %add3A_355 : i32 to vector<16xi32>
        %select_n3A_681 = arith.select %or3A_669, %add3A_679, %broadcast_in_dim3A_680 : vector<16xi1>, vector<16xi32>
        %swap3A_682 = arith.index_cast %scan3A_583 : i32 to index
        %swap3A_683 = arith.constant 32 : index
        %swap3A_684 = tpu.vector_load %arg16[%swap3A_682, %swap3A_683] {strides = array<i32>} : memref<36x128xi32, #tpu.memory_space<vmem>>, vector<16xi32>,
        tpu.vector_store %arg16[%swap3A_682, %swap3A_683], %select_n3A_681 {strides = array<i32>} : memref<36x128xi32, #tpu.memory_space<vmem>>, vector<16xi32>,
        %reduce_sum3A_685 = arith.constant true
        %reduce_sum3A_686 = vector.broadcast %reduce_sum3A_685 : i1 to vector<16xi1>
        %reduce_sum3A_687 = tpu.scan <sum>, %convert_element_type3A_670 masked %reduce_sum3A_686 : vector<16xi32>, vector<16xi1> -> vector<16xi32>
        %reduce_sum3A_688 = vector.extract %reduce_sum3A_687[15] : i32 from vector<16xi32>
        %add3A_689 = arith.addi %add3A_652, %reduce_sum3A_688 : i32
        %mul3A_690 = arith.constant 128 : i32
        %mul3A_691 = arith.muli %scan3A_583, %mul3A_690 : i32
        %add3A_692 = arith.constant 48 : i32
        %add3A_693 = arith.addi %mul3A_691, %add3A_692 : i32
        %get3A_694 = arith.index_cast %add3A_693 : i32 to index
        %get3A_695 = tpu.vector_load %arg15[%get3A_694] {strides = array<i32>} : memref<4608xi32, #tpu.memory_space<vmem>>, vector<16xi32>,
        %add3A_696 = arith.addi %mul3A_320, %add3A_693 : i32
        %add3A_697 = vector.broadcast %add3A_696 : i32 to vector<16xi32>
        %add3A_698 = arith.addi %add3A_697, %iota3A : vector<16xi32>
        %gt3A_699 = vector.broadcast %reduce_sum3A_306 : i32 to vector<16xi32>
        %gt3A_700 = arith.cmpi sgt, %get3A_695, %gt3A_699 : vector<16xi32>
        %eq3A_701 = vector.broadcast %reduce_sum3A_306 : i32 to vector<16xi32>
        %eq3A_702 = arith.cmpi eq, %get3A_695, %eq3A_701 : vector<16xi32>
        %le3A_703 = vector.broadcast %reduce_sum3A_316 : i32 to vector<16xi32>
        %le3A_704 = arith.cmpi sle, %add3A_698, %le3A_703 : vector<16xi32>
        %and3A_705 = arith.andi %eq3A_702, %le3A_704 : vector<16xi1>
        %or3A_706 = arith.ori %gt3A_700, %and3A_705 : vector<16xi1>
        %convert_element_type3A_707 = arith.extui %or3A_706 : vector<16xi1> to vector<16xi32>
        %broadcast_in_dim3A_708 = arith.constant true
        %broadcast_in_dim3A_709 = vector.broadcast %broadcast_in_dim3A_708 : i1 to vector<16xi1>
        %masked_cumsum3A_710 = tpu.scan <sum>, %convert_element_type3A_707 masked %broadcast_in_dim3A_709 : vector<16xi32>, vector<16xi1> -> vector<16xi32>
        %add3A_711 = arith.constant 6272 : i32
        %add3A_712 = arith.addi %add3A_711, %reduce_sum3A_353 : i32
        %add3A_713 = arith.addi %add3A_712, %add3A_689 : i32
        %sub3A_714 = arith.subi %masked_cumsum3A_710, %convert_element_type3A_707 : vector<16xi32>
        %add3A_715 = vector.broadcast %add3A_713 : i32 to vector<16xi32>
        %add3A_716 = arith.addi %add3A_715, %sub3A_714 : vector<16xi32>
        %broadcast_in_dim3A_717 = vector.broadcast %add3A_355 : i32 to vector<16xi32>
        %select_n3A_718 = arith.select %or3A_706, %add3A_716, %broadcast_in_dim3A_717 : vector<16xi1>, vector<16xi32>
        %swap3A_719 = arith.index_cast %scan3A_583 : i32 to index
        %swap3A_720 = arith.constant 48 : index
        %swap3A_721 = tpu.vector_load %arg16[%swap3A_719, %swap3A_720] {strides = array<i32>} : memref<36x128xi32, #tpu.memory_space<vmem>>, vector<16xi32>,
        tpu.vector_store %arg16[%swap3A_719, %swap3A_720], %select_n3A_718 {strides = array<i32>} : memref<36x128xi32, #tpu.memory_space<vmem>>, vector<16xi32>,
        %reduce_sum3A_722 = arith.constant true
        %reduce_sum3A_723 = vector.broadcast %reduce_sum3A_722 : i1 to vector<16xi1>
        %reduce_sum3A_724 = tpu.scan <sum>, %convert_element_type3A_707 masked %reduce_sum3A_723 : vector<16xi32>, vector<16xi1> -> vector<16xi32>
        %reduce_sum3A_725 = vector.extract %reduce_sum3A_724[15] : i32 from vector<16xi32>
        %add3A_726 = arith.addi %add3A_689, %reduce_sum3A_725 : i32
        %mul3A_727 = arith.constant 128 : i32
        %mul3A_728 = arith.muli %scan3A_583, %mul3A_727 : i32
        %add3A_729 = arith.constant 64 : i32
        %add3A_730 = arith.addi %mul3A_728, %add3A_729 : i32
        %get3A_731 = arith.index_cast %add3A_730 : i32 to index
        %get3A_732 = tpu.vector_load %arg15[%get3A_731] {strides = array<i32>} : memref<4608xi32, #tpu.memory_space<vmem>>, vector<16xi32>,
        %add3A_733 = arith.addi %mul3A_320, %add3A_730 : i32
        %add3A_734 = vector.broadcast %add3A_733 : i32 to vector<16xi32>
        %add3A_735 = arith.addi %add3A_734, %iota3A : vector<16xi32>
        %gt3A_736 = vector.broadcast %reduce_sum3A_306 : i32 to vector<16xi32>
        %gt3A_737 = arith.cmpi sgt, %get3A_732, %gt3A_736 : vector<16xi32>
        %eq3A_738 = vector.broadcast %reduce_sum3A_306 : i32 to vector<16xi32>
        %eq3A_739 = arith.cmpi eq, %get3A_732, %eq3A_738 : vector<16xi32>
        %le3A_740 = vector.broadcast %reduce_sum3A_316 : i32 to vector<16xi32>
        %le3A_741 = arith.cmpi sle, %add3A_735, %le3A_740 : vector<16xi32>
        %and3A_742 = arith.andi %eq3A_739, %le3A_741 : vector<16xi1>
        %or3A_743 = arith.ori %gt3A_737, %and3A_742 : vector<16xi1>
        %convert_element_type3A_744 = arith.extui %or3A_743 : vector<16xi1> to vector<16xi32>
        %broadcast_in_dim3A_745 = arith.constant true
        %broadcast_in_dim3A_746 = vector.broadcast %broadcast_in_dim3A_745 : i1 to vector<16xi1>
        %masked_cumsum3A_747 = tpu.scan <sum>, %convert_element_type3A_744 masked %broadcast_in_dim3A_746 : vector<16xi32>, vector<16xi1> -> vector<16xi32>
        %add3A_748 = arith.constant 6272 : i32
        %add3A_749 = arith.addi %add3A_748, %reduce_sum3A_353 : i32
        %add3A_750 = arith.addi %add3A_749, %add3A_726 : i32
        %sub3A_751 = arith.subi %masked_cumsum3A_747, %convert_element_type3A_744 : vector<16xi32>
        %add3A_752 = vector.broadcast %add3A_750 : i32 to vector<16xi32>
        %add3A_753 = arith.addi %add3A_752, %sub3A_751 : vector<16xi32>
        %broadcast_in_dim3A_754 = vector.broadcast %add3A_355 : i32 to vector<16xi32>
        %select_n3A_755 = arith.select %or3A_743, %add3A_753, %broadcast_in_dim3A_754 : vector<16xi1>, vector<16xi32>
        %swap3A_756 = arith.index_cast %scan3A_583 : i32 to index
        %swap3A_757 = arith.constant 64 : index
        %swap3A_758 = tpu.vector_load %arg16[%swap3A_756, %swap3A_757] {strides = array<i32>} : memref<36x128xi32, #tpu.memory_space<vmem>>, vector<16xi32>,
        tpu.vector_store %arg16[%swap3A_756, %swap3A_757], %select_n3A_755 {strides = array<i32>} : memref<36x128xi32, #tpu.memory_space<vmem>>, vector<16xi32>,
        %reduce_sum3A_759 = arith.constant true
        %reduce_sum3A_760 = vector.broadcast %reduce_sum3A_759 : i1 to vector<16xi1>
        %reduce_sum3A_761 = tpu.scan <sum>, %convert_element_type3A_744 masked %reduce_sum3A_760 : vector<16xi32>, vector<16xi1> -> vector<16xi32>
        %reduce_sum3A_762 = vector.extract %reduce_sum3A_761[15] : i32 from vector<16xi32>
        %add3A_763 = arith.addi %add3A_726, %reduce_sum3A_762 : i32
        %mul3A_764 = arith.constant 128 : i32
        %mul3A_765 = arith.muli %scan3A_583, %mul3A_764 : i32
        %add3A_766 = arith.constant 80 : i32
        %add3A_767 = arith.addi %mul3A_765, %add3A_766 : i32
        %get3A_768 = arith.index_cast %add3A_767 : i32 to index
        %get3A_769 = tpu.vector_load %arg15[%get3A_768] {strides = array<i32>} : memref<4608xi32, #tpu.memory_space<vmem>>, vector<16xi32>,
        %add3A_770 = arith.addi %mul3A_320, %add3A_767 : i32
        %add3A_771 = vector.broadcast %add3A_770 : i32 to vector<16xi32>
        %add3A_772 = arith.addi %add3A_771, %iota3A : vector<16xi32>
        %gt3A_773 = vector.broadcast %reduce_sum3A_306 : i32 to vector<16xi32>
        %gt3A_774 = arith.cmpi sgt, %get3A_769, %gt3A_773 : vector<16xi32>
        %eq3A_775 = vector.broadcast %reduce_sum3A_306 : i32 to vector<16xi32>
        %eq3A_776 = arith.cmpi eq, %get3A_769, %eq3A_775 : vector<16xi32>
        %le3A_777 = vector.broadcast %reduce_sum3A_316 : i32 to vector<16xi32>
        %le3A_778 = arith.cmpi sle, %add3A_772, %le3A_777 : vector<16xi32>
        %and3A_779 = arith.andi %eq3A_776, %le3A_778 : vector<16xi1>
        %or3A_780 = arith.ori %gt3A_774, %and3A_779 : vector<16xi1>
        %convert_element_type3A_781 = arith.extui %or3A_780 : vector<16xi1> to vector<16xi32>
        %broadcast_in_dim3A_782 = arith.constant true
        %broadcast_in_dim3A_783 = vector.broadcast %broadcast_in_dim3A_782 : i1 to vector<16xi1>
        %masked_cumsum3A_784 = tpu.scan <sum>, %convert_element_type3A_781 masked %broadcast_in_dim3A_783 : vector<16xi32>, vector<16xi1> -> vector<16xi32>
        %add3A_785 = arith.constant 6272 : i32
        %add3A_786 = arith.addi %add3A_785, %reduce_sum3A_353 : i32
        %add3A_787 = arith.addi %add3A_786, %add3A_763 : i32
        %sub3A_788 = arith.subi %masked_cumsum3A_784, %convert_element_type3A_781 : vector<16xi32>
        %add3A_789 = vector.broadcast %add3A_787 : i32 to vector<16xi32>
        %add3A_790 = arith.addi %add3A_789, %sub3A_788 : vector<16xi32>
        %broadcast_in_dim3A_791 = vector.broadcast %add3A_355 : i32 to vector<16xi32>
        %select_n3A_792 = arith.select %or3A_780, %add3A_790, %broadcast_in_dim3A_791 : vector<16xi1>, vector<16xi32>
        %swap3A_793 = arith.index_cast %scan3A_583 : i32 to index
        %swap3A_794 = arith.constant 80 : index
        %swap3A_795 = tpu.vector_load %arg16[%swap3A_793, %swap3A_794] {strides = array<i32>} : memref<36x128xi32, #tpu.memory_space<vmem>>, vector<16xi32>,
        tpu.vector_store %arg16[%swap3A_793, %swap3A_794], %select_n3A_792 {strides = array<i32>} : memref<36x128xi32, #tpu.memory_space<vmem>>, vector<16xi32>,
        %reduce_sum3A_796 = arith.constant true
        %reduce_sum3A_797 = vector.broadcast %reduce_sum3A_796 : i1 to vector<16xi1>
        %reduce_sum3A_798 = tpu.scan <sum>, %convert_element_type3A_781 masked %reduce_sum3A_797 : vector<16xi32>, vector<16xi1> -> vector<16xi32>
        %reduce_sum3A_799 = vector.extract %reduce_sum3A_798[15] : i32 from vector<16xi32>
        %add3A_800 = arith.addi %add3A_763, %reduce_sum3A_799 : i32
        %mul3A_801 = arith.constant 128 : i32
        %mul3A_802 = arith.muli %scan3A_583, %mul3A_801 : i32
        %add3A_803 = arith.constant 96 : i32
        %add3A_804 = arith.addi %mul3A_802, %add3A_803 : i32
        %get3A_805 = arith.index_cast %add3A_804 : i32 to index
        %get3A_806 = tpu.vector_load %arg15[%get3A_805] {strides = array<i32>} : memref<4608xi32, #tpu.memory_space<vmem>>, vector<16xi32>,
        %add3A_807 = arith.addi %mul3A_320, %add3A_804 : i32
        %add3A_808 = vector.broadcast %add3A_807 : i32 to vector<16xi32>
        %add3A_809 = arith.addi %add3A_808, %iota3A : vector<16xi32>
        %gt3A_810 = vector.broadcast %reduce_sum3A_306 : i32 to vector<16xi32>
        %gt3A_811 = arith.cmpi sgt, %get3A_806, %gt3A_810 : vector<16xi32>
        %eq3A_812 = vector.broadcast %reduce_sum3A_306 : i32 to vector<16xi32>
        %eq3A_813 = arith.cmpi eq, %get3A_806, %eq3A_812 : vector<16xi32>
        %le3A_814 = vector.broadcast %reduce_sum3A_316 : i32 to vector<16xi32>
        %le3A_815 = arith.cmpi sle, %add3A_809, %le3A_814 : vector<16xi32>
        %and3A_816 = arith.andi %eq3A_813, %le3A_815 : vector<16xi1>
        %or3A_817 = arith.ori %gt3A_811, %and3A_816 : vector<16xi1>
        %convert_element_type3A_818 = arith.extui %or3A_817 : vector<16xi1> to vector<16xi32>
        %broadcast_in_dim3A_819 = arith.constant true
        %broadcast_in_dim3A_820 = vector.broadcast %broadcast_in_dim3A_819 : i1 to vector<16xi1>
        %masked_cumsum3A_821 = tpu.scan <sum>, %convert_element_type3A_818 masked %broadcast_in_dim3A_820 : vector<16xi32>, vector<16xi1> -> vector<16xi32>
        %add3A_822 = arith.constant 6272 : i32
        %add3A_823 = arith.addi %add3A_822, %reduce_sum3A_353 : i32
        %add3A_824 = arith.addi %add3A_823, %add3A_800 : i32
        %sub3A_825 = arith.subi %masked_cumsum3A_821, %convert_element_type3A_818 : vector<16xi32>
        %add3A_826 = vector.broadcast %add3A_824 : i32 to vector<16xi32>
        %add3A_827 = arith.addi %add3A_826, %sub3A_825 : vector<16xi32>
        %broadcast_in_dim3A_828 = vector.broadcast %add3A_355 : i32 to vector<16xi32>
        %select_n3A_829 = arith.select %or3A_817, %add3A_827, %broadcast_in_dim3A_828 : vector<16xi1>, vector<16xi32>
        %swap3A_830 = arith.index_cast %scan3A_583 : i32 to index
        %swap3A_831 = arith.constant 96 : index
        %swap3A_832 = tpu.vector_load %arg16[%swap3A_830, %swap3A_831] {strides = array<i32>} : memref<36x128xi32, #tpu.memory_space<vmem>>, vector<16xi32>,
        tpu.vector_store %arg16[%swap3A_830, %swap3A_831], %select_n3A_829 {strides = array<i32>} : memref<36x128xi32, #tpu.memory_space<vmem>>, vector<16xi32>,
        %reduce_sum3A_833 = arith.constant true
        %reduce_sum3A_834 = vector.broadcast %reduce_sum3A_833 : i1 to vector<16xi1>
        %reduce_sum3A_835 = tpu.scan <sum>, %convert_element_type3A_818 masked %reduce_sum3A_834 : vector<16xi32>, vector<16xi1> -> vector<16xi32>
        %reduce_sum3A_836 = vector.extract %reduce_sum3A_835[15] : i32 from vector<16xi32>
        %add3A_837 = arith.addi %add3A_800, %reduce_sum3A_836 : i32
        %mul3A_838 = arith.constant 128 : i32
        %mul3A_839 = arith.muli %scan3A_583, %mul3A_838 : i32
        %add3A_840 = arith.constant 112 : i32
        %add3A_841 = arith.addi %mul3A_839, %add3A_840 : i32
        %get3A_842 = arith.index_cast %add3A_841 : i32 to index
        %get3A_843 = tpu.vector_load %arg15[%get3A_842] {strides = array<i32>} : memref<4608xi32, #tpu.memory_space<vmem>>, vector<16xi32>,
        %add3A_844 = arith.addi %mul3A_320, %add3A_841 : i32
        %add3A_845 = vector.broadcast %add3A_844 : i32 to vector<16xi32>
        %add3A_846 = arith.addi %add3A_845, %iota3A : vector<16xi32>
        %gt3A_847 = vector.broadcast %reduce_sum3A_306 : i32 to vector<16xi32>
        %gt3A_848 = arith.cmpi sgt, %get3A_843, %gt3A_847 : vector<16xi32>
        %eq3A_849 = vector.broadcast %reduce_sum3A_306 : i32 to vector<16xi32>
        %eq3A_850 = arith.cmpi eq, %get3A_843, %eq3A_849 : vector<16xi32>
        %le3A_851 = vector.broadcast %reduce_sum3A_316 : i32 to vector<16xi32>
        %le3A_852 = arith.cmpi sle, %add3A_846, %le3A_851 : vector<16xi32>
        %and3A_853 = arith.andi %eq3A_850, %le3A_852 : vector<16xi1>
        %or3A_854 = arith.ori %gt3A_848, %and3A_853 : vector<16xi1>
        %convert_element_type3A_855 = arith.extui %or3A_854 : vector<16xi1> to vector<16xi32>
        %broadcast_in_dim3A_856 = arith.constant true
        %broadcast_in_dim3A_857 = vector.broadcast %broadcast_in_dim3A_856 : i1 to vector<16xi1>
        %masked_cumsum3A_858 = tpu.scan <sum>, %convert_element_type3A_855 masked %broadcast_in_dim3A_857 : vector<16xi32>, vector<16xi1> -> vector<16xi32>
        %add3A_859 = arith.constant 6272 : i32
        %add3A_860 = arith.addi %add3A_859, %reduce_sum3A_353 : i32
        %add3A_861 = arith.addi %add3A_860, %add3A_837 : i32
        %sub3A_862 = arith.subi %masked_cumsum3A_858, %convert_element_type3A_855 : vector<16xi32>
        %add3A_863 = vector.broadcast %add3A_861 : i32 to vector<16xi32>
        %add3A_864 = arith.addi %add3A_863, %sub3A_862 : vector<16xi32>
        %broadcast_in_dim3A_865 = vector.broadcast %add3A_355 : i32 to vector<16xi32>
        %select_n3A_866 = arith.select %or3A_854, %add3A_864, %broadcast_in_dim3A_865 : vector<16xi1>, vector<16xi32>
        %swap3A_867 = arith.index_cast %scan3A_583 : i32 to index
        %swap3A_868 = arith.constant 112 : index
        %swap3A_869 = tpu.vector_load %arg16[%swap3A_867, %swap3A_868] {strides = array<i32>} : memref<36x128xi32, #tpu.memory_space<vmem>>, vector<16xi32>,
        tpu.vector_store %arg16[%swap3A_867, %swap3A_868], %select_n3A_866 {strides = array<i32>} : memref<36x128xi32, #tpu.memory_space<vmem>>, vector<16xi32>,
        %reduce_sum3A_870 = arith.constant true
        %reduce_sum3A_871 = vector.broadcast %reduce_sum3A_870 : i1 to vector<16xi1>
        %reduce_sum3A_872 = tpu.scan <sum>, %convert_element_type3A_855 masked %reduce_sum3A_871 : vector<16xi32>, vector<16xi1> -> vector<16xi32>
        %reduce_sum3A_873 = vector.extract %reduce_sum3A_872[15] : i32 from vector<16xi32>
        %add3A_874 = arith.addi %add3A_837, %reduce_sum3A_873 : i32
        scf.yield %add3A_874 : i32
      }
      %scan3A_388 = arith.constant 36 : i32
      %dma_wait3A_389 = arith.constant 1 : i32
      %dma_wait3A_390 = tpu.memref_slice %arg4[%dma_wait3A_389, %mul3A_320] : memref<2x147456xf32, #tpu.memory_space<hbm>> -> memref<1x4608xf32, #tpu.memory_space<hbm>>
      %dma_wait3A_391 = tpu.memref_squeeze %dma_wait3A_390 : memref<1x4608xf32, #tpu.memory_space<hbm>> -> memref<4608xf32, #tpu.memory_space<hbm>>
      %dma_wait3A_392 = tpu.memref_slice %arg4[%dma_wait3A_389, %mul3A_320] : memref<2x147456xf32, #tpu.memory_space<hbm>> -> memref<1x4608xf32, #tpu.memory_space<hbm>>
      %dma_wait3A_393 = tpu.memref_squeeze %dma_wait3A_392 : memref<1x4608xf32, #tpu.memory_space<hbm>> -> memref<4608xf32, #tpu.memory_space<hbm>>
      tpu.wait_dma2 semaphore(%arg30 : memref<!tpu.dma_semaphore, #tpu.memory_space<semaphore_mem>>) src(%dma_wait3A_393 : memref<4608xf32, #tpu.memory_space<hbm>>) dst(%arg18 : memref<4608xf32, #tpu.memory_space<vmem>>)
      %dma_wait3A_394 = arith.constant 1 : i32
      %dma_wait3A_395 = tpu.memref_slice %arg5[%dma_wait3A_394, %mul3A_320] : memref<2x147456xf32, #tpu.memory_space<hbm>> -> memref<1x4608xf32, #tpu.memory_space<hbm>>
      %dma_wait3A_396 = tpu.memref_squeeze %dma_wait3A_395 : memref<1x4608xf32, #tpu.memory_space<hbm>> -> memref<4608xf32, #tpu.memory_space<hbm>>
      %dma_wait3A_397 = tpu.memref_slice %arg5[%dma_wait3A_394, %mul3A_320] : memref<2x147456xf32, #tpu.memory_space<hbm>> -> memref<1x4608xf32, #tpu.memory_space<hbm>>
      %dma_wait3A_398 = tpu.memref_squeeze %dma_wait3A_397 : memref<1x4608xf32, #tpu.memory_space<hbm>> -> memref<4608xf32, #tpu.memory_space<hbm>>
      tpu.wait_dma2 semaphore(%arg30 : memref<!tpu.dma_semaphore, #tpu.memory_space<semaphore_mem>>) src(%dma_wait3A_398 : memref<4608xf32, #tpu.memory_space<hbm>>) dst(%arg19 : memref<4608xf32, #tpu.memory_space<vmem>>)
      %dma_wait3A_399 = arith.constant 1 : i32
      %dma_wait3A_400 = tpu.memref_slice %arg6[%dma_wait3A_399, %mul3A_320] : memref<2x147456xf32, #tpu.memory_space<hbm>> -> memref<1x4608xf32, #tpu.memory_space<hbm>>
      %dma_wait3A_401 = tpu.memref_squeeze %dma_wait3A_400 : memref<1x4608xf32, #tpu.memory_space<hbm>> -> memref<4608xf32, #tpu.memory_space<hbm>>
      %dma_wait3A_402 = tpu.memref_slice %arg6[%dma_wait3A_399, %mul3A_320] : memref<2x147456xf32, #tpu.memory_space<hbm>> -> memref<1x4608xf32, #tpu.memory_space<hbm>>
      %dma_wait3A_403 = tpu.memref_squeeze %dma_wait3A_402 : memref<1x4608xf32, #tpu.memory_space<hbm>> -> memref<4608xf32, #tpu.memory_space<hbm>>
      tpu.wait_dma2 semaphore(%arg30 : memref<!tpu.dma_semaphore, #tpu.memory_space<semaphore_mem>>) src(%dma_wait3A_403 : memref<4608xf32, #tpu.memory_space<hbm>>) dst(%arg20 : memref<4608xf32, #tpu.memory_space<vmem>>)
      %dma_wait3A_404 = arith.constant 1 : i32
      %dma_wait3A_405 = tpu.memref_slice %arg7[%dma_wait3A_404, %mul3A_320] : memref<2x147456xf32, #tpu.memory_space<hbm>> -> memref<1x4608xf32, #tpu.memory_space<hbm>>
      %dma_wait3A_406 = tpu.memref_squeeze %dma_wait3A_405 : memref<1x4608xf32, #tpu.memory_space<hbm>> -> memref<4608xf32, #tpu.memory_space<hbm>>
      %dma_wait3A_407 = tpu.memref_slice %arg7[%dma_wait3A_404, %mul3A_320] : memref<2x147456xf32, #tpu.memory_space<hbm>> -> memref<1x4608xf32, #tpu.memory_space<hbm>>
      %dma_wait3A_408 = tpu.memref_squeeze %dma_wait3A_407 : memref<1x4608xf32, #tpu.memory_space<hbm>> -> memref<4608xf32, #tpu.memory_space<hbm>>
      tpu.wait_dma2 semaphore(%arg30 : memref<!tpu.dma_semaphore, #tpu.memory_space<semaphore_mem>>) src(%dma_wait3A_408 : memref<4608xf32, #tpu.memory_space<hbm>>) dst(%arg21 : memref<4608xf32, #tpu.memory_space<vmem>>)
      %dma_wait3A_409 = arith.constant 1 : i32
      %dma_wait3A_410 = tpu.memref_slice %arg8[%dma_wait3A_409, %mul3A_320] : memref<2x147456xf32, #tpu.memory_space<hbm>> -> memref<1x4608xf32, #tpu.memory_space<hbm>>
      %dma_wait3A_411 = tpu.memref_squeeze %dma_wait3A_410 : memref<1x4608xf32, #tpu.memory_space<hbm>> -> memref<4608xf32, #tpu.memory_space<hbm>>
      %dma_wait3A_412 = tpu.memref_slice %arg8[%dma_wait3A_409, %mul3A_320] : memref<2x147456xf32, #tpu.memory_space<hbm>> -> memref<1x4608xf32, #tpu.memory_space<hbm>>
      %dma_wait3A_413 = tpu.memref_squeeze %dma_wait3A_412 : memref<1x4608xf32, #tpu.memory_space<hbm>> -> memref<4608xf32, #tpu.memory_space<hbm>>
      tpu.wait_dma2 semaphore(%arg30 : memref<!tpu.dma_semaphore, #tpu.memory_space<semaphore_mem>>) src(%dma_wait3A_413 : memref<4608xf32, #tpu.memory_space<hbm>>) dst(%arg22 : memref<4608xf32, #tpu.memory_space<vmem>>)
      %scan3A_414 = arith.constant 0 : i32
      %scan3A_415 = arith.constant 0 : i32
      %scan3A_416 = arith.constant 36 : i32
      %scan3A_417 = arith.addi %scan3A_415, %scan3A_416 : i32
      %scan3A_418 = arith.constant 1 : i32
      scf.for %scan3A_583 = %scan3A_415 to %scan3A_417 step %scan3A_418  : i32 {
        %mul3A_584 = arith.constant 128 : i32
        %mul3A_585 = arith.muli %scan3A_583, %mul3A_584 : i32
        %dma_start3A_586 = tpu.memref_slice %arg18[%mul3A_585] : memref<4608xf32, #tpu.memory_space<vmem>> -> memref<128xf32, #tpu.memory_space<vmem>>
        %dma_start3A_587 = arith.constant 0 : i32
        %dma_start3A_588 = tpu.memref_slice %arg16[%scan3A_583, %dma_start3A_587] : memref<36x128xi32, #tpu.memory_space<vmem>> -> memref<1x128xi32, #tpu.memory_space<vmem>>
        %dma_start3A_589 = tpu.memref_squeeze %dma_start3A_588 : memref<1x128xi32, #tpu.memory_space<vmem>> -> memref<128xi32, #tpu.memory_space<vmem>>
        %dma_start3A_590 = arith.constant 0 : i32
        %dma_start3A_591 = tpu.memref_slice %arg23[%dma_start3A_590] : memref<12544xf32, #tpu.memory_space<vmem_shared>> -> memref<12544xf32, #tpu.memory_space<vmem_shared>>
        tpu.enqueue_indirect_dma source(%dma_start3A_586 : memref<128xf32, #tpu.memory_space<vmem>>) target(%dma_start3A_591 : memref<12544xf32, #tpu.memory_space<vmem_shared>>) offsets(%dma_start3A_589 : memref<128xi32, #tpu.memory_space<vmem>>) semaphore(%arg29 : memref<!tpu.dma_semaphore, #tpu.memory_space<semaphore_mem>>)
        %mul3A_592 = arith.constant 128 : i32
        %mul3A_593 = arith.muli %scan3A_583, %mul3A_592 : i32
        %dma_start3A_594 = tpu.memref_slice %arg19[%mul3A_593] : memref<4608xf32, #tpu.memory_space<vmem>> -> memref<128xf32, #tpu.memory_space<vmem>>
        %dma_start3A_595 = arith.constant 0 : i32
        %dma_start3A_596 = tpu.memref_slice %arg16[%scan3A_583, %dma_start3A_595] : memref<36x128xi32, #tpu.memory_space<vmem>> -> memref<1x128xi32, #tpu.memory_space<vmem>>
        %dma_start3A_597 = tpu.memref_squeeze %dma_start3A_596 : memref<1x128xi32, #tpu.memory_space<vmem>> -> memref<128xi32, #tpu.memory_space<vmem>>
        %dma_start3A_598 = arith.constant 0 : i32
        %dma_start3A_599 = tpu.memref_slice %arg24[%dma_start3A_598] : memref<12544xf32, #tpu.memory_space<vmem_shared>> -> memref<12544xf32, #tpu.memory_space<vmem_shared>>
        tpu.enqueue_indirect_dma source(%dma_start3A_594 : memref<128xf32, #tpu.memory_space<vmem>>) target(%dma_start3A_599 : memref<12544xf32, #tpu.memory_space<vmem_shared>>) offsets(%dma_start3A_597 : memref<128xi32, #tpu.memory_space<vmem>>) semaphore(%arg29 : memref<!tpu.dma_semaphore, #tpu.memory_space<semaphore_mem>>)
        %mul3A_600 = arith.constant 128 : i32
        %mul3A_601 = arith.muli %scan3A_583, %mul3A_600 : i32
        %dma_start3A_602 = tpu.memref_slice %arg20[%mul3A_601] : memref<4608xf32, #tpu.memory_space<vmem>> -> memref<128xf32, #tpu.memory_space<vmem>>
        %dma_start3A_603 = arith.constant 0 : i32
        %dma_start3A_604 = tpu.memref_slice %arg16[%scan3A_583, %dma_start3A_603] : memref<36x128xi32, #tpu.memory_space<vmem>> -> memref<1x128xi32, #tpu.memory_space<vmem>>
        %dma_start3A_605 = tpu.memref_squeeze %dma_start3A_604 : memref<1x128xi32, #tpu.memory_space<vmem>> -> memref<128xi32, #tpu.memory_space<vmem>>
        %dma_start3A_606 = arith.constant 0 : i32
        %dma_start3A_607 = tpu.memref_slice %arg25[%dma_start3A_606] : memref<12544xf32, #tpu.memory_space<vmem_shared>> -> memref<12544xf32, #tpu.memory_space<vmem_shared>>
        tpu.enqueue_indirect_dma source(%dma_start3A_602 : memref<128xf32, #tpu.memory_space<vmem>>) target(%dma_start3A_607 : memref<12544xf32, #tpu.memory_space<vmem_shared>>) offsets(%dma_start3A_605 : memref<128xi32, #tpu.memory_space<vmem>>) semaphore(%arg29 : memref<!tpu.dma_semaphore, #tpu.memory_space<semaphore_mem>>)
        %mul3A_608 = arith.constant 128 : i32
        %mul3A_609 = arith.muli %scan3A_583, %mul3A_608 : i32
        %dma_start3A_610 = tpu.memref_slice %arg21[%mul3A_609] : memref<4608xf32, #tpu.memory_space<vmem>> -> memref<128xf32, #tpu.memory_space<vmem>>
        %dma_start3A_611 = arith.constant 0 : i32
        %dma_start3A_612 = tpu.memref_slice %arg16[%scan3A_583, %dma_start3A_611] : memref<36x128xi32, #tpu.memory_space<vmem>> -> memref<1x128xi32, #tpu.memory_space<vmem>>
        %dma_start3A_613 = tpu.memref_squeeze %dma_start3A_612 : memref<1x128xi32, #tpu.memory_space<vmem>> -> memref<128xi32, #tpu.memory_space<vmem>>
        %dma_start3A_614 = arith.constant 0 : i32
        %dma_start3A_615 = tpu.memref_slice %arg26[%dma_start3A_614] : memref<12544xf32, #tpu.memory_space<vmem_shared>> -> memref<12544xf32, #tpu.memory_space<vmem_shared>>
        tpu.enqueue_indirect_dma source(%dma_start3A_610 : memref<128xf32, #tpu.memory_space<vmem>>) target(%dma_start3A_615 : memref<12544xf32, #tpu.memory_space<vmem_shared>>) offsets(%dma_start3A_613 : memref<128xi32, #tpu.memory_space<vmem>>) semaphore(%arg29 : memref<!tpu.dma_semaphore, #tpu.memory_space<semaphore_mem>>)
        %mul3A_616 = arith.constant 128 : i32
        %mul3A_617 = arith.muli %scan3A_583, %mul3A_616 : i32
        %dma_start3A_618 = tpu.memref_slice %arg22[%mul3A_617] : memref<4608xf32, #tpu.memory_space<vmem>> -> memref<128xf32, #tpu.memory_space<vmem>>
        %dma_start3A_619 = arith.constant 0 : i32
        %dma_start3A_620 = tpu.memref_slice %arg16[%scan3A_583, %dma_start3A_619] : memref<36x128xi32, #tpu.memory_space<vmem>> -> memref<1x128xi32, #tpu.memory_space<vmem>>
        %dma_start3A_621 = tpu.memref_squeeze %dma_start3A_620 : memref<1x128xi32, #tpu.memory_space<vmem>> -> memref<128xi32, #tpu.memory_space<vmem>>
        %dma_start3A_622 = arith.constant 0 : i32
        %dma_start3A_623 = tpu.memref_slice %arg27[%dma_start3A_622] : memref<12544xf32, #tpu.memory_space<vmem_shared>> -> memref<12544xf32, #tpu.memory_space<vmem_shared>>
        tpu.enqueue_indirect_dma source(%dma_start3A_618 : memref<128xf32, #tpu.memory_space<vmem>>) target(%dma_start3A_623 : memref<12544xf32, #tpu.memory_space<vmem_shared>>) offsets(%dma_start3A_621 : memref<128xi32, #tpu.memory_space<vmem>>) semaphore(%arg29 : memref<!tpu.dma_semaphore, #tpu.memory_space<semaphore_mem>>)
        %mul3A_624 = arith.constant 128 : i32
        %mul3A_625 = arith.muli %scan3A_583, %mul3A_624 : i32
        %dma_start3A_626 = tpu.memref_slice %arg15[%mul3A_625] : memref<4608xi32, #tpu.memory_space<vmem>> -> memref<128xi32, #tpu.memory_space<vmem>>
        %dma_start3A_627 = arith.constant 0 : i32
        %dma_start3A_628 = tpu.memref_slice %arg16[%scan3A_583, %dma_start3A_627] : memref<36x128xi32, #tpu.memory_space<vmem>> -> memref<1x128xi32, #tpu.memory_space<vmem>>
        %dma_start3A_629 = tpu.memref_squeeze %dma_start3A_628 : memref<1x128xi32, #tpu.memory_space<vmem>> -> memref<128xi32, #tpu.memory_space<vmem>>
        %dma_start3A_630 = arith.constant 0 : i32
        %dma_start3A_631 = tpu.memref_slice %arg28[%dma_start3A_630] : memref<12544xi32, #tpu.memory_space<vmem_shared>> -> memref<12544xi32, #tpu.memory_space<vmem_shared>>
        tpu.enqueue_indirect_dma source(%dma_start3A_626 : memref<128xi32, #tpu.memory_space<vmem>>) target(%dma_start3A_631 : memref<12544xi32, #tpu.memory_space<vmem_shared>>) offsets(%dma_start3A_629 : memref<128xi32, #tpu.memory_space<vmem>>) semaphore(%arg29 : memref<!tpu.dma_semaphore, #tpu.memory_space<semaphore_mem>>)
      }
      %scan3A_419 = arith.constant 36 : i32
      %dma_wait3A_420 = arith.constant 1 : i32
      %dma_wait3A_421 = tpu.memref_slice %arg2[%dma_wait3A_420, %mul3A_320] : memref<2x147456xi32, #tpu.memory_space<hbm>> -> memref<1x4608xi32, #tpu.memory_space<hbm>>
      %dma_wait3A_422 = tpu.memref_squeeze %dma_wait3A_421 : memref<1x4608xi32, #tpu.memory_space<hbm>> -> memref<4608xi32, #tpu.memory_space<hbm>>
      %dma_wait3A_423 = tpu.memref_slice %arg2[%dma_wait3A_420, %mul3A_320] : memref<2x147456xi32, #tpu.memory_space<hbm>> -> memref<1x4608xi32, #tpu.memory_space<hbm>>
      %dma_wait3A_424 = tpu.memref_squeeze %dma_wait3A_423 : memref<1x4608xi32, #tpu.memory_space<hbm>> -> memref<4608xi32, #tpu.memory_space<hbm>>
      tpu.wait_dma2 semaphore(%arg29 : memref<!tpu.dma_semaphore, #tpu.memory_space<semaphore_mem>>) src(%dma_wait3A_424 : memref<4608xi32, #tpu.memory_space<hbm>>) dst(%arg15 : memref<4608xi32, #tpu.memory_space<vmem>>)
      %dma_wait3A_425 = arith.constant 1 : i32
      %dma_wait3A_426 = tpu.memref_slice %arg2[%dma_wait3A_425, %mul3A_320] : memref<2x147456xi32, #tpu.memory_space<hbm>> -> memref<1x4608xi32, #tpu.memory_space<hbm>>
      %dma_wait3A_427 = tpu.memref_squeeze %dma_wait3A_426 : memref<1x4608xi32, #tpu.memory_space<hbm>> -> memref<4608xi32, #tpu.memory_space<hbm>>
      %dma_wait3A_428 = tpu.memref_slice %arg2[%dma_wait3A_425, %mul3A_320] : memref<2x147456xi32, #tpu.memory_space<hbm>> -> memref<1x4608xi32, #tpu.memory_space<hbm>>
      %dma_wait3A_429 = tpu.memref_squeeze %dma_wait3A_428 : memref<1x4608xi32, #tpu.memory_space<hbm>> -> memref<4608xi32, #tpu.memory_space<hbm>>
      tpu.wait_dma2 semaphore(%arg29 : memref<!tpu.dma_semaphore, #tpu.memory_space<semaphore_mem>>) src(%dma_wait3A_429 : memref<4608xi32, #tpu.memory_space<hbm>>) dst(%arg15 : memref<4608xi32, #tpu.memory_space<vmem>>)
      %dma_wait3A_430 = arith.constant 1 : i32
      %dma_wait3A_431 = tpu.memref_slice %arg2[%dma_wait3A_430, %mul3A_320] : memref<2x147456xi32, #tpu.memory_space<hbm>> -> memref<1x4608xi32, #tpu.memory_space<hbm>>
      %dma_wait3A_432 = tpu.memref_squeeze %dma_wait3A_431 : memref<1x4608xi32, #tpu.memory_space<hbm>> -> memref<4608xi32, #tpu.memory_space<hbm>>
      %dma_wait3A_433 = tpu.memref_slice %arg2[%dma_wait3A_430, %mul3A_320] : memref<2x147456xi32, #tpu.memory_space<hbm>> -> memref<1x4608xi32, #tpu.memory_space<hbm>>
      %dma_wait3A_434 = tpu.memref_squeeze %dma_wait3A_433 : memref<1x4608xi32, #tpu.memory_space<hbm>> -> memref<4608xi32, #tpu.memory_space<hbm>>
      tpu.wait_dma2 semaphore(%arg29 : memref<!tpu.dma_semaphore, #tpu.memory_space<semaphore_mem>>) src(%dma_wait3A_434 : memref<4608xi32, #tpu.memory_space<hbm>>) dst(%arg15 : memref<4608xi32, #tpu.memory_space<vmem>>)
      %dma_wait3A_435 = arith.constant 1 : i32
      %dma_wait3A_436 = tpu.memref_slice %arg2[%dma_wait3A_435, %mul3A_320] : memref<2x147456xi32, #tpu.memory_space<hbm>> -> memref<1x4608xi32, #tpu.memory_space<hbm>>
      %dma_wait3A_437 = tpu.memref_squeeze %dma_wait3A_436 : memref<1x4608xi32, #tpu.memory_space<hbm>> -> memref<4608xi32, #tpu.memory_space<hbm>>
      %dma_wait3A_438 = tpu.memref_slice %arg2[%dma_wait3A_435, %mul3A_320] : memref<2x147456xi32, #tpu.memory_space<hbm>> -> memref<1x4608xi32, #tpu.memory_space<hbm>>
      %dma_wait3A_439 = tpu.memref_squeeze %dma_wait3A_438 : memref<1x4608xi32, #tpu.memory_space<hbm>> -> memref<4608xi32, #tpu.memory_space<hbm>>
      tpu.wait_dma2 semaphore(%arg29 : memref<!tpu.dma_semaphore, #tpu.memory_space<semaphore_mem>>) src(%dma_wait3A_439 : memref<4608xi32, #tpu.memory_space<hbm>>) dst(%arg15 : memref<4608xi32, #tpu.memory_space<vmem>>)
      %dma_wait3A_440 = arith.constant 1 : i32
      %dma_wait3A_441 = tpu.memref_slice %arg2[%dma_wait3A_440, %mul3A_320] : memref<2x147456xi32, #tpu.memory_space<hbm>> -> memref<1x4608xi32, #tpu.memory_space<hbm>>
      %dma_wait3A_442 = tpu.memref_squeeze %dma_wait3A_441 : memref<1x4608xi32, #tpu.memory_space<hbm>> -> memref<4608xi32, #tpu.memory_space<hbm>>
      %dma_wait3A_443 = tpu.memref_slice %arg2[%dma_wait3A_440, %mul3A_320] : memref<2x147456xi32, #tpu.memory_space<hbm>> -> memref<1x4608xi32, #tpu.memory_space<hbm>>
      %dma_wait3A_444 = tpu.memref_squeeze %dma_wait3A_443 : memref<1x4608xi32, #tpu.memory_space<hbm>> -> memref<4608xi32, #tpu.memory_space<hbm>>
      tpu.wait_dma2 semaphore(%arg29 : memref<!tpu.dma_semaphore, #tpu.memory_space<semaphore_mem>>) src(%dma_wait3A_444 : memref<4608xi32, #tpu.memory_space<hbm>>) dst(%arg15 : memref<4608xi32, #tpu.memory_space<vmem>>)
      %dma_wait3A_445 = arith.constant 1 : i32
      %dma_wait3A_446 = tpu.memref_slice %arg2[%dma_wait3A_445, %mul3A_320] : memref<2x147456xi32, #tpu.memory_space<hbm>> -> memref<1x4608xi32, #tpu.memory_space<hbm>>
      %dma_wait3A_447 = tpu.memref_squeeze %dma_wait3A_446 : memref<1x4608xi32, #tpu.memory_space<hbm>> -> memref<4608xi32, #tpu.memory_space<hbm>>
      %dma_wait3A_448 = tpu.memref_slice %arg2[%dma_wait3A_445, %mul3A_320] : memref<2x147456xi32, #tpu.memory_space<hbm>> -> memref<1x4608xi32, #tpu.memory_space<hbm>>
      %dma_wait3A_449 = tpu.memref_squeeze %dma_wait3A_448 : memref<1x4608xi32, #tpu.memory_space<hbm>> -> memref<4608xi32, #tpu.memory_space<hbm>>
      tpu.wait_dma2 semaphore(%arg29 : memref<!tpu.dma_semaphore, #tpu.memory_space<semaphore_mem>>) src(%dma_wait3A_449 : memref<4608xi32, #tpu.memory_space<hbm>>) dst(%arg15 : memref<4608xi32, #tpu.memory_space<vmem>>)
      %add3A_450 = arith.constant 16 : i32
      %add3A_451 = arith.addi %arg1, %add3A_450 : i32
      %mul3A_452 = arith.constant 4608 : i32
      %mul3A_453 = arith.muli %add3A_451, %mul3A_452 : i32
      %add3A_454 = arith.constant 2 : i32
      %add3A_455 = arith.addi %add3A_451, %add3A_454 : i32
      %lt3A_456 = arith.constant 16 : i32
      %lt3A_457 = arith.cmpi slt, %add3A_455, %lt3A_456 : i32
      %lt3A_458 = arith.constant 32 : i32
      %lt3A_459 = arith.cmpi slt, %add3A_455, %lt3A_458 : i32
      %select_n3A_460 = arith.select %lt3A_459, %get3A_294, %get3A_296 : vector<16xi32>
      %select_n3A_461 = arith.select %lt3A_457, %get3A_292, %select_n3A_460 : vector<16xi32>
      %jit3A_462 = arith.constant 16 : i32
      %eq3A_463 = arith.constant 0 : i32
      %eq3A_464 = arith.cmpi eq, %jit3A_462, %eq3A_463 : i32
      %jit3A_465 = arith.constant 1 : i32
      %select_n3A_466 = arith.select %eq3A_464, %jit3A_465, %jit3A_462 : i32
      %rem3A_467 = arith.remsi %add3A_455, %select_n3A_466 : i32
      %ne3A_468 = arith.constant 0 : i32
      %ne3A_469 = arith.cmpi ne, %rem3A_467, %ne3A_468 : i32
      %lt3A_470 = arith.constant 0 : i32
      %lt3A_471 = arith.cmpi slt, %rem3A_467, %lt3A_470 : i32
      %lt3A_472 = arith.constant 0 : i32
      %lt3A_473 = arith.cmpi slt, %select_n3A_466, %lt3A_472 : i32
      %ne3A_474 = arith.xori %lt3A_471, %lt3A_473 : i1
      %and3A_475 = arith.andi %ne3A_474, %ne3A_469 : i1
      %add3A_476 = arith.addi %rem3A_467, %select_n3A_466 : i32
      %select_n3A_477 = arith.select %and3A_475, %add3A_476, %rem3A_467 : i32
      %eq3A_478 = vector.broadcast %select_n3A_477 : i32 to vector<16xi32>
      %eq3A_479 = arith.cmpi eq, %iota3A, %eq3A_478 : vector<16xi32>
      %jit3A_480 = arith.constant 0 : i32
      %broadcast_in_dim3A_481 = vector.broadcast %jit3A_480 : i32 to vector<16xi32>
      %select_n3A_482 = arith.select %eq3A_479, %select_n3A_461, %broadcast_in_dim3A_481 : vector<16xi1>, vector<16xi32>
      %reduce_sum3A_483 = arith.constant true
      %reduce_sum3A_484 = vector.broadcast %reduce_sum3A_483 : i1 to vector<16xi1>
      %reduce_sum3A_485 = tpu.scan <sum>, %select_n3A_482 masked %reduce_sum3A_484 : vector<16xi32>, vector<16xi1> -> vector<16xi32>
      %reduce_sum3A_486 = vector.extract %reduce_sum3A_485[15] : i32 from vector<16xi32>
      %add3A_487 = arith.constant 12416 : i32
      %add3A_488 = arith.addi %add3A_487, %add3A_451 : i32
      %dma_start3A_489 = arith.constant 1 : i32
      %dma_start3A_490 = tpu.memref_slice %arg4[%dma_start3A_489, %mul3A_453] : memref<2x147456xf32, #tpu.memory_space<hbm>> -> memref<1x4608xf32, #tpu.memory_space<hbm>>
      %dma_start3A_491 = tpu.memref_squeeze %dma_start3A_490 : memref<1x4608xf32, #tpu.memory_space<hbm>> -> memref<4608xf32, #tpu.memory_space<hbm>>
      %dma_start3A_492 = tpu.memref_slice %arg4[%dma_start3A_489, %mul3A_453] : memref<2x147456xf32, #tpu.memory_space<hbm>> -> memref<1x4608xf32, #tpu.memory_space<hbm>>
      %dma_start3A_493 = tpu.memref_squeeze %dma_start3A_492 : memref<1x4608xf32, #tpu.memory_space<hbm>> -> memref<4608xf32, #tpu.memory_space<hbm>>
      tpu.enqueue_dma source(%dma_start3A_493 : memref<4608xf32, #tpu.memory_space<hbm>>) target(%arg18 : memref<4608xf32, #tpu.memory_space<vmem>>) target_semaphore(%arg30 : memref<!tpu.dma_semaphore, #tpu.memory_space<semaphore_mem>>)
      %dma_start3A_494 = arith.constant 1 : i32
      %dma_start3A_495 = tpu.memref_slice %arg5[%dma_start3A_494, %mul3A_453] : memref<2x147456xf32, #tpu.memory_space<hbm>> -> memref<1x4608xf32, #tpu.memory_space<hbm>>
      %dma_start3A_496 = tpu.memref_squeeze %dma_start3A_495 : memref<1x4608xf32, #tpu.memory_space<hbm>> -> memref<4608xf32, #tpu.memory_space<hbm>>
      %dma_start3A_497 = tpu.memref_slice %arg5[%dma_start3A_494, %mul3A_453] : memref<2x147456xf32, #tpu.memory_space<hbm>> -> memref<1x4608xf32, #tpu.memory_space<hbm>>
      %dma_start3A_498 = tpu.memref_squeeze %dma_start3A_497 : memref<1x4608xf32, #tpu.memory_space<hbm>> -> memref<4608xf32, #tpu.memory_space<hbm>>
      tpu.enqueue_dma source(%dma_start3A_498 : memref<4608xf32, #tpu.memory_space<hbm>>) target(%arg19 : memref<4608xf32, #tpu.memory_space<vmem>>) target_semaphore(%arg30 : memref<!tpu.dma_semaphore, #tpu.memory_space<semaphore_mem>>)
      %dma_start3A_499 = arith.constant 1 : i32
      %dma_start3A_500 = tpu.memref_slice %arg6[%dma_start3A_499, %mul3A_453] : memref<2x147456xf32, #tpu.memory_space<hbm>> -> memref<1x4608xf32, #tpu.memory_space<hbm>>
      %dma_start3A_501 = tpu.memref_squeeze %dma_start3A_500 : memref<1x4608xf32, #tpu.memory_space<hbm>> -> memref<4608xf32, #tpu.memory_space<hbm>>
      %dma_start3A_502 = tpu.memref_slice %arg6[%dma_start3A_499, %mul3A_453] : memref<2x147456xf32, #tpu.memory_space<hbm>> -> memref<1x4608xf32, #tpu.memory_space<hbm>>
      %dma_start3A_503 = tpu.memref_squeeze %dma_start3A_502 : memref<1x4608xf32, #tpu.memory_space<hbm>> -> memref<4608xf32, #tpu.memory_space<hbm>>
      tpu.enqueue_dma source(%dma_start3A_503 : memref<4608xf32, #tpu.memory_space<hbm>>) target(%arg20 : memref<4608xf32, #tpu.memory_space<vmem>>) target_semaphore(%arg30 : memref<!tpu.dma_semaphore, #tpu.memory_space<semaphore_mem>>)
      %dma_start3A_504 = arith.constant 1 : i32
      %dma_start3A_505 = tpu.memref_slice %arg7[%dma_start3A_504, %mul3A_453] : memref<2x147456xf32, #tpu.memory_space<hbm>> -> memref<1x4608xf32, #tpu.memory_space<hbm>>
      %dma_start3A_506 = tpu.memref_squeeze %dma_start3A_505 : memref<1x4608xf32, #tpu.memory_space<hbm>> -> memref<4608xf32, #tpu.memory_space<hbm>>
      %dma_start3A_507 = tpu.memref_slice %arg7[%dma_start3A_504, %mul3A_453] : memref<2x147456xf32, #tpu.memory_space<hbm>> -> memref<1x4608xf32, #tpu.memory_space<hbm>>
      %dma_start3A_508 = tpu.memref_squeeze %dma_start3A_507 : memref<1x4608xf32, #tpu.memory_space<hbm>> -> memref<4608xf32, #tpu.memory_space<hbm>>
      tpu.enqueue_dma source(%dma_start3A_508 : memref<4608xf32, #tpu.memory_space<hbm>>) target(%arg21 : memref<4608xf32, #tpu.memory_space<vmem>>) target_semaphore(%arg30 : memref<!tpu.dma_semaphore, #tpu.memory_space<semaphore_mem>>)
      %dma_start3A_509 = arith.constant 1 : i32
      %dma_start3A_510 = tpu.memref_slice %arg8[%dma_start3A_509, %mul3A_453] : memref<2x147456xf32, #tpu.memory_space<hbm>> -> memref<1x4608xf32, #tpu.memory_space<hbm>>
      %dma_start3A_511 = tpu.memref_squeeze %dma_start3A_510 : memref<1x4608xf32, #tpu.memory_space<hbm>> -> memref<4608xf32, #tpu.memory_space<hbm>>
      %dma_start3A_512 = tpu.memref_slice %arg8[%dma_start3A_509, %mul3A_453] : memref<2x147456xf32, #tpu.memory_space<hbm>> -> memref<1x4608xf32, #tpu.memory_space<hbm>>
      %dma_start3A_513 = tpu.memref_squeeze %dma_start3A_512 : memref<1x4608xf32, #tpu.memory_space<hbm>> -> memref<4608xf32, #tpu.memory_space<hbm>>
      tpu.enqueue_dma source(%dma_start3A_513 : memref<4608xf32, #tpu.memory_space<hbm>>) target(%arg22 : memref<4608xf32, #tpu.memory_space<vmem>>) target_semaphore(%arg30 : memref<!tpu.dma_semaphore, #tpu.memory_space<semaphore_mem>>)
      %run_scoped3A_514 = arith.constant 1 : i32
      "tpu.region"() ({
        %run_scoped3A_583 = tpu.sem_alloc : memref<!tpu.dma_semaphore, #tpu.memory_space<semaphore_mem>>
        %dma_start3A_584 = tpu.memref_slice %arg2[%run_scoped3A_514, %mul3A_453] : memref<2x147456xi32, #tpu.memory_space<hbm>> -> memref<1x4608xi32, #tpu.memory_space<hbm>>
        %dma_start3A_585 = tpu.memref_squeeze %dma_start3A_584 : memref<1x4608xi32, #tpu.memory_space<hbm>> -> memref<4608xi32, #tpu.memory_space<hbm>>
        %dma_start3A_586 = tpu.memref_slice %arg2[%run_scoped3A_514, %mul3A_453] : memref<2x147456xi32, #tpu.memory_space<hbm>> -> memref<1x4608xi32, #tpu.memory_space<hbm>>
        %dma_start3A_587 = tpu.memref_squeeze %dma_start3A_586 : memref<1x4608xi32, #tpu.memory_space<hbm>> -> memref<4608xi32, #tpu.memory_space<hbm>>
        tpu.enqueue_dma source(%dma_start3A_587 : memref<4608xi32, #tpu.memory_space<hbm>>) target(%arg15 : memref<4608xi32, #tpu.memory_space<vmem>>) target_semaphore(%run_scoped3A_583 : memref<!tpu.dma_semaphore, #tpu.memory_space<semaphore_mem>>)
        %dma_wait3A_588 = tpu.memref_slice %arg2[%run_scoped3A_514, %mul3A_453] : memref<2x147456xi32, #tpu.memory_space<hbm>> -> memref<1x4608xi32, #tpu.memory_space<hbm>>
        %dma_wait3A_589 = tpu.memref_squeeze %dma_wait3A_588 : memref<1x4608xi32, #tpu.memory_space<hbm>> -> memref<4608xi32, #tpu.memory_space<hbm>>
        %dma_wait3A_590 = tpu.memref_slice %arg2[%run_scoped3A_514, %mul3A_453] : memref<2x147456xi32, #tpu.memory_space<hbm>> -> memref<1x4608xi32, #tpu.memory_space<hbm>>
        %dma_wait3A_591 = tpu.memref_squeeze %dma_wait3A_590 : memref<1x4608xi32, #tpu.memory_space<hbm>> -> memref<4608xi32, #tpu.memory_space<hbm>>
        tpu.wait_dma2 semaphore(%run_scoped3A_583 : memref<!tpu.dma_semaphore, #tpu.memory_space<semaphore_mem>>) src(%dma_wait3A_591 : memref<4608xi32, #tpu.memory_space<hbm>>) dst(%arg15 : memref<4608xi32, #tpu.memory_space<vmem>>)
        tpu.yield
      }) : () -> ()
      %scan3A_515 = arith.constant 0 : i32
      %scan3A_516 = arith.constant 0 : i32
      %scan3A_517 = arith.constant 36 : i32
      %scan3A_518 = arith.addi %scan3A_516, %scan3A_517 : i32
      %scan3A_519 = arith.constant 1 : i32
      %scan3A_520 = scf.for %scan3A_583 = %scan3A_516 to %scan3A_518 step %scan3A_519 iter_args(%scan3A_584 = %scan3A_515) -> (i32)  : i32 {
        %mul3A_585 = arith.constant 128 : i32
        %mul3A_586 = arith.muli %scan3A_583, %mul3A_585 : i32
        %add3A_587 = arith.constant 0 : i32
        %add3A_588 = arith.addi %mul3A_586, %add3A_587 : i32
        %get3A_589 = arith.index_cast %add3A_588 : i32 to index
        %get3A_590 = tpu.vector_load %arg15[%get3A_589] {strides = array<i32>} : memref<4608xi32, #tpu.memory_space<vmem>>, vector<16xi32>,
        %add3A_591 = arith.addi %mul3A_453, %add3A_588 : i32
        %add3A_592 = vector.broadcast %add3A_591 : i32 to vector<16xi32>
        %add3A_593 = arith.addi %add3A_592, %iota3A : vector<16xi32>
        %gt3A = vector.broadcast %reduce_sum3A_306 : i32 to vector<16xi32>
        %gt3A_594 = arith.cmpi sgt, %get3A_590, %gt3A : vector<16xi32>
        %eq3A_595 = vector.broadcast %reduce_sum3A_306 : i32 to vector<16xi32>
        %eq3A_596 = arith.cmpi eq, %get3A_590, %eq3A_595 : vector<16xi32>
        %le3A = vector.broadcast %reduce_sum3A_316 : i32 to vector<16xi32>
        %le3A_597 = arith.cmpi sle, %add3A_593, %le3A : vector<16xi32>
        %and3A_598 = arith.andi %eq3A_596, %le3A_597 : vector<16xi1>
        %or3A = arith.ori %gt3A_594, %and3A_598 : vector<16xi1>
        %convert_element_type3A_599 = arith.extui %or3A : vector<16xi1> to vector<16xi32>
        %broadcast_in_dim3A_600 = arith.constant true
        %broadcast_in_dim3A_601 = vector.broadcast %broadcast_in_dim3A_600 : i1 to vector<16xi1>
        %masked_cumsum3A = tpu.scan <sum>, %convert_element_type3A_599 masked %broadcast_in_dim3A_601 : vector<16xi32>, vector<16xi1> -> vector<16xi32>
        %add3A_602 = arith.constant 6272 : i32
        %add3A_603 = arith.addi %add3A_602, %reduce_sum3A_486 : i32
        %add3A_604 = arith.addi %add3A_603, %scan3A_584 : i32
        %sub3A = arith.subi %masked_cumsum3A, %convert_element_type3A_599 : vector<16xi32>
        %add3A_605 = vector.broadcast %add3A_604 : i32 to vector<16xi32>
        %add3A_606 = arith.addi %add3A_605, %sub3A : vector<16xi32>
        %broadcast_in_dim3A_607 = vector.broadcast %add3A_488 : i32 to vector<16xi32>
        %select_n3A_608 = arith.select %or3A, %add3A_606, %broadcast_in_dim3A_607 : vector<16xi1>, vector<16xi32>
        %swap3A = arith.index_cast %scan3A_583 : i32 to index
        %swap3A_609 = arith.constant 0 : index
        %swap3A_610 = tpu.vector_load %arg16[%swap3A, %swap3A_609] {strides = array<i32>} : memref<36x128xi32, #tpu.memory_space<vmem>>, vector<16xi32>,
        tpu.vector_store %arg16[%swap3A, %swap3A_609], %select_n3A_608 {strides = array<i32>} : memref<36x128xi32, #tpu.memory_space<vmem>>, vector<16xi32>,
        %reduce_sum3A_611 = arith.constant true
        %reduce_sum3A_612 = vector.broadcast %reduce_sum3A_611 : i1 to vector<16xi1>
        %reduce_sum3A_613 = tpu.scan <sum>, %convert_element_type3A_599 masked %reduce_sum3A_612 : vector<16xi32>, vector<16xi1> -> vector<16xi32>
        %reduce_sum3A_614 = vector.extract %reduce_sum3A_613[15] : i32 from vector<16xi32>
        %add3A_615 = arith.addi %scan3A_584, %reduce_sum3A_614 : i32
        %mul3A_616 = arith.constant 128 : i32
        %mul3A_617 = arith.muli %scan3A_583, %mul3A_616 : i32
        %add3A_618 = arith.constant 16 : i32
        %add3A_619 = arith.addi %mul3A_617, %add3A_618 : i32
        %get3A_620 = arith.index_cast %add3A_619 : i32 to index
        %get3A_621 = tpu.vector_load %arg15[%get3A_620] {strides = array<i32>} : memref<4608xi32, #tpu.memory_space<vmem>>, vector<16xi32>,
        %add3A_622 = arith.addi %mul3A_453, %add3A_619 : i32
        %add3A_623 = vector.broadcast %add3A_622 : i32 to vector<16xi32>
        %add3A_624 = arith.addi %add3A_623, %iota3A : vector<16xi32>
        %gt3A_625 = vector.broadcast %reduce_sum3A_306 : i32 to vector<16xi32>
        %gt3A_626 = arith.cmpi sgt, %get3A_621, %gt3A_625 : vector<16xi32>
        %eq3A_627 = vector.broadcast %reduce_sum3A_306 : i32 to vector<16xi32>
        %eq3A_628 = arith.cmpi eq, %get3A_621, %eq3A_627 : vector<16xi32>
        %le3A_629 = vector.broadcast %reduce_sum3A_316 : i32 to vector<16xi32>
        %le3A_630 = arith.cmpi sle, %add3A_624, %le3A_629 : vector<16xi32>
        %and3A_631 = arith.andi %eq3A_628, %le3A_630 : vector<16xi1>
        %or3A_632 = arith.ori %gt3A_626, %and3A_631 : vector<16xi1>
        %convert_element_type3A_633 = arith.extui %or3A_632 : vector<16xi1> to vector<16xi32>
        %broadcast_in_dim3A_634 = arith.constant true
        %broadcast_in_dim3A_635 = vector.broadcast %broadcast_in_dim3A_634 : i1 to vector<16xi1>
        %masked_cumsum3A_636 = tpu.scan <sum>, %convert_element_type3A_633 masked %broadcast_in_dim3A_635 : vector<16xi32>, vector<16xi1> -> vector<16xi32>
        %add3A_637 = arith.constant 6272 : i32
        %add3A_638 = arith.addi %add3A_637, %reduce_sum3A_486 : i32
        %add3A_639 = arith.addi %add3A_638, %add3A_615 : i32
        %sub3A_640 = arith.subi %masked_cumsum3A_636, %convert_element_type3A_633 : vector<16xi32>
        %add3A_641 = vector.broadcast %add3A_639 : i32 to vector<16xi32>
        %add3A_642 = arith.addi %add3A_641, %sub3A_640 : vector<16xi32>
        %broadcast_in_dim3A_643 = vector.broadcast %add3A_488 : i32 to vector<16xi32>
        %select_n3A_644 = arith.select %or3A_632, %add3A_642, %broadcast_in_dim3A_643 : vector<16xi1>, vector<16xi32>
        %swap3A_645 = arith.index_cast %scan3A_583 : i32 to index
        %swap3A_646 = arith.constant 16 : index
        %swap3A_647 = tpu.vector_load %arg16[%swap3A_645, %swap3A_646] {strides = array<i32>} : memref<36x128xi32, #tpu.memory_space<vmem>>, vector<16xi32>,
        tpu.vector_store %arg16[%swap3A_645, %swap3A_646], %select_n3A_644 {strides = array<i32>} : memref<36x128xi32, #tpu.memory_space<vmem>>, vector<16xi32>,
        %reduce_sum3A_648 = arith.constant true
        %reduce_sum3A_649 = vector.broadcast %reduce_sum3A_648 : i1 to vector<16xi1>
        %reduce_sum3A_650 = tpu.scan <sum>, %convert_element_type3A_633 masked %reduce_sum3A_649 : vector<16xi32>, vector<16xi1> -> vector<16xi32>
        %reduce_sum3A_651 = vector.extract %reduce_sum3A_650[15] : i32 from vector<16xi32>
        %add3A_652 = arith.addi %add3A_615, %reduce_sum3A_651 : i32
        %mul3A_653 = arith.constant 128 : i32
        %mul3A_654 = arith.muli %scan3A_583, %mul3A_653 : i32
        %add3A_655 = arith.constant 32 : i32
        %add3A_656 = arith.addi %mul3A_654, %add3A_655 : i32
        %get3A_657 = arith.index_cast %add3A_656 : i32 to index
        %get3A_658 = tpu.vector_load %arg15[%get3A_657] {strides = array<i32>} : memref<4608xi32, #tpu.memory_space<vmem>>, vector<16xi32>,
        %add3A_659 = arith.addi %mul3A_453, %add3A_656 : i32
        %add3A_660 = vector.broadcast %add3A_659 : i32 to vector<16xi32>
        %add3A_661 = arith.addi %add3A_660, %iota3A : vector<16xi32>
        %gt3A_662 = vector.broadcast %reduce_sum3A_306 : i32 to vector<16xi32>
        %gt3A_663 = arith.cmpi sgt, %get3A_658, %gt3A_662 : vector<16xi32>
        %eq3A_664 = vector.broadcast %reduce_sum3A_306 : i32 to vector<16xi32>
        %eq3A_665 = arith.cmpi eq, %get3A_658, %eq3A_664 : vector<16xi32>
        %le3A_666 = vector.broadcast %reduce_sum3A_316 : i32 to vector<16xi32>
        %le3A_667 = arith.cmpi sle, %add3A_661, %le3A_666 : vector<16xi32>
        %and3A_668 = arith.andi %eq3A_665, %le3A_667 : vector<16xi1>
        %or3A_669 = arith.ori %gt3A_663, %and3A_668 : vector<16xi1>
        %convert_element_type3A_670 = arith.extui %or3A_669 : vector<16xi1> to vector<16xi32>
        %broadcast_in_dim3A_671 = arith.constant true
        %broadcast_in_dim3A_672 = vector.broadcast %broadcast_in_dim3A_671 : i1 to vector<16xi1>
        %masked_cumsum3A_673 = tpu.scan <sum>, %convert_element_type3A_670 masked %broadcast_in_dim3A_672 : vector<16xi32>, vector<16xi1> -> vector<16xi32>
        %add3A_674 = arith.constant 6272 : i32
        %add3A_675 = arith.addi %add3A_674, %reduce_sum3A_486 : i32
        %add3A_676 = arith.addi %add3A_675, %add3A_652 : i32
        %sub3A_677 = arith.subi %masked_cumsum3A_673, %convert_element_type3A_670 : vector<16xi32>
        %add3A_678 = vector.broadcast %add3A_676 : i32 to vector<16xi32>
        %add3A_679 = arith.addi %add3A_678, %sub3A_677 : vector<16xi32>
        %broadcast_in_dim3A_680 = vector.broadcast %add3A_488 : i32 to vector<16xi32>
        %select_n3A_681 = arith.select %or3A_669, %add3A_679, %broadcast_in_dim3A_680 : vector<16xi1>, vector<16xi32>
        %swap3A_682 = arith.index_cast %scan3A_583 : i32 to index
        %swap3A_683 = arith.constant 32 : index
        %swap3A_684 = tpu.vector_load %arg16[%swap3A_682, %swap3A_683] {strides = array<i32>} : memref<36x128xi32, #tpu.memory_space<vmem>>, vector<16xi32>,
        tpu.vector_store %arg16[%swap3A_682, %swap3A_683], %select_n3A_681 {strides = array<i32>} : memref<36x128xi32, #tpu.memory_space<vmem>>, vector<16xi32>,
        %reduce_sum3A_685 = arith.constant true
        %reduce_sum3A_686 = vector.broadcast %reduce_sum3A_685 : i1 to vector<16xi1>
        %reduce_sum3A_687 = tpu.scan <sum>, %convert_element_type3A_670 masked %reduce_sum3A_686 : vector<16xi32>, vector<16xi1> -> vector<16xi32>
        %reduce_sum3A_688 = vector.extract %reduce_sum3A_687[15] : i32 from vector<16xi32>
        %add3A_689 = arith.addi %add3A_652, %reduce_sum3A_688 : i32
        %mul3A_690 = arith.constant 128 : i32
        %mul3A_691 = arith.muli %scan3A_583, %mul3A_690 : i32
        %add3A_692 = arith.constant 48 : i32
        %add3A_693 = arith.addi %mul3A_691, %add3A_692 : i32
        %get3A_694 = arith.index_cast %add3A_693 : i32 to index
        %get3A_695 = tpu.vector_load %arg15[%get3A_694] {strides = array<i32>} : memref<4608xi32, #tpu.memory_space<vmem>>, vector<16xi32>,
        %add3A_696 = arith.addi %mul3A_453, %add3A_693 : i32
        %add3A_697 = vector.broadcast %add3A_696 : i32 to vector<16xi32>
        %add3A_698 = arith.addi %add3A_697, %iota3A : vector<16xi32>
        %gt3A_699 = vector.broadcast %reduce_sum3A_306 : i32 to vector<16xi32>
        %gt3A_700 = arith.cmpi sgt, %get3A_695, %gt3A_699 : vector<16xi32>
        %eq3A_701 = vector.broadcast %reduce_sum3A_306 : i32 to vector<16xi32>
        %eq3A_702 = arith.cmpi eq, %get3A_695, %eq3A_701 : vector<16xi32>
        %le3A_703 = vector.broadcast %reduce_sum3A_316 : i32 to vector<16xi32>
        %le3A_704 = arith.cmpi sle, %add3A_698, %le3A_703 : vector<16xi32>
        %and3A_705 = arith.andi %eq3A_702, %le3A_704 : vector<16xi1>
        %or3A_706 = arith.ori %gt3A_700, %and3A_705 : vector<16xi1>
        %convert_element_type3A_707 = arith.extui %or3A_706 : vector<16xi1> to vector<16xi32>
        %broadcast_in_dim3A_708 = arith.constant true
        %broadcast_in_dim3A_709 = vector.broadcast %broadcast_in_dim3A_708 : i1 to vector<16xi1>
        %masked_cumsum3A_710 = tpu.scan <sum>, %convert_element_type3A_707 masked %broadcast_in_dim3A_709 : vector<16xi32>, vector<16xi1> -> vector<16xi32>
        %add3A_711 = arith.constant 6272 : i32
        %add3A_712 = arith.addi %add3A_711, %reduce_sum3A_486 : i32
        %add3A_713 = arith.addi %add3A_712, %add3A_689 : i32
        %sub3A_714 = arith.subi %masked_cumsum3A_710, %convert_element_type3A_707 : vector<16xi32>
        %add3A_715 = vector.broadcast %add3A_713 : i32 to vector<16xi32>
        %add3A_716 = arith.addi %add3A_715, %sub3A_714 : vector<16xi32>
        %broadcast_in_dim3A_717 = vector.broadcast %add3A_488 : i32 to vector<16xi32>
        %select_n3A_718 = arith.select %or3A_706, %add3A_716, %broadcast_in_dim3A_717 : vector<16xi1>, vector<16xi32>
        %swap3A_719 = arith.index_cast %scan3A_583 : i32 to index
        %swap3A_720 = arith.constant 48 : index
        %swap3A_721 = tpu.vector_load %arg16[%swap3A_719, %swap3A_720] {strides = array<i32>} : memref<36x128xi32, #tpu.memory_space<vmem>>, vector<16xi32>,
        tpu.vector_store %arg16[%swap3A_719, %swap3A_720], %select_n3A_718 {strides = array<i32>} : memref<36x128xi32, #tpu.memory_space<vmem>>, vector<16xi32>,
        %reduce_sum3A_722 = arith.constant true
        %reduce_sum3A_723 = vector.broadcast %reduce_sum3A_722 : i1 to vector<16xi1>
        %reduce_sum3A_724 = tpu.scan <sum>, %convert_element_type3A_707 masked %reduce_sum3A_723 : vector<16xi32>, vector<16xi1> -> vector<16xi32>
        %reduce_sum3A_725 = vector.extract %reduce_sum3A_724[15] : i32 from vector<16xi32>
        %add3A_726 = arith.addi %add3A_689, %reduce_sum3A_725 : i32
        %mul3A_727 = arith.constant 128 : i32
        %mul3A_728 = arith.muli %scan3A_583, %mul3A_727 : i32
        %add3A_729 = arith.constant 64 : i32
        %add3A_730 = arith.addi %mul3A_728, %add3A_729 : i32
        %get3A_731 = arith.index_cast %add3A_730 : i32 to index
        %get3A_732 = tpu.vector_load %arg15[%get3A_731] {strides = array<i32>} : memref<4608xi32, #tpu.memory_space<vmem>>, vector<16xi32>,
        %add3A_733 = arith.addi %mul3A_453, %add3A_730 : i32
        %add3A_734 = vector.broadcast %add3A_733 : i32 to vector<16xi32>
        %add3A_735 = arith.addi %add3A_734, %iota3A : vector<16xi32>
        %gt3A_736 = vector.broadcast %reduce_sum3A_306 : i32 to vector<16xi32>
        %gt3A_737 = arith.cmpi sgt, %get3A_732, %gt3A_736 : vector<16xi32>
        %eq3A_738 = vector.broadcast %reduce_sum3A_306 : i32 to vector<16xi32>
        %eq3A_739 = arith.cmpi eq, %get3A_732, %eq3A_738 : vector<16xi32>
        %le3A_740 = vector.broadcast %reduce_sum3A_316 : i32 to vector<16xi32>
        %le3A_741 = arith.cmpi sle, %add3A_735, %le3A_740 : vector<16xi32>
        %and3A_742 = arith.andi %eq3A_739, %le3A_741 : vector<16xi1>
        %or3A_743 = arith.ori %gt3A_737, %and3A_742 : vector<16xi1>
        %convert_element_type3A_744 = arith.extui %or3A_743 : vector<16xi1> to vector<16xi32>
        %broadcast_in_dim3A_745 = arith.constant true
        %broadcast_in_dim3A_746 = vector.broadcast %broadcast_in_dim3A_745 : i1 to vector<16xi1>
        %masked_cumsum3A_747 = tpu.scan <sum>, %convert_element_type3A_744 masked %broadcast_in_dim3A_746 : vector<16xi32>, vector<16xi1> -> vector<16xi32>
        %add3A_748 = arith.constant 6272 : i32
        %add3A_749 = arith.addi %add3A_748, %reduce_sum3A_486 : i32
        %add3A_750 = arith.addi %add3A_749, %add3A_726 : i32
        %sub3A_751 = arith.subi %masked_cumsum3A_747, %convert_element_type3A_744 : vector<16xi32>
        %add3A_752 = vector.broadcast %add3A_750 : i32 to vector<16xi32>
        %add3A_753 = arith.addi %add3A_752, %sub3A_751 : vector<16xi32>
        %broadcast_in_dim3A_754 = vector.broadcast %add3A_488 : i32 to vector<16xi32>
        %select_n3A_755 = arith.select %or3A_743, %add3A_753, %broadcast_in_dim3A_754 : vector<16xi1>, vector<16xi32>
        %swap3A_756 = arith.index_cast %scan3A_583 : i32 to index
        %swap3A_757 = arith.constant 64 : index
        %swap3A_758 = tpu.vector_load %arg16[%swap3A_756, %swap3A_757] {strides = array<i32>} : memref<36x128xi32, #tpu.memory_space<vmem>>, vector<16xi32>,
        tpu.vector_store %arg16[%swap3A_756, %swap3A_757], %select_n3A_755 {strides = array<i32>} : memref<36x128xi32, #tpu.memory_space<vmem>>, vector<16xi32>,
        %reduce_sum3A_759 = arith.constant true
        %reduce_sum3A_760 = vector.broadcast %reduce_sum3A_759 : i1 to vector<16xi1>
        %reduce_sum3A_761 = tpu.scan <sum>, %convert_element_type3A_744 masked %reduce_sum3A_760 : vector<16xi32>, vector<16xi1> -> vector<16xi32>
        %reduce_sum3A_762 = vector.extract %reduce_sum3A_761[15] : i32 from vector<16xi32>
        %add3A_763 = arith.addi %add3A_726, %reduce_sum3A_762 : i32
        %mul3A_764 = arith.constant 128 : i32
        %mul3A_765 = arith.muli %scan3A_583, %mul3A_764 : i32
        %add3A_766 = arith.constant 80 : i32
        %add3A_767 = arith.addi %mul3A_765, %add3A_766 : i32
        %get3A_768 = arith.index_cast %add3A_767 : i32 to index
        %get3A_769 = tpu.vector_load %arg15[%get3A_768] {strides = array<i32>} : memref<4608xi32, #tpu.memory_space<vmem>>, vector<16xi32>,
        %add3A_770 = arith.addi %mul3A_453, %add3A_767 : i32
        %add3A_771 = vector.broadcast %add3A_770 : i32 to vector<16xi32>
        %add3A_772 = arith.addi %add3A_771, %iota3A : vector<16xi32>
        %gt3A_773 = vector.broadcast %reduce_sum3A_306 : i32 to vector<16xi32>
        %gt3A_774 = arith.cmpi sgt, %get3A_769, %gt3A_773 : vector<16xi32>
        %eq3A_775 = vector.broadcast %reduce_sum3A_306 : i32 to vector<16xi32>
        %eq3A_776 = arith.cmpi eq, %get3A_769, %eq3A_775 : vector<16xi32>
        %le3A_777 = vector.broadcast %reduce_sum3A_316 : i32 to vector<16xi32>
        %le3A_778 = arith.cmpi sle, %add3A_772, %le3A_777 : vector<16xi32>
        %and3A_779 = arith.andi %eq3A_776, %le3A_778 : vector<16xi1>
        %or3A_780 = arith.ori %gt3A_774, %and3A_779 : vector<16xi1>
        %convert_element_type3A_781 = arith.extui %or3A_780 : vector<16xi1> to vector<16xi32>
        %broadcast_in_dim3A_782 = arith.constant true
        %broadcast_in_dim3A_783 = vector.broadcast %broadcast_in_dim3A_782 : i1 to vector<16xi1>
        %masked_cumsum3A_784 = tpu.scan <sum>, %convert_element_type3A_781 masked %broadcast_in_dim3A_783 : vector<16xi32>, vector<16xi1> -> vector<16xi32>
        %add3A_785 = arith.constant 6272 : i32
        %add3A_786 = arith.addi %add3A_785, %reduce_sum3A_486 : i32
        %add3A_787 = arith.addi %add3A_786, %add3A_763 : i32
        %sub3A_788 = arith.subi %masked_cumsum3A_784, %convert_element_type3A_781 : vector<16xi32>
        %add3A_789 = vector.broadcast %add3A_787 : i32 to vector<16xi32>
        %add3A_790 = arith.addi %add3A_789, %sub3A_788 : vector<16xi32>
        %broadcast_in_dim3A_791 = vector.broadcast %add3A_488 : i32 to vector<16xi32>
        %select_n3A_792 = arith.select %or3A_780, %add3A_790, %broadcast_in_dim3A_791 : vector<16xi1>, vector<16xi32>
        %swap3A_793 = arith.index_cast %scan3A_583 : i32 to index
        %swap3A_794 = arith.constant 80 : index
        %swap3A_795 = tpu.vector_load %arg16[%swap3A_793, %swap3A_794] {strides = array<i32>} : memref<36x128xi32, #tpu.memory_space<vmem>>, vector<16xi32>,
        tpu.vector_store %arg16[%swap3A_793, %swap3A_794], %select_n3A_792 {strides = array<i32>} : memref<36x128xi32, #tpu.memory_space<vmem>>, vector<16xi32>,
        %reduce_sum3A_796 = arith.constant true
        %reduce_sum3A_797 = vector.broadcast %reduce_sum3A_796 : i1 to vector<16xi1>
        %reduce_sum3A_798 = tpu.scan <sum>, %convert_element_type3A_781 masked %reduce_sum3A_797 : vector<16xi32>, vector<16xi1> -> vector<16xi32>
        %reduce_sum3A_799 = vector.extract %reduce_sum3A_798[15] : i32 from vector<16xi32>
        %add3A_800 = arith.addi %add3A_763, %reduce_sum3A_799 : i32
        %mul3A_801 = arith.constant 128 : i32
        %mul3A_802 = arith.muli %scan3A_583, %mul3A_801 : i32
        %add3A_803 = arith.constant 96 : i32
        %add3A_804 = arith.addi %mul3A_802, %add3A_803 : i32
        %get3A_805 = arith.index_cast %add3A_804 : i32 to index
        %get3A_806 = tpu.vector_load %arg15[%get3A_805] {strides = array<i32>} : memref<4608xi32, #tpu.memory_space<vmem>>, vector<16xi32>,
        %add3A_807 = arith.addi %mul3A_453, %add3A_804 : i32
        %add3A_808 = vector.broadcast %add3A_807 : i32 to vector<16xi32>
        %add3A_809 = arith.addi %add3A_808, %iota3A : vector<16xi32>
        %gt3A_810 = vector.broadcast %reduce_sum3A_306 : i32 to vector<16xi32>
        %gt3A_811 = arith.cmpi sgt, %get3A_806, %gt3A_810 : vector<16xi32>
        %eq3A_812 = vector.broadcast %reduce_sum3A_306 : i32 to vector<16xi32>
        %eq3A_813 = arith.cmpi eq, %get3A_806, %eq3A_812 : vector<16xi32>
        %le3A_814 = vector.broadcast %reduce_sum3A_316 : i32 to vector<16xi32>
        %le3A_815 = arith.cmpi sle, %add3A_809, %le3A_814 : vector<16xi32>
        %and3A_816 = arith.andi %eq3A_813, %le3A_815 : vector<16xi1>
        %or3A_817 = arith.ori %gt3A_811, %and3A_816 : vector<16xi1>
        %convert_element_type3A_818 = arith.extui %or3A_817 : vector<16xi1> to vector<16xi32>
        %broadcast_in_dim3A_819 = arith.constant true
        %broadcast_in_dim3A_820 = vector.broadcast %broadcast_in_dim3A_819 : i1 to vector<16xi1>
        %masked_cumsum3A_821 = tpu.scan <sum>, %convert_element_type3A_818 masked %broadcast_in_dim3A_820 : vector<16xi32>, vector<16xi1> -> vector<16xi32>
        %add3A_822 = arith.constant 6272 : i32
        %add3A_823 = arith.addi %add3A_822, %reduce_sum3A_486 : i32
        %add3A_824 = arith.addi %add3A_823, %add3A_800 : i32
        %sub3A_825 = arith.subi %masked_cumsum3A_821, %convert_element_type3A_818 : vector<16xi32>
        %add3A_826 = vector.broadcast %add3A_824 : i32 to vector<16xi32>
        %add3A_827 = arith.addi %add3A_826, %sub3A_825 : vector<16xi32>
        %broadcast_in_dim3A_828 = vector.broadcast %add3A_488 : i32 to vector<16xi32>
        %select_n3A_829 = arith.select %or3A_817, %add3A_827, %broadcast_in_dim3A_828 : vector<16xi1>, vector<16xi32>
        %swap3A_830 = arith.index_cast %scan3A_583 : i32 to index
        %swap3A_831 = arith.constant 96 : index
        %swap3A_832 = tpu.vector_load %arg16[%swap3A_830, %swap3A_831] {strides = array<i32>} : memref<36x128xi32, #tpu.memory_space<vmem>>, vector<16xi32>,
        tpu.vector_store %arg16[%swap3A_830, %swap3A_831], %select_n3A_829 {strides = array<i32>} : memref<36x128xi32, #tpu.memory_space<vmem>>, vector<16xi32>,
        %reduce_sum3A_833 = arith.constant true
        %reduce_sum3A_834 = vector.broadcast %reduce_sum3A_833 : i1 to vector<16xi1>
        %reduce_sum3A_835 = tpu.scan <sum>, %convert_element_type3A_818 masked %reduce_sum3A_834 : vector<16xi32>, vector<16xi1> -> vector<16xi32>
        %reduce_sum3A_836 = vector.extract %reduce_sum3A_835[15] : i32 from vector<16xi32>
        %add3A_837 = arith.addi %add3A_800, %reduce_sum3A_836 : i32
        %mul3A_838 = arith.constant 128 : i32
        %mul3A_839 = arith.muli %scan3A_583, %mul3A_838 : i32
        %add3A_840 = arith.constant 112 : i32
        %add3A_841 = arith.addi %mul3A_839, %add3A_840 : i32
        %get3A_842 = arith.index_cast %add3A_841 : i32 to index
        %get3A_843 = tpu.vector_load %arg15[%get3A_842] {strides = array<i32>} : memref<4608xi32, #tpu.memory_space<vmem>>, vector<16xi32>,
        %add3A_844 = arith.addi %mul3A_453, %add3A_841 : i32
        %add3A_845 = vector.broadcast %add3A_844 : i32 to vector<16xi32>
        %add3A_846 = arith.addi %add3A_845, %iota3A : vector<16xi32>
        %gt3A_847 = vector.broadcast %reduce_sum3A_306 : i32 to vector<16xi32>
        %gt3A_848 = arith.cmpi sgt, %get3A_843, %gt3A_847 : vector<16xi32>
        %eq3A_849 = vector.broadcast %reduce_sum3A_306 : i32 to vector<16xi32>
        %eq3A_850 = arith.cmpi eq, %get3A_843, %eq3A_849 : vector<16xi32>
        %le3A_851 = vector.broadcast %reduce_sum3A_316 : i32 to vector<16xi32>
        %le3A_852 = arith.cmpi sle, %add3A_846, %le3A_851 : vector<16xi32>
        %and3A_853 = arith.andi %eq3A_850, %le3A_852 : vector<16xi1>
        %or3A_854 = arith.ori %gt3A_848, %and3A_853 : vector<16xi1>
        %convert_element_type3A_855 = arith.extui %or3A_854 : vector<16xi1> to vector<16xi32>
        %broadcast_in_dim3A_856 = arith.constant true
        %broadcast_in_dim3A_857 = vector.broadcast %broadcast_in_dim3A_856 : i1 to vector<16xi1>
        %masked_cumsum3A_858 = tpu.scan <sum>, %convert_element_type3A_855 masked %broadcast_in_dim3A_857 : vector<16xi32>, vector<16xi1> -> vector<16xi32>
        %add3A_859 = arith.constant 6272 : i32
        %add3A_860 = arith.addi %add3A_859, %reduce_sum3A_486 : i32
        %add3A_861 = arith.addi %add3A_860, %add3A_837 : i32
        %sub3A_862 = arith.subi %masked_cumsum3A_858, %convert_element_type3A_855 : vector<16xi32>
        %add3A_863 = vector.broadcast %add3A_861 : i32 to vector<16xi32>
        %add3A_864 = arith.addi %add3A_863, %sub3A_862 : vector<16xi32>
        %broadcast_in_dim3A_865 = vector.broadcast %add3A_488 : i32 to vector<16xi32>
        %select_n3A_866 = arith.select %or3A_854, %add3A_864, %broadcast_in_dim3A_865 : vector<16xi1>, vector<16xi32>
        %swap3A_867 = arith.index_cast %scan3A_583 : i32 to index
        %swap3A_868 = arith.constant 112 : index
        %swap3A_869 = tpu.vector_load %arg16[%swap3A_867, %swap3A_868] {strides = array<i32>} : memref<36x128xi32, #tpu.memory_space<vmem>>, vector<16xi32>,
        tpu.vector_store %arg16[%swap3A_867, %swap3A_868], %select_n3A_866 {strides = array<i32>} : memref<36x128xi32, #tpu.memory_space<vmem>>, vector<16xi32>,
        %reduce_sum3A_870 = arith.constant true
        %reduce_sum3A_871 = vector.broadcast %reduce_sum3A_870 : i1 to vector<16xi1>
        %reduce_sum3A_872 = tpu.scan <sum>, %convert_element_type3A_855 masked %reduce_sum3A_871 : vector<16xi32>, vector<16xi1> -> vector<16xi32>
        %reduce_sum3A_873 = vector.extract %reduce_sum3A_872[15] : i32 from vector<16xi32>
        %add3A_874 = arith.addi %add3A_837, %reduce_sum3A_873 : i32
        scf.yield %add3A_874 : i32
      }
      %scan3A_521 = arith.constant 36 : i32
      %dma_wait3A_522 = arith.constant 1 : i32
      %dma_wait3A_523 = tpu.memref_slice %arg4[%dma_wait3A_522, %mul3A_453] : memref<2x147456xf32, #tpu.memory_space<hbm>> -> memref<1x4608xf32, #tpu.memory_space<hbm>>
      %dma_wait3A_524 = tpu.memref_squeeze %dma_wait3A_523 : memref<1x4608xf32, #tpu.memory_space<hbm>> -> memref<4608xf32, #tpu.memory_space<hbm>>
      %dma_wait3A_525 = tpu.memref_slice %arg4[%dma_wait3A_522, %mul3A_453] : memref<2x147456xf32, #tpu.memory_space<hbm>> -> memref<1x4608xf32, #tpu.memory_space<hbm>>
      %dma_wait3A_526 = tpu.memref_squeeze %dma_wait3A_525 : memref<1x4608xf32, #tpu.memory_space<hbm>> -> memref<4608xf32, #tpu.memory_space<hbm>>
      tpu.wait_dma2 semaphore(%arg30 : memref<!tpu.dma_semaphore, #tpu.memory_space<semaphore_mem>>) src(%dma_wait3A_526 : memref<4608xf32, #tpu.memory_space<hbm>>) dst(%arg18 : memref<4608xf32, #tpu.memory_space<vmem>>)
      %dma_wait3A_527 = arith.constant 1 : i32
      %dma_wait3A_528 = tpu.memref_slice %arg5[%dma_wait3A_527, %mul3A_453] : memref<2x147456xf32, #tpu.memory_space<hbm>> -> memref<1x4608xf32, #tpu.memory_space<hbm>>
      %dma_wait3A_529 = tpu.memref_squeeze %dma_wait3A_528 : memref<1x4608xf32, #tpu.memory_space<hbm>> -> memref<4608xf32, #tpu.memory_space<hbm>>
      %dma_wait3A_530 = tpu.memref_slice %arg5[%dma_wait3A_527, %mul3A_453] : memref<2x147456xf32, #tpu.memory_space<hbm>> -> memref<1x4608xf32, #tpu.memory_space<hbm>>
      %dma_wait3A_531 = tpu.memref_squeeze %dma_wait3A_530 : memref<1x4608xf32, #tpu.memory_space<hbm>> -> memref<4608xf32, #tpu.memory_space<hbm>>
      tpu.wait_dma2 semaphore(%arg30 : memref<!tpu.dma_semaphore, #tpu.memory_space<semaphore_mem>>) src(%dma_wait3A_531 : memref<4608xf32, #tpu.memory_space<hbm>>) dst(%arg19 : memref<4608xf32, #tpu.memory_space<vmem>>)
      %dma_wait3A_532 = arith.constant 1 : i32
      %dma_wait3A_533 = tpu.memref_slice %arg6[%dma_wait3A_532, %mul3A_453] : memref<2x147456xf32, #tpu.memory_space<hbm>> -> memref<1x4608xf32, #tpu.memory_space<hbm>>
      %dma_wait3A_534 = tpu.memref_squeeze %dma_wait3A_533 : memref<1x4608xf32, #tpu.memory_space<hbm>> -> memref<4608xf32, #tpu.memory_space<hbm>>
      %dma_wait3A_535 = tpu.memref_slice %arg6[%dma_wait3A_532, %mul3A_453] : memref<2x147456xf32, #tpu.memory_space<hbm>> -> memref<1x4608xf32, #tpu.memory_space<hbm>>
      %dma_wait3A_536 = tpu.memref_squeeze %dma_wait3A_535 : memref<1x4608xf32, #tpu.memory_space<hbm>> -> memref<4608xf32, #tpu.memory_space<hbm>>
      tpu.wait_dma2 semaphore(%arg30 : memref<!tpu.dma_semaphore, #tpu.memory_space<semaphore_mem>>) src(%dma_wait3A_536 : memref<4608xf32, #tpu.memory_space<hbm>>) dst(%arg20 : memref<4608xf32, #tpu.memory_space<vmem>>)
      %dma_wait3A_537 = arith.constant 1 : i32
      %dma_wait3A_538 = tpu.memref_slice %arg7[%dma_wait3A_537, %mul3A_453] : memref<2x147456xf32, #tpu.memory_space<hbm>> -> memref<1x4608xf32, #tpu.memory_space<hbm>>
      %dma_wait3A_539 = tpu.memref_squeeze %dma_wait3A_538 : memref<1x4608xf32, #tpu.memory_space<hbm>> -> memref<4608xf32, #tpu.memory_space<hbm>>
      %dma_wait3A_540 = tpu.memref_slice %arg7[%dma_wait3A_537, %mul3A_453] : memref<2x147456xf32, #tpu.memory_space<hbm>> -> memref<1x4608xf32, #tpu.memory_space<hbm>>
      %dma_wait3A_541 = tpu.memref_squeeze %dma_wait3A_540 : memref<1x4608xf32, #tpu.memory_space<hbm>> -> memref<4608xf32, #tpu.memory_space<hbm>>
      tpu.wait_dma2 semaphore(%arg30 : memref<!tpu.dma_semaphore, #tpu.memory_space<semaphore_mem>>) src(%dma_wait3A_541 : memref<4608xf32, #tpu.memory_space<hbm>>) dst(%arg21 : memref<4608xf32, #tpu.memory_space<vmem>>)
      %dma_wait3A_542 = arith.constant 1 : i32
      %dma_wait3A_543 = tpu.memref_slice %arg8[%dma_wait3A_542, %mul3A_453] : memref<2x147456xf32, #tpu.memory_space<hbm>> -> memref<1x4608xf32, #tpu.memory_space<hbm>>
      %dma_wait3A_544 = tpu.memref_squeeze %dma_wait3A_543 : memref<1x4608xf32, #tpu.memory_space<hbm>> -> memref<4608xf32, #tpu.memory_space<hbm>>
      %dma_wait3A_545 = tpu.memref_slice %arg8[%dma_wait3A_542, %mul3A_453] : memref<2x147456xf32, #tpu.memory_space<hbm>> -> memref<1x4608xf32, #tpu.memory_space<hbm>>
      %dma_wait3A_546 = tpu.memref_squeeze %dma_wait3A_545 : memref<1x4608xf32, #tpu.memory_space<hbm>> -> memref<4608xf32, #tpu.memory_space<hbm>>
      tpu.wait_dma2 semaphore(%arg30 : memref<!tpu.dma_semaphore, #tpu.memory_space<semaphore_mem>>) src(%dma_wait3A_546 : memref<4608xf32, #tpu.memory_space<hbm>>) dst(%arg22 : memref<4608xf32, #tpu.memory_space<vmem>>)
      %scan3A_547 = arith.constant 0 : i32
      %scan3A_548 = arith.constant 0 : i32
      %scan3A_549 = arith.constant 36 : i32
      %scan3A_550 = arith.addi %scan3A_548, %scan3A_549 : i32
      %scan3A_551 = arith.constant 1 : i32
      scf.for %scan3A_583 = %scan3A_548 to %scan3A_550 step %scan3A_551  : i32 {
        %mul3A_584 = arith.constant 128 : i32
        %mul3A_585 = arith.muli %scan3A_583, %mul3A_584 : i32
        %dma_start3A_586 = tpu.memref_slice %arg18[%mul3A_585] : memref<4608xf32, #tpu.memory_space<vmem>> -> memref<128xf32, #tpu.memory_space<vmem>>
        %dma_start3A_587 = arith.constant 0 : i32
        %dma_start3A_588 = tpu.memref_slice %arg16[%scan3A_583, %dma_start3A_587] : memref<36x128xi32, #tpu.memory_space<vmem>> -> memref<1x128xi32, #tpu.memory_space<vmem>>
        %dma_start3A_589 = tpu.memref_squeeze %dma_start3A_588 : memref<1x128xi32, #tpu.memory_space<vmem>> -> memref<128xi32, #tpu.memory_space<vmem>>
        %dma_start3A_590 = arith.constant 0 : i32
        %dma_start3A_591 = tpu.memref_slice %arg23[%dma_start3A_590] : memref<12544xf32, #tpu.memory_space<vmem_shared>> -> memref<12544xf32, #tpu.memory_space<vmem_shared>>
        tpu.enqueue_indirect_dma source(%dma_start3A_586 : memref<128xf32, #tpu.memory_space<vmem>>) target(%dma_start3A_591 : memref<12544xf32, #tpu.memory_space<vmem_shared>>) offsets(%dma_start3A_589 : memref<128xi32, #tpu.memory_space<vmem>>) semaphore(%arg29 : memref<!tpu.dma_semaphore, #tpu.memory_space<semaphore_mem>>)
        %mul3A_592 = arith.constant 128 : i32
        %mul3A_593 = arith.muli %scan3A_583, %mul3A_592 : i32
        %dma_start3A_594 = tpu.memref_slice %arg19[%mul3A_593] : memref<4608xf32, #tpu.memory_space<vmem>> -> memref<128xf32, #tpu.memory_space<vmem>>
        %dma_start3A_595 = arith.constant 0 : i32
        %dma_start3A_596 = tpu.memref_slice %arg16[%scan3A_583, %dma_start3A_595] : memref<36x128xi32, #tpu.memory_space<vmem>> -> memref<1x128xi32, #tpu.memory_space<vmem>>
        %dma_start3A_597 = tpu.memref_squeeze %dma_start3A_596 : memref<1x128xi32, #tpu.memory_space<vmem>> -> memref<128xi32, #tpu.memory_space<vmem>>
        %dma_start3A_598 = arith.constant 0 : i32
        %dma_start3A_599 = tpu.memref_slice %arg24[%dma_start3A_598] : memref<12544xf32, #tpu.memory_space<vmem_shared>> -> memref<12544xf32, #tpu.memory_space<vmem_shared>>
        tpu.enqueue_indirect_dma source(%dma_start3A_594 : memref<128xf32, #tpu.memory_space<vmem>>) target(%dma_start3A_599 : memref<12544xf32, #tpu.memory_space<vmem_shared>>) offsets(%dma_start3A_597 : memref<128xi32, #tpu.memory_space<vmem>>) semaphore(%arg29 : memref<!tpu.dma_semaphore, #tpu.memory_space<semaphore_mem>>)
        %mul3A_600 = arith.constant 128 : i32
        %mul3A_601 = arith.muli %scan3A_583, %mul3A_600 : i32
        %dma_start3A_602 = tpu.memref_slice %arg20[%mul3A_601] : memref<4608xf32, #tpu.memory_space<vmem>> -> memref<128xf32, #tpu.memory_space<vmem>>
        %dma_start3A_603 = arith.constant 0 : i32
        %dma_start3A_604 = tpu.memref_slice %arg16[%scan3A_583, %dma_start3A_603] : memref<36x128xi32, #tpu.memory_space<vmem>> -> memref<1x128xi32, #tpu.memory_space<vmem>>
        %dma_start3A_605 = tpu.memref_squeeze %dma_start3A_604 : memref<1x128xi32, #tpu.memory_space<vmem>> -> memref<128xi32, #tpu.memory_space<vmem>>
        %dma_start3A_606 = arith.constant 0 : i32
        %dma_start3A_607 = tpu.memref_slice %arg25[%dma_start3A_606] : memref<12544xf32, #tpu.memory_space<vmem_shared>> -> memref<12544xf32, #tpu.memory_space<vmem_shared>>
        tpu.enqueue_indirect_dma source(%dma_start3A_602 : memref<128xf32, #tpu.memory_space<vmem>>) target(%dma_start3A_607 : memref<12544xf32, #tpu.memory_space<vmem_shared>>) offsets(%dma_start3A_605 : memref<128xi32, #tpu.memory_space<vmem>>) semaphore(%arg29 : memref<!tpu.dma_semaphore, #tpu.memory_space<semaphore_mem>>)
        %mul3A_608 = arith.constant 128 : i32
        %mul3A_609 = arith.muli %scan3A_583, %mul3A_608 : i32
        %dma_start3A_610 = tpu.memref_slice %arg21[%mul3A_609] : memref<4608xf32, #tpu.memory_space<vmem>> -> memref<128xf32, #tpu.memory_space<vmem>>
        %dma_start3A_611 = arith.constant 0 : i32
        %dma_start3A_612 = tpu.memref_slice %arg16[%scan3A_583, %dma_start3A_611] : memref<36x128xi32, #tpu.memory_space<vmem>> -> memref<1x128xi32, #tpu.memory_space<vmem>>
        %dma_start3A_613 = tpu.memref_squeeze %dma_start3A_612 : memref<1x128xi32, #tpu.memory_space<vmem>> -> memref<128xi32, #tpu.memory_space<vmem>>
        %dma_start3A_614 = arith.constant 0 : i32
        %dma_start3A_615 = tpu.memref_slice %arg26[%dma_start3A_614] : memref<12544xf32, #tpu.memory_space<vmem_shared>> -> memref<12544xf32, #tpu.memory_space<vmem_shared>>
        tpu.enqueue_indirect_dma source(%dma_start3A_610 : memref<128xf32, #tpu.memory_space<vmem>>) target(%dma_start3A_615 : memref<12544xf32, #tpu.memory_space<vmem_shared>>) offsets(%dma_start3A_613 : memref<128xi32, #tpu.memory_space<vmem>>) semaphore(%arg29 : memref<!tpu.dma_semaphore, #tpu.memory_space<semaphore_mem>>)
        %mul3A_616 = arith.constant 128 : i32
        %mul3A_617 = arith.muli %scan3A_583, %mul3A_616 : i32
        %dma_start3A_618 = tpu.memref_slice %arg22[%mul3A_617] : memref<4608xf32, #tpu.memory_space<vmem>> -> memref<128xf32, #tpu.memory_space<vmem>>
        %dma_start3A_619 = arith.constant 0 : i32
        %dma_start3A_620 = tpu.memref_slice %arg16[%scan3A_583, %dma_start3A_619] : memref<36x128xi32, #tpu.memory_space<vmem>> -> memref<1x128xi32, #tpu.memory_space<vmem>>
        %dma_start3A_621 = tpu.memref_squeeze %dma_start3A_620 : memref<1x128xi32, #tpu.memory_space<vmem>> -> memref<128xi32, #tpu.memory_space<vmem>>
        %dma_start3A_622 = arith.constant 0 : i32
        %dma_start3A_623 = tpu.memref_slice %arg27[%dma_start3A_622] : memref<12544xf32, #tpu.memory_space<vmem_shared>> -> memref<12544xf32, #tpu.memory_space<vmem_shared>>
        tpu.enqueue_indirect_dma source(%dma_start3A_618 : memref<128xf32, #tpu.memory_space<vmem>>) target(%dma_start3A_623 : memref<12544xf32, #tpu.memory_space<vmem_shared>>) offsets(%dma_start3A_621 : memref<128xi32, #tpu.memory_space<vmem>>) semaphore(%arg29 : memref<!tpu.dma_semaphore, #tpu.memory_space<semaphore_mem>>)
        %mul3A_624 = arith.constant 128 : i32
        %mul3A_625 = arith.muli %scan3A_583, %mul3A_624 : i32
        %dma_start3A_626 = tpu.memref_slice %arg15[%mul3A_625] : memref<4608xi32, #tpu.memory_space<vmem>> -> memref<128xi32, #tpu.memory_space<vmem>>
        %dma_start3A_627 = arith.constant 0 : i32
        %dma_start3A_628 = tpu.memref_slice %arg16[%scan3A_583, %dma_start3A_627] : memref<36x128xi32, #tpu.memory_space<vmem>> -> memref<1x128xi32, #tpu.memory_space<vmem>>
        %dma_start3A_629 = tpu.memref_squeeze %dma_start3A_628 : memref<1x128xi32, #tpu.memory_space<vmem>> -> memref<128xi32, #tpu.memory_space<vmem>>
        %dma_start3A_630 = arith.constant 0 : i32
        %dma_start3A_631 = tpu.memref_slice %arg28[%dma_start3A_630] : memref<12544xi32, #tpu.memory_space<vmem_shared>> -> memref<12544xi32, #tpu.memory_space<vmem_shared>>
        tpu.enqueue_indirect_dma source(%dma_start3A_626 : memref<128xi32, #tpu.memory_space<vmem>>) target(%dma_start3A_631 : memref<12544xi32, #tpu.memory_space<vmem_shared>>) offsets(%dma_start3A_629 : memref<128xi32, #tpu.memory_space<vmem>>) semaphore(%arg29 : memref<!tpu.dma_semaphore, #tpu.memory_space<semaphore_mem>>)
      }
      %scan3A_552 = arith.constant 36 : i32
      %dma_wait3A_553 = arith.constant 1 : i32
      %dma_wait3A_554 = tpu.memref_slice %arg2[%dma_wait3A_553, %mul3A_453] : memref<2x147456xi32, #tpu.memory_space<hbm>> -> memref<1x4608xi32, #tpu.memory_space<hbm>>
      %dma_wait3A_555 = tpu.memref_squeeze %dma_wait3A_554 : memref<1x4608xi32, #tpu.memory_space<hbm>> -> memref<4608xi32, #tpu.memory_space<hbm>>
      %dma_wait3A_556 = tpu.memref_slice %arg2[%dma_wait3A_553, %mul3A_453] : memref<2x147456xi32, #tpu.memory_space<hbm>> -> memref<1x4608xi32, #tpu.memory_space<hbm>>
      %dma_wait3A_557 = tpu.memref_squeeze %dma_wait3A_556 : memref<1x4608xi32, #tpu.memory_space<hbm>> -> memref<4608xi32, #tpu.memory_space<hbm>>
      tpu.wait_dma2 semaphore(%arg29 : memref<!tpu.dma_semaphore, #tpu.memory_space<semaphore_mem>>) src(%dma_wait3A_557 : memref<4608xi32, #tpu.memory_space<hbm>>) dst(%arg15 : memref<4608xi32, #tpu.memory_space<vmem>>)
      %dma_wait3A_558 = arith.constant 1 : i32
      %dma_wait3A_559 = tpu.memref_slice %arg2[%dma_wait3A_558, %mul3A_453] : memref<2x147456xi32, #tpu.memory_space<hbm>> -> memref<1x4608xi32, #tpu.memory_space<hbm>>
      %dma_wait3A_560 = tpu.memref_squeeze %dma_wait3A_559 : memref<1x4608xi32, #tpu.memory_space<hbm>> -> memref<4608xi32, #tpu.memory_space<hbm>>
      %dma_wait3A_561 = tpu.memref_slice %arg2[%dma_wait3A_558, %mul3A_453] : memref<2x147456xi32, #tpu.memory_space<hbm>> -> memref<1x4608xi32, #tpu.memory_space<hbm>>
      %dma_wait3A_562 = tpu.memref_squeeze %dma_wait3A_561 : memref<1x4608xi32, #tpu.memory_space<hbm>> -> memref<4608xi32, #tpu.memory_space<hbm>>
      tpu.wait_dma2 semaphore(%arg29 : memref<!tpu.dma_semaphore, #tpu.memory_space<semaphore_mem>>) src(%dma_wait3A_562 : memref<4608xi32, #tpu.memory_space<hbm>>) dst(%arg15 : memref<4608xi32, #tpu.memory_space<vmem>>)
      %dma_wait3A_563 = arith.constant 1 : i32
      %dma_wait3A_564 = tpu.memref_slice %arg2[%dma_wait3A_563, %mul3A_453] : memref<2x147456xi32, #tpu.memory_space<hbm>> -> memref<1x4608xi32, #tpu.memory_space<hbm>>
      %dma_wait3A_565 = tpu.memref_squeeze %dma_wait3A_564 : memref<1x4608xi32, #tpu.memory_space<hbm>> -> memref<4608xi32, #tpu.memory_space<hbm>>
      %dma_wait3A_566 = tpu.memref_slice %arg2[%dma_wait3A_563, %mul3A_453] : memref<2x147456xi32, #tpu.memory_space<hbm>> -> memref<1x4608xi32, #tpu.memory_space<hbm>>
      %dma_wait3A_567 = tpu.memref_squeeze %dma_wait3A_566 : memref<1x4608xi32, #tpu.memory_space<hbm>> -> memref<4608xi32, #tpu.memory_space<hbm>>
      tpu.wait_dma2 semaphore(%arg29 : memref<!tpu.dma_semaphore, #tpu.memory_space<semaphore_mem>>) src(%dma_wait3A_567 : memref<4608xi32, #tpu.memory_space<hbm>>) dst(%arg15 : memref<4608xi32, #tpu.memory_space<vmem>>)
      %dma_wait3A_568 = arith.constant 1 : i32
      %dma_wait3A_569 = tpu.memref_slice %arg2[%dma_wait3A_568, %mul3A_453] : memref<2x147456xi32, #tpu.memory_space<hbm>> -> memref<1x4608xi32, #tpu.memory_space<hbm>>
      %dma_wait3A_570 = tpu.memref_squeeze %dma_wait3A_569 : memref<1x4608xi32, #tpu.memory_space<hbm>> -> memref<4608xi32, #tpu.memory_space<hbm>>
      %dma_wait3A_571 = tpu.memref_slice %arg2[%dma_wait3A_568, %mul3A_453] : memref<2x147456xi32, #tpu.memory_space<hbm>> -> memref<1x4608xi32, #tpu.memory_space<hbm>>
      %dma_wait3A_572 = tpu.memref_squeeze %dma_wait3A_571 : memref<1x4608xi32, #tpu.memory_space<hbm>> -> memref<4608xi32, #tpu.memory_space<hbm>>
      tpu.wait_dma2 semaphore(%arg29 : memref<!tpu.dma_semaphore, #tpu.memory_space<semaphore_mem>>) src(%dma_wait3A_572 : memref<4608xi32, #tpu.memory_space<hbm>>) dst(%arg15 : memref<4608xi32, #tpu.memory_space<vmem>>)
      %dma_wait3A_573 = arith.constant 1 : i32
      %dma_wait3A_574 = tpu.memref_slice %arg2[%dma_wait3A_573, %mul3A_453] : memref<2x147456xi32, #tpu.memory_space<hbm>> -> memref<1x4608xi32, #tpu.memory_space<hbm>>
      %dma_wait3A_575 = tpu.memref_squeeze %dma_wait3A_574 : memref<1x4608xi32, #tpu.memory_space<hbm>> -> memref<4608xi32, #tpu.memory_space<hbm>>
      %dma_wait3A_576 = tpu.memref_slice %arg2[%dma_wait3A_573, %mul3A_453] : memref<2x147456xi32, #tpu.memory_space<hbm>> -> memref<1x4608xi32, #tpu.memory_space<hbm>>
      %dma_wait3A_577 = tpu.memref_squeeze %dma_wait3A_576 : memref<1x4608xi32, #tpu.memory_space<hbm>> -> memref<4608xi32, #tpu.memory_space<hbm>>
      tpu.wait_dma2 semaphore(%arg29 : memref<!tpu.dma_semaphore, #tpu.memory_space<semaphore_mem>>) src(%dma_wait3A_577 : memref<4608xi32, #tpu.memory_space<hbm>>) dst(%arg15 : memref<4608xi32, #tpu.memory_space<vmem>>)
      %dma_wait3A_578 = arith.constant 1 : i32
      %dma_wait3A_579 = tpu.memref_slice %arg2[%dma_wait3A_578, %mul3A_453] : memref<2x147456xi32, #tpu.memory_space<hbm>> -> memref<1x4608xi32, #tpu.memory_space<hbm>>
      %dma_wait3A_580 = tpu.memref_squeeze %dma_wait3A_579 : memref<1x4608xi32, #tpu.memory_space<hbm>> -> memref<4608xi32, #tpu.memory_space<hbm>>
      %dma_wait3A_581 = tpu.memref_slice %arg2[%dma_wait3A_578, %mul3A_453] : memref<2x147456xi32, #tpu.memory_space<hbm>> -> memref<1x4608xi32, #tpu.memory_space<hbm>>
      %dma_wait3A_582 = tpu.memref_squeeze %dma_wait3A_581 : memref<1x4608xi32, #tpu.memory_space<hbm>> -> memref<4608xi32, #tpu.memory_space<hbm>>
      tpu.wait_dma2 semaphore(%arg29 : memref<!tpu.dma_semaphore, #tpu.memory_space<semaphore_mem>>) src(%dma_wait3A_582 : memref<4608xi32, #tpu.memory_space<hbm>>) dst(%arg15 : memref<4608xi32, #tpu.memory_space<vmem>>)
    } else {
    }
    %barrier3A = arith.constant 0 : index
    tpu.barrier barrier_id(%barrier3A)
    %eq3A_2 = arith.constant 0 : i32
    %eq3A_3 = arith.cmpi eq, %arg0, %eq3A_2 : i32
    %eq3A_4 = arith.constant 0 : i32
    %eq3A_5 = arith.cmpi eq, %arg1, %eq3A_4 : i32
    %and3A = arith.andi %eq3A_3, %eq3A_5 : i1
    %convert_element_type3A_6 = arith.extui %and3A : i1 to i32
    %cond3A_7 = arith.constant 0 : i32
    %cond3A_8 = arith.cmpi ne, %convert_element_type3A_6, %cond3A_7 : i32
    scf.if %cond3A_8 {
      "tpu.region"() ({
        %run_scoped3A = tpu.sem_alloc : memref<!tpu.dma_semaphore, #tpu.memory_space<semaphore_mem>>
        tpu.enqueue_dma source(%arg23 : memref<12544xf32, #tpu.memory_space<vmem_shared>>) target(%arg9 : memref<12544xf32, #tpu.memory_space<hbm>>) target_semaphore(%run_scoped3A : memref<!tpu.dma_semaphore, #tpu.memory_space<semaphore_mem>>)
        tpu.wait_dma2 semaphore(%run_scoped3A : memref<!tpu.dma_semaphore, #tpu.memory_space<semaphore_mem>>) src(%arg23 : memref<12544xf32, #tpu.memory_space<vmem_shared>>) dst(%arg9 : memref<12544xf32, #tpu.memory_space<hbm>>)
        tpu.yield
      }) : () -> ()
      "tpu.region"() ({
        %run_scoped3A = tpu.sem_alloc : memref<!tpu.dma_semaphore, #tpu.memory_space<semaphore_mem>>
        tpu.enqueue_dma source(%arg24 : memref<12544xf32, #tpu.memory_space<vmem_shared>>) target(%arg10 : memref<12544xf32, #tpu.memory_space<hbm>>) target_semaphore(%run_scoped3A : memref<!tpu.dma_semaphore, #tpu.memory_space<semaphore_mem>>)
        tpu.wait_dma2 semaphore(%run_scoped3A : memref<!tpu.dma_semaphore, #tpu.memory_space<semaphore_mem>>) src(%arg24 : memref<12544xf32, #tpu.memory_space<vmem_shared>>) dst(%arg10 : memref<12544xf32, #tpu.memory_space<hbm>>)
        tpu.yield
      }) : () -> ()
      "tpu.region"() ({
        %run_scoped3A = tpu.sem_alloc : memref<!tpu.dma_semaphore, #tpu.memory_space<semaphore_mem>>
        tpu.enqueue_dma source(%arg25 : memref<12544xf32, #tpu.memory_space<vmem_shared>>) target(%arg11 : memref<12544xf32, #tpu.memory_space<hbm>>) target_semaphore(%run_scoped3A : memref<!tpu.dma_semaphore, #tpu.memory_space<semaphore_mem>>)
        tpu.wait_dma2 semaphore(%run_scoped3A : memref<!tpu.dma_semaphore, #tpu.memory_space<semaphore_mem>>) src(%arg25 : memref<12544xf32, #tpu.memory_space<vmem_shared>>) dst(%arg11 : memref<12544xf32, #tpu.memory_space<hbm>>)
        tpu.yield
      }) : () -> ()
      "tpu.region"() ({
        %run_scoped3A = tpu.sem_alloc : memref<!tpu.dma_semaphore, #tpu.memory_space<semaphore_mem>>
        tpu.enqueue_dma source(%arg26 : memref<12544xf32, #tpu.memory_space<vmem_shared>>) target(%arg12 : memref<12544xf32, #tpu.memory_space<hbm>>) target_semaphore(%run_scoped3A : memref<!tpu.dma_semaphore, #tpu.memory_space<semaphore_mem>>)
        tpu.wait_dma2 semaphore(%run_scoped3A : memref<!tpu.dma_semaphore, #tpu.memory_space<semaphore_mem>>) src(%arg26 : memref<12544xf32, #tpu.memory_space<vmem_shared>>) dst(%arg12 : memref<12544xf32, #tpu.memory_space<hbm>>)
        tpu.yield
      }) : () -> ()
      "tpu.region"() ({
        %run_scoped3A = tpu.sem_alloc : memref<!tpu.dma_semaphore, #tpu.memory_space<semaphore_mem>>
        tpu.enqueue_dma source(%arg27 : memref<12544xf32, #tpu.memory_space<vmem_shared>>) target(%arg13 : memref<12544xf32, #tpu.memory_space<hbm>>) target_semaphore(%run_scoped3A : memref<!tpu.dma_semaphore, #tpu.memory_space<semaphore_mem>>)
        tpu.wait_dma2 semaphore(%run_scoped3A : memref<!tpu.dma_semaphore, #tpu.memory_space<semaphore_mem>>) src(%arg27 : memref<12544xf32, #tpu.memory_space<vmem_shared>>) dst(%arg13 : memref<12544xf32, #tpu.memory_space<hbm>>)
        tpu.yield
      }) : () -> ()
      "tpu.region"() ({
        %run_scoped3A = tpu.sem_alloc : memref<!tpu.dma_semaphore, #tpu.memory_space<semaphore_mem>>
        tpu.enqueue_dma source(%arg28 : memref<12544xi32, #tpu.memory_space<vmem_shared>>) target(%arg14 : memref<12544xi32, #tpu.memory_space<hbm>>) target_semaphore(%run_scoped3A : memref<!tpu.dma_semaphore, #tpu.memory_space<semaphore_mem>>)
        tpu.wait_dma2 semaphore(%run_scoped3A : memref<!tpu.dma_semaphore, #tpu.memory_space<semaphore_mem>>) src(%arg28 : memref<12544xi32, #tpu.memory_space<vmem_shared>>) dst(%arg14 : memref<12544xi32, #tpu.memory_space<hbm>>)
        tpu.yield
      }) : () -> ()
    } else {
    }
    return
  }
}

module attributes {stable_mosaic.version = 14 : i64} {
  func.func @_transform_kernel(%arg0: i32, %arg1: memref<2x3xf32, #tpu.memory_space<smem>>, %arg2: memref<1x1152x128xi32, #tpu.memory_space<vmem>>, %arg3: memref<1x1152x128xf32, #tpu.memory_space<vmem>>, %arg4: memref<1x1152x128xf32, #tpu.memory_space<vmem>>, %arg5: memref<1x1152x128xf32, #tpu.memory_space<vmem>>, %arg6: memref<1x1152x128xf32, #tpu.memory_space<vmem>>, %arg7: memref<1152x128xf32, #tpu.memory_space<vmem>>, %arg8: memref<1152x128xf32, #tpu.memory_space<vmem>>, %arg9: memref<1152x128xf32, #tpu.memory_space<vmem>>, %arg10: memref<1152x128xf32, #tpu.memory_space<vmem>>, %arg11: memref<1x1152x128xf32, #tpu.memory_space<vmem>>, %arg12: memref<1x1152x128xf32, #tpu.memory_space<vmem>>, %arg13: memref<1x1152x128xf32, #tpu.memory_space<vmem>>, %arg14: memref<1x1152x128xf32, #tpu.memory_space<vmem>>, %arg15: memref<1x1152x128xf32, #tpu.memory_space<vmem>>, %arg16: memref<1x1x48xi32, #tpu.memory_space<smem>>) attributes {dimension_semantics = [#tpu.dimension_semantics<arbitrary>], iteration_bounds = array<i64: 2>, scalar_prefetch = 0 : i64, scratch_operands = 0 : i64, tpu.core_type = #tpu.core_type<tc>, window_params = [{transform_indices = @transform_0, window_bounds = array<i64: 2, 3>}, {transform_indices = @transform_1, window_bounds = array<i64: 1, 1152, 128>}, {transform_indices = @transform_2, window_bounds = array<i64: 1, 1152, 128>}, {transform_indices = @transform_3, window_bounds = array<i64: 1, 1152, 128>}, {transform_indices = @transform_4, window_bounds = array<i64: 1, 1152, 128>}, {transform_indices = @transform_5, window_bounds = array<i64: 1, 1152, 128>}, {pipeline_mode = #tpu.pipeline_mode<synchronous>, transform_indices = @transform_6, window_bounds = array<i64: 1152, 128>}, {pipeline_mode = #tpu.pipeline_mode<synchronous>, transform_indices = @transform_7, window_bounds = array<i64: 1152, 128>}, {pipeline_mode = #tpu.pipeline_mode<synchronous>, transform_indices = @transform_8, window_bounds = array<i64: 1152, 128>}, {pipeline_mode = #tpu.pipeline_mode<synchronous>, transform_indices = @transform_9, window_bounds = array<i64: 1152, 128>}, {transform_indices = @transform_10, window_bounds = array<i64: 1, 1152, 128>}, {transform_indices = @transform_11, window_bounds = array<i64: 1, 1152, 128>}, {transform_indices = @transform_12, window_bounds = array<i64: 1, 1152, 128>}, {transform_indices = @transform_13, window_bounds = array<i64: 1, 1152, 128>}, {transform_indices = @transform_14, window_bounds = array<i64: 1, 1152, 128>}, {transform_indices = @transform_15, window_bounds = array<i64: 1, 1, 48>}]} {
    %get3A = arith.constant 0 : index
    %get3A_0 = arith.constant 0 : index
    %get3A_1 = vector.load %arg9[%get3A, %get3A_0] : memref<1152x128xf32, #tpu.memory_space<vmem>>, vector<1152x128xf32>
    %get3A_2 = arith.constant 0 : index
    %get3A_3 = arith.constant 0 : index
    %get3A_4 = vector.load %arg10[%get3A_2, %get3A_3] : memref<1152x128xf32, #tpu.memory_space<vmem>>, vector<1152x128xf32>
    %get3A_5 = arith.constant 0 : index
    %get3A_6 = arith.constant 0 : index
    %get3A_7 = arith.constant 0 : index
    %get3A_8 = vector.load %arg3[%get3A_5, %get3A_6, %get3A_7] : memref<1x1152x128xf32, #tpu.memory_space<vmem>>, vector<1x1152x128xf32>
    %get3A_9 = vector.shape_cast %get3A_8 : vector<1x1152x128xf32> to vector<1152x128xf32>
    %mul3A = arith.mulf %get3A_9, %get3A_1 : vector<1152x128xf32>
    %get3A_10 = arith.constant 0 : index
    %get3A_11 = arith.constant 0 : index
    %get3A_12 = vector.load %arg7[%get3A_10, %get3A_11] : memref<1152x128xf32, #tpu.memory_space<vmem>>, vector<1152x128xf32>
    %add3A = arith.addf %mul3A, %get3A_12 : vector<1152x128xf32>
    %get3A_13 = arith.constant 0 : index
    %get3A_14 = arith.constant 0 : index
    %get3A_15 = arith.constant 0 : index
    %get3A_16 = vector.load %arg4[%get3A_13, %get3A_14, %get3A_15] : memref<1x1152x128xf32, #tpu.memory_space<vmem>>, vector<1x1152x128xf32>
    %get3A_17 = vector.shape_cast %get3A_16 : vector<1x1152x128xf32> to vector<1152x128xf32>
    %mul3A_18 = arith.mulf %get3A_17, %get3A_4 : vector<1152x128xf32>
    %get3A_19 = arith.constant 0 : index
    %get3A_20 = arith.constant 0 : index
    %get3A_21 = vector.load %arg8[%get3A_19, %get3A_20] : memref<1152x128xf32, #tpu.memory_space<vmem>>, vector<1152x128xf32>
    %add3A_22 = arith.addf %mul3A_18, %get3A_21 : vector<1152x128xf32>
    %get3A_23 = arith.constant 0 : index
    %get3A_24 = arith.constant 0 : index
    %get3A_25 = arith.constant 0 : index
    %get3A_26 = vector.load %arg5[%get3A_23, %get3A_24, %get3A_25] : memref<1x1152x128xf32, #tpu.memory_space<vmem>>, vector<1x1152x128xf32>
    %get3A_27 = vector.shape_cast %get3A_26 : vector<1x1152x128xf32> to vector<1152x128xf32>
    %exp3A = math.exp %get3A_27 : vector<1152x128xf32>
    %mul3A_28 = arith.mulf %exp3A, %get3A_1 : vector<1152x128xf32>
    %get3A_29 = arith.constant 0 : index
    %get3A_30 = arith.constant 0 : index
    %get3A_31 = arith.constant 0 : index
    %get3A_32 = vector.load %arg6[%get3A_29, %get3A_30, %get3A_31] : memref<1x1152x128xf32, #tpu.memory_space<vmem>>, vector<1x1152x128xf32>
    %get3A_33 = vector.shape_cast %get3A_32 : vector<1x1152x128xf32> to vector<1152x128xf32>
    %exp3A_34 = math.exp %get3A_33 : vector<1152x128xf32>
    %mul3A_35 = arith.mulf %exp3A_34, %get3A_4 : vector<1152x128xf32>
    %get3A_36 = arith.index_cast %arg0 : i32 to index
    %get3A_37 = arith.constant 1 : index
    %get3A_38 = memref.load %arg1[%get3A_36, %get3A_37] : memref<2x3xf32, #tpu.memory_space<smem>>
    %sub3A = arith.constant 1.000000e+00 : f32
    %sub3A_39 = arith.subf %get3A_38, %sub3A : f32
    %get3A_40 = arith.index_cast %arg0 : i32 to index
    %get3A_41 = arith.constant 0 : index
    %get3A_42 = memref.load %arg1[%get3A_40, %get3A_41] : memref<2x3xf32, #tpu.memory_space<smem>>
    %sub3A_43 = arith.constant 1.000000e+00 : f32
    %sub3A_44 = arith.subf %get3A_42, %sub3A_43 : f32
    %mul3A_45 = arith.constant 5.000000e-01 : f32
    %mul3A_46 = vector.broadcast %mul3A_45 : f32 to vector<1152x128xf32>
    %mul3A_47 = arith.mulf %mul3A_46, %mul3A_28 : vector<1152x128xf32>
    %sub3A_48 = arith.subf %add3A, %mul3A_47 : vector<1152x128xf32>
    %max3A = arith.constant 0.000000e+00 : f32
    %max3A_49 = vector.broadcast %max3A : f32 to vector<1152x128xf32>
    %max3A_50 = arith.maximumf %sub3A_48, %max3A_49 : vector<1152x128xf32>
    %min3A = vector.broadcast %sub3A_39 : f32 to vector<1152x128xf32>
    %min3A_51 = arith.minimumf %max3A_50, %min3A : vector<1152x128xf32>
    %mul3A_52 = arith.constant 5.000000e-01 : f32
    %mul3A_53 = vector.broadcast %mul3A_52 : f32 to vector<1152x128xf32>
    %mul3A_54 = arith.mulf %mul3A_53, %mul3A_35 : vector<1152x128xf32>
    %sub3A_55 = arith.subf %add3A_22, %mul3A_54 : vector<1152x128xf32>
    %max3A_56 = arith.constant 0.000000e+00 : f32
    %max3A_57 = vector.broadcast %max3A_56 : f32 to vector<1152x128xf32>
    %max3A_58 = arith.maximumf %sub3A_55, %max3A_57 : vector<1152x128xf32>
    %min3A_59 = vector.broadcast %sub3A_44 : f32 to vector<1152x128xf32>
    %min3A_60 = arith.minimumf %max3A_58, %min3A_59 : vector<1152x128xf32>
    %mul3A_61 = arith.constant 5.000000e-01 : f32
    %mul3A_62 = vector.broadcast %mul3A_61 : f32 to vector<1152x128xf32>
    %mul3A_63 = arith.mulf %mul3A_62, %mul3A_28 : vector<1152x128xf32>
    %add3A_64 = arith.addf %add3A, %mul3A_63 : vector<1152x128xf32>
    %max3A_65 = arith.constant 0.000000e+00 : f32
    %max3A_66 = vector.broadcast %max3A_65 : f32 to vector<1152x128xf32>
    %max3A_67 = arith.maximumf %add3A_64, %max3A_66 : vector<1152x128xf32>
    %min3A_68 = vector.broadcast %sub3A_39 : f32 to vector<1152x128xf32>
    %min3A_69 = arith.minimumf %max3A_67, %min3A_68 : vector<1152x128xf32>
    %mul3A_70 = arith.constant 5.000000e-01 : f32
    %mul3A_71 = vector.broadcast %mul3A_70 : f32 to vector<1152x128xf32>
    %mul3A_72 = arith.mulf %mul3A_71, %mul3A_35 : vector<1152x128xf32>
    %add3A_73 = arith.addf %add3A_22, %mul3A_72 : vector<1152x128xf32>
    %max3A_74 = arith.constant 0.000000e+00 : f32
    %max3A_75 = vector.broadcast %max3A_74 : f32 to vector<1152x128xf32>
    %max3A_76 = arith.maximumf %add3A_73, %max3A_75 : vector<1152x128xf32>
    %min3A_77 = vector.broadcast %sub3A_44 : f32 to vector<1152x128xf32>
    %min3A_78 = arith.minimumf %max3A_76, %min3A_77 : vector<1152x128xf32>
    %swap3A = arith.constant 0 : index
    %swap3A_79 = arith.constant 0 : index
    %swap3A_80 = arith.constant 0 : index
    %swap3A_81 = vector.load %arg11[%swap3A, %swap3A_79, %swap3A_80] : memref<1x1152x128xf32, #tpu.memory_space<vmem>>, vector<1x1152x128xf32>
    %swap3A_82 = vector.shape_cast %swap3A_81 : vector<1x1152x128xf32> to vector<1152x128xf32>
    %swap3A_83 = vector.shape_cast %min3A_51 : vector<1152x128xf32> to vector<1x1152x128xf32>
    tpu.vector_store %arg11[%swap3A, %swap3A_79, %swap3A_80], %swap3A_83 {strides = array<i32>} : memref<1x1152x128xf32, #tpu.memory_space<vmem>>, vector<1x1152x128xf32>,
    %swap3A_84 = arith.constant 0 : index
    %swap3A_85 = arith.constant 0 : index
    %swap3A_86 = arith.constant 0 : index
    %swap3A_87 = vector.load %arg12[%swap3A_84, %swap3A_85, %swap3A_86] : memref<1x1152x128xf32, #tpu.memory_space<vmem>>, vector<1x1152x128xf32>
    %swap3A_88 = vector.shape_cast %swap3A_87 : vector<1x1152x128xf32> to vector<1152x128xf32>
    %swap3A_89 = vector.shape_cast %min3A_60 : vector<1152x128xf32> to vector<1x1152x128xf32>
    tpu.vector_store %arg12[%swap3A_84, %swap3A_85, %swap3A_86], %swap3A_89 {strides = array<i32>} : memref<1x1152x128xf32, #tpu.memory_space<vmem>>, vector<1x1152x128xf32>,
    %swap3A_90 = arith.constant 0 : index
    %swap3A_91 = arith.constant 0 : index
    %swap3A_92 = arith.constant 0 : index
    %swap3A_93 = vector.load %arg13[%swap3A_90, %swap3A_91, %swap3A_92] : memref<1x1152x128xf32, #tpu.memory_space<vmem>>, vector<1x1152x128xf32>
    %swap3A_94 = vector.shape_cast %swap3A_93 : vector<1x1152x128xf32> to vector<1152x128xf32>
    %swap3A_95 = vector.shape_cast %min3A_69 : vector<1152x128xf32> to vector<1x1152x128xf32>
    tpu.vector_store %arg13[%swap3A_90, %swap3A_91, %swap3A_92], %swap3A_95 {strides = array<i32>} : memref<1x1152x128xf32, #tpu.memory_space<vmem>>, vector<1x1152x128xf32>,
    %swap3A_96 = arith.constant 0 : index
    %swap3A_97 = arith.constant 0 : index
    %swap3A_98 = arith.constant 0 : index
    %swap3A_99 = vector.load %arg14[%swap3A_96, %swap3A_97, %swap3A_98] : memref<1x1152x128xf32, #tpu.memory_space<vmem>>, vector<1x1152x128xf32>
    %swap3A_100 = vector.shape_cast %swap3A_99 : vector<1x1152x128xf32> to vector<1152x128xf32>
    %swap3A_101 = vector.shape_cast %min3A_78 : vector<1152x128xf32> to vector<1x1152x128xf32>
    tpu.vector_store %arg14[%swap3A_96, %swap3A_97, %swap3A_98], %swap3A_101 {strides = array<i32>} : memref<1x1152x128xf32, #tpu.memory_space<vmem>>, vector<1x1152x128xf32>,
    %sub3A_102 = arith.subf %min3A_69, %min3A_51 : vector<1152x128xf32>
    %add3A_103 = arith.constant 1.000000e+00 : f32
    %add3A_104 = vector.broadcast %add3A_103 : f32 to vector<1152x128xf32>
    %add3A_105 = arith.addf %sub3A_102, %add3A_104 : vector<1152x128xf32>
    %sub3A_106 = arith.subf %min3A_78, %min3A_60 : vector<1152x128xf32>
    %add3A_107 = arith.constant 1.000000e+00 : f32
    %add3A_108 = vector.broadcast %add3A_107 : f32 to vector<1152x128xf32>
    %add3A_109 = arith.addf %sub3A_106, %add3A_108 : vector<1152x128xf32>
    %mul3A_110 = arith.mulf %add3A_105, %add3A_109 : vector<1152x128xf32>
    %swap3A_111 = arith.constant 0 : index
    %swap3A_112 = arith.constant 0 : index
    %swap3A_113 = arith.constant 0 : index
    %swap3A_114 = vector.load %arg15[%swap3A_111, %swap3A_112, %swap3A_113] : memref<1x1152x128xf32, #tpu.memory_space<vmem>>, vector<1x1152x128xf32>
    %swap3A_115 = vector.shape_cast %swap3A_114 : vector<1x1152x128xf32> to vector<1152x128xf32>
    %swap3A_116 = vector.shape_cast %mul3A_110 : vector<1152x128xf32> to vector<1x1152x128xf32>
    tpu.vector_store %arg15[%swap3A_111, %swap3A_112, %swap3A_113], %swap3A_116 {strides = array<i32>} : memref<1x1152x128xf32, #tpu.memory_space<vmem>>, vector<1x1152x128xf32>,
    %get3A_117 = arith.constant 0 : index
    %get3A_118 = arith.constant 0 : index
    %get3A_119 = arith.constant 0 : index
    %get3A_120 = vector.load %arg2[%get3A_117, %get3A_118, %get3A_119] : memref<1x1152x128xi32, #tpu.memory_space<vmem>>, vector<1x1152x128xi32>
    %get3A_121 = vector.shape_cast %get3A_120 : vector<1x1152x128xi32> to vector<1152x128xi32>
    %iota3A = tpu.iota {dimensions = array<i32: 0>} : vector<1152x128xi32>
    %mul3A_122 = arith.constant 128 : i32
    %mul3A_123 = vector.broadcast %mul3A_122 : i32 to vector<1152x128xi32>
    %mul3A_124 = arith.muli %iota3A, %mul3A_123 : vector<1152x128xi32>
    %iota3A_125 = tpu.iota {dimensions = array<i32: 1>} : vector<1152x128xi32>
    %add3A_126 = arith.addi %mul3A_124, %iota3A_125 : vector<1152x128xi32>
    %scan3A = arith.constant 6.000000e+03 : f32
    %scan3A_127 = arith.constant -1 : i32
    %scan3A_128 = arith.constant 1073741824 : i32
    %scan3A_129 = arith.constant 0 : i32
    %scan3A_130 = arith.constant 31 : i32
    %scan3A_131 = arith.addi %scan3A_129, %scan3A_130 : i32
    %scan3A_132 = arith.constant 1 : i32
    %scan3A_133:2 = scf.for %scan3A_693 = %scan3A_129 to %scan3A_131 step %scan3A_132 iter_args(%scan3A_694 = %scan3A_127, %scan3A_695 = %scan3A_128) -> (i32, i32)  : i32 {
      %add3A_696 = arith.addi %scan3A_694, %scan3A_695 : i32
      %div3A = arith.constant 2 : i32
      %div3A_697 = arith.divsi %add3A_696, %div3A : i32
      %gt3A_698 = vector.broadcast %div3A_697 : i32 to vector<1152x128xi32>
      %gt3A_699 = arith.cmpi sgt, %get3A_121, %gt3A_698 : vector<1152x128xi32>
      %jit3A_700 = arith.constant 1.000000e+00 : f32
      %jit3A_701 = arith.constant 0.000000e+00 : f32
      %broadcast_in_dim3A_702 = vector.broadcast %jit3A_700 : f32 to vector<1152x128xf32>
      %broadcast_in_dim3A_703 = vector.broadcast %jit3A_701 : f32 to vector<1152x128xf32>
      %select_n3A_704 = arith.select %gt3A_699, %broadcast_in_dim3A_702, %broadcast_in_dim3A_703 : vector<1152x128xi1>, vector<1152x128xf32>
      %reduce_sum3A_705 = vector.shape_cast %select_n3A_704 : vector<1152x128xf32> to vector<1x1152x128xf32>
      %reduce_sum3A_706 = arith.constant dense<0.000000e+00> : vector<1xf32>
      %reduce_sum3A_707 = vector.multi_reduction <add>, %reduce_sum3A_705, %reduce_sum3A_706 [1, 2] : vector<1x1152x128xf32> to vector<1xf32>
      %reduce_sum3A_708 = vector.shape_cast %reduce_sum3A_707 : vector<1xf32> to vector<1x1x1xf32>
      %reduce_sum3A_709 = vector.extract %reduce_sum3A_708[0, 0, 0] : f32 from vector<1x1x1xf32>
      %ge3A = arith.cmpf oge, %reduce_sum3A_709, %scan3A : f32
      %select_n3A_710 = arith.select %ge3A, %div3A_697, %scan3A_694 : i32
      %select_n3A_711 = arith.select %ge3A, %scan3A_695, %div3A_697 : i32
      scf.yield %select_n3A_710, %select_n3A_711 : i32, i32
    }
    %gt3A = vector.broadcast %scan3A_133#1 : i32 to vector<1152x128xi32>
    %gt3A_134 = arith.cmpi sgt, %get3A_121, %gt3A : vector<1152x128xi32>
    %jit3A = arith.constant 1.000000e+00 : f32
    %jit3A_135 = arith.constant 0.000000e+00 : f32
    %broadcast_in_dim3A = vector.broadcast %jit3A : f32 to vector<1152x128xf32>
    %broadcast_in_dim3A_136 = vector.broadcast %jit3A_135 : f32 to vector<1152x128xf32>
    %select_n3A = arith.select %gt3A_134, %broadcast_in_dim3A, %broadcast_in_dim3A_136 : vector<1152x128xi1>, vector<1152x128xf32>
    %reduce_sum3A = vector.shape_cast %select_n3A : vector<1152x128xf32> to vector<1x1152x128xf32>
    %reduce_sum3A_137 = arith.constant dense<0.000000e+00> : vector<1xf32>
    %reduce_sum3A_138 = vector.multi_reduction <add>, %reduce_sum3A, %reduce_sum3A_137 [1, 2] : vector<1x1152x128xf32> to vector<1xf32>
    %reduce_sum3A_139 = vector.shape_cast %reduce_sum3A_138 : vector<1xf32> to vector<1x1x1xf32>
    %reduce_sum3A_140 = vector.extract %reduce_sum3A_139[0, 0, 0] : f32 from vector<1x1x1xf32>
    %sub3A_141 = arith.constant 6.000000e+03 : f32
    %sub3A_142 = arith.subf %sub3A_141, %reduce_sum3A_140 : f32
    %eq3A = vector.broadcast %scan3A_133#1 : i32 to vector<1152x128xi32>
    %eq3A_143 = arith.cmpi eq, %get3A_121, %eq3A : vector<1152x128xi32>
    %scan3A_144 = arith.constant -1 : i32
    %scan3A_145 = arith.constant 147455 : i32
    %scan3A_146 = arith.constant 0 : i32
    %scan3A_147 = arith.constant 18 : i32
    %scan3A_148 = arith.addi %scan3A_146, %scan3A_147 : i32
    %scan3A_149 = arith.constant 1 : i32
    %scan3A_150:2 = scf.for %scan3A_693 = %scan3A_146 to %scan3A_148 step %scan3A_149 iter_args(%scan3A_694 = %scan3A_144, %scan3A_695 = %scan3A_145) -> (i32, i32)  : i32 {
      %add3A_696 = arith.addi %scan3A_694, %scan3A_695 : i32
      %div3A = arith.constant 2 : i32
      %div3A_697 = arith.divsi %add3A_696, %div3A : i32
      %le3A_698 = vector.broadcast %div3A_697 : i32 to vector<1152x128xi32>
      %le3A_699 = arith.cmpi sle, %add3A_126, %le3A_698 : vector<1152x128xi32>
      %and3A_700 = arith.andi %eq3A_143, %le3A_699 : vector<1152x128xi1>
      %jit3A_701 = arith.constant 1.000000e+00 : f32
      %jit3A_702 = arith.constant 0.000000e+00 : f32
      %broadcast_in_dim3A_703 = vector.broadcast %jit3A_701 : f32 to vector<1152x128xf32>
      %broadcast_in_dim3A_704 = vector.broadcast %jit3A_702 : f32 to vector<1152x128xf32>
      %select_n3A_705 = arith.select %and3A_700, %broadcast_in_dim3A_703, %broadcast_in_dim3A_704 : vector<1152x128xi1>, vector<1152x128xf32>
      %reduce_sum3A_706 = vector.shape_cast %select_n3A_705 : vector<1152x128xf32> to vector<1x1152x128xf32>
      %reduce_sum3A_707 = arith.constant dense<0.000000e+00> : vector<1xf32>
      %reduce_sum3A_708 = vector.multi_reduction <add>, %reduce_sum3A_706, %reduce_sum3A_707 [1, 2] : vector<1x1152x128xf32> to vector<1xf32>
      %reduce_sum3A_709 = vector.shape_cast %reduce_sum3A_708 : vector<1xf32> to vector<1x1x1xf32>
      %reduce_sum3A_710 = vector.extract %reduce_sum3A_709[0, 0, 0] : f32 from vector<1x1x1xf32>
      %ge3A = arith.cmpf oge, %reduce_sum3A_710, %sub3A_142 : f32
      %select_n3A_711 = arith.select %ge3A, %scan3A_694, %div3A_697 : i32
      %select_n3A_712 = arith.select %ge3A, %div3A_697, %scan3A_695 : i32
      scf.yield %select_n3A_711, %select_n3A_712 : i32, i32
    }
    %gt3A_151 = vector.broadcast %scan3A_133#1 : i32 to vector<1152x128xi32>
    %gt3A_152 = arith.cmpi sgt, %get3A_121, %gt3A_151 : vector<1152x128xi32>
    %le3A = vector.broadcast %scan3A_150#1 : i32 to vector<1152x128xi32>
    %le3A_153 = arith.cmpi sle, %add3A_126, %le3A : vector<1152x128xi32>
    %and3A = arith.andi %eq3A_143, %le3A_153 : vector<1152x128xi1>
    %or3A = arith.ori %gt3A_152, %and3A : vector<1152x128xi1>
    %swap3A_154 = arith.constant 0 : index
    %swap3A_155 = arith.constant 0 : index
    %swap3A_156 = arith.constant 0 : index
    %swap3A_157 = memref.load %arg16[%swap3A_154, %swap3A_155, %swap3A_156] : memref<1x1x48xi32, #tpu.memory_space<smem>>
    memref.store %scan3A_133#1, %arg16[%swap3A_154, %swap3A_155, %swap3A_156] : memref<1x1x48xi32, #tpu.memory_space<smem>>
    %swap3A_158 = arith.constant 0 : index
    %swap3A_159 = arith.constant 0 : index
    %swap3A_160 = arith.constant 1 : index
    %swap3A_161 = memref.load %arg16[%swap3A_158, %swap3A_159, %swap3A_160] : memref<1x1x48xi32, #tpu.memory_space<smem>>
    memref.store %scan3A_150#1, %arg16[%swap3A_158, %swap3A_159, %swap3A_160] : memref<1x1x48xi32, #tpu.memory_space<smem>>
    %swap3A_162 = arith.constant 0 : i32
    %swap3A_163 = arith.constant 0 : index
    %swap3A_164 = arith.constant 0 : index
    %swap3A_165 = arith.constant 2 : index
    %swap3A_166 = memref.load %arg16[%swap3A_163, %swap3A_164, %swap3A_165] : memref<1x1x48xi32, #tpu.memory_space<smem>>
    memref.store %swap3A_162, %arg16[%swap3A_163, %swap3A_164, %swap3A_165] : memref<1x1x48xi32, #tpu.memory_space<smem>>
    %slice3A = vector.extract_strided_slice %or3A {offsets = [0, 0], sizes = [36, 128], strides = [1, 1]} : vector<1152x128xi1> to vector<36x128xi1>
    %jit3A_167 = arith.constant 1.000000e+00 : f32
    %jit3A_168 = arith.constant 0.000000e+00 : f32
    %broadcast_in_dim3A_169 = vector.broadcast %jit3A_167 : f32 to vector<36x128xf32>
    %broadcast_in_dim3A_170 = vector.broadcast %jit3A_168 : f32 to vector<36x128xf32>
    %select_n3A_171 = arith.select %slice3A, %broadcast_in_dim3A_169, %broadcast_in_dim3A_170 : vector<36x128xi1>, vector<36x128xf32>
    %reduce_sum3A_172 = vector.shape_cast %select_n3A_171 : vector<36x128xf32> to vector<1x36x128xf32>
    %reduce_sum3A_173 = arith.constant dense<0.000000e+00> : vector<1xf32>
    %reduce_sum3A_174 = vector.multi_reduction <add>, %reduce_sum3A_172, %reduce_sum3A_173 [1, 2] : vector<1x36x128xf32> to vector<1xf32>
    %reduce_sum3A_175 = vector.shape_cast %reduce_sum3A_174 : vector<1xf32> to vector<1x1x1xf32>
    %reduce_sum3A_176 = vector.extract %reduce_sum3A_175[0, 0, 0] : f32 from vector<1x1x1xf32>
    %add3A_177 = arith.constant 0.000000e+00 : f32
    %add3A_178 = arith.addf %add3A_177, %reduce_sum3A_176 : f32
    %convert_element_type3A = arith.fptosi %add3A_178 : f32 to i32
    %swap3A_179 = arith.constant 0 : index
    %swap3A_180 = arith.constant 0 : index
    %swap3A_181 = arith.constant 3 : index
    %swap3A_182 = memref.load %arg16[%swap3A_179, %swap3A_180, %swap3A_181] : memref<1x1x48xi32, #tpu.memory_space<smem>>
    memref.store %convert_element_type3A, %arg16[%swap3A_179, %swap3A_180, %swap3A_181] : memref<1x1x48xi32, #tpu.memory_space<smem>>
    %slice3A_183 = vector.extract_strided_slice %or3A {offsets = [36, 0], sizes = [36, 128], strides = [1, 1]} : vector<1152x128xi1> to vector<36x128xi1>
    %jit3A_184 = arith.constant 1.000000e+00 : f32
    %jit3A_185 = arith.constant 0.000000e+00 : f32
    %broadcast_in_dim3A_186 = vector.broadcast %jit3A_184 : f32 to vector<36x128xf32>
    %broadcast_in_dim3A_187 = vector.broadcast %jit3A_185 : f32 to vector<36x128xf32>
    %select_n3A_188 = arith.select %slice3A_183, %broadcast_in_dim3A_186, %broadcast_in_dim3A_187 : vector<36x128xi1>, vector<36x128xf32>
    %reduce_sum3A_189 = vector.shape_cast %select_n3A_188 : vector<36x128xf32> to vector<1x36x128xf32>
    %reduce_sum3A_190 = arith.constant dense<0.000000e+00> : vector<1xf32>
    %reduce_sum3A_191 = vector.multi_reduction <add>, %reduce_sum3A_189, %reduce_sum3A_190 [1, 2] : vector<1x36x128xf32> to vector<1xf32>
    %reduce_sum3A_192 = vector.shape_cast %reduce_sum3A_191 : vector<1xf32> to vector<1x1x1xf32>
    %reduce_sum3A_193 = vector.extract %reduce_sum3A_192[0, 0, 0] : f32 from vector<1x1x1xf32>
    %add3A_194 = arith.addf %add3A_178, %reduce_sum3A_193 : f32
    %convert_element_type3A_195 = arith.fptosi %add3A_194 : f32 to i32
    %swap3A_196 = arith.constant 0 : index
    %swap3A_197 = arith.constant 0 : index
    %swap3A_198 = arith.constant 4 : index
    %swap3A_199 = memref.load %arg16[%swap3A_196, %swap3A_197, %swap3A_198] : memref<1x1x48xi32, #tpu.memory_space<smem>>
    memref.store %convert_element_type3A_195, %arg16[%swap3A_196, %swap3A_197, %swap3A_198] : memref<1x1x48xi32, #tpu.memory_space<smem>>
    %slice3A_200 = vector.extract_strided_slice %or3A {offsets = [72, 0], sizes = [36, 128], strides = [1, 1]} : vector<1152x128xi1> to vector<36x128xi1>
    %jit3A_201 = arith.constant 1.000000e+00 : f32
    %jit3A_202 = arith.constant 0.000000e+00 : f32
    %broadcast_in_dim3A_203 = vector.broadcast %jit3A_201 : f32 to vector<36x128xf32>
    %broadcast_in_dim3A_204 = vector.broadcast %jit3A_202 : f32 to vector<36x128xf32>
    %select_n3A_205 = arith.select %slice3A_200, %broadcast_in_dim3A_203, %broadcast_in_dim3A_204 : vector<36x128xi1>, vector<36x128xf32>
    %reduce_sum3A_206 = vector.shape_cast %select_n3A_205 : vector<36x128xf32> to vector<1x36x128xf32>
    %reduce_sum3A_207 = arith.constant dense<0.000000e+00> : vector<1xf32>
    %reduce_sum3A_208 = vector.multi_reduction <add>, %reduce_sum3A_206, %reduce_sum3A_207 [1, 2] : vector<1x36x128xf32> to vector<1xf32>
    %reduce_sum3A_209 = vector.shape_cast %reduce_sum3A_208 : vector<1xf32> to vector<1x1x1xf32>
    %reduce_sum3A_210 = vector.extract %reduce_sum3A_209[0, 0, 0] : f32 from vector<1x1x1xf32>
    %add3A_211 = arith.addf %add3A_194, %reduce_sum3A_210 : f32
    %convert_element_type3A_212 = arith.fptosi %add3A_211 : f32 to i32
    %swap3A_213 = arith.constant 0 : index
    %swap3A_214 = arith.constant 0 : index
    %swap3A_215 = arith.constant 5 : index
    %swap3A_216 = memref.load %arg16[%swap3A_213, %swap3A_214, %swap3A_215] : memref<1x1x48xi32, #tpu.memory_space<smem>>
    memref.store %convert_element_type3A_212, %arg16[%swap3A_213, %swap3A_214, %swap3A_215] : memref<1x1x48xi32, #tpu.memory_space<smem>>
    %slice3A_217 = vector.extract_strided_slice %or3A {offsets = [108, 0], sizes = [36, 128], strides = [1, 1]} : vector<1152x128xi1> to vector<36x128xi1>
    %jit3A_218 = arith.constant 1.000000e+00 : f32
    %jit3A_219 = arith.constant 0.000000e+00 : f32
    %broadcast_in_dim3A_220 = vector.broadcast %jit3A_218 : f32 to vector<36x128xf32>
    %broadcast_in_dim3A_221 = vector.broadcast %jit3A_219 : f32 to vector<36x128xf32>
    %select_n3A_222 = arith.select %slice3A_217, %broadcast_in_dim3A_220, %broadcast_in_dim3A_221 : vector<36x128xi1>, vector<36x128xf32>
    %reduce_sum3A_223 = vector.shape_cast %select_n3A_222 : vector<36x128xf32> to vector<1x36x128xf32>
    %reduce_sum3A_224 = arith.constant dense<0.000000e+00> : vector<1xf32>
    %reduce_sum3A_225 = vector.multi_reduction <add>, %reduce_sum3A_223, %reduce_sum3A_224 [1, 2] : vector<1x36x128xf32> to vector<1xf32>
    %reduce_sum3A_226 = vector.shape_cast %reduce_sum3A_225 : vector<1xf32> to vector<1x1x1xf32>
    %reduce_sum3A_227 = vector.extract %reduce_sum3A_226[0, 0, 0] : f32 from vector<1x1x1xf32>
    %add3A_228 = arith.addf %add3A_211, %reduce_sum3A_227 : f32
    %convert_element_type3A_229 = arith.fptosi %add3A_228 : f32 to i32
    %swap3A_230 = arith.constant 0 : index
    %swap3A_231 = arith.constant 0 : index
    %swap3A_232 = arith.constant 6 : index
    %swap3A_233 = memref.load %arg16[%swap3A_230, %swap3A_231, %swap3A_232] : memref<1x1x48xi32, #tpu.memory_space<smem>>
    memref.store %convert_element_type3A_229, %arg16[%swap3A_230, %swap3A_231, %swap3A_232] : memref<1x1x48xi32, #tpu.memory_space<smem>>
    %slice3A_234 = vector.extract_strided_slice %or3A {offsets = [144, 0], sizes = [36, 128], strides = [1, 1]} : vector<1152x128xi1> to vector<36x128xi1>
    %jit3A_235 = arith.constant 1.000000e+00 : f32
    %jit3A_236 = arith.constant 0.000000e+00 : f32
    %broadcast_in_dim3A_237 = vector.broadcast %jit3A_235 : f32 to vector<36x128xf32>
    %broadcast_in_dim3A_238 = vector.broadcast %jit3A_236 : f32 to vector<36x128xf32>
    %select_n3A_239 = arith.select %slice3A_234, %broadcast_in_dim3A_237, %broadcast_in_dim3A_238 : vector<36x128xi1>, vector<36x128xf32>
    %reduce_sum3A_240 = vector.shape_cast %select_n3A_239 : vector<36x128xf32> to vector<1x36x128xf32>
    %reduce_sum3A_241 = arith.constant dense<0.000000e+00> : vector<1xf32>
    %reduce_sum3A_242 = vector.multi_reduction <add>, %reduce_sum3A_240, %reduce_sum3A_241 [1, 2] : vector<1x36x128xf32> to vector<1xf32>
    %reduce_sum3A_243 = vector.shape_cast %reduce_sum3A_242 : vector<1xf32> to vector<1x1x1xf32>
    %reduce_sum3A_244 = vector.extract %reduce_sum3A_243[0, 0, 0] : f32 from vector<1x1x1xf32>
    %add3A_245 = arith.addf %add3A_228, %reduce_sum3A_244 : f32
    %convert_element_type3A_246 = arith.fptosi %add3A_245 : f32 to i32
    %swap3A_247 = arith.constant 0 : index
    %swap3A_248 = arith.constant 0 : index
    %swap3A_249 = arith.constant 7 : index
    %swap3A_250 = memref.load %arg16[%swap3A_247, %swap3A_248, %swap3A_249] : memref<1x1x48xi32, #tpu.memory_space<smem>>
    memref.store %convert_element_type3A_246, %arg16[%swap3A_247, %swap3A_248, %swap3A_249] : memref<1x1x48xi32, #tpu.memory_space<smem>>
    %slice3A_251 = vector.extract_strided_slice %or3A {offsets = [180, 0], sizes = [36, 128], strides = [1, 1]} : vector<1152x128xi1> to vector<36x128xi1>
    %jit3A_252 = arith.constant 1.000000e+00 : f32
    %jit3A_253 = arith.constant 0.000000e+00 : f32
    %broadcast_in_dim3A_254 = vector.broadcast %jit3A_252 : f32 to vector<36x128xf32>
    %broadcast_in_dim3A_255 = vector.broadcast %jit3A_253 : f32 to vector<36x128xf32>
    %select_n3A_256 = arith.select %slice3A_251, %broadcast_in_dim3A_254, %broadcast_in_dim3A_255 : vector<36x128xi1>, vector<36x128xf32>
    %reduce_sum3A_257 = vector.shape_cast %select_n3A_256 : vector<36x128xf32> to vector<1x36x128xf32>
    %reduce_sum3A_258 = arith.constant dense<0.000000e+00> : vector<1xf32>
    %reduce_sum3A_259 = vector.multi_reduction <add>, %reduce_sum3A_257, %reduce_sum3A_258 [1, 2] : vector<1x36x128xf32> to vector<1xf32>
    %reduce_sum3A_260 = vector.shape_cast %reduce_sum3A_259 : vector<1xf32> to vector<1x1x1xf32>
    %reduce_sum3A_261 = vector.extract %reduce_sum3A_260[0, 0, 0] : f32 from vector<1x1x1xf32>
    %add3A_262 = arith.addf %add3A_245, %reduce_sum3A_261 : f32
    %convert_element_type3A_263 = arith.fptosi %add3A_262 : f32 to i32
    %swap3A_264 = arith.constant 0 : index
    %swap3A_265 = arith.constant 0 : index
    %swap3A_266 = arith.constant 8 : index
    %swap3A_267 = memref.load %arg16[%swap3A_264, %swap3A_265, %swap3A_266] : memref<1x1x48xi32, #tpu.memory_space<smem>>
    memref.store %convert_element_type3A_263, %arg16[%swap3A_264, %swap3A_265, %swap3A_266] : memref<1x1x48xi32, #tpu.memory_space<smem>>
    %slice3A_268 = vector.extract_strided_slice %or3A {offsets = [216, 0], sizes = [36, 128], strides = [1, 1]} : vector<1152x128xi1> to vector<36x128xi1>
    %jit3A_269 = arith.constant 1.000000e+00 : f32
    %jit3A_270 = arith.constant 0.000000e+00 : f32
    %broadcast_in_dim3A_271 = vector.broadcast %jit3A_269 : f32 to vector<36x128xf32>
    %broadcast_in_dim3A_272 = vector.broadcast %jit3A_270 : f32 to vector<36x128xf32>
    %select_n3A_273 = arith.select %slice3A_268, %broadcast_in_dim3A_271, %broadcast_in_dim3A_272 : vector<36x128xi1>, vector<36x128xf32>
    %reduce_sum3A_274 = vector.shape_cast %select_n3A_273 : vector<36x128xf32> to vector<1x36x128xf32>
    %reduce_sum3A_275 = arith.constant dense<0.000000e+00> : vector<1xf32>
    %reduce_sum3A_276 = vector.multi_reduction <add>, %reduce_sum3A_274, %reduce_sum3A_275 [1, 2] : vector<1x36x128xf32> to vector<1xf32>
    %reduce_sum3A_277 = vector.shape_cast %reduce_sum3A_276 : vector<1xf32> to vector<1x1x1xf32>
    %reduce_sum3A_278 = vector.extract %reduce_sum3A_277[0, 0, 0] : f32 from vector<1x1x1xf32>
    %add3A_279 = arith.addf %add3A_262, %reduce_sum3A_278 : f32
    %convert_element_type3A_280 = arith.fptosi %add3A_279 : f32 to i32
    %swap3A_281 = arith.constant 0 : index
    %swap3A_282 = arith.constant 0 : index
    %swap3A_283 = arith.constant 9 : index
    %swap3A_284 = memref.load %arg16[%swap3A_281, %swap3A_282, %swap3A_283] : memref<1x1x48xi32, #tpu.memory_space<smem>>
    memref.store %convert_element_type3A_280, %arg16[%swap3A_281, %swap3A_282, %swap3A_283] : memref<1x1x48xi32, #tpu.memory_space<smem>>
    %slice3A_285 = vector.extract_strided_slice %or3A {offsets = [252, 0], sizes = [36, 128], strides = [1, 1]} : vector<1152x128xi1> to vector<36x128xi1>
    %jit3A_286 = arith.constant 1.000000e+00 : f32
    %jit3A_287 = arith.constant 0.000000e+00 : f32
    %broadcast_in_dim3A_288 = vector.broadcast %jit3A_286 : f32 to vector<36x128xf32>
    %broadcast_in_dim3A_289 = vector.broadcast %jit3A_287 : f32 to vector<36x128xf32>
    %select_n3A_290 = arith.select %slice3A_285, %broadcast_in_dim3A_288, %broadcast_in_dim3A_289 : vector<36x128xi1>, vector<36x128xf32>
    %reduce_sum3A_291 = vector.shape_cast %select_n3A_290 : vector<36x128xf32> to vector<1x36x128xf32>
    %reduce_sum3A_292 = arith.constant dense<0.000000e+00> : vector<1xf32>
    %reduce_sum3A_293 = vector.multi_reduction <add>, %reduce_sum3A_291, %reduce_sum3A_292 [1, 2] : vector<1x36x128xf32> to vector<1xf32>
    %reduce_sum3A_294 = vector.shape_cast %reduce_sum3A_293 : vector<1xf32> to vector<1x1x1xf32>
    %reduce_sum3A_295 = vector.extract %reduce_sum3A_294[0, 0, 0] : f32 from vector<1x1x1xf32>
    %add3A_296 = arith.addf %add3A_279, %reduce_sum3A_295 : f32
    %convert_element_type3A_297 = arith.fptosi %add3A_296 : f32 to i32
    %swap3A_298 = arith.constant 0 : index
    %swap3A_299 = arith.constant 0 : index
    %swap3A_300 = arith.constant 10 : index
    %swap3A_301 = memref.load %arg16[%swap3A_298, %swap3A_299, %swap3A_300] : memref<1x1x48xi32, #tpu.memory_space<smem>>
    memref.store %convert_element_type3A_297, %arg16[%swap3A_298, %swap3A_299, %swap3A_300] : memref<1x1x48xi32, #tpu.memory_space<smem>>
    %slice3A_302 = vector.extract_strided_slice %or3A {offsets = [288, 0], sizes = [36, 128], strides = [1, 1]} : vector<1152x128xi1> to vector<36x128xi1>
    %jit3A_303 = arith.constant 1.000000e+00 : f32
    %jit3A_304 = arith.constant 0.000000e+00 : f32
    %broadcast_in_dim3A_305 = vector.broadcast %jit3A_303 : f32 to vector<36x128xf32>
    %broadcast_in_dim3A_306 = vector.broadcast %jit3A_304 : f32 to vector<36x128xf32>
    %select_n3A_307 = arith.select %slice3A_302, %broadcast_in_dim3A_305, %broadcast_in_dim3A_306 : vector<36x128xi1>, vector<36x128xf32>
    %reduce_sum3A_308 = vector.shape_cast %select_n3A_307 : vector<36x128xf32> to vector<1x36x128xf32>
    %reduce_sum3A_309 = arith.constant dense<0.000000e+00> : vector<1xf32>
    %reduce_sum3A_310 = vector.multi_reduction <add>, %reduce_sum3A_308, %reduce_sum3A_309 [1, 2] : vector<1x36x128xf32> to vector<1xf32>
    %reduce_sum3A_311 = vector.shape_cast %reduce_sum3A_310 : vector<1xf32> to vector<1x1x1xf32>
    %reduce_sum3A_312 = vector.extract %reduce_sum3A_311[0, 0, 0] : f32 from vector<1x1x1xf32>
    %add3A_313 = arith.addf %add3A_296, %reduce_sum3A_312 : f32
    %convert_element_type3A_314 = arith.fptosi %add3A_313 : f32 to i32
    %swap3A_315 = arith.constant 0 : index
    %swap3A_316 = arith.constant 0 : index
    %swap3A_317 = arith.constant 11 : index
    %swap3A_318 = memref.load %arg16[%swap3A_315, %swap3A_316, %swap3A_317] : memref<1x1x48xi32, #tpu.memory_space<smem>>
    memref.store %convert_element_type3A_314, %arg16[%swap3A_315, %swap3A_316, %swap3A_317] : memref<1x1x48xi32, #tpu.memory_space<smem>>
    %slice3A_319 = vector.extract_strided_slice %or3A {offsets = [324, 0], sizes = [36, 128], strides = [1, 1]} : vector<1152x128xi1> to vector<36x128xi1>
    %jit3A_320 = arith.constant 1.000000e+00 : f32
    %jit3A_321 = arith.constant 0.000000e+00 : f32
    %broadcast_in_dim3A_322 = vector.broadcast %jit3A_320 : f32 to vector<36x128xf32>
    %broadcast_in_dim3A_323 = vector.broadcast %jit3A_321 : f32 to vector<36x128xf32>
    %select_n3A_324 = arith.select %slice3A_319, %broadcast_in_dim3A_322, %broadcast_in_dim3A_323 : vector<36x128xi1>, vector<36x128xf32>
    %reduce_sum3A_325 = vector.shape_cast %select_n3A_324 : vector<36x128xf32> to vector<1x36x128xf32>
    %reduce_sum3A_326 = arith.constant dense<0.000000e+00> : vector<1xf32>
    %reduce_sum3A_327 = vector.multi_reduction <add>, %reduce_sum3A_325, %reduce_sum3A_326 [1, 2] : vector<1x36x128xf32> to vector<1xf32>
    %reduce_sum3A_328 = vector.shape_cast %reduce_sum3A_327 : vector<1xf32> to vector<1x1x1xf32>
    %reduce_sum3A_329 = vector.extract %reduce_sum3A_328[0, 0, 0] : f32 from vector<1x1x1xf32>
    %add3A_330 = arith.addf %add3A_313, %reduce_sum3A_329 : f32
    %convert_element_type3A_331 = arith.fptosi %add3A_330 : f32 to i32
    %swap3A_332 = arith.constant 0 : index
    %swap3A_333 = arith.constant 0 : index
    %swap3A_334 = arith.constant 12 : index
    %swap3A_335 = memref.load %arg16[%swap3A_332, %swap3A_333, %swap3A_334] : memref<1x1x48xi32, #tpu.memory_space<smem>>
    memref.store %convert_element_type3A_331, %arg16[%swap3A_332, %swap3A_333, %swap3A_334] : memref<1x1x48xi32, #tpu.memory_space<smem>>
    %slice3A_336 = vector.extract_strided_slice %or3A {offsets = [360, 0], sizes = [36, 128], strides = [1, 1]} : vector<1152x128xi1> to vector<36x128xi1>
    %jit3A_337 = arith.constant 1.000000e+00 : f32
    %jit3A_338 = arith.constant 0.000000e+00 : f32
    %broadcast_in_dim3A_339 = vector.broadcast %jit3A_337 : f32 to vector<36x128xf32>
    %broadcast_in_dim3A_340 = vector.broadcast %jit3A_338 : f32 to vector<36x128xf32>
    %select_n3A_341 = arith.select %slice3A_336, %broadcast_in_dim3A_339, %broadcast_in_dim3A_340 : vector<36x128xi1>, vector<36x128xf32>
    %reduce_sum3A_342 = vector.shape_cast %select_n3A_341 : vector<36x128xf32> to vector<1x36x128xf32>
    %reduce_sum3A_343 = arith.constant dense<0.000000e+00> : vector<1xf32>
    %reduce_sum3A_344 = vector.multi_reduction <add>, %reduce_sum3A_342, %reduce_sum3A_343 [1, 2] : vector<1x36x128xf32> to vector<1xf32>
    %reduce_sum3A_345 = vector.shape_cast %reduce_sum3A_344 : vector<1xf32> to vector<1x1x1xf32>
    %reduce_sum3A_346 = vector.extract %reduce_sum3A_345[0, 0, 0] : f32 from vector<1x1x1xf32>
    %add3A_347 = arith.addf %add3A_330, %reduce_sum3A_346 : f32
    %convert_element_type3A_348 = arith.fptosi %add3A_347 : f32 to i32
    %swap3A_349 = arith.constant 0 : index
    %swap3A_350 = arith.constant 0 : index
    %swap3A_351 = arith.constant 13 : index
    %swap3A_352 = memref.load %arg16[%swap3A_349, %swap3A_350, %swap3A_351] : memref<1x1x48xi32, #tpu.memory_space<smem>>
    memref.store %convert_element_type3A_348, %arg16[%swap3A_349, %swap3A_350, %swap3A_351] : memref<1x1x48xi32, #tpu.memory_space<smem>>
    %slice3A_353 = vector.extract_strided_slice %or3A {offsets = [396, 0], sizes = [36, 128], strides = [1, 1]} : vector<1152x128xi1> to vector<36x128xi1>
    %jit3A_354 = arith.constant 1.000000e+00 : f32
    %jit3A_355 = arith.constant 0.000000e+00 : f32
    %broadcast_in_dim3A_356 = vector.broadcast %jit3A_354 : f32 to vector<36x128xf32>
    %broadcast_in_dim3A_357 = vector.broadcast %jit3A_355 : f32 to vector<36x128xf32>
    %select_n3A_358 = arith.select %slice3A_353, %broadcast_in_dim3A_356, %broadcast_in_dim3A_357 : vector<36x128xi1>, vector<36x128xf32>
    %reduce_sum3A_359 = vector.shape_cast %select_n3A_358 : vector<36x128xf32> to vector<1x36x128xf32>
    %reduce_sum3A_360 = arith.constant dense<0.000000e+00> : vector<1xf32>
    %reduce_sum3A_361 = vector.multi_reduction <add>, %reduce_sum3A_359, %reduce_sum3A_360 [1, 2] : vector<1x36x128xf32> to vector<1xf32>
    %reduce_sum3A_362 = vector.shape_cast %reduce_sum3A_361 : vector<1xf32> to vector<1x1x1xf32>
    %reduce_sum3A_363 = vector.extract %reduce_sum3A_362[0, 0, 0] : f32 from vector<1x1x1xf32>
    %add3A_364 = arith.addf %add3A_347, %reduce_sum3A_363 : f32
    %convert_element_type3A_365 = arith.fptosi %add3A_364 : f32 to i32
    %swap3A_366 = arith.constant 0 : index
    %swap3A_367 = arith.constant 0 : index
    %swap3A_368 = arith.constant 14 : index
    %swap3A_369 = memref.load %arg16[%swap3A_366, %swap3A_367, %swap3A_368] : memref<1x1x48xi32, #tpu.memory_space<smem>>
    memref.store %convert_element_type3A_365, %arg16[%swap3A_366, %swap3A_367, %swap3A_368] : memref<1x1x48xi32, #tpu.memory_space<smem>>
    %slice3A_370 = vector.extract_strided_slice %or3A {offsets = [432, 0], sizes = [36, 128], strides = [1, 1]} : vector<1152x128xi1> to vector<36x128xi1>
    %jit3A_371 = arith.constant 1.000000e+00 : f32
    %jit3A_372 = arith.constant 0.000000e+00 : f32
    %broadcast_in_dim3A_373 = vector.broadcast %jit3A_371 : f32 to vector<36x128xf32>
    %broadcast_in_dim3A_374 = vector.broadcast %jit3A_372 : f32 to vector<36x128xf32>
    %select_n3A_375 = arith.select %slice3A_370, %broadcast_in_dim3A_373, %broadcast_in_dim3A_374 : vector<36x128xi1>, vector<36x128xf32>
    %reduce_sum3A_376 = vector.shape_cast %select_n3A_375 : vector<36x128xf32> to vector<1x36x128xf32>
    %reduce_sum3A_377 = arith.constant dense<0.000000e+00> : vector<1xf32>
    %reduce_sum3A_378 = vector.multi_reduction <add>, %reduce_sum3A_376, %reduce_sum3A_377 [1, 2] : vector<1x36x128xf32> to vector<1xf32>
    %reduce_sum3A_379 = vector.shape_cast %reduce_sum3A_378 : vector<1xf32> to vector<1x1x1xf32>
    %reduce_sum3A_380 = vector.extract %reduce_sum3A_379[0, 0, 0] : f32 from vector<1x1x1xf32>
    %add3A_381 = arith.addf %add3A_364, %reduce_sum3A_380 : f32
    %convert_element_type3A_382 = arith.fptosi %add3A_381 : f32 to i32
    %swap3A_383 = arith.constant 0 : index
    %swap3A_384 = arith.constant 0 : index
    %swap3A_385 = arith.constant 15 : index
    %swap3A_386 = memref.load %arg16[%swap3A_383, %swap3A_384, %swap3A_385] : memref<1x1x48xi32, #tpu.memory_space<smem>>
    memref.store %convert_element_type3A_382, %arg16[%swap3A_383, %swap3A_384, %swap3A_385] : memref<1x1x48xi32, #tpu.memory_space<smem>>
    %slice3A_387 = vector.extract_strided_slice %or3A {offsets = [468, 0], sizes = [36, 128], strides = [1, 1]} : vector<1152x128xi1> to vector<36x128xi1>
    %jit3A_388 = arith.constant 1.000000e+00 : f32
    %jit3A_389 = arith.constant 0.000000e+00 : f32
    %broadcast_in_dim3A_390 = vector.broadcast %jit3A_388 : f32 to vector<36x128xf32>
    %broadcast_in_dim3A_391 = vector.broadcast %jit3A_389 : f32 to vector<36x128xf32>
    %select_n3A_392 = arith.select %slice3A_387, %broadcast_in_dim3A_390, %broadcast_in_dim3A_391 : vector<36x128xi1>, vector<36x128xf32>
    %reduce_sum3A_393 = vector.shape_cast %select_n3A_392 : vector<36x128xf32> to vector<1x36x128xf32>
    %reduce_sum3A_394 = arith.constant dense<0.000000e+00> : vector<1xf32>
    %reduce_sum3A_395 = vector.multi_reduction <add>, %reduce_sum3A_393, %reduce_sum3A_394 [1, 2] : vector<1x36x128xf32> to vector<1xf32>
    %reduce_sum3A_396 = vector.shape_cast %reduce_sum3A_395 : vector<1xf32> to vector<1x1x1xf32>
    %reduce_sum3A_397 = vector.extract %reduce_sum3A_396[0, 0, 0] : f32 from vector<1x1x1xf32>
    %add3A_398 = arith.addf %add3A_381, %reduce_sum3A_397 : f32
    %convert_element_type3A_399 = arith.fptosi %add3A_398 : f32 to i32
    %swap3A_400 = arith.constant 0 : index
    %swap3A_401 = arith.constant 0 : index
    %swap3A_402 = arith.constant 16 : index
    %swap3A_403 = memref.load %arg16[%swap3A_400, %swap3A_401, %swap3A_402] : memref<1x1x48xi32, #tpu.memory_space<smem>>
    memref.store %convert_element_type3A_399, %arg16[%swap3A_400, %swap3A_401, %swap3A_402] : memref<1x1x48xi32, #tpu.memory_space<smem>>
    %slice3A_404 = vector.extract_strided_slice %or3A {offsets = [504, 0], sizes = [36, 128], strides = [1, 1]} : vector<1152x128xi1> to vector<36x128xi1>
    %jit3A_405 = arith.constant 1.000000e+00 : f32
    %jit3A_406 = arith.constant 0.000000e+00 : f32
    %broadcast_in_dim3A_407 = vector.broadcast %jit3A_405 : f32 to vector<36x128xf32>
    %broadcast_in_dim3A_408 = vector.broadcast %jit3A_406 : f32 to vector<36x128xf32>
    %select_n3A_409 = arith.select %slice3A_404, %broadcast_in_dim3A_407, %broadcast_in_dim3A_408 : vector<36x128xi1>, vector<36x128xf32>
    %reduce_sum3A_410 = vector.shape_cast %select_n3A_409 : vector<36x128xf32> to vector<1x36x128xf32>
    %reduce_sum3A_411 = arith.constant dense<0.000000e+00> : vector<1xf32>
    %reduce_sum3A_412 = vector.multi_reduction <add>, %reduce_sum3A_410, %reduce_sum3A_411 [1, 2] : vector<1x36x128xf32> to vector<1xf32>
    %reduce_sum3A_413 = vector.shape_cast %reduce_sum3A_412 : vector<1xf32> to vector<1x1x1xf32>
    %reduce_sum3A_414 = vector.extract %reduce_sum3A_413[0, 0, 0] : f32 from vector<1x1x1xf32>
    %add3A_415 = arith.addf %add3A_398, %reduce_sum3A_414 : f32
    %convert_element_type3A_416 = arith.fptosi %add3A_415 : f32 to i32
    %swap3A_417 = arith.constant 0 : index
    %swap3A_418 = arith.constant 0 : index
    %swap3A_419 = arith.constant 17 : index
    %swap3A_420 = memref.load %arg16[%swap3A_417, %swap3A_418, %swap3A_419] : memref<1x1x48xi32, #tpu.memory_space<smem>>
    memref.store %convert_element_type3A_416, %arg16[%swap3A_417, %swap3A_418, %swap3A_419] : memref<1x1x48xi32, #tpu.memory_space<smem>>
    %slice3A_421 = vector.extract_strided_slice %or3A {offsets = [540, 0], sizes = [36, 128], strides = [1, 1]} : vector<1152x128xi1> to vector<36x128xi1>
    %jit3A_422 = arith.constant 1.000000e+00 : f32
    %jit3A_423 = arith.constant 0.000000e+00 : f32
    %broadcast_in_dim3A_424 = vector.broadcast %jit3A_422 : f32 to vector<36x128xf32>
    %broadcast_in_dim3A_425 = vector.broadcast %jit3A_423 : f32 to vector<36x128xf32>
    %select_n3A_426 = arith.select %slice3A_421, %broadcast_in_dim3A_424, %broadcast_in_dim3A_425 : vector<36x128xi1>, vector<36x128xf32>
    %reduce_sum3A_427 = vector.shape_cast %select_n3A_426 : vector<36x128xf32> to vector<1x36x128xf32>
    %reduce_sum3A_428 = arith.constant dense<0.000000e+00> : vector<1xf32>
    %reduce_sum3A_429 = vector.multi_reduction <add>, %reduce_sum3A_427, %reduce_sum3A_428 [1, 2] : vector<1x36x128xf32> to vector<1xf32>
    %reduce_sum3A_430 = vector.shape_cast %reduce_sum3A_429 : vector<1xf32> to vector<1x1x1xf32>
    %reduce_sum3A_431 = vector.extract %reduce_sum3A_430[0, 0, 0] : f32 from vector<1x1x1xf32>
    %add3A_432 = arith.addf %add3A_415, %reduce_sum3A_431 : f32
    %convert_element_type3A_433 = arith.fptosi %add3A_432 : f32 to i32
    %swap3A_434 = arith.constant 0 : index
    %swap3A_435 = arith.constant 0 : index
    %swap3A_436 = arith.constant 18 : index
    %swap3A_437 = memref.load %arg16[%swap3A_434, %swap3A_435, %swap3A_436] : memref<1x1x48xi32, #tpu.memory_space<smem>>
    memref.store %convert_element_type3A_433, %arg16[%swap3A_434, %swap3A_435, %swap3A_436] : memref<1x1x48xi32, #tpu.memory_space<smem>>
    %slice3A_438 = vector.extract_strided_slice %or3A {offsets = [576, 0], sizes = [36, 128], strides = [1, 1]} : vector<1152x128xi1> to vector<36x128xi1>
    %jit3A_439 = arith.constant 1.000000e+00 : f32
    %jit3A_440 = arith.constant 0.000000e+00 : f32
    %broadcast_in_dim3A_441 = vector.broadcast %jit3A_439 : f32 to vector<36x128xf32>
    %broadcast_in_dim3A_442 = vector.broadcast %jit3A_440 : f32 to vector<36x128xf32>
    %select_n3A_443 = arith.select %slice3A_438, %broadcast_in_dim3A_441, %broadcast_in_dim3A_442 : vector<36x128xi1>, vector<36x128xf32>
    %reduce_sum3A_444 = vector.shape_cast %select_n3A_443 : vector<36x128xf32> to vector<1x36x128xf32>
    %reduce_sum3A_445 = arith.constant dense<0.000000e+00> : vector<1xf32>
    %reduce_sum3A_446 = vector.multi_reduction <add>, %reduce_sum3A_444, %reduce_sum3A_445 [1, 2] : vector<1x36x128xf32> to vector<1xf32>
    %reduce_sum3A_447 = vector.shape_cast %reduce_sum3A_446 : vector<1xf32> to vector<1x1x1xf32>
    %reduce_sum3A_448 = vector.extract %reduce_sum3A_447[0, 0, 0] : f32 from vector<1x1x1xf32>
    %add3A_449 = arith.addf %add3A_432, %reduce_sum3A_448 : f32
    %convert_element_type3A_450 = arith.fptosi %add3A_449 : f32 to i32
    %swap3A_451 = arith.constant 0 : index
    %swap3A_452 = arith.constant 0 : index
    %swap3A_453 = arith.constant 19 : index
    %swap3A_454 = memref.load %arg16[%swap3A_451, %swap3A_452, %swap3A_453] : memref<1x1x48xi32, #tpu.memory_space<smem>>
    memref.store %convert_element_type3A_450, %arg16[%swap3A_451, %swap3A_452, %swap3A_453] : memref<1x1x48xi32, #tpu.memory_space<smem>>
    %slice3A_455 = vector.extract_strided_slice %or3A {offsets = [612, 0], sizes = [36, 128], strides = [1, 1]} : vector<1152x128xi1> to vector<36x128xi1>
    %jit3A_456 = arith.constant 1.000000e+00 : f32
    %jit3A_457 = arith.constant 0.000000e+00 : f32
    %broadcast_in_dim3A_458 = vector.broadcast %jit3A_456 : f32 to vector<36x128xf32>
    %broadcast_in_dim3A_459 = vector.broadcast %jit3A_457 : f32 to vector<36x128xf32>
    %select_n3A_460 = arith.select %slice3A_455, %broadcast_in_dim3A_458, %broadcast_in_dim3A_459 : vector<36x128xi1>, vector<36x128xf32>
    %reduce_sum3A_461 = vector.shape_cast %select_n3A_460 : vector<36x128xf32> to vector<1x36x128xf32>
    %reduce_sum3A_462 = arith.constant dense<0.000000e+00> : vector<1xf32>
    %reduce_sum3A_463 = vector.multi_reduction <add>, %reduce_sum3A_461, %reduce_sum3A_462 [1, 2] : vector<1x36x128xf32> to vector<1xf32>
    %reduce_sum3A_464 = vector.shape_cast %reduce_sum3A_463 : vector<1xf32> to vector<1x1x1xf32>
    %reduce_sum3A_465 = vector.extract %reduce_sum3A_464[0, 0, 0] : f32 from vector<1x1x1xf32>
    %add3A_466 = arith.addf %add3A_449, %reduce_sum3A_465 : f32
    %convert_element_type3A_467 = arith.fptosi %add3A_466 : f32 to i32
    %swap3A_468 = arith.constant 0 : index
    %swap3A_469 = arith.constant 0 : index
    %swap3A_470 = arith.constant 20 : index
    %swap3A_471 = memref.load %arg16[%swap3A_468, %swap3A_469, %swap3A_470] : memref<1x1x48xi32, #tpu.memory_space<smem>>
    memref.store %convert_element_type3A_467, %arg16[%swap3A_468, %swap3A_469, %swap3A_470] : memref<1x1x48xi32, #tpu.memory_space<smem>>
    %slice3A_472 = vector.extract_strided_slice %or3A {offsets = [648, 0], sizes = [36, 128], strides = [1, 1]} : vector<1152x128xi1> to vector<36x128xi1>
    %jit3A_473 = arith.constant 1.000000e+00 : f32
    %jit3A_474 = arith.constant 0.000000e+00 : f32
    %broadcast_in_dim3A_475 = vector.broadcast %jit3A_473 : f32 to vector<36x128xf32>
    %broadcast_in_dim3A_476 = vector.broadcast %jit3A_474 : f32 to vector<36x128xf32>
    %select_n3A_477 = arith.select %slice3A_472, %broadcast_in_dim3A_475, %broadcast_in_dim3A_476 : vector<36x128xi1>, vector<36x128xf32>
    %reduce_sum3A_478 = vector.shape_cast %select_n3A_477 : vector<36x128xf32> to vector<1x36x128xf32>
    %reduce_sum3A_479 = arith.constant dense<0.000000e+00> : vector<1xf32>
    %reduce_sum3A_480 = vector.multi_reduction <add>, %reduce_sum3A_478, %reduce_sum3A_479 [1, 2] : vector<1x36x128xf32> to vector<1xf32>
    %reduce_sum3A_481 = vector.shape_cast %reduce_sum3A_480 : vector<1xf32> to vector<1x1x1xf32>
    %reduce_sum3A_482 = vector.extract %reduce_sum3A_481[0, 0, 0] : f32 from vector<1x1x1xf32>
    %add3A_483 = arith.addf %add3A_466, %reduce_sum3A_482 : f32
    %convert_element_type3A_484 = arith.fptosi %add3A_483 : f32 to i32
    %swap3A_485 = arith.constant 0 : index
    %swap3A_486 = arith.constant 0 : index
    %swap3A_487 = arith.constant 21 : index
    %swap3A_488 = memref.load %arg16[%swap3A_485, %swap3A_486, %swap3A_487] : memref<1x1x48xi32, #tpu.memory_space<smem>>
    memref.store %convert_element_type3A_484, %arg16[%swap3A_485, %swap3A_486, %swap3A_487] : memref<1x1x48xi32, #tpu.memory_space<smem>>
    %slice3A_489 = vector.extract_strided_slice %or3A {offsets = [684, 0], sizes = [36, 128], strides = [1, 1]} : vector<1152x128xi1> to vector<36x128xi1>
    %jit3A_490 = arith.constant 1.000000e+00 : f32
    %jit3A_491 = arith.constant 0.000000e+00 : f32
    %broadcast_in_dim3A_492 = vector.broadcast %jit3A_490 : f32 to vector<36x128xf32>
    %broadcast_in_dim3A_493 = vector.broadcast %jit3A_491 : f32 to vector<36x128xf32>
    %select_n3A_494 = arith.select %slice3A_489, %broadcast_in_dim3A_492, %broadcast_in_dim3A_493 : vector<36x128xi1>, vector<36x128xf32>
    %reduce_sum3A_495 = vector.shape_cast %select_n3A_494 : vector<36x128xf32> to vector<1x36x128xf32>
    %reduce_sum3A_496 = arith.constant dense<0.000000e+00> : vector<1xf32>
    %reduce_sum3A_497 = vector.multi_reduction <add>, %reduce_sum3A_495, %reduce_sum3A_496 [1, 2] : vector<1x36x128xf32> to vector<1xf32>
    %reduce_sum3A_498 = vector.shape_cast %reduce_sum3A_497 : vector<1xf32> to vector<1x1x1xf32>
    %reduce_sum3A_499 = vector.extract %reduce_sum3A_498[0, 0, 0] : f32 from vector<1x1x1xf32>
    %add3A_500 = arith.addf %add3A_483, %reduce_sum3A_499 : f32
    %convert_element_type3A_501 = arith.fptosi %add3A_500 : f32 to i32
    %swap3A_502 = arith.constant 0 : index
    %swap3A_503 = arith.constant 0 : index
    %swap3A_504 = arith.constant 22 : index
    %swap3A_505 = memref.load %arg16[%swap3A_502, %swap3A_503, %swap3A_504] : memref<1x1x48xi32, #tpu.memory_space<smem>>
    memref.store %convert_element_type3A_501, %arg16[%swap3A_502, %swap3A_503, %swap3A_504] : memref<1x1x48xi32, #tpu.memory_space<smem>>
    %slice3A_506 = vector.extract_strided_slice %or3A {offsets = [720, 0], sizes = [36, 128], strides = [1, 1]} : vector<1152x128xi1> to vector<36x128xi1>
    %jit3A_507 = arith.constant 1.000000e+00 : f32
    %jit3A_508 = arith.constant 0.000000e+00 : f32
    %broadcast_in_dim3A_509 = vector.broadcast %jit3A_507 : f32 to vector<36x128xf32>
    %broadcast_in_dim3A_510 = vector.broadcast %jit3A_508 : f32 to vector<36x128xf32>
    %select_n3A_511 = arith.select %slice3A_506, %broadcast_in_dim3A_509, %broadcast_in_dim3A_510 : vector<36x128xi1>, vector<36x128xf32>
    %reduce_sum3A_512 = vector.shape_cast %select_n3A_511 : vector<36x128xf32> to vector<1x36x128xf32>
    %reduce_sum3A_513 = arith.constant dense<0.000000e+00> : vector<1xf32>
    %reduce_sum3A_514 = vector.multi_reduction <add>, %reduce_sum3A_512, %reduce_sum3A_513 [1, 2] : vector<1x36x128xf32> to vector<1xf32>
    %reduce_sum3A_515 = vector.shape_cast %reduce_sum3A_514 : vector<1xf32> to vector<1x1x1xf32>
    %reduce_sum3A_516 = vector.extract %reduce_sum3A_515[0, 0, 0] : f32 from vector<1x1x1xf32>
    %add3A_517 = arith.addf %add3A_500, %reduce_sum3A_516 : f32
    %convert_element_type3A_518 = arith.fptosi %add3A_517 : f32 to i32
    %swap3A_519 = arith.constant 0 : index
    %swap3A_520 = arith.constant 0 : index
    %swap3A_521 = arith.constant 23 : index
    %swap3A_522 = memref.load %arg16[%swap3A_519, %swap3A_520, %swap3A_521] : memref<1x1x48xi32, #tpu.memory_space<smem>>
    memref.store %convert_element_type3A_518, %arg16[%swap3A_519, %swap3A_520, %swap3A_521] : memref<1x1x48xi32, #tpu.memory_space<smem>>
    %slice3A_523 = vector.extract_strided_slice %or3A {offsets = [756, 0], sizes = [36, 128], strides = [1, 1]} : vector<1152x128xi1> to vector<36x128xi1>
    %jit3A_524 = arith.constant 1.000000e+00 : f32
    %jit3A_525 = arith.constant 0.000000e+00 : f32
    %broadcast_in_dim3A_526 = vector.broadcast %jit3A_524 : f32 to vector<36x128xf32>
    %broadcast_in_dim3A_527 = vector.broadcast %jit3A_525 : f32 to vector<36x128xf32>
    %select_n3A_528 = arith.select %slice3A_523, %broadcast_in_dim3A_526, %broadcast_in_dim3A_527 : vector<36x128xi1>, vector<36x128xf32>
    %reduce_sum3A_529 = vector.shape_cast %select_n3A_528 : vector<36x128xf32> to vector<1x36x128xf32>
    %reduce_sum3A_530 = arith.constant dense<0.000000e+00> : vector<1xf32>
    %reduce_sum3A_531 = vector.multi_reduction <add>, %reduce_sum3A_529, %reduce_sum3A_530 [1, 2] : vector<1x36x128xf32> to vector<1xf32>
    %reduce_sum3A_532 = vector.shape_cast %reduce_sum3A_531 : vector<1xf32> to vector<1x1x1xf32>
    %reduce_sum3A_533 = vector.extract %reduce_sum3A_532[0, 0, 0] : f32 from vector<1x1x1xf32>
    %add3A_534 = arith.addf %add3A_517, %reduce_sum3A_533 : f32
    %convert_element_type3A_535 = arith.fptosi %add3A_534 : f32 to i32
    %swap3A_536 = arith.constant 0 : index
    %swap3A_537 = arith.constant 0 : index
    %swap3A_538 = arith.constant 24 : index
    %swap3A_539 = memref.load %arg16[%swap3A_536, %swap3A_537, %swap3A_538] : memref<1x1x48xi32, #tpu.memory_space<smem>>
    memref.store %convert_element_type3A_535, %arg16[%swap3A_536, %swap3A_537, %swap3A_538] : memref<1x1x48xi32, #tpu.memory_space<smem>>
    %slice3A_540 = vector.extract_strided_slice %or3A {offsets = [792, 0], sizes = [36, 128], strides = [1, 1]} : vector<1152x128xi1> to vector<36x128xi1>
    %jit3A_541 = arith.constant 1.000000e+00 : f32
    %jit3A_542 = arith.constant 0.000000e+00 : f32
    %broadcast_in_dim3A_543 = vector.broadcast %jit3A_541 : f32 to vector<36x128xf32>
    %broadcast_in_dim3A_544 = vector.broadcast %jit3A_542 : f32 to vector<36x128xf32>
    %select_n3A_545 = arith.select %slice3A_540, %broadcast_in_dim3A_543, %broadcast_in_dim3A_544 : vector<36x128xi1>, vector<36x128xf32>
    %reduce_sum3A_546 = vector.shape_cast %select_n3A_545 : vector<36x128xf32> to vector<1x36x128xf32>
    %reduce_sum3A_547 = arith.constant dense<0.000000e+00> : vector<1xf32>
    %reduce_sum3A_548 = vector.multi_reduction <add>, %reduce_sum3A_546, %reduce_sum3A_547 [1, 2] : vector<1x36x128xf32> to vector<1xf32>
    %reduce_sum3A_549 = vector.shape_cast %reduce_sum3A_548 : vector<1xf32> to vector<1x1x1xf32>
    %reduce_sum3A_550 = vector.extract %reduce_sum3A_549[0, 0, 0] : f32 from vector<1x1x1xf32>
    %add3A_551 = arith.addf %add3A_534, %reduce_sum3A_550 : f32
    %convert_element_type3A_552 = arith.fptosi %add3A_551 : f32 to i32
    %swap3A_553 = arith.constant 0 : index
    %swap3A_554 = arith.constant 0 : index
    %swap3A_555 = arith.constant 25 : index
    %swap3A_556 = memref.load %arg16[%swap3A_553, %swap3A_554, %swap3A_555] : memref<1x1x48xi32, #tpu.memory_space<smem>>
    memref.store %convert_element_type3A_552, %arg16[%swap3A_553, %swap3A_554, %swap3A_555] : memref<1x1x48xi32, #tpu.memory_space<smem>>
    %slice3A_557 = vector.extract_strided_slice %or3A {offsets = [828, 0], sizes = [36, 128], strides = [1, 1]} : vector<1152x128xi1> to vector<36x128xi1>
    %jit3A_558 = arith.constant 1.000000e+00 : f32
    %jit3A_559 = arith.constant 0.000000e+00 : f32
    %broadcast_in_dim3A_560 = vector.broadcast %jit3A_558 : f32 to vector<36x128xf32>
    %broadcast_in_dim3A_561 = vector.broadcast %jit3A_559 : f32 to vector<36x128xf32>
    %select_n3A_562 = arith.select %slice3A_557, %broadcast_in_dim3A_560, %broadcast_in_dim3A_561 : vector<36x128xi1>, vector<36x128xf32>
    %reduce_sum3A_563 = vector.shape_cast %select_n3A_562 : vector<36x128xf32> to vector<1x36x128xf32>
    %reduce_sum3A_564 = arith.constant dense<0.000000e+00> : vector<1xf32>
    %reduce_sum3A_565 = vector.multi_reduction <add>, %reduce_sum3A_563, %reduce_sum3A_564 [1, 2] : vector<1x36x128xf32> to vector<1xf32>
    %reduce_sum3A_566 = vector.shape_cast %reduce_sum3A_565 : vector<1xf32> to vector<1x1x1xf32>
    %reduce_sum3A_567 = vector.extract %reduce_sum3A_566[0, 0, 0] : f32 from vector<1x1x1xf32>
    %add3A_568 = arith.addf %add3A_551, %reduce_sum3A_567 : f32
    %convert_element_type3A_569 = arith.fptosi %add3A_568 : f32 to i32
    %swap3A_570 = arith.constant 0 : index
    %swap3A_571 = arith.constant 0 : index
    %swap3A_572 = arith.constant 26 : index
    %swap3A_573 = memref.load %arg16[%swap3A_570, %swap3A_571, %swap3A_572] : memref<1x1x48xi32, #tpu.memory_space<smem>>
    memref.store %convert_element_type3A_569, %arg16[%swap3A_570, %swap3A_571, %swap3A_572] : memref<1x1x48xi32, #tpu.memory_space<smem>>
    %slice3A_574 = vector.extract_strided_slice %or3A {offsets = [864, 0], sizes = [36, 128], strides = [1, 1]} : vector<1152x128xi1> to vector<36x128xi1>
    %jit3A_575 = arith.constant 1.000000e+00 : f32
    %jit3A_576 = arith.constant 0.000000e+00 : f32
    %broadcast_in_dim3A_577 = vector.broadcast %jit3A_575 : f32 to vector<36x128xf32>
    %broadcast_in_dim3A_578 = vector.broadcast %jit3A_576 : f32 to vector<36x128xf32>
    %select_n3A_579 = arith.select %slice3A_574, %broadcast_in_dim3A_577, %broadcast_in_dim3A_578 : vector<36x128xi1>, vector<36x128xf32>
    %reduce_sum3A_580 = vector.shape_cast %select_n3A_579 : vector<36x128xf32> to vector<1x36x128xf32>
    %reduce_sum3A_581 = arith.constant dense<0.000000e+00> : vector<1xf32>
    %reduce_sum3A_582 = vector.multi_reduction <add>, %reduce_sum3A_580, %reduce_sum3A_581 [1, 2] : vector<1x36x128xf32> to vector<1xf32>
    %reduce_sum3A_583 = vector.shape_cast %reduce_sum3A_582 : vector<1xf32> to vector<1x1x1xf32>
    %reduce_sum3A_584 = vector.extract %reduce_sum3A_583[0, 0, 0] : f32 from vector<1x1x1xf32>
    %add3A_585 = arith.addf %add3A_568, %reduce_sum3A_584 : f32
    %convert_element_type3A_586 = arith.fptosi %add3A_585 : f32 to i32
    %swap3A_587 = arith.constant 0 : index
    %swap3A_588 = arith.constant 0 : index
    %swap3A_589 = arith.constant 27 : index
    %swap3A_590 = memref.load %arg16[%swap3A_587, %swap3A_588, %swap3A_589] : memref<1x1x48xi32, #tpu.memory_space<smem>>
    memref.store %convert_element_type3A_586, %arg16[%swap3A_587, %swap3A_588, %swap3A_589] : memref<1x1x48xi32, #tpu.memory_space<smem>>
    %slice3A_591 = vector.extract_strided_slice %or3A {offsets = [900, 0], sizes = [36, 128], strides = [1, 1]} : vector<1152x128xi1> to vector<36x128xi1>
    %jit3A_592 = arith.constant 1.000000e+00 : f32
    %jit3A_593 = arith.constant 0.000000e+00 : f32
    %broadcast_in_dim3A_594 = vector.broadcast %jit3A_592 : f32 to vector<36x128xf32>
    %broadcast_in_dim3A_595 = vector.broadcast %jit3A_593 : f32 to vector<36x128xf32>
    %select_n3A_596 = arith.select %slice3A_591, %broadcast_in_dim3A_594, %broadcast_in_dim3A_595 : vector<36x128xi1>, vector<36x128xf32>
    %reduce_sum3A_597 = vector.shape_cast %select_n3A_596 : vector<36x128xf32> to vector<1x36x128xf32>
    %reduce_sum3A_598 = arith.constant dense<0.000000e+00> : vector<1xf32>
    %reduce_sum3A_599 = vector.multi_reduction <add>, %reduce_sum3A_597, %reduce_sum3A_598 [1, 2] : vector<1x36x128xf32> to vector<1xf32>
    %reduce_sum3A_600 = vector.shape_cast %reduce_sum3A_599 : vector<1xf32> to vector<1x1x1xf32>
    %reduce_sum3A_601 = vector.extract %reduce_sum3A_600[0, 0, 0] : f32 from vector<1x1x1xf32>
    %add3A_602 = arith.addf %add3A_585, %reduce_sum3A_601 : f32
    %convert_element_type3A_603 = arith.fptosi %add3A_602 : f32 to i32
    %swap3A_604 = arith.constant 0 : index
    %swap3A_605 = arith.constant 0 : index
    %swap3A_606 = arith.constant 28 : index
    %swap3A_607 = memref.load %arg16[%swap3A_604, %swap3A_605, %swap3A_606] : memref<1x1x48xi32, #tpu.memory_space<smem>>
    memref.store %convert_element_type3A_603, %arg16[%swap3A_604, %swap3A_605, %swap3A_606] : memref<1x1x48xi32, #tpu.memory_space<smem>>
    %slice3A_608 = vector.extract_strided_slice %or3A {offsets = [936, 0], sizes = [36, 128], strides = [1, 1]} : vector<1152x128xi1> to vector<36x128xi1>
    %jit3A_609 = arith.constant 1.000000e+00 : f32
    %jit3A_610 = arith.constant 0.000000e+00 : f32
    %broadcast_in_dim3A_611 = vector.broadcast %jit3A_609 : f32 to vector<36x128xf32>
    %broadcast_in_dim3A_612 = vector.broadcast %jit3A_610 : f32 to vector<36x128xf32>
    %select_n3A_613 = arith.select %slice3A_608, %broadcast_in_dim3A_611, %broadcast_in_dim3A_612 : vector<36x128xi1>, vector<36x128xf32>
    %reduce_sum3A_614 = vector.shape_cast %select_n3A_613 : vector<36x128xf32> to vector<1x36x128xf32>
    %reduce_sum3A_615 = arith.constant dense<0.000000e+00> : vector<1xf32>
    %reduce_sum3A_616 = vector.multi_reduction <add>, %reduce_sum3A_614, %reduce_sum3A_615 [1, 2] : vector<1x36x128xf32> to vector<1xf32>
    %reduce_sum3A_617 = vector.shape_cast %reduce_sum3A_616 : vector<1xf32> to vector<1x1x1xf32>
    %reduce_sum3A_618 = vector.extract %reduce_sum3A_617[0, 0, 0] : f32 from vector<1x1x1xf32>
    %add3A_619 = arith.addf %add3A_602, %reduce_sum3A_618 : f32
    %convert_element_type3A_620 = arith.fptosi %add3A_619 : f32 to i32
    %swap3A_621 = arith.constant 0 : index
    %swap3A_622 = arith.constant 0 : index
    %swap3A_623 = arith.constant 29 : index
    %swap3A_624 = memref.load %arg16[%swap3A_621, %swap3A_622, %swap3A_623] : memref<1x1x48xi32, #tpu.memory_space<smem>>
    memref.store %convert_element_type3A_620, %arg16[%swap3A_621, %swap3A_622, %swap3A_623] : memref<1x1x48xi32, #tpu.memory_space<smem>>
    %slice3A_625 = vector.extract_strided_slice %or3A {offsets = [972, 0], sizes = [36, 128], strides = [1, 1]} : vector<1152x128xi1> to vector<36x128xi1>
    %jit3A_626 = arith.constant 1.000000e+00 : f32
    %jit3A_627 = arith.constant 0.000000e+00 : f32
    %broadcast_in_dim3A_628 = vector.broadcast %jit3A_626 : f32 to vector<36x128xf32>
    %broadcast_in_dim3A_629 = vector.broadcast %jit3A_627 : f32 to vector<36x128xf32>
    %select_n3A_630 = arith.select %slice3A_625, %broadcast_in_dim3A_628, %broadcast_in_dim3A_629 : vector<36x128xi1>, vector<36x128xf32>
    %reduce_sum3A_631 = vector.shape_cast %select_n3A_630 : vector<36x128xf32> to vector<1x36x128xf32>
    %reduce_sum3A_632 = arith.constant dense<0.000000e+00> : vector<1xf32>
    %reduce_sum3A_633 = vector.multi_reduction <add>, %reduce_sum3A_631, %reduce_sum3A_632 [1, 2] : vector<1x36x128xf32> to vector<1xf32>
    %reduce_sum3A_634 = vector.shape_cast %reduce_sum3A_633 : vector<1xf32> to vector<1x1x1xf32>
    %reduce_sum3A_635 = vector.extract %reduce_sum3A_634[0, 0, 0] : f32 from vector<1x1x1xf32>
    %add3A_636 = arith.addf %add3A_619, %reduce_sum3A_635 : f32
    %convert_element_type3A_637 = arith.fptosi %add3A_636 : f32 to i32
    %swap3A_638 = arith.constant 0 : index
    %swap3A_639 = arith.constant 0 : index
    %swap3A_640 = arith.constant 30 : index
    %swap3A_641 = memref.load %arg16[%swap3A_638, %swap3A_639, %swap3A_640] : memref<1x1x48xi32, #tpu.memory_space<smem>>
    memref.store %convert_element_type3A_637, %arg16[%swap3A_638, %swap3A_639, %swap3A_640] : memref<1x1x48xi32, #tpu.memory_space<smem>>
    %slice3A_642 = vector.extract_strided_slice %or3A {offsets = [1008, 0], sizes = [36, 128], strides = [1, 1]} : vector<1152x128xi1> to vector<36x128xi1>
    %jit3A_643 = arith.constant 1.000000e+00 : f32
    %jit3A_644 = arith.constant 0.000000e+00 : f32
    %broadcast_in_dim3A_645 = vector.broadcast %jit3A_643 : f32 to vector<36x128xf32>
    %broadcast_in_dim3A_646 = vector.broadcast %jit3A_644 : f32 to vector<36x128xf32>
    %select_n3A_647 = arith.select %slice3A_642, %broadcast_in_dim3A_645, %broadcast_in_dim3A_646 : vector<36x128xi1>, vector<36x128xf32>
    %reduce_sum3A_648 = vector.shape_cast %select_n3A_647 : vector<36x128xf32> to vector<1x36x128xf32>
    %reduce_sum3A_649 = arith.constant dense<0.000000e+00> : vector<1xf32>
    %reduce_sum3A_650 = vector.multi_reduction <add>, %reduce_sum3A_648, %reduce_sum3A_649 [1, 2] : vector<1x36x128xf32> to vector<1xf32>
    %reduce_sum3A_651 = vector.shape_cast %reduce_sum3A_650 : vector<1xf32> to vector<1x1x1xf32>
    %reduce_sum3A_652 = vector.extract %reduce_sum3A_651[0, 0, 0] : f32 from vector<1x1x1xf32>
    %add3A_653 = arith.addf %add3A_636, %reduce_sum3A_652 : f32
    %convert_element_type3A_654 = arith.fptosi %add3A_653 : f32 to i32
    %swap3A_655 = arith.constant 0 : index
    %swap3A_656 = arith.constant 0 : index
    %swap3A_657 = arith.constant 31 : index
    %swap3A_658 = memref.load %arg16[%swap3A_655, %swap3A_656, %swap3A_657] : memref<1x1x48xi32, #tpu.memory_space<smem>>
    memref.store %convert_element_type3A_654, %arg16[%swap3A_655, %swap3A_656, %swap3A_657] : memref<1x1x48xi32, #tpu.memory_space<smem>>
    %slice3A_659 = vector.extract_strided_slice %or3A {offsets = [1044, 0], sizes = [36, 128], strides = [1, 1]} : vector<1152x128xi1> to vector<36x128xi1>
    %jit3A_660 = arith.constant 1.000000e+00 : f32
    %jit3A_661 = arith.constant 0.000000e+00 : f32
    %broadcast_in_dim3A_662 = vector.broadcast %jit3A_660 : f32 to vector<36x128xf32>
    %broadcast_in_dim3A_663 = vector.broadcast %jit3A_661 : f32 to vector<36x128xf32>
    %select_n3A_664 = arith.select %slice3A_659, %broadcast_in_dim3A_662, %broadcast_in_dim3A_663 : vector<36x128xi1>, vector<36x128xf32>
    %reduce_sum3A_665 = vector.shape_cast %select_n3A_664 : vector<36x128xf32> to vector<1x36x128xf32>
    %reduce_sum3A_666 = arith.constant dense<0.000000e+00> : vector<1xf32>
    %reduce_sum3A_667 = vector.multi_reduction <add>, %reduce_sum3A_665, %reduce_sum3A_666 [1, 2] : vector<1x36x128xf32> to vector<1xf32>
    %reduce_sum3A_668 = vector.shape_cast %reduce_sum3A_667 : vector<1xf32> to vector<1x1x1xf32>
    %reduce_sum3A_669 = vector.extract %reduce_sum3A_668[0, 0, 0] : f32 from vector<1x1x1xf32>
    %add3A_670 = arith.addf %add3A_653, %reduce_sum3A_669 : f32
    %convert_element_type3A_671 = arith.fptosi %add3A_670 : f32 to i32
    %swap3A_672 = arith.constant 0 : index
    %swap3A_673 = arith.constant 0 : index
    %swap3A_674 = arith.constant 32 : index
    %swap3A_675 = memref.load %arg16[%swap3A_672, %swap3A_673, %swap3A_674] : memref<1x1x48xi32, #tpu.memory_space<smem>>
    memref.store %convert_element_type3A_671, %arg16[%swap3A_672, %swap3A_673, %swap3A_674] : memref<1x1x48xi32, #tpu.memory_space<smem>>
    %slice3A_676 = vector.extract_strided_slice %or3A {offsets = [1080, 0], sizes = [36, 128], strides = [1, 1]} : vector<1152x128xi1> to vector<36x128xi1>
    %jit3A_677 = arith.constant 1.000000e+00 : f32
    %jit3A_678 = arith.constant 0.000000e+00 : f32
    %broadcast_in_dim3A_679 = vector.broadcast %jit3A_677 : f32 to vector<36x128xf32>
    %broadcast_in_dim3A_680 = vector.broadcast %jit3A_678 : f32 to vector<36x128xf32>
    %select_n3A_681 = arith.select %slice3A_676, %broadcast_in_dim3A_679, %broadcast_in_dim3A_680 : vector<36x128xi1>, vector<36x128xf32>
    %reduce_sum3A_682 = vector.shape_cast %select_n3A_681 : vector<36x128xf32> to vector<1x36x128xf32>
    %reduce_sum3A_683 = arith.constant dense<0.000000e+00> : vector<1xf32>
    %reduce_sum3A_684 = vector.multi_reduction <add>, %reduce_sum3A_682, %reduce_sum3A_683 [1, 2] : vector<1x36x128xf32> to vector<1xf32>
    %reduce_sum3A_685 = vector.shape_cast %reduce_sum3A_684 : vector<1xf32> to vector<1x1x1xf32>
    %reduce_sum3A_686 = vector.extract %reduce_sum3A_685[0, 0, 0] : f32 from vector<1x1x1xf32>
    %add3A_687 = arith.addf %add3A_670, %reduce_sum3A_686 : f32
    %convert_element_type3A_688 = arith.fptosi %add3A_687 : f32 to i32
    %swap3A_689 = arith.constant 0 : index
    %swap3A_690 = arith.constant 0 : index
    %swap3A_691 = arith.constant 33 : index
    %swap3A_692 = memref.load %arg16[%swap3A_689, %swap3A_690, %swap3A_691] : memref<1x1x48xi32, #tpu.memory_space<smem>>
    memref.store %convert_element_type3A_688, %arg16[%swap3A_689, %swap3A_690, %swap3A_691] : memref<1x1x48xi32, #tpu.memory_space<smem>>
    return
  }
  func.func @transform_0(%arg0: i32) -> (i32, i32) {
    %c0_i32 = arith.constant 0 : i32
    %c0_i32_0 = arith.constant 0 : i32
    %c0_i32_1 = arith.constant 0 : i32
    return %c0_i32, %c0_i32_0 : i32, i32
  }
  func.func @transform_1(%arg0: i32) -> (i32, i32, i32) {
    %c0_i32 = arith.constant 0 : i32
    %c0_i32_0 = arith.constant 0 : i32
    %c0_i32_1 = arith.constant 0 : i32
    return %arg0, %c0_i32, %c0_i32_0 : i32, i32, i32
  }
  func.func @transform_2(%arg0: i32) -> (i32, i32, i32) {
    %c0_i32 = arith.constant 0 : i32
    %c0_i32_0 = arith.constant 0 : i32
    %c0_i32_1 = arith.constant 0 : i32
    return %arg0, %c0_i32, %c0_i32_0 : i32, i32, i32
  }
  func.func @transform_3(%arg0: i32) -> (i32, i32, i32) {
    %c0_i32 = arith.constant 0 : i32
    %c0_i32_0 = arith.constant 0 : i32
    %c0_i32_1 = arith.constant 0 : i32
    return %arg0, %c0_i32, %c0_i32_0 : i32, i32, i32
  }
  func.func @transform_4(%arg0: i32) -> (i32, i32, i32) {
    %c0_i32 = arith.constant 0 : i32
    %c0_i32_0 = arith.constant 0 : i32
    %c0_i32_1 = arith.constant 0 : i32
    return %arg0, %c0_i32, %c0_i32_0 : i32, i32, i32
  }
  func.func @transform_5(%arg0: i32) -> (i32, i32, i32) {
    %c0_i32 = arith.constant 0 : i32
    %c0_i32_0 = arith.constant 0 : i32
    %c0_i32_1 = arith.constant 0 : i32
    return %arg0, %c0_i32, %c0_i32_0 : i32, i32, i32
  }
  func.func @transform_6(%arg0: i32) -> (i32, i32) {
    %c0_i32 = arith.constant 0 : i32
    %c0_i32_0 = arith.constant 0 : i32
    %c0_i32_1 = arith.constant 0 : i32
    return %c0_i32, %c0_i32_0 : i32, i32
  }
  func.func @transform_7(%arg0: i32) -> (i32, i32) {
    %c0_i32 = arith.constant 0 : i32
    %c0_i32_0 = arith.constant 0 : i32
    %c0_i32_1 = arith.constant 0 : i32
    return %c0_i32, %c0_i32_0 : i32, i32
  }
  func.func @transform_8(%arg0: i32) -> (i32, i32) {
    %c0_i32 = arith.constant 0 : i32
    %c0_i32_0 = arith.constant 0 : i32
    %c0_i32_1 = arith.constant 0 : i32
    return %c0_i32, %c0_i32_0 : i32, i32
  }
  func.func @transform_9(%arg0: i32) -> (i32, i32) {
    %c0_i32 = arith.constant 0 : i32
    %c0_i32_0 = arith.constant 0 : i32
    %c0_i32_1 = arith.constant 0 : i32
    return %c0_i32, %c0_i32_0 : i32, i32
  }
  func.func @transform_10(%arg0: i32) -> (i32, i32, i32) {
    %c0_i32 = arith.constant 0 : i32
    %c0_i32_0 = arith.constant 0 : i32
    %c0_i32_1 = arith.constant 0 : i32
    return %arg0, %c0_i32, %c0_i32_0 : i32, i32, i32
  }
  func.func @transform_11(%arg0: i32) -> (i32, i32, i32) {
    %c0_i32 = arith.constant 0 : i32
    %c0_i32_0 = arith.constant 0 : i32
    %c0_i32_1 = arith.constant 0 : i32
    return %arg0, %c0_i32, %c0_i32_0 : i32, i32, i32
  }
  func.func @transform_12(%arg0: i32) -> (i32, i32, i32) {
    %c0_i32 = arith.constant 0 : i32
    %c0_i32_0 = arith.constant 0 : i32
    %c0_i32_1 = arith.constant 0 : i32
    return %arg0, %c0_i32, %c0_i32_0 : i32, i32, i32
  }
  func.func @transform_13(%arg0: i32) -> (i32, i32, i32) {
    %c0_i32 = arith.constant 0 : i32
    %c0_i32_0 = arith.constant 0 : i32
    %c0_i32_1 = arith.constant 0 : i32
    return %arg0, %c0_i32, %c0_i32_0 : i32, i32, i32
  }
  func.func @transform_14(%arg0: i32) -> (i32, i32, i32) {
    %c0_i32 = arith.constant 0 : i32
    %c0_i32_0 = arith.constant 0 : i32
    %c0_i32_1 = arith.constant 0 : i32
    return %arg0, %c0_i32, %c0_i32_0 : i32, i32, i32
  }
  func.func @transform_15(%arg0: i32) -> (i32, i32, i32) {
    %c0_i32 = arith.constant 0 : i32
    %c0_i32_0 = arith.constant 0 : i32
    %c0_i32_1 = arith.constant 0 : i32
    return %arg0, %c0_i32, %c0_i32_0 : i32, i32, i32
  }
}

module attributes {stable_mosaic.version = 14 : i64} {
  func.func @_nms_kernel(%arg0: memref<2x49x128xf32, #tpu.memory_space<vmem>>, %arg1: memref<2x49x128xf32, #tpu.memory_space<vmem>>, %arg2: memref<2x49x128xf32, #tpu.memory_space<vmem>>, %arg3: memref<2x49x128xf32, #tpu.memory_space<vmem>>, %arg4: memref<2x49x128xf32, #tpu.memory_space<vmem>>, %arg5: memref<2x49x128xi32, #tpu.memory_space<vmem>>, %arg6: memref<2x300x4xf32, #tpu.memory_space<smem>>, %arg7: memref<2x49x128xi32, #tpu.memory_space<vmem>>) attributes {dimension_semantics = [], scalar_prefetch = 0 : i64, scratch_operands = 1 : i64, tpu.core_type = #tpu.core_type<tc>} {
    %iota3A = tpu.iota {dimensions = array<i32: 0>} : vector<49x128xi32>
    %mul3A = arith.constant 128 : i32
    %mul3A_0 = vector.broadcast %mul3A : i32 to vector<49x128xi32>
    %mul3A_1 = arith.muli %iota3A, %mul3A_0 : vector<49x128xi32>
    %iota3A_2 = tpu.iota {dimensions = array<i32: 1>} : vector<49x128xi32>
    %add3A = arith.addi %mul3A_1, %iota3A_2 : vector<49x128xi32>
    %lt3A = arith.constant 6000 : i32
    %lt3A_3 = vector.broadcast %lt3A : i32 to vector<49x128xi32>
    %lt3A_4 = arith.cmpi slt, %add3A, %lt3A_3 : vector<49x128xi32>
    %get3A = arith.constant 0 : index
    %get3A_5 = arith.constant 0 : index
    %get3A_6 = arith.constant 0 : index
    %get3A_7 = vector.load %arg5[%get3A, %get3A_5, %get3A_6] : memref<2x49x128xi32, #tpu.memory_space<vmem>>, vector<1x49x128xi32>
    %get3A_8 = vector.shape_cast %get3A_7 : vector<1x49x128xi32> to vector<49x128xi32>
    %jit3A = arith.constant -1 : i32
    %broadcast_in_dim3A = vector.broadcast %jit3A : i32 to vector<49x128xi32>
    %select_n3A = arith.select %lt3A_4, %get3A_8, %broadcast_in_dim3A : vector<49x128xi1>, vector<49x128xi32>
    %swap3A = arith.constant 0 : index
    %swap3A_9 = arith.constant 0 : index
    %swap3A_10 = arith.constant 0 : index
    %swap3A_11 = vector.load %arg7[%swap3A, %swap3A_9, %swap3A_10] : memref<2x49x128xi32, #tpu.memory_space<vmem>>, vector<1x49x128xi32>
    %swap3A_12 = vector.shape_cast %swap3A_11 : vector<1x49x128xi32> to vector<49x128xi32>
    %swap3A_13 = vector.shape_cast %select_n3A : vector<49x128xi32> to vector<1x49x128xi32>
    tpu.vector_store %arg7[%swap3A, %swap3A_9, %swap3A_10], %swap3A_13 {strides = array<i32>} : memref<2x49x128xi32, #tpu.memory_space<vmem>>, vector<1x49x128xi32>,
    %lt3A_14 = arith.constant 6000 : i32
    %lt3A_15 = vector.broadcast %lt3A_14 : i32 to vector<49x128xi32>
    %lt3A_16 = arith.cmpi slt, %add3A, %lt3A_15 : vector<49x128xi32>
    %get3A_17 = arith.constant 1 : index
    %get3A_18 = arith.constant 0 : index
    %get3A_19 = arith.constant 0 : index
    %get3A_20 = vector.load %arg5[%get3A_17, %get3A_18, %get3A_19] : memref<2x49x128xi32, #tpu.memory_space<vmem>>, vector<1x49x128xi32>
    %get3A_21 = vector.shape_cast %get3A_20 : vector<1x49x128xi32> to vector<49x128xi32>
    %jit3A_22 = arith.constant -1 : i32
    %broadcast_in_dim3A_23 = vector.broadcast %jit3A_22 : i32 to vector<49x128xi32>
    %select_n3A_24 = arith.select %lt3A_16, %get3A_21, %broadcast_in_dim3A_23 : vector<49x128xi1>, vector<49x128xi32>
    %swap3A_25 = arith.constant 1 : index
    %swap3A_26 = arith.constant 0 : index
    %swap3A_27 = arith.constant 0 : index
    %swap3A_28 = vector.load %arg7[%swap3A_25, %swap3A_26, %swap3A_27] : memref<2x49x128xi32, #tpu.memory_space<vmem>>, vector<1x49x128xi32>
    %swap3A_29 = vector.shape_cast %swap3A_28 : vector<1x49x128xi32> to vector<49x128xi32>
    %swap3A_30 = vector.shape_cast %select_n3A_24 : vector<49x128xi32> to vector<1x49x128xi32>
    tpu.vector_store %arg7[%swap3A_25, %swap3A_26, %swap3A_27], %swap3A_30 {strides = array<i32>} : memref<2x49x128xi32, #tpu.memory_space<vmem>>, vector<1x49x128xi32>,
    %scan3A = arith.constant 0 : i32
    %scan3A_31 = arith.constant 300 : i32
    %scan3A_32 = arith.addi %scan3A, %scan3A_31 : i32
    %scan3A_33 = arith.constant 1 : i32
    scf.for %scan3A_35 = %scan3A to %scan3A_32 step %scan3A_33  : i32 {
      %get3A_36 = arith.constant 0 : index
      %get3A_37 = arith.constant 0 : index
      %get3A_38 = arith.constant 0 : index
      %get3A_39 = vector.load %arg0[%get3A_36, %get3A_37, %get3A_38] : memref<2x49x128xf32, #tpu.memory_space<vmem>>, vector<1x49x128xf32>
      %get3A_40 = vector.shape_cast %get3A_39 : vector<1x49x128xf32> to vector<49x128xf32>
      %get3A_41 = arith.constant 0 : index
      %get3A_42 = arith.constant 0 : index
      %get3A_43 = arith.constant 0 : index
      %get3A_44 = vector.load %arg1[%get3A_41, %get3A_42, %get3A_43] : memref<2x49x128xf32, #tpu.memory_space<vmem>>, vector<1x49x128xf32>
      %get3A_45 = vector.shape_cast %get3A_44 : vector<1x49x128xf32> to vector<49x128xf32>
      %get3A_46 = arith.constant 0 : index
      %get3A_47 = arith.constant 0 : index
      %get3A_48 = arith.constant 0 : index
      %get3A_49 = vector.load %arg2[%get3A_46, %get3A_47, %get3A_48] : memref<2x49x128xf32, #tpu.memory_space<vmem>>, vector<1x49x128xf32>
      %get3A_50 = vector.shape_cast %get3A_49 : vector<1x49x128xf32> to vector<49x128xf32>
      %get3A_51 = arith.constant 0 : index
      %get3A_52 = arith.constant 0 : index
      %get3A_53 = arith.constant 0 : index
      %get3A_54 = vector.load %arg3[%get3A_51, %get3A_52, %get3A_53] : memref<2x49x128xf32, #tpu.memory_space<vmem>>, vector<1x49x128xf32>
      %get3A_55 = vector.shape_cast %get3A_54 : vector<1x49x128xf32> to vector<49x128xf32>
      %get3A_56 = arith.constant 0 : index
      %get3A_57 = arith.constant 0 : index
      %get3A_58 = arith.constant 0 : index
      %get3A_59 = vector.load %arg4[%get3A_56, %get3A_57, %get3A_58] : memref<2x49x128xf32, #tpu.memory_space<vmem>>, vector<1x49x128xf32>
      %get3A_60 = vector.shape_cast %get3A_59 : vector<1x49x128xf32> to vector<49x128xf32>
      %get3A_61 = arith.constant 0 : index
      %get3A_62 = arith.constant 0 : index
      %get3A_63 = arith.constant 0 : index
      %get3A_64 = vector.load %arg7[%get3A_61, %get3A_62, %get3A_63] : memref<2x49x128xi32, #tpu.memory_space<vmem>>, vector<1x49x128xi32>
      %get3A_65 = vector.shape_cast %get3A_64 : vector<1x49x128xi32> to vector<49x128xi32>
      %reduce_max3A = vector.shape_cast %get3A_65 : vector<49x128xi32> to vector<1x49x128xi32>
      %reduce_max3A_66 = arith.constant dense<-2147483648> : vector<1xi32>
      %reduce_max3A_67 = vector.multi_reduction <maxsi>, %reduce_max3A, %reduce_max3A_66 [1, 2] : vector<1x49x128xi32> to vector<1xi32>
      %reduce_max3A_68 = vector.shape_cast %reduce_max3A_67 : vector<1xi32> to vector<1x1x1xi32>
      %reduce_max3A_69 = vector.extract %reduce_max3A_68[0, 0, 0] : i32 from vector<1x1x1xi32>
      %eq3A = vector.broadcast %reduce_max3A_69 : i32 to vector<49x128xi32>
      %eq3A_70 = arith.cmpi eq, %get3A_65, %eq3A : vector<49x128xi32>
      %jit3A_71 = arith.constant 6272 : i32
      %broadcast_in_dim3A_72 = vector.broadcast %jit3A_71 : i32 to vector<49x128xi32>
      %select_n3A_73 = arith.select %eq3A_70, %add3A, %broadcast_in_dim3A_72 : vector<49x128xi1>, vector<49x128xi32>
      %reduce_min3A = vector.shape_cast %select_n3A_73 : vector<49x128xi32> to vector<1x49x128xi32>
      %reduce_min3A_74 = arith.constant dense<2147483647> : vector<1xi32>
      %reduce_min3A_75 = vector.multi_reduction <minsi>, %reduce_min3A, %reduce_min3A_74 [1, 2] : vector<1x49x128xi32> to vector<1xi32>
      %reduce_min3A_76 = vector.shape_cast %reduce_min3A_75 : vector<1xi32> to vector<1x1x1xi32>
      %reduce_min3A_77 = vector.extract %reduce_min3A_76[0, 0, 0] : i32 from vector<1x1x1xi32>
      %eq3A_78 = vector.broadcast %reduce_min3A_77 : i32 to vector<49x128xi32>
      %eq3A_79 = arith.cmpi eq, %add3A, %eq3A_78 : vector<49x128xi32>
      %jit3A_80 = arith.constant 0.000000e+00 : f32
      %broadcast_in_dim3A_81 = vector.broadcast %jit3A_80 : f32 to vector<49x128xf32>
      %select_n3A_82 = arith.select %eq3A_79, %get3A_40, %broadcast_in_dim3A_81 : vector<49x128xi1>, vector<49x128xf32>
      %reduce_sum3A = vector.shape_cast %select_n3A_82 : vector<49x128xf32> to vector<1x49x128xf32>
      %reduce_sum3A_83 = arith.constant dense<0.000000e+00> : vector<1xf32>
      %reduce_sum3A_84 = vector.multi_reduction <add>, %reduce_sum3A, %reduce_sum3A_83 [1, 2] : vector<1x49x128xf32> to vector<1xf32>
      %reduce_sum3A_85 = vector.shape_cast %reduce_sum3A_84 : vector<1xf32> to vector<1x1x1xf32>
      %reduce_sum3A_86 = vector.extract %reduce_sum3A_85[0, 0, 0] : f32 from vector<1x1x1xf32>
      %jit3A_87 = arith.constant 0.000000e+00 : f32
      %broadcast_in_dim3A_88 = vector.broadcast %jit3A_87 : f32 to vector<49x128xf32>
      %select_n3A_89 = arith.select %eq3A_79, %get3A_45, %broadcast_in_dim3A_88 : vector<49x128xi1>, vector<49x128xf32>
      %reduce_sum3A_90 = vector.shape_cast %select_n3A_89 : vector<49x128xf32> to vector<1x49x128xf32>
      %reduce_sum3A_91 = arith.constant dense<0.000000e+00> : vector<1xf32>
      %reduce_sum3A_92 = vector.multi_reduction <add>, %reduce_sum3A_90, %reduce_sum3A_91 [1, 2] : vector<1x49x128xf32> to vector<1xf32>
      %reduce_sum3A_93 = vector.shape_cast %reduce_sum3A_92 : vector<1xf32> to vector<1x1x1xf32>
      %reduce_sum3A_94 = vector.extract %reduce_sum3A_93[0, 0, 0] : f32 from vector<1x1x1xf32>
      %jit3A_95 = arith.constant 0.000000e+00 : f32
      %broadcast_in_dim3A_96 = vector.broadcast %jit3A_95 : f32 to vector<49x128xf32>
      %select_n3A_97 = arith.select %eq3A_79, %get3A_50, %broadcast_in_dim3A_96 : vector<49x128xi1>, vector<49x128xf32>
      %reduce_sum3A_98 = vector.shape_cast %select_n3A_97 : vector<49x128xf32> to vector<1x49x128xf32>
      %reduce_sum3A_99 = arith.constant dense<0.000000e+00> : vector<1xf32>
      %reduce_sum3A_100 = vector.multi_reduction <add>, %reduce_sum3A_98, %reduce_sum3A_99 [1, 2] : vector<1x49x128xf32> to vector<1xf32>
      %reduce_sum3A_101 = vector.shape_cast %reduce_sum3A_100 : vector<1xf32> to vector<1x1x1xf32>
      %reduce_sum3A_102 = vector.extract %reduce_sum3A_101[0, 0, 0] : f32 from vector<1x1x1xf32>
      %jit3A_103 = arith.constant 0.000000e+00 : f32
      %broadcast_in_dim3A_104 = vector.broadcast %jit3A_103 : f32 to vector<49x128xf32>
      %select_n3A_105 = arith.select %eq3A_79, %get3A_55, %broadcast_in_dim3A_104 : vector<49x128xi1>, vector<49x128xf32>
      %reduce_sum3A_106 = vector.shape_cast %select_n3A_105 : vector<49x128xf32> to vector<1x49x128xf32>
      %reduce_sum3A_107 = arith.constant dense<0.000000e+00> : vector<1xf32>
      %reduce_sum3A_108 = vector.multi_reduction <add>, %reduce_sum3A_106, %reduce_sum3A_107 [1, 2] : vector<1x49x128xf32> to vector<1xf32>
      %reduce_sum3A_109 = vector.shape_cast %reduce_sum3A_108 : vector<1xf32> to vector<1x1x1xf32>
      %reduce_sum3A_110 = vector.extract %reduce_sum3A_109[0, 0, 0] : f32 from vector<1x1x1xf32>
      %jit3A_111 = arith.constant 0.000000e+00 : f32
      %broadcast_in_dim3A_112 = vector.broadcast %jit3A_111 : f32 to vector<49x128xf32>
      %select_n3A_113 = arith.select %eq3A_79, %get3A_60, %broadcast_in_dim3A_112 : vector<49x128xi1>, vector<49x128xf32>
      %reduce_sum3A_114 = vector.shape_cast %select_n3A_113 : vector<49x128xf32> to vector<1x49x128xf32>
      %reduce_sum3A_115 = arith.constant dense<0.000000e+00> : vector<1xf32>
      %reduce_sum3A_116 = vector.multi_reduction <add>, %reduce_sum3A_114, %reduce_sum3A_115 [1, 2] : vector<1x49x128xf32> to vector<1xf32>
      %reduce_sum3A_117 = vector.shape_cast %reduce_sum3A_116 : vector<1xf32> to vector<1x1x1xf32>
      %reduce_sum3A_118 = vector.extract %reduce_sum3A_117[0, 0, 0] : f32 from vector<1x1x1xf32>
      %max3A = vector.broadcast %reduce_sum3A_86 : f32 to vector<49x128xf32>
      %max3A_119 = arith.maximumf %max3A, %get3A_40 : vector<49x128xf32>
      %max3A_120 = vector.broadcast %reduce_sum3A_94 : f32 to vector<49x128xf32>
      %max3A_121 = arith.maximumf %max3A_120, %get3A_45 : vector<49x128xf32>
      %min3A = vector.broadcast %reduce_sum3A_102 : f32 to vector<49x128xf32>
      %min3A_122 = arith.minimumf %min3A, %get3A_50 : vector<49x128xf32>
      %min3A_123 = vector.broadcast %reduce_sum3A_110 : f32 to vector<49x128xf32>
      %min3A_124 = arith.minimumf %min3A_123, %get3A_55 : vector<49x128xf32>
      %sub3A = arith.subf %min3A_122, %max3A_119 : vector<49x128xf32>
      %add3A_125 = arith.constant 1.000000e+00 : f32
      %add3A_126 = vector.broadcast %add3A_125 : f32 to vector<49x128xf32>
      %add3A_127 = arith.addf %sub3A, %add3A_126 : vector<49x128xf32>
      %max3A_128 = arith.constant 0.000000e+00 : f32
      %max3A_129 = vector.broadcast %max3A_128 : f32 to vector<49x128xf32>
      %max3A_130 = arith.maximumf %max3A_129, %add3A_127 : vector<49x128xf32>
      %sub3A_131 = arith.subf %min3A_124, %max3A_121 : vector<49x128xf32>
      %add3A_132 = arith.constant 1.000000e+00 : f32
      %add3A_133 = vector.broadcast %add3A_132 : f32 to vector<49x128xf32>
      %add3A_134 = arith.addf %sub3A_131, %add3A_133 : vector<49x128xf32>
      %max3A_135 = arith.constant 0.000000e+00 : f32
      %max3A_136 = vector.broadcast %max3A_135 : f32 to vector<49x128xf32>
      %max3A_137 = arith.maximumf %max3A_136, %add3A_134 : vector<49x128xf32>
      %mul3A_138 = arith.mulf %max3A_130, %max3A_137 : vector<49x128xf32>
      %add3A_139 = vector.broadcast %reduce_sum3A_118 : f32 to vector<49x128xf32>
      %add3A_140 = arith.addf %add3A_139, %get3A_60 : vector<49x128xf32>
      %sub3A_141 = arith.subf %add3A_140, %mul3A_138 : vector<49x128xf32>
      %div3A = arith.divf %mul3A_138, %sub3A_141 : vector<49x128xf32>
      %le3A = arith.constant 0.699999988 : f32
      %le3A_142 = vector.broadcast %le3A : f32 to vector<49x128xf32>
      %le3A_143 = arith.cmpf ole, %div3A, %le3A_142 : vector<49x128xf32>
      %jit3A_144 = arith.constant -1 : i32
      %broadcast_in_dim3A_145 = vector.broadcast %jit3A_144 : i32 to vector<49x128xi32>
      %select_n3A_146 = arith.select %le3A_143, %get3A_65, %broadcast_in_dim3A_145 : vector<49x128xi1>, vector<49x128xi32>
      %swap3A_147 = arith.constant 0 : index
      %swap3A_148 = arith.constant 0 : index
      %swap3A_149 = arith.constant 0 : index
      %swap3A_150 = vector.load %arg7[%swap3A_147, %swap3A_148, %swap3A_149] : memref<2x49x128xi32, #tpu.memory_space<vmem>>, vector<1x49x128xi32>
      %swap3A_151 = vector.shape_cast %swap3A_150 : vector<1x49x128xi32> to vector<49x128xi32>
      %swap3A_152 = vector.shape_cast %select_n3A_146 : vector<49x128xi32> to vector<1x49x128xi32>
      tpu.vector_store %arg7[%swap3A_147, %swap3A_148, %swap3A_149], %swap3A_152 {strides = array<i32>} : memref<2x49x128xi32, #tpu.memory_space<vmem>>, vector<1x49x128xi32>,
      %ge3A = arith.constant 0 : i32
      %ge3A_153 = arith.cmpi sge, %reduce_max3A_69, %ge3A : i32
      %jit3A_154 = arith.constant 0.000000e+00 : f32
      %select_n3A_155 = arith.select %ge3A_153, %reduce_sum3A_86, %jit3A_154 : f32
      %swap3A_156 = arith.constant 0 : index
      %swap3A_157 = arith.index_cast %scan3A_35 : i32 to index
      %swap3A_158 = arith.constant 0 : index
      %swap3A_159 = memref.load %arg6[%swap3A_156, %swap3A_157, %swap3A_158] : memref<2x300x4xf32, #tpu.memory_space<smem>>
      memref.store %select_n3A_155, %arg6[%swap3A_156, %swap3A_157, %swap3A_158] : memref<2x300x4xf32, #tpu.memory_space<smem>>
      %jit3A_160 = arith.constant 0.000000e+00 : f32
      %select_n3A_161 = arith.select %ge3A_153, %reduce_sum3A_94, %jit3A_160 : f32
      %swap3A_162 = arith.constant 0 : index
      %swap3A_163 = arith.index_cast %scan3A_35 : i32 to index
      %swap3A_164 = arith.constant 1 : index
      %swap3A_165 = memref.load %arg6[%swap3A_162, %swap3A_163, %swap3A_164] : memref<2x300x4xf32, #tpu.memory_space<smem>>
      memref.store %select_n3A_161, %arg6[%swap3A_162, %swap3A_163, %swap3A_164] : memref<2x300x4xf32, #tpu.memory_space<smem>>
      %jit3A_166 = arith.constant 0.000000e+00 : f32
      %select_n3A_167 = arith.select %ge3A_153, %reduce_sum3A_102, %jit3A_166 : f32
      %swap3A_168 = arith.constant 0 : index
      %swap3A_169 = arith.index_cast %scan3A_35 : i32 to index
      %swap3A_170 = arith.constant 2 : index
      %swap3A_171 = memref.load %arg6[%swap3A_168, %swap3A_169, %swap3A_170] : memref<2x300x4xf32, #tpu.memory_space<smem>>
      memref.store %select_n3A_167, %arg6[%swap3A_168, %swap3A_169, %swap3A_170] : memref<2x300x4xf32, #tpu.memory_space<smem>>
      %jit3A_172 = arith.constant 0.000000e+00 : f32
      %select_n3A_173 = arith.select %ge3A_153, %reduce_sum3A_110, %jit3A_172 : f32
      %swap3A_174 = arith.constant 0 : index
      %swap3A_175 = arith.index_cast %scan3A_35 : i32 to index
      %swap3A_176 = arith.constant 3 : index
      %swap3A_177 = memref.load %arg6[%swap3A_174, %swap3A_175, %swap3A_176] : memref<2x300x4xf32, #tpu.memory_space<smem>>
      memref.store %select_n3A_173, %arg6[%swap3A_174, %swap3A_175, %swap3A_176] : memref<2x300x4xf32, #tpu.memory_space<smem>>
      %get3A_178 = arith.constant 1 : index
      %get3A_179 = arith.constant 0 : index
      %get3A_180 = arith.constant 0 : index
      %get3A_181 = vector.load %arg0[%get3A_178, %get3A_179, %get3A_180] : memref<2x49x128xf32, #tpu.memory_space<vmem>>, vector<1x49x128xf32>
      %get3A_182 = vector.shape_cast %get3A_181 : vector<1x49x128xf32> to vector<49x128xf32>
      %get3A_183 = arith.constant 1 : index
      %get3A_184 = arith.constant 0 : index
      %get3A_185 = arith.constant 0 : index
      %get3A_186 = vector.load %arg1[%get3A_183, %get3A_184, %get3A_185] : memref<2x49x128xf32, #tpu.memory_space<vmem>>, vector<1x49x128xf32>
      %get3A_187 = vector.shape_cast %get3A_186 : vector<1x49x128xf32> to vector<49x128xf32>
      %get3A_188 = arith.constant 1 : index
      %get3A_189 = arith.constant 0 : index
      %get3A_190 = arith.constant 0 : index
      %get3A_191 = vector.load %arg2[%get3A_188, %get3A_189, %get3A_190] : memref<2x49x128xf32, #tpu.memory_space<vmem>>, vector<1x49x128xf32>
      %get3A_192 = vector.shape_cast %get3A_191 : vector<1x49x128xf32> to vector<49x128xf32>
      %get3A_193 = arith.constant 1 : index
      %get3A_194 = arith.constant 0 : index
      %get3A_195 = arith.constant 0 : index
      %get3A_196 = vector.load %arg3[%get3A_193, %get3A_194, %get3A_195] : memref<2x49x128xf32, #tpu.memory_space<vmem>>, vector<1x49x128xf32>
      %get3A_197 = vector.shape_cast %get3A_196 : vector<1x49x128xf32> to vector<49x128xf32>
      %get3A_198 = arith.constant 1 : index
      %get3A_199 = arith.constant 0 : index
      %get3A_200 = arith.constant 0 : index
      %get3A_201 = vector.load %arg4[%get3A_198, %get3A_199, %get3A_200] : memref<2x49x128xf32, #tpu.memory_space<vmem>>, vector<1x49x128xf32>
      %get3A_202 = vector.shape_cast %get3A_201 : vector<1x49x128xf32> to vector<49x128xf32>
      %get3A_203 = arith.constant 1 : index
      %get3A_204 = arith.constant 0 : index
      %get3A_205 = arith.constant 0 : index
      %get3A_206 = vector.load %arg7[%get3A_203, %get3A_204, %get3A_205] : memref<2x49x128xi32, #tpu.memory_space<vmem>>, vector<1x49x128xi32>
      %get3A_207 = vector.shape_cast %get3A_206 : vector<1x49x128xi32> to vector<49x128xi32>
      %reduce_max3A_208 = vector.shape_cast %get3A_207 : vector<49x128xi32> to vector<1x49x128xi32>
      %reduce_max3A_209 = arith.constant dense<-2147483648> : vector<1xi32>
      %reduce_max3A_210 = vector.multi_reduction <maxsi>, %reduce_max3A_208, %reduce_max3A_209 [1, 2] : vector<1x49x128xi32> to vector<1xi32>
      %reduce_max3A_211 = vector.shape_cast %reduce_max3A_210 : vector<1xi32> to vector<1x1x1xi32>
      %reduce_max3A_212 = vector.extract %reduce_max3A_211[0, 0, 0] : i32 from vector<1x1x1xi32>
      %eq3A_213 = vector.broadcast %reduce_max3A_212 : i32 to vector<49x128xi32>
      %eq3A_214 = arith.cmpi eq, %get3A_207, %eq3A_213 : vector<49x128xi32>
      %jit3A_215 = arith.constant 6272 : i32
      %broadcast_in_dim3A_216 = vector.broadcast %jit3A_215 : i32 to vector<49x128xi32>
      %select_n3A_217 = arith.select %eq3A_214, %add3A, %broadcast_in_dim3A_216 : vector<49x128xi1>, vector<49x128xi32>
      %reduce_min3A_218 = vector.shape_cast %select_n3A_217 : vector<49x128xi32> to vector<1x49x128xi32>
      %reduce_min3A_219 = arith.constant dense<2147483647> : vector<1xi32>
      %reduce_min3A_220 = vector.multi_reduction <minsi>, %reduce_min3A_218, %reduce_min3A_219 [1, 2] : vector<1x49x128xi32> to vector<1xi32>
      %reduce_min3A_221 = vector.shape_cast %reduce_min3A_220 : vector<1xi32> to vector<1x1x1xi32>
      %reduce_min3A_222 = vector.extract %reduce_min3A_221[0, 0, 0] : i32 from vector<1x1x1xi32>
      %eq3A_223 = vector.broadcast %reduce_min3A_222 : i32 to vector<49x128xi32>
      %eq3A_224 = arith.cmpi eq, %add3A, %eq3A_223 : vector<49x128xi32>
      %jit3A_225 = arith.constant 0.000000e+00 : f32
      %broadcast_in_dim3A_226 = vector.broadcast %jit3A_225 : f32 to vector<49x128xf32>
      %select_n3A_227 = arith.select %eq3A_224, %get3A_182, %broadcast_in_dim3A_226 : vector<49x128xi1>, vector<49x128xf32>
      %reduce_sum3A_228 = vector.shape_cast %select_n3A_227 : vector<49x128xf32> to vector<1x49x128xf32>
      %reduce_sum3A_229 = arith.constant dense<0.000000e+00> : vector<1xf32>
      %reduce_sum3A_230 = vector.multi_reduction <add>, %reduce_sum3A_228, %reduce_sum3A_229 [1, 2] : vector<1x49x128xf32> to vector<1xf32>
      %reduce_sum3A_231 = vector.shape_cast %reduce_sum3A_230 : vector<1xf32> to vector<1x1x1xf32>
      %reduce_sum3A_232 = vector.extract %reduce_sum3A_231[0, 0, 0] : f32 from vector<1x1x1xf32>
      %jit3A_233 = arith.constant 0.000000e+00 : f32
      %broadcast_in_dim3A_234 = vector.broadcast %jit3A_233 : f32 to vector<49x128xf32>
      %select_n3A_235 = arith.select %eq3A_224, %get3A_187, %broadcast_in_dim3A_234 : vector<49x128xi1>, vector<49x128xf32>
      %reduce_sum3A_236 = vector.shape_cast %select_n3A_235 : vector<49x128xf32> to vector<1x49x128xf32>
      %reduce_sum3A_237 = arith.constant dense<0.000000e+00> : vector<1xf32>
      %reduce_sum3A_238 = vector.multi_reduction <add>, %reduce_sum3A_236, %reduce_sum3A_237 [1, 2] : vector<1x49x128xf32> to vector<1xf32>
      %reduce_sum3A_239 = vector.shape_cast %reduce_sum3A_238 : vector<1xf32> to vector<1x1x1xf32>
      %reduce_sum3A_240 = vector.extract %reduce_sum3A_239[0, 0, 0] : f32 from vector<1x1x1xf32>
      %jit3A_241 = arith.constant 0.000000e+00 : f32
      %broadcast_in_dim3A_242 = vector.broadcast %jit3A_241 : f32 to vector<49x128xf32>
      %select_n3A_243 = arith.select %eq3A_224, %get3A_192, %broadcast_in_dim3A_242 : vector<49x128xi1>, vector<49x128xf32>
      %reduce_sum3A_244 = vector.shape_cast %select_n3A_243 : vector<49x128xf32> to vector<1x49x128xf32>
      %reduce_sum3A_245 = arith.constant dense<0.000000e+00> : vector<1xf32>
      %reduce_sum3A_246 = vector.multi_reduction <add>, %reduce_sum3A_244, %reduce_sum3A_245 [1, 2] : vector<1x49x128xf32> to vector<1xf32>
      %reduce_sum3A_247 = vector.shape_cast %reduce_sum3A_246 : vector<1xf32> to vector<1x1x1xf32>
      %reduce_sum3A_248 = vector.extract %reduce_sum3A_247[0, 0, 0] : f32 from vector<1x1x1xf32>
      %jit3A_249 = arith.constant 0.000000e+00 : f32
      %broadcast_in_dim3A_250 = vector.broadcast %jit3A_249 : f32 to vector<49x128xf32>
      %select_n3A_251 = arith.select %eq3A_224, %get3A_197, %broadcast_in_dim3A_250 : vector<49x128xi1>, vector<49x128xf32>
      %reduce_sum3A_252 = vector.shape_cast %select_n3A_251 : vector<49x128xf32> to vector<1x49x128xf32>
      %reduce_sum3A_253 = arith.constant dense<0.000000e+00> : vector<1xf32>
      %reduce_sum3A_254 = vector.multi_reduction <add>, %reduce_sum3A_252, %reduce_sum3A_253 [1, 2] : vector<1x49x128xf32> to vector<1xf32>
      %reduce_sum3A_255 = vector.shape_cast %reduce_sum3A_254 : vector<1xf32> to vector<1x1x1xf32>
      %reduce_sum3A_256 = vector.extract %reduce_sum3A_255[0, 0, 0] : f32 from vector<1x1x1xf32>
      %jit3A_257 = arith.constant 0.000000e+00 : f32
      %broadcast_in_dim3A_258 = vector.broadcast %jit3A_257 : f32 to vector<49x128xf32>
      %select_n3A_259 = arith.select %eq3A_224, %get3A_202, %broadcast_in_dim3A_258 : vector<49x128xi1>, vector<49x128xf32>
      %reduce_sum3A_260 = vector.shape_cast %select_n3A_259 : vector<49x128xf32> to vector<1x49x128xf32>
      %reduce_sum3A_261 = arith.constant dense<0.000000e+00> : vector<1xf32>
      %reduce_sum3A_262 = vector.multi_reduction <add>, %reduce_sum3A_260, %reduce_sum3A_261 [1, 2] : vector<1x49x128xf32> to vector<1xf32>
      %reduce_sum3A_263 = vector.shape_cast %reduce_sum3A_262 : vector<1xf32> to vector<1x1x1xf32>
      %reduce_sum3A_264 = vector.extract %reduce_sum3A_263[0, 0, 0] : f32 from vector<1x1x1xf32>
      %max3A_265 = vector.broadcast %reduce_sum3A_232 : f32 to vector<49x128xf32>
      %max3A_266 = arith.maximumf %max3A_265, %get3A_182 : vector<49x128xf32>
      %max3A_267 = vector.broadcast %reduce_sum3A_240 : f32 to vector<49x128xf32>
      %max3A_268 = arith.maximumf %max3A_267, %get3A_187 : vector<49x128xf32>
      %min3A_269 = vector.broadcast %reduce_sum3A_248 : f32 to vector<49x128xf32>
      %min3A_270 = arith.minimumf %min3A_269, %get3A_192 : vector<49x128xf32>
      %min3A_271 = vector.broadcast %reduce_sum3A_256 : f32 to vector<49x128xf32>
      %min3A_272 = arith.minimumf %min3A_271, %get3A_197 : vector<49x128xf32>
      %sub3A_273 = arith.subf %min3A_270, %max3A_266 : vector<49x128xf32>
      %add3A_274 = arith.constant 1.000000e+00 : f32
      %add3A_275 = vector.broadcast %add3A_274 : f32 to vector<49x128xf32>
      %add3A_276 = arith.addf %sub3A_273, %add3A_275 : vector<49x128xf32>
      %max3A_277 = arith.constant 0.000000e+00 : f32
      %max3A_278 = vector.broadcast %max3A_277 : f32 to vector<49x128xf32>
      %max3A_279 = arith.maximumf %max3A_278, %add3A_276 : vector<49x128xf32>
      %sub3A_280 = arith.subf %min3A_272, %max3A_268 : vector<49x128xf32>
      %add3A_281 = arith.constant 1.000000e+00 : f32
      %add3A_282 = vector.broadcast %add3A_281 : f32 to vector<49x128xf32>
      %add3A_283 = arith.addf %sub3A_280, %add3A_282 : vector<49x128xf32>
      %max3A_284 = arith.constant 0.000000e+00 : f32
      %max3A_285 = vector.broadcast %max3A_284 : f32 to vector<49x128xf32>
      %max3A_286 = arith.maximumf %max3A_285, %add3A_283 : vector<49x128xf32>
      %mul3A_287 = arith.mulf %max3A_279, %max3A_286 : vector<49x128xf32>
      %add3A_288 = vector.broadcast %reduce_sum3A_264 : f32 to vector<49x128xf32>
      %add3A_289 = arith.addf %add3A_288, %get3A_202 : vector<49x128xf32>
      %sub3A_290 = arith.subf %add3A_289, %mul3A_287 : vector<49x128xf32>
      %div3A_291 = arith.divf %mul3A_287, %sub3A_290 : vector<49x128xf32>
      %le3A_292 = arith.constant 0.699999988 : f32
      %le3A_293 = vector.broadcast %le3A_292 : f32 to vector<49x128xf32>
      %le3A_294 = arith.cmpf ole, %div3A_291, %le3A_293 : vector<49x128xf32>
      %jit3A_295 = arith.constant -1 : i32
      %broadcast_in_dim3A_296 = vector.broadcast %jit3A_295 : i32 to vector<49x128xi32>
      %select_n3A_297 = arith.select %le3A_294, %get3A_207, %broadcast_in_dim3A_296 : vector<49x128xi1>, vector<49x128xi32>
      %swap3A_298 = arith.constant 1 : index
      %swap3A_299 = arith.constant 0 : index
      %swap3A_300 = arith.constant 0 : index
      %swap3A_301 = vector.load %arg7[%swap3A_298, %swap3A_299, %swap3A_300] : memref<2x49x128xi32, #tpu.memory_space<vmem>>, vector<1x49x128xi32>
      %swap3A_302 = vector.shape_cast %swap3A_301 : vector<1x49x128xi32> to vector<49x128xi32>
      %swap3A_303 = vector.shape_cast %select_n3A_297 : vector<49x128xi32> to vector<1x49x128xi32>
      tpu.vector_store %arg7[%swap3A_298, %swap3A_299, %swap3A_300], %swap3A_303 {strides = array<i32>} : memref<2x49x128xi32, #tpu.memory_space<vmem>>, vector<1x49x128xi32>,
      %ge3A_304 = arith.constant 0 : i32
      %ge3A_305 = arith.cmpi sge, %reduce_max3A_212, %ge3A_304 : i32
      %jit3A_306 = arith.constant 0.000000e+00 : f32
      %select_n3A_307 = arith.select %ge3A_305, %reduce_sum3A_232, %jit3A_306 : f32
      %swap3A_308 = arith.constant 1 : index
      %swap3A_309 = arith.index_cast %scan3A_35 : i32 to index
      %swap3A_310 = arith.constant 0 : index
      %swap3A_311 = memref.load %arg6[%swap3A_308, %swap3A_309, %swap3A_310] : memref<2x300x4xf32, #tpu.memory_space<smem>>
      memref.store %select_n3A_307, %arg6[%swap3A_308, %swap3A_309, %swap3A_310] : memref<2x300x4xf32, #tpu.memory_space<smem>>
      %jit3A_312 = arith.constant 0.000000e+00 : f32
      %select_n3A_313 = arith.select %ge3A_305, %reduce_sum3A_240, %jit3A_312 : f32
      %swap3A_314 = arith.constant 1 : index
      %swap3A_315 = arith.index_cast %scan3A_35 : i32 to index
      %swap3A_316 = arith.constant 1 : index
      %swap3A_317 = memref.load %arg6[%swap3A_314, %swap3A_315, %swap3A_316] : memref<2x300x4xf32, #tpu.memory_space<smem>>
      memref.store %select_n3A_313, %arg6[%swap3A_314, %swap3A_315, %swap3A_316] : memref<2x300x4xf32, #tpu.memory_space<smem>>
      %jit3A_318 = arith.constant 0.000000e+00 : f32
      %select_n3A_319 = arith.select %ge3A_305, %reduce_sum3A_248, %jit3A_318 : f32
      %swap3A_320 = arith.constant 1 : index
      %swap3A_321 = arith.index_cast %scan3A_35 : i32 to index
      %swap3A_322 = arith.constant 2 : index
      %swap3A_323 = memref.load %arg6[%swap3A_320, %swap3A_321, %swap3A_322] : memref<2x300x4xf32, #tpu.memory_space<smem>>
      memref.store %select_n3A_319, %arg6[%swap3A_320, %swap3A_321, %swap3A_322] : memref<2x300x4xf32, #tpu.memory_space<smem>>
      %jit3A_324 = arith.constant 0.000000e+00 : f32
      %select_n3A_325 = arith.select %ge3A_305, %reduce_sum3A_256, %jit3A_324 : f32
      %swap3A_326 = arith.constant 1 : index
      %swap3A_327 = arith.index_cast %scan3A_35 : i32 to index
      %swap3A_328 = arith.constant 3 : index
      %swap3A_329 = memref.load %arg6[%swap3A_326, %swap3A_327, %swap3A_328] : memref<2x300x4xf32, #tpu.memory_space<smem>>
      memref.store %select_n3A_325, %arg6[%swap3A_326, %swap3A_327, %swap3A_328] : memref<2x300x4xf32, #tpu.memory_space<smem>>
    }
    %scan3A_34 = arith.constant 300 : i32
    return
  }
}

</mosaic_0001>

<sc_bundles>
// kernel: kernel.5.cloned.1.call-start
scs
__scs_entry_jumppad:
0x0: {  	(pc) =	sbr.rel $0x88, $3  }
0x1: {  	(tag) =	ssettag $0x0;
	lr =	simm.s32 $0x1  }
0x2: {  	[smem:$0x3F9D] =	sst lr;
	_ =	strace $0xD0000000  }
0x3: {  	_ = 	snop  }
0x4: {  	_ = 	snop  }
0x5: {  	_ = 	snop  }
0x6: {  	_ = 	snop  }
0x7: {  	_ = 	snop  }
__scs_overlays_trampoline_lowered:
0x8: {  	[smem:$0x3FAC] =	sst s0  }
0x9: {  	[smem:$0x3FAD] =	sst s1  }
0xa: {  	[smem:$0x3FAE] =	sst s2  }
0xb: {  	[smem:$0x3FAF] =	sst s3  }
0xc: {  	[smem:$0x3FB0] =	sst s4  }
0xd: {  	[smem:$0x3FB1] =	sst s5  }
0xe: {  	[smem:$0x3FB2] =	sst s6  }
0xf: {  	[smem:$0x3FB3] =	sst s7  }
0x10: {  	[smem:$0x3FB4] =	sst s8  }
0x11: {  	[smem:$0x3FB5] =	sst s9;
	s0 =	simm.s32 @!p0 $0x0  }
0x12: {  	s1 =	sld [smem:$0x3F9B];
	s0 =	simm.s32 @p0 $0x1  }
0x13: {  	[smem:$0x3FB6] =	sst s0;
	s0 =	simm.s32 @!p1 $0x0  }
0x14: {  	s2 =	sld [smem:$0x3F9A];
	s0 =	simm.s32 @p1 $0x1  }
0x15: {  	[smem:$0x3FB7] =	sst s0;
	s0 =	simm.s32 @!p2 $0x0  }
0x16: {  	s3 =	sld [smem:$0x3FDB];
	s0 =	simm.s32 @p2 $0x1  }
0x17: {  	s4 =	simm.s32 $0x1BF5;
	[smem:$0x3FB9] =	sst s0  }
0x18: {  	s0 =	sld [smem:$0x3F9C];
	_ =	swait.ge [sflag:s4], $0x0  }
0x19: {  	s7 =	sld [smem:$0x3F9D]  }
0x1a: {  	s8 =	sadd.s32 $0xFFFFE003, lr  }
0x1b: {  	s9 =	sadd.s32 $0xFFFFFEF7, lr;
	s5 =	simm.s32 $0xFFFFFFFF;
	p2 =	slt.u32 s8, $0xFFFFF086  }
0x1c: {  	p1 =	slt.u32 s9, $0xF7A;
	s5 =	simm.s32 @!p2 $0x0  }
0x1d: {  	s5 =	simm.s32 @p1 $0x1;
	p0 =	seq.s32 s7, s2  }
0x1e: {  	s7 =	smul.u32 @!p0 $0xF7A, s2;
	p2 =	seq.s32 @!p0 s5, $0x0  }
0x1f: {  	s9 =	smul.u32 $0xF7A, s1;
	s8 =	simm.s32 @!p0 $0x1BF5;
	p2 =	por !p2, p0  }
0x20: {  	[sflag:s8] =	ssyncset.s32 @!p0 $0xFFFFF086;
	s6 =	sadd.s32 @!p0 s3, s7;
	s7 =	simm.s32 @!p0 $0x108  }
0x21: {  	s3 =	sadd.s32 s3, s9;
	s6 =	sadd.s32 @!p0 $0x88, s6;
	s7 =	simm.s32 @p2 $0x1082  }
0x22: {  	[simem:s7], [sflag:s8] =	dma.local @!p0 [hbm:s6], $0xF7A  }
0x23: {  	s9 =	sor.u32 $0xD0000000, s2;
	s6 =	simm.s32 $0x108;
	_ =	swait.ge @!p0 [sflag:s8], $0x0  }
0x24: {  	s3 =	sadd.s32 $0x88, s3;
	s6 =	simm.s32 @!p1 $0x1082;
	[sflag:s4] =	ssyncset.s32 $0xFFFFF086  }
0x25: {  	[simem:s6], [sflag:s4] =	dma.local [hbm:s3], $0xF7A  }
0x26: {  	[smem:$0x3F9D] =	sst s1;
	(tag) =	ssettag s2;
	_ =	strace s9  }
0x27: {  	s1 =	sld [smem:$0x3FAD]  }
0x28: {  	s2 =	sld [smem:$0x3FAE]  }
0x29: {  	s4 =	sld [smem:$0x3FB0]  }
0x2a: {  	p0 =	seq.s32 s5, $0x0;
	s5 =	sld [smem:$0x3FB1]  }
0x2b: {  	s6 =	sld [smem:$0x3FB2]  }
0x2c: {  	s7 =	sld [smem:$0x3FB3]  }
0x2d: {  	s3 =	simm.s32 $0x108;
	s8 =	sld [smem:$0x3FB4]  }
0x2e: {  	s3 =	simm.s32 @!p0 $0x1082;
	s9 =	sld [smem:$0x3FB5]  }
0x2f: {  	lr =	sadd.s32 s0, s3;
	s0 =	sld [smem:$0x3FAC]  }
0x30: {  	s3 =	sld [smem:$0x3FAF]  }
0x31: {  	[smem:$0x3FB8] =	sst s10  }
0x32: {  	s10 =	sld [smem:$0x3FB6];
	_ =	sdelay $0x3  }
0x33: {  	p0 =	seq.s32 s10, $0x1;
	s10 =	sld [smem:$0x3FB8];
	_ =	sdelay $0x3  }
0x34: {  	[smem:$0x3FB8] =	sst s10  }
0x35: {  	s10 =	sld [smem:$0x3FB7];
	_ =	sdelay $0x3  }
0x36: {  	p1 =	seq.s32 s10, $0x1;
	s10 =	sld [smem:$0x3FB8];
	_ =	sdelay $0x3  }
0x37: {  	[smem:$0x3FB8] =	sst s10  }
0x38: {  	s10 =	sld [smem:$0x3FB9]  }
0x39: {  	_ = 	snop;
	(pc) =	sbr.ind lr, $3  }
0x3a: {  	_ = 	snop  }
0x3b: {  	_ = 	snop  }
0x3c: {  	p2 =	seq.s32 s10, $0x1;
	s10 =	sld [smem:$0x3FB8]  }
0x3d: {  	_ =	shalt  }
0x3e: {  	_ =	shalt  }
0x3f: {  	_ =	shalt  }
0x40: {  	_ =	shalt  }
0x41: {  	_ =	shalt  }
0x42: {  	_ =	shalt  }
0x43: {  	_ =	shalt  }
0x44: {  	_ =	shalt  }
0x45: {  	_ =	shalt  }
0x46: {  	_ =	shalt  }
0x47: {  	_ =	shalt  }
0x48: {  	_ =	shalt  }
0x49: {  	_ =	shalt  }
0x4a: {  	_ =	shalt  }
0x4b: {  	_ =	shalt  }
0x4c: {  	_ =	shalt  }
0x4d: {  	_ =	shalt  }
0x4e: {  	_ =	shalt  }
0x4f: {  	_ =	shalt  }
0x50: {  	_ =	shalt  }
0x51: {  	_ =	shalt  }
0x52: {  	_ =	shalt  }
0x53: {  	_ =	shalt  }
0x54: {  	_ =	shalt  }
0x55: {  	_ =	shalt  }
0x56: {  	_ =	shalt  }
0x57: {  	_ =	shalt  }
0x58: {  	_ =	shalt  }
0x59: {  	_ =	shalt  }
0x5a: {  	_ =	shalt  }
0x5b: {  	_ =	shalt  }
0x5c: {  	_ =	shalt  }
0x5d: {  	_ =	shalt  }
0x5e: {  	_ =	shalt  }
0x5f: {  	_ =	shalt  }
0x60: {  	_ =	shalt  }
0x61: {  	_ =	shalt  }
0x62: {  	_ =	shalt  }
0x63: {  	_ =	shalt  }
0x64: {  	_ =	shalt  }
0x65: {  	_ =	shalt  }
0x66: {  	_ =	shalt  }
0x67: {  	_ =	shalt  }
0x68: {  	_ =	shalt  }
0x69: {  	_ =	shalt  }
0x6a: {  	_ =	shalt  }
0x6b: {  	_ =	shalt  }
0x6c: {  	_ =	shalt  }
0x6d: {  	_ =	shalt  }
0x6e: {  	_ =	shalt  }
0x6f: {  	_ =	shalt  }
0x70: {  	_ =	shalt  }
0x71: {  	_ =	shalt  }
0x72: {  	_ =	shalt  }
0x73: {  	_ =	shalt  }
0x74: {  	_ =	shalt  }
0x75: {  	_ =	shalt  }
0x76: {  	_ =	shalt  }
0x77: {  	_ =	shalt  }
0x78: {  	_ =	shalt  }
0x79: {  	_ =	shalt  }
0x7a: {  	_ =	shalt  }
0x7b: {  	_ =	shalt  }
0x7c: {  	_ =	shalt  }
0x7d: {  	_ =	shalt  }
0x7e: {  	_ =	shalt  }
0x7f: {  	_ =	shalt  }
0x80: {  	_ =	shalt  }
0x81: {  	_ =	shalt  }
0x82: {  	_ =	shalt  }
0x83: {  	_ =	shalt  }
0x84: {  	_ =	shalt  }
0x85: {  	_ =	shalt  }
0x86: {  	_ =	shalt  }
0x87: {  	_ =	shalt  }
.Lfunc_end0:
.L_simem_size_0:
called_computation_lowered:
.L_overlay_start_0:
0x88: {  	s2 =	sld [smem:$0x3FD9]  }
0x89: {  	s3 =	sld [smem:$0x3FFE];
	_ =	sdelay $0x1  }
0x8a: {  	s1 =	srdreg.scid  }
0x8b: {  	s0 =	sand.u32 $0x1, s1  }
0x8c: {  	s17 =	sshll.u32 s0, $0xA;
	s2 =	sadd.s32 s3, s2  }
0x8d: {  	s2 =	sadd.s32 s2, s17  }
0x8e: {  	[smem:$0x3FC4] =	sst s2  }
0x8f: {  	_ = 	snop  }
0x90: {  	s2 =	sld [smem:$0x3FD0];
	(tm) =	ssettm $0x1  }
0x91: {  	s18 =	sld [smem:$0x3FFB];
	_ =	sdelay $0x3  }
0x92: {  	_ =	strace s18  }
0x93: {  	s3 =	sld [smem:$0x3FFC];
	_ =	sdelay $0x3  }
0x94: {  	_ =	strace s3  }
0x95: {  	s3 =	sld [smem:$0x3FFD];
	_ =	sdelay $0x3  }
0x96: {  	_ =	strace s3  }
0x97: {  	_ =	strace $0x8FFFFFFF  }
0x98: {  	s19 =	sld [smem:$0x3FDB];
	_ =	sdelay $0x1  }
0x99: {  	s4 =	simm.s32 $_scs_section_size  }
0x9a: {  	s5 =	simm.s32 $_size__tile_overlayer_lowered;
	s6 =	simm.s32 $_tile_overlayer_lowered  }
0x9b: {  	s22 =	simm.s32 $0x1BFF;
	s21 =	sshll.u32 s6, $0x1;
	s3 =	sadd.s32 s4, s19  }
0x9c: {  	s7 =	simm.s32 $0x0;
	s20 =	sshll.u32 s5, $0x1;
	s5 =	sadd.s32 s21, s3  }
0x9d: {  	[timem:s7], [sflag:s22] =	dma.local [hbm:s5], s20  }
0x9e: {  	_ =	swait.ge [sflag:s22], s20  }
0x9f: {  	s4 =	ssub.s32 $0x0, s20;
	[sflag:s22] =	ssyncset.done $0x0  }
0xa0: {  	[sflag:s22] =	ssyncadd.s32 s4;
	_ =	sdelay $0x1  }
0xa1: {  	s23 =	simm.s32 $0x1B8B  }
0xa2: {  	_ =	swait.ge [sflag:s23], $0x1  }
0xa3: {  	[sflag:s23] =	ssyncset.done $0x0  }
0xa4: {  	s25 =	simm.s32 $0x1B8E;
	s24 =	sld [smem:$0x3FFE];
	[sflag:s23] =	ssyncadd.s32 $0xFFFFFFFF  }
0xa5: {  	s26 =	simm.s32 $execute0_lowered;
	[smem:$0x3FD2] =	sst s25  }
0xa6: {  	s5 =	sshll.u32 s26, $0x1;
	_ =	strace $0x80000046;
	[dreg:$0x1] =	wrdreg $0xFFFFFFFF  }
0xa7: {  	s28 =	simm.s32 $_size_execute0_lowered;
	s3 =	sadd.s32 s3, s5;
	[dreg:$0x0] =	wrdreg $0x0  }
0xa8: {  	s5 =	sshll.u32 s28, $0x1;
	[dreg:$0x2] =	wrdreg s3  }
0xa9: {  	[dreg:$0x3] =	wrdreg s5  }
0xaa: {  	[dreg:$0x4] =	wrdreg $0xC0  }
0xab: {  	_ =	task [dreg:s7], $0x5FFFF  }
0xac: {  	[dreg:$0x1] =	wrdreg $0xFFFFFFFF  }
0xad: {  	[dreg:$0x0] =	wrdreg $0x60  }
0xae: {  	[dreg:$0x2] =	wrdreg s24  }
0xaf: {  	[dreg:$0x3] =	wrdreg s2  }
0xb0: {  	[dreg:$0x4] =	wrdreg $0x80800  }
0xb1: {  	[dreg:$0x5] =	wrdreg $0x83900  }
0xb2: {  	[dreg:$0x6] =	wrdreg $0x86A00  }
0xb3: {  	[dreg:$0x7] =	wrdreg $0x89B00  }
0xb4: {  	[dreg:$0x8] =	wrdreg $0x8CC00  }
0xb5: {  	[dreg:$0x9] =	wrdreg $0x8FD00  }
0xb6: {  	[dreg:$0xa] =	wrdreg $0x9  }
0xb7: {  	_ =	task.clear_ibuf [dreg:s7], $0xBFFFF;
	_ =	strace $0x90000046  }
0xb8: {  	s29 =	simm.s32 $0x9;
	_ =	strace $0x80000048  }
0xb9: {  	_ =	swait.ge [sflag:s29], $0x1  }
0xba: {  	[sflag:s29] =	ssyncadd.s32 $0xFFFFFFFF  }
0xbb: {  	_ =	strace $0x90000048  }
0xbc: {  	_ =	sfence  }
0xbd: {  	s30 =	sld [smem:$0x0];
	_ =	sdelay $0x2  }
0xbe: {  	s31 =	sshll.u32 s1, $0xD;
	s1 =	sshrl.u32 s1, $0x2  }
0xbf: {  	s3 =	sand.u32 $0x4000, s31;
	s1 =	sadd.s32 s1, s30  }
0xc0: {  	s0 =	sor.u32 s3, s0;
	s1 =	sshll.u32 s1, $0x11  }
0xc1: {  	s0 =	sor.u32 s1, s0  }
0xc2: {  	s0 =	sadd.s32 $0x8F2B, s0  }
0xc3: {  	[sflag:s0] =	ssyncadd.remote.s32 $0x1  }
0xc4: {  	_ =	sfence.sel $0xFFFF  }
0xc5: {  	[dreg:$0x0] =	wrdreg $0xFFFFFFFF;
	(pc) =	sbr.abs _section_cstart, $3  }
0xc6: {  	[dreg:$0x1] =	wrdreg $0xFFFFFFFF  }
0xc7: {  	_ =	task.clear_ibuf [dreg:s7], $0x2FFFF;
	_ =	strace $0x9FFFFFFF  }
0xc8: {  	(tm) =	ssettm $0x7FFFFFFF  }
0xc9: {  	_ =	shalt  }
tec
execute0_lowered:
.L_overlay_start_1:
0x0: {  	(tag) =	ssettag $0x1  }
0x1: {  	s2 =	rddreg [dreg:$0x0]  }
0x2: {  	s14 =	rddreg [dreg:$0x1]  }
0x3: {  	s3 =	srdreg.scid;
	s20 =	stileid.u32  }
0x4: {  	s1 =	simm.s32 $0x0;
	s29 =	rddreg [dreg:$0x5];
	s9 =	smul.u32 $0x480, s20  }
0x5: {  	[smem:$0x7FF] =	sst s1;
	s4 =	sadd.s32 $0x2000, s2;
	s0 =	sadd.s32 $0xB000, s2  }
0x6: {  	s5 =	sadd.s32 $0x14000, s2;
	s6 =	sand.u32 $0x1, s3;
	s30 =	sadd.s32 s0, s9  }
0x7: {  	s7 =	sadd.s32 $0x1D000, s2;
	s13 =	sadd.s32 s5, s9;
	[dreg:$0x9] =	wrdreg s30  }
0x8: {  	s10 =	sadd.s32 $0x26000, s2;
	s16 =	sadd.s32 s7, s9;
	[dreg:$0xa] =	wrdreg s13  }
0x9: {  	s11 =	sadd.s32 $0x2F000, s2;
	s15 =	sadd.s32 s10, s9;
	[dreg:$0xb] =	wrdreg s16  }
0xa: {  	s3 =	smul.u32 $0x1200, s20;
	s18 =	sadd.s32 s11, s9;
	[dreg:$0xc] =	wrdreg s15  }
0xb: {  	s25 =	sadd.s32 s4, s9;
	[dreg:$0xd] =	wrdreg s18  }
0xc: {  	s8 =	ssub.s32 $0x2, s6;
	s31 =	sshrl.u32 s3, $0x2;
	[dreg:$0x14] =	wrdreg s25  }
0xd: {  	s9 =	sor.u32 $0x10, s9;
	s17 =	sadd.s32 $0x4800, s31;
	s16 =	rddreg [dreg:$0x2]  }
0xe: {  	s26 =	sadd.s32 s0, s9;
	s25 =	rddreg [dreg:$0x4];
	s19 =	sadd.s32 s0, s17  }
0xf: {  	s21 =	sadd.s32 s5, s17;
	s22 =	sadd.s32 s7, s17;
	s23 =	sadd.s32 s10, s17  }
0x10: {  	s24 =	sadd.s32 s11, s17;
	s13 =	sadd.s32 s4, s17;
	s17 =	rddreg [dreg:$0x3]  }
0x11: {  	s12 =	sshrl.u32 s8, $0x1;
	s28 =	sadd.s32 s5, s9;
	[dreg:$0x15] =	wrdreg s26  }
0x12: {  	s12 =	ssub.s32 s8, s12;
	s30 =	sadd.s32 s7, s9;
	[dreg:$0x16] =	wrdreg s28  }
0x13: {  	s8 =	sadd.s32 $0x4810, s31;
	s31 =	sadd.s32 s10, s9;
	[dreg:$0x17] =	wrdreg s30  }
0x14: {  	s15 =	sadd.s32 s11, s9;
	[dreg:$0x18] =	wrdreg s31  }
0x15: {  	s9 =	sadd.s32 s4, s9;
	[dreg:$0x19] =	wrdreg s15  }
0x16: {  	[dreg:$0x1a] =	wrdreg s9  }
0x17: {  	s18 =	sadd.s32 s5, s8;
	s5 =	rddreg [dreg:$0x7]  }
0x18: {  	[dreg:$0xe] =	wrdreg s19  }
0x19: {  	[dreg:$0xf] =	wrdreg s21  }
0x1a: {  	p2 =	slt.u32 s20, $0xE;
	[dreg:$0x10] =	wrdreg s22  }
0x1b: {  	s14 =	sadd.s32 $0x10, s14;
	p0 =	sne.s32 s6, $0x0;
	[dreg:$0x11] =	wrdreg s23  }
0x1c: {  	s0 =	sadd.s32 s0, s8;
	s4 =	sadd.s32 s4, s8;
	[dreg:$0x12] =	wrdreg s24  }
0x1d: {  	s9 =	sadd.s32 $0x39800, s2;
	s12 =	smax.u32 s12, $0x1;
	[dreg:$0x13] =	wrdreg s13  }
0x1e: {  	s28 =	sor.u32 $0x1800, s20;
	s30 =	sor.u32 $0x1810, s20;
	[dreg:$0x1b] =	wrdreg s0  }
0x1f: {  	s31 =	sor.u32 $0x3090, s20;
	s15 =	simm.s32 $0x80;
	[dreg:$0x1c] =	wrdreg s18  }
0x20: {  	s19 =	sadd.s32 s7, s8;
	s21 =	sadd.s32 s10, s8;
	s0 =	rddreg [dreg:$0x6]  }
0x21: {  	s22 =	sadd.s32 s11, s8;
	[smem:$0x7FC] =	sst s4;
	s23 =	sor.u32 s20, s6  }
0x22: {  	s6 =	sadd.s32 $0x38000, s2;
	s7 =	sadd.s32 $0x38800, s2;
	s8 =	sadd.s32 $0x39000, s2  }
0x23: {  	s24 =	sadd.s32 $0x2, s20;
	s10 =	sadd.s32 $0x3A000, s2;
	[dreg:$0x1d] =	wrdreg s19  }
.Ltmp0:
0x24: {  	s11 =	sadd.s32 $0x3A800, s2;
	[dreg:$0x1e] =	wrdreg s21;
	(pc) =	sbr.rel .LBB2_1-.Ltmp0, $4  }
0x25: {  	v2 =	vlaneseq.u32;
	s18 =	simm.s32 $0x100;
	[dreg:$0x1f] =	wrdreg s22;
	p1 =	sne.s32 s23, $0x0  }
0x26: {  	vm1 =	vmmov $0x1;
	vm2 =	vcmask $0x308;
	v0 =	vmov s28;
	s26 =	sand.u32 $0xF, s24;
	s19 =	sor.u32 $0x3080, s20;
	s22 =	simm.s32 $0x2680  }
0x27: {  	v1 =	vmov s30;
	v4 =	vmov s31;
	s23 =	simm.s32 $0x3880;
	s24 =	simm.s32 $0x2;
	_ =	strace $0x80000047;
	v5 =	vmov s26  }
0x28: {  	[smem:$0x7FD] =	sst s14;
	s14 =	simm.s32 $0x3;
	v3 =	vmov s19;
	s26 =	simm.s32 $0x1;
	vm0 =	veq.s32 v5, v2;
	v5 =	vimm.s32 $0x0  }
.LBB2_18:
0x29: {  	[spmem:s5] =	stream.indirect.scatter [tilespmem:s28], [sflag:$0x1], $0x1, s4, s15, $0xb8;
	[tilespmem:$0x92E0] =	vst v63  }
0x2a: {  	s20 =	sadd.s32 $0x2680, s2;
	s13 =	sadd.s32 $0x1200, s2  }
0x2b: {  	[spmem:s16] =	stream.indirect.scatter [tilespmem:s20], [sflag:$0x1], $0x1, s13, s15, $0xb8;
	[tilespmem:$0x92E0] =	vst v63  }
0x2c: {  	s21 =	sadd.s32 $0x3880, s2  }
0x2d: {  	[spmem:s17] =	stream.indirect.scatter [tilespmem:s21], [sflag:$0x1], $0x1, s13, s15, $0xb8;
	[tilespmem:$0x92E0] =	vst v63  }
0x2e: {  	s28 =	sadd.s32 $0x4A80, s2  }
0x2f: {  	[spmem:s25] =	stream.indirect.scatter [tilespmem:s28], [sflag:$0x1], $0x1, s13, s15, $0xb8;
	[tilespmem:$0x92E0] =	vst v63  }
0x30: {  	s30 =	sadd.s32 $0x5C80, s2  }
0x31: {  	[spmem:s29] =	stream.indirect.scatter [tilespmem:s30], [sflag:$0x1], $0x1, s13, s15, $0xb8;
	[tilespmem:$0x92E0] =	vst v63  }
0x32: {  	s31 =	sadd.s32 $0x6E80, s2  }
0x33: {  	[spmem:s0] =	stream.indirect.scatter [tilespmem:s31], [sflag:$0x1], $0x1, s13, s15, $0xb8;
	[tilespmem:$0x92E0] =	vst v63  }
0x34: {  	_ = 	snop  }
0x35: {  	[spmem:s5] =	stream.indirect.scatter [tilespmem:s2], [sflag:$0x1], $0x1, s13, s15, $0xb8;
	[tilespmem:$0x92E0] =	vst v63  }
0x36: {  	_ =	swait.ge [sflag:s26], $0x1200  }
0x37: {  	[sflag:s26] =	ssyncset.done $0x0  }
0x38: {  	[sflag:s26] =	ssyncadd.s32 $0xFFFFEE00  }
0x39: {  	_ =	swait.ge [sflag:s26], $0x1200  }
0x3a: {  	[sflag:s26] =	ssyncset.done $0x0  }
0x3b: {  	[sflag:s26] =	ssyncadd.s32 $0xFFFFEE00  }
0x3c: {  	_ =	swait.ge [sflag:s26], $0x1200  }
0x3d: {  	[sflag:s26] =	ssyncset.done $0x0  }
0x3e: {  	[sflag:s26] =	ssyncadd.s32 $0xFFFFEE00  }
0x3f: {  	_ =	swait.ge [sflag:s26], $0x1200  }
0x40: {  	[sflag:s26] =	ssyncset.done $0x0  }
0x41: {  	[sflag:s26] =	ssyncadd.s32 $0xFFFFEE00  }
0x42: {  	_ =	swait.ge [sflag:s26], $0x1200  }
0x43: {  	[sflag:s26] =	ssyncset.done $0x0  }
0x44: {  	[sflag:s26] =	ssyncadd.s32 $0xFFFFEE00  }
0x45: {  	_ =	swait.ge [sflag:s26], $0x1200  }
0x46: {  	[sflag:s26] =	ssyncset.done $0x0  }
0x47: {  	s20 =	stileid.u32;
	[sflag:s26] =	ssyncadd.s32 $0xFFFFEE00  }
.LBB2_19:
0x48: {  	s2 =	sshll.u32 @!p1 s20, $0x6  }
0x49: {  	[bflag:$0x0] =	sbarrier.arrive $0xFFFF;
	s4 =	sshrl.u32 @!p1 s16, $0x3;
	s2 =	sor.u32 @!p1 $0x1C03, s2  }
0x4a: {  	[hbm:s6], [sflag:s2] =	dma.local @!p1 [spmem:s4], $0x620  }
0x4b: {  	s4 =	simm.s32 @!p1 $0x3  }
0x4c: {  	_ =	swait.ge @!p1 [sflag:s4], $0x620  }
0x4d: {  	[sflag:s4] =	ssyncset.done @!p1 $0x0  }
0x4e: {  	s13 =	sshrl.u32 @!p1 s17, $0x3;
	[sflag:s4] =	ssyncadd.s32 @!p1 $0xFFFFF9E0  }
0x4f: {  	[hbm:s7], [sflag:s2] =	dma.local @!p1 [spmem:s13], $0x620  }
0x50: {  	_ =	swait.ge @!p1 [sflag:s4], $0x620  }
0x51: {  	[sflag:s4] =	ssyncset.done @!p1 $0x0  }
0x52: {  	s13 =	sshrl.u32 @!p1 s25, $0x3;
	[sflag:s4] =	ssyncadd.s32 @!p1 $0xFFFFF9E0  }
0x53: {  	[hbm:s8], [sflag:s2] =	dma.local @!p1 [spmem:s13], $0x620  }
0x54: {  	_ =	swait.ge @!p1 [sflag:s4], $0x620  }
0x55: {  	[sflag:s4] =	ssyncset.done @!p1 $0x0  }
0x56: {  	s13 =	sshrl.u32 @!p1 s29, $0x3;
	[sflag:s4] =	ssyncadd.s32 @!p1 $0xFFFFF9E0  }
0x57: {  	[hbm:s9], [sflag:s2] =	dma.local @!p1 [spmem:s13], $0x620  }
0x58: {  	_ =	swait.ge @!p1 [sflag:s4], $0x620  }
0x59: {  	[sflag:s4] =	ssyncset.done @!p1 $0x0  }
0x5a: {  	s13 =	sshrl.u32 @!p1 s0, $0x3;
	[sflag:s4] =	ssyncadd.s32 @!p1 $0xFFFFF9E0  }
0x5b: {  	[hbm:s10], [sflag:s2] =	dma.local @!p1 [spmem:s13], $0x620  }
0x5c: {  	s1 =	sadd.s32 $0x1, s1;
	_ =	swait.ge @!p1 [sflag:s4], $0x620  }
0x5d: {  	p3 =	sne.s32 s1, s12;
	[sflag:s4] =	ssyncset.done @!p1 $0x0  }
.Ltmp1:
0x5e: {  	s13 =	sshrl.u32 @!p1 s5, $0x3;
	[sflag:s4] =	ssyncadd.s32 @!p1 $0xFFFFF9E0;
	(pc) =	sbr.rel @!p3 .LBB2_20-.Ltmp1, $4  }
0x5f: {  	[hbm:s11], [sflag:s2] =	dma.local @!p1 [spmem:s13], $0x620  }
0x60: {  	_ =	swait.ge @!p1 [sflag:s4], $0x620  }
0x61: {  	[sflag:s4] =	ssyncset.done @!p1 $0x0  }
0x62: {  	[sflag:s4] =	ssyncadd.s32 @!p1 $0xFFFFF9E0  }
.LBB2_1:
.Ltmp2:
0x63: {  	(pc) =	sbr.rel @p0 .LBB2_19-.Ltmp2, $1  }
0x64: {  	_ =	sdelay $0x3  }
0x65: {  	s2 =	simm.s32 $0x0;
	s4 =	rddreg [dreg:$0x1];
	s13 =	simm.s32 $0x2600  }
0x66: {  	[tilespmem:s13], [sflag:$0x3] =	stream.linear.gather [hbm4b:s4+s2], $0x80, $0x38;
	[tilespmem:$0x92E0] =	vst v63  }
0x67: {  	_ =	swait.ge [sflag:s14], $0x80  }
0x68: {  	[sflag:s14] =	ssyncset.done $0x0  }
0x69: {  	[sflag:s14] =	ssyncadd.s32 $0xFFFFFF80  }
0x6a: {  	v6 =	vld [tilespmem:$0x2600]  }
0x6b: {  	v8 =	vld [tilespmem:$0x2610];
	_ =	sdelay $0x3  }
0x6c: {  	v7 =	vnsel vm1, $0x0, v6  }
0x6d: {  	(xrf0) =	vadd.scan.msk.s32 $0xffff, v7;
	v7 =	vsel vm2, $0x0, v6;
	v6 =	vpsel p2, v6, v8  }
0x6e: {  	(xrf0) =	vadd.scan.msk.s32 $0xffff, v7;
	v6 =	vnsel vm0, $0x0, v6  }
0x6f: {  	(xrf0) =	vadd.scan.msk.s32 $0xffff, v6;
	_ =	sdelay $0x3  }
0x70: {  	v6, _, _ =	vpop (xrf0)  }
0x71: {  	v7, _, _ =	vpop (xrf0)  }
0x72: {  	v9, _, _ =	vpop (xrf0)  }
0x73: {  	(v2sf) =	vpush v9, $0xF;
	_ =	sdelay $0x2  }
0x74: {  	s21 =	rddreg [dreg:$0x9]  }
0x75: {  	v9 =	vld [tilespmem:$0x2620];
	[tilespmem:s22], [sflag:$0x2] =	stream.strided.gather [hbm4b:s21+s15], $0x1200, s18, s15, $0x38  }
0x76: {  	s22 =	rddreg [dreg:$0xa]  }
0x77: {  	[tilespmem:s23], [sflag:$0x2] =	stream.strided.gather [hbm4b:s22+s15], $0x1200, s18, s15, $0x38;
	[tilespmem:$0x92E0] =	vst v63  }
0x78: {  	s19 =	simm.s32 $0x4A80;
	s13 =	rddreg [dreg:$0xb]  }
0x79: {  	[tilespmem:s19], [sflag:$0x2] =	stream.strided.gather [hbm4b:s13+s15], $0x1200, s18, s15, $0x38;
	[tilespmem:$0x92E0] =	vst v63  }
0x7a: {  	s20 =	rddreg [dreg:$0xc];
	s21 =	simm.s32 $0x5C80  }
0x7b: {  	[tilespmem:s21], [sflag:$0x2] =	stream.strided.gather [hbm4b:s20+s15], $0x1200, s18, s15, $0x38;
	[tilespmem:$0x92E0] =	vst v63  }
0x7c: {  	s22 =	rddreg [dreg:$0xd];
	s23 =	simm.s32 $0x6E80  }
0x7d: {  	[tilespmem:s23], [sflag:$0x2] =	stream.strided.gather [hbm4b:s22+s15], $0x1200, s18, s15, $0x38;
	[tilespmem:$0x92E0] =	vst v63  }
0x7e: {  	s13 =	rddreg [dreg:$0x14]  }
0x7f: {  	[tilespmem:s2], [sflag:$0x3] =	stream.strided.gather [hbm4b:s13+s15], $0x1200, s18, s15, $0x38;
	[tilespmem:$0x92E0] =	vst v63  }
0x80: {  	s28 =	spop (v2sf)  }
0x81: {  	_ =	swait.ge [sflag:s14], $0x1200  }
0x82: {  	[sflag:s14] =	ssyncset.done $0x0  }
0x83: {  	s4 =	simm.s32 $0x40;
	[sflag:s14] =	ssyncadd.s32 $0xFFFFEE00  }
0x84: {  	v10 =	vld [tilespmem:s4+$0xFFFFFFC0];
	_ =	sdelay $0x2  }
0x85: {  	v6 =	vbroadcast v6, $0xF;
	v7 =	vbroadcast v7, $0xF;
	s13 =	sadd.s32 $0x0, s3  }
0x86: {  	v11 =	vor.u32 s13, v2  }
0x87: {  	vm4 =	vle.s32 v11, v7;
	vm3 =	veq.s32 v10, v6  }
0x88: {  	vm5 =	vgt.s32 v10, v6;
	vm3 =	vmand vm4, vm3  }
0x89: {  	vm3 =	vmor vm5, vm3  }
0x8a: {  	v10 =	vsel vm3, $0x1, v5  }
0x8b: {  	(xrf0) =	vadd.scan.msk.s32 $0xffff, v10;
	_ =	sdelay $0x4  }
0x8c: {  	s19 =	sadd.s32 $0x0, s28;
	v10 =	vsel vm3, $0xFFFFFFFF, v5  }
0x8d: {  	v10 =	vadd.s32 s19, v10;
	v11, _, _ =	vpop (xrf0)  }
0x8e: {  	v10 =	vadd.s32 v11, v10  }
0x8f: {  	s30 =	simm.s32 $0x1240;
	v10 =	vsel vm3, v10, v0  }
0x90: {  	(v2sf) =	vpush v11, $0xF;
	[tilespmem:s30+$0xFFFFFFC0] =	vst v10  }
0x91: {  	v10 =	vld [tilespmem:s4+$0xFFFFFFD0];
	_ =	sdelay $0x2  }
0x92: {  	s20 =	sadd.s32 $0x10, s13  }
0x93: {  	v11 =	vor.u32 s20, v2  }
0x94: {  	vm4 =	vle.s32 v11, v7;
	vm3 =	veq.s32 v10, v6  }
0x95: {  	vm5 =	vgt.s32 v10, v6;
	vm3 =	vmand vm4, vm3  }
0x96: {  	vm3 =	vmor vm5, vm3  }
0x97: {  	v10 =	vsel vm3, $0x1, v5  }
0x98: {  	(xrf0) =	vadd.scan.msk.s32 $0xffff, v10;
	_ =	sdelay $0x4  }
0x99: {  	s21 =	spop (v2sf)  }
0x9a: {  	v10 =	vsel vm3, $0xFFFFFFFF, v5;
	s2 =	sadd.s32 $0x0, s21;
	v11, _, _ =	vpop (xrf0)  }
0x9b: {  	s19 =	sadd.s32 s28, s2;
	v10 =	vadd.s32 v10, v11  }
0x9c: {  	v10 =	vadd.s32 s19, v10  }
0x9d: {  	v10 =	vsel vm3, v10, v0  }
0x9e: {  	(v2sf) =	vpush v11, $0xF;
	[tilespmem:s30+$0xFFFFFFD0] =	vst v10  }
0x9f: {  	v10 =	vld [tilespmem:s4+$0xFFFFFFE0];
	_ =	sdelay $0x2  }
0xa0: {  	s22 =	sadd.s32 $0x20, s13  }
0xa1: {  	v11 =	vor.u32 s22, v2  }
0xa2: {  	vm4 =	vle.s32 v11, v7;
	vm3 =	veq.s32 v10, v6  }
0xa3: {  	vm5 =	vgt.s32 v10, v6;
	vm3 =	vmand vm4, vm3  }
0xa4: {  	vm3 =	vmor vm5, vm3  }
0xa5: {  	v10 =	vsel vm3, $0x1, v5  }
0xa6: {  	(xrf0) =	vadd.scan.msk.s32 $0xffff, v10;
	_ =	sdelay $0x4  }
0xa7: {  	s23 =	spop (v2sf)  }
0xa8: {  	v10 =	vsel vm3, $0xFFFFFFFF, v5;
	s2 =	sadd.s32 s2, s23;
	v11, _, _ =	vpop (xrf0)  }
0xa9: {  	s19 =	sadd.s32 s28, s2;
	v10 =	vadd.s32 v10, v11  }
0xaa: {  	v10 =	vadd.s32 s19, v10  }
0xab: {  	v10 =	vsel vm3, v10, v0  }
0xac: {  	(v2sf) =	vpush v11, $0xF;
	[tilespmem:s30+$0xFFFFFFE0] =	vst v10  }
0xad: {  	v10 =	vld [tilespmem:s4+$0xFFFFFFF0];
	_ =	sdelay $0x2  }
0xae: {  	s20 =	sadd.s32 $0x30, s13  }
0xaf: {  	v11 =	vor.u32 s20, v2  }
0xb0: {  	vm4 =	vle.s32 v11, v7;
	vm3 =	veq.s32 v10, v6  }
0xb1: {  	vm5 =	vgt.s32 v10, v6;
	vm3 =	vmand vm4, vm3  }
0xb2: {  	vm3 =	vmor vm5, vm3  }
0xb3: {  	v10 =	vsel vm3, $0x1, v5  }
0xb4: {  	(xrf0) =	vadd.scan.msk.s32 $0xffff, v10;
	_ =	sdelay $0x4  }
0xb5: {  	s21 =	spop (v2sf)  }
0xb6: {  	v10 =	vsel vm3, $0xFFFFFFFF, v5;
	s2 =	sadd.s32 s2, s21;
	v11, _, _ =	vpop (xrf0)  }
0xb7: {  	s19 =	sadd.s32 s28, s2;
	v10 =	vadd.s32 v10, v11  }
0xb8: {  	v10 =	vadd.s32 s19, v10  }
0xb9: {  	v10 =	vsel vm3, v10, v0  }
0xba: {  	(v2sf) =	vpush v11, $0xF;
	[tilespmem:s30+$0xFFFFFFF0] =	vst v10  }
0xbb: {  	v10 =	vld [tilespmem:s4+$0x0];
	_ =	sdelay $0x2  }
0xbc: {  	s22 =	sadd.s32 $0x40, s13  }
0xbd: {  	v11 =	vor.u32 s22, v2  }
0xbe: {  	vm4 =	vle.s32 v11, v7;
	vm3 =	veq.s32 v10, v6  }
0xbf: {  	vm5 =	vgt.s32 v10, v6;
	vm3 =	vmand vm4, vm3  }
0xc0: {  	vm3 =	vmor vm5, vm3  }
0xc1: {  	v10 =	vsel vm3, $0x1, v5  }
0xc2: {  	(xrf0) =	vadd.scan.msk.s32 $0xffff, v10;
	_ =	sdelay $0x4  }
0xc3: {  	s23 =	spop (v2sf)  }
0xc4: {  	v10 =	vsel vm3, $0xFFFFFFFF, v5;
	s2 =	sadd.s32 s2, s23;
	v11, _, _ =	vpop (xrf0)  }
0xc5: {  	s19 =	sadd.s32 s28, s2;
	v10 =	vadd.s32 v10, v11  }
0xc6: {  	v10 =	vadd.s32 s19, v10  }
0xc7: {  	v10 =	vsel vm3, v10, v0  }
0xc8: {  	(v2sf) =	vpush v11, $0xF;
	[tilespmem:s30+$0x0] =	vst v10  }
0xc9: {  	v10 =	vld [tilespmem:s4+$0x10];
	_ =	sdelay $0x2  }
0xca: {  	s20 =	sadd.s32 $0x50, s13  }
0xcb: {  	v11 =	vor.u32 s20, v2  }
0xcc: {  	vm4 =	vle.s32 v11, v7;
	vm3 =	veq.s32 v10, v6  }
0xcd: {  	vm5 =	vgt.s32 v10, v6;
	vm3 =	vmand vm4, vm3  }
0xce: {  	vm3 =	vmor vm5, vm3  }
0xcf: {  	v10 =	vsel vm3, $0x1, v5  }
0xd0: {  	(xrf0) =	vadd.scan.msk.s32 $0xffff, v10;
	_ =	sdelay $0x4  }
0xd1: {  	s21 =	spop (v2sf)  }
0xd2: {  	v10 =	vsel vm3, $0xFFFFFFFF, v5;
	s2 =	sadd.s32 s2, s21;
	v11, _, _ =	vpop (xrf0)  }
0xd3: {  	s19 =	sadd.s32 s28, s2;
	v10 =	vadd.s32 v10, v11  }
0xd4: {  	v10 =	vadd.s32 s19, v10  }
0xd5: {  	v10 =	vsel vm3, v10, v0  }
0xd6: {  	(v2sf) =	vpush v11, $0xF;
	[tilespmem:s30+$0x10] =	vst v10  }
0xd7: {  	v10 =	vld [tilespmem:s4+$0x20];
	_ =	sdelay $0x2  }
0xd8: {  	s22 =	sadd.s32 $0x60, s13  }
0xd9: {  	v11 =	vor.u32 s22, v2  }
0xda: {  	vm4 =	vle.s32 v11, v7;
	vm3 =	veq.s32 v10, v6  }
0xdb: {  	vm5 =	vgt.s32 v10, v6;
	vm3 =	vmand vm4, vm3  }
0xdc: {  	vm3 =	vmor vm5, vm3  }
0xdd: {  	v10 =	vsel vm3, $0x1, v5  }
0xde: {  	(xrf0) =	vadd.scan.msk.s32 $0xffff, v10;
	_ =	sdelay $0x4  }
0xdf: {  	s23 =	spop (v2sf)  }
0xe0: {  	v10 =	vsel vm3, $0xFFFFFFFF, v5;
	s2 =	sadd.s32 s2, s23;
	v11, _, _ =	vpop (xrf0)  }
0xe1: {  	s19 =	sadd.s32 s28, s2;
	v10 =	vadd.s32 v10, v11  }
0xe2: {  	v10 =	vadd.s32 s19, v10  }
0xe3: {  	v10 =	vsel vm3, v10, v0  }
0xe4: {  	[tilespmem:s30+$0x20] =	vst v10  }
0xe5: {  	(v2sf) =	vpush v11, $0xF;
	v10 =	vld [tilespmem:s4+$0x30];
	_ =	sdelay $0x2  }
0xe6: {  	s20 =	sadd.s32 $0x70, s13  }
0xe7: {  	v11 =	vor.u32 s20, v2  }
0xe8: {  	vm4 =	vle.s32 v11, v7;
	vm3 =	veq.s32 v10, v6  }
0xe9: {  	vm5 =	vgt.s32 v10, v6;
	vm3 =	vmand vm4, vm3  }
0xea: {  	vm3 =	vmor vm5, vm3  }
0xeb: {  	v10 =	vsel vm3, $0x1, v5  }
0xec: {  	(xrf0) =	vadd.scan.msk.s32 $0xffff, v10;
	_ =	sdelay $0x5  }
0xed: {  	s21 =	spop (v2sf);
	v10, _, _ =	vpop (xrf0)  }
0xee: {  	v11 =	vsel vm3, $0xFFFFFFFF, v5;
	s2 =	sadd.s32 s2, s21;
	(v2sf) =	vpush v10, $0xF  }
0xef: {  	s4 =	sadd.s32 s28, s2;
	v10 =	vadd.s32 v11, v10  }
0xf0: {  	v10 =	vadd.s32 s4, v10  }
0xf1: {  	v10 =	vsel vm3, v10, v0  }
0xf2: {  	s31 =	simm.s32 $0xC0;
	[tilespmem:s30+$0x30] =	vst v10  }
0xf3: {  	v10 =	vld [tilespmem:s31+$0xFFFFFFC0];
	_ =	sdelay $0x2  }
0xf4: {  	s4 =	sadd.s32 $0x80, s3  }
0xf5: {  	v11 =	vor.u32 s4, v2  }
0xf6: {  	vm4 =	vle.s32 v11, v7;
	vm3 =	veq.s32 v10, v6  }
0xf7: {  	vm5 =	vgt.s32 v10, v6;
	vm3 =	vmand vm4, vm3  }
0xf8: {  	s22 =	sadd.s32 $0x10, s4;
	vm3 =	vmor vm5, vm3  }
0xf9: {  	s23 =	sadd.s32 $0x20, s4;
	s20 =	sadd.s32 $0x30, s4;
	s21 =	sadd.s32 $0x40, s4;
	v16 =	vor.u32 s22, v2;
	v17 =	vsel vm3, $0x1, v5  }
0xfa: {  	v15 =	vor.u32 s23, v2;
	v14 =	vor.u32 s20, v2;
	s22 =	sadd.s32 $0x50, s4;
	v13 =	vor.u32 s21, v2;
	s23 =	sadd.s32 $0x60, s4;
	s20 =	sadd.s32 $0x70, s4;
	(xrf0) =	vadd.scan.msk.s32 $0xffff, v17  }
0xfb: {  	s4 =	simm.s32 $0x100;
	v12 =	vor.u32 s22, v2;
	v11 =	vor.u32 s23, v2;
	v10 =	vor.u32 s20, v2;
	s13 =	spop (v2sf)  }
.LBB2_3:
0xfc: {  	s2 =	sadd.s32 s2, s13  }
0xfd: {  	s30 =	sadd.s32 $0x80, s30;
	s13 =	smov.u32 s4;
	s19 =	sadd.s32 $0x80, s4  }
0xfe: {  	p3 =	sne.s32 s4, $0x1180;
	s4 =	sadd.s32 s28, s2  }
0xff: {  	v17 =	vsel vm3, $0xFFFFFFFF, v5  }
0x100: {  	v17 =	vadd.s32 s4, v17;
	v18, _, _ =	vpop (xrf0)  }
0x101: {  	v17 =	vadd.s32 v18, v17;
	(v2sf) =	vpush v18, $0xF  }
0x102: {  	v17 =	vsel vm3, v17, v0  }
0x103: {  	[tilespmem:s30+$0xFFFFFFC0] =	vst v17  }
0x104: {  	v17 =	vld [tilespmem:s31+$0xFFFFFFD0];
	_ =	sdelay $0x4  }
0x105: {  	vm4 =	vle.s32 v16, v7;
	vm3 =	veq.s32 v17, v6  }
0x106: {  	vm5 =	vgt.s32 v17, v6;
	vm3 =	vmand vm4, vm3  }
0x107: {  	vm3 =	vmor vm5, vm3  }
0x108: {  	v16 =	vsel vm3, $0x1, v5  }
0x109: {  	(xrf0) =	vadd.scan.msk.s32 $0xffff, v16;
	_ =	sdelay $0x2  }
0x10a: {  	s4 =	spop (v2sf)  }
0x10b: {  	s2 =	sadd.s32 s2, s4;
	_ =	sdelay $0x1  }
0x10c: {  	v16 =	vsel vm3, $0xFFFFFFFF, v5;
	v17, _, _ =	vpop (xrf0)  }
0x10d: {  	s4 =	sadd.s32 s28, s2;
	v16 =	vadd.s32 v16, v17;
	(v2sf) =	vpush v17, $0xF  }
0x10e: {  	v16 =	vadd.s32 s4, v16  }
0x10f: {  	v16 =	vsel vm3, v16, v0  }
0x110: {  	[tilespmem:s30+$0xFFFFFFD0] =	vst v16  }
0x111: {  	v16 =	vld [tilespmem:s31+$0xFFFFFFE0];
	_ =	sdelay $0x4  }
0x112: {  	vm4 =	vle.s32 v15, v7;
	vm3 =	veq.s32 v16, v6  }
0x113: {  	vm5 =	vgt.s32 v16, v6;
	vm3 =	vmand vm4, vm3  }
0x114: {  	vm3 =	vmor vm5, vm3  }
0x115: {  	v15 =	vsel vm3, $0x1, v5  }
0x116: {  	(xrf0) =	vadd.scan.msk.s32 $0xffff, v15;
	_ =	sdelay $0x1  }
0x117: {  	s4 =	spop (v2sf)  }
0x118: {  	s2 =	sadd.s32 s2, s4;
	_ =	sdelay $0x2  }
0x119: {  	v15 =	vsel vm3, $0xFFFFFFFF, v5;
	v16, _, _ =	vpop (xrf0)  }
0x11a: {  	s4 =	sadd.s32 s28, s2;
	v15 =	vadd.s32 v15, v16;
	(v2sf) =	vpush v16, $0xF  }
0x11b: {  	v15 =	vadd.s32 s4, v15  }
0x11c: {  	v15 =	vsel vm3, v15, v0  }
0x11d: {  	[tilespmem:s30+$0xFFFFFFE0] =	vst v15  }
0x11e: {  	v15 =	vld [tilespmem:s31+$0xFFFFFFF0];
	_ =	sdelay $0x4  }
0x11f: {  	vm4 =	vle.s32 v14, v7;
	vm3 =	veq.s32 v15, v6  }
0x120: {  	vm5 =	vgt.s32 v15, v6;
	vm3 =	vmand vm4, vm3  }
0x121: {  	vm3 =	vmor vm5, vm3  }
0x122: {  	v14 =	vsel vm3, $0x1, v5  }
0x123: {  	(xrf0) =	vadd.scan.msk.s32 $0xffff, v14;
	_ =	sdelay $0x1  }
0x124: {  	s4 =	spop (v2sf)  }
0x125: {  	s2 =	sadd.s32 s2, s4;
	_ =	sdelay $0x2  }
0x126: {  	v14 =	vsel vm3, $0xFFFFFFFF, v5;
	v15, _, _ =	vpop (xrf0)  }
0x127: {  	s4 =	sadd.s32 s28, s2;
	v14 =	vadd.s32 v14, v15;
	(v2sf) =	vpush v15, $0xF  }
0x128: {  	v14 =	vadd.s32 s4, v14  }
0x129: {  	v14 =	vsel vm3, v14, v0  }
0x12a: {  	[tilespmem:s30+$0xFFFFFFF0] =	vst v14  }
0x12b: {  	v14 =	vld [tilespmem:s31+$0x0];
	_ =	sdelay $0x4  }
0x12c: {  	vm4 =	vle.s32 v13, v7;
	vm3 =	veq.s32 v14, v6  }
0x12d: {  	vm5 =	vgt.s32 v14, v6;
	vm3 =	vmand vm4, vm3  }
0x12e: {  	vm3 =	vmor vm5, vm3  }
0x12f: {  	v13 =	vsel vm3, $0x1, v5  }
0x130: {  	(xrf0) =	vadd.scan.msk.s32 $0xffff, v13;
	_ =	sdelay $0x1  }
0x131: {  	s4 =	spop (v2sf)  }
0x132: {  	s2 =	sadd.s32 s2, s4;
	_ =	sdelay $0x2  }
0x133: {  	v13 =	vsel vm3, $0xFFFFFFFF, v5;
	v14, _, _ =	vpop (xrf0)  }
0x134: {  	s4 =	sadd.s32 s28, s2;
	v13 =	vadd.s32 v13, v14;
	(v2sf) =	vpush v14, $0xF  }
0x135: {  	v13 =	vadd.s32 s4, v13  }
0x136: {  	v13 =	vsel vm3, v13, v0  }
0x137: {  	[tilespmem:s30+$0x0] =	vst v13  }
0x138: {  	v13 =	vld [tilespmem:s31+$0x10];
	_ =	sdelay $0x4  }
0x139: {  	vm4 =	vle.s32 v12, v7;
	vm3 =	veq.s32 v13, v6  }
0x13a: {  	vm5 =	vgt.s32 v13, v6;
	vm3 =	vmand vm4, vm3  }
0x13b: {  	vm3 =	vmor vm5, vm3  }
0x13c: {  	v12 =	vsel vm3, $0x1, v5  }
0x13d: {  	(xrf0) =	vadd.scan.msk.s32 $0xffff, v12;
	_ =	sdelay $0x1  }
0x13e: {  	s4 =	spop (v2sf)  }
0x13f: {  	s2 =	sadd.s32 s2, s4;
	_ =	sdelay $0x2  }
0x140: {  	v12 =	vsel vm3, $0xFFFFFFFF, v5;
	v13, _, _ =	vpop (xrf0)  }
0x141: {  	s4 =	sadd.s32 s28, s2;
	v12 =	vadd.s32 v12, v13;
	(v2sf) =	vpush v13, $0xF  }
0x142: {  	v12 =	vadd.s32 s4, v12  }
0x143: {  	v12 =	vsel vm3, v12, v0  }
0x144: {  	[tilespmem:s30+$0x10] =	vst v12  }
0x145: {  	v12 =	vld [tilespmem:s31+$0x20];
	_ =	sdelay $0x4  }
0x146: {  	vm4 =	vle.s32 v11, v7;
	vm3 =	veq.s32 v12, v6  }
0x147: {  	vm5 =	vgt.s32 v12, v6;
	vm3 =	vmand vm4, vm3  }
0x148: {  	vm3 =	vmor vm5, vm3  }
0x149: {  	v11 =	vsel vm3, $0x1, v5  }
0x14a: {  	(xrf0) =	vadd.scan.msk.s32 $0xffff, v11;
	_ =	sdelay $0x1  }
0x14b: {  	s4 =	spop (v2sf)  }
0x14c: {  	s2 =	sadd.s32 s2, s4;
	_ =	sdelay $0x2  }
0x14d: {  	v11 =	vsel vm3, $0xFFFFFFFF, v5;
	v12, _, _ =	vpop (xrf0)  }
0x14e: {  	s4 =	sadd.s32 s28, s2;
	v11 =	vadd.s32 v11, v12;
	(v2sf) =	vpush v12, $0xF  }
0x14f: {  	v11 =	vadd.s32 s4, v11  }
0x150: {  	v11 =	vsel vm3, v11, v0  }
0x151: {  	[tilespmem:s30+$0x20] =	vst v11  }
0x152: {  	v11 =	vld [tilespmem:s31+$0x30];
	_ =	sdelay $0x4  }
0x153: {  	vm4 =	vle.s32 v10, v7;
	vm3 =	veq.s32 v11, v6  }
0x154: {  	vm5 =	vgt.s32 v11, v6;
	vm3 =	vmand vm4, vm3  }
0x155: {  	vm3 =	vmor vm5, vm3  }
0x156: {  	v10 =	vsel vm3, $0x1, v5  }
0x157: {  	(xrf0) =	vadd.scan.msk.s32 $0xffff, v10;
	_ =	sdelay $0x1  }
0x158: {  	s4 =	spop (v2sf)  }
0x159: {  	s2 =	sadd.s32 s2, s4;
	_ =	sdelay $0x2  }
0x15a: {  	v10 =	vsel vm3, $0xFFFFFFFF, v5;
	v11, _, _ =	vpop (xrf0)  }
0x15b: {  	s4 =	sadd.s32 s28, s2;
	v10 =	vadd.s32 v10, v11;
	(v2sf) =	vpush v11, $0xF  }
0x15c: {  	v10 =	vadd.s32 s4, v10  }
0x15d: {  	v10 =	vsel vm3, v10, v0  }
0x15e: {  	s31 =	sadd.s32 $0x80, s31;
	[tilespmem:s30+$0x30] =	vst v10  }
0x15f: {  	v10 =	vld [tilespmem:s31+$0xFFFFFFC0];
	_ =	sdelay $0x2  }
0x160: {  	s4 =	sadd.s32 s13, s3  }
0x161: {  	v11 =	vor.u32 s4, v2;
	s13 =	sadd.s32 $0x10, s4;
	s20 =	sadd.s32 $0x20, s4;
	s21 =	sadd.s32 $0x30, s4  }
0x162: {  	s22 =	sadd.s32 $0x50, s4;
	s23 =	sadd.s32 $0x60, s4;
	vm4 =	vle.s32 v11, v7;
	v16 =	vor.u32 s13, v2;
	s13 =	sadd.s32 $0x40, s4;
	vm3 =	veq.s32 v10, v6  }
0x163: {  	v15 =	vor.u32 s20, v2;
	s4 =	sadd.s32 $0x70, s4;
	vm5 =	vgt.s32 v10, v6;
	vm3 =	vmand vm4, vm3  }
.Ltmp3:
0x164: {  	v14 =	vor.u32 s21, v2;
	v13 =	vor.u32 s13, v2;
	vm3 =	vmor vm5, vm3;
	(pc) =	sbr.rel @p3 .LBB2_3-.Ltmp3, $3  }
0x165: {  	v12 =	vor.u32 s22, v2;
	v11 =	vor.u32 s23, v2;
	v17 =	vsel vm3, $0x1, v5  }
0x166: {  	v10 =	vor.u32 s4, v2;
	(xrf0) =	vadd.scan.msk.s32 $0xffff, v17;
	_ =	sdelay $0x1  }
0x167: {  	s4 =	smov.u32 s19;
	s13 =	spop (v2sf)  }
0x168: {  	_ = 	snop  }
0x169: {  	s2 =	sadd.s32 s2, s13  }
0x16a: {  	v17 =	vsel vm3, $0xFFFFFFFF, v5;
	s4 =	sadd.s32 s28, s2  }
0x16b: {  	v17 =	vadd.s32 s4, v17;
	v18, _, _ =	vpop (xrf0)  }
0x16c: {  	v17 =	vadd.s32 v18, v17  }
0x16d: {  	s4 =	sadd.s32 $0x80, s30;
	v17 =	vsel vm3, v17, v0  }
0x16e: {  	(v2sf) =	vpush v18, $0xF;
	[tilespmem:s4+$0xFFFFFFC0] =	vst v17  }
0x16f: {  	v17 =	vld [tilespmem:s31+$0xFFFFFFD0];
	_ =	sdelay $0x4  }
0x170: {  	vm4 =	vle.s32 v16, v7;
	vm3 =	veq.s32 v17, v6  }
0x171: {  	vm5 =	vgt.s32 v17, v6;
	vm3 =	vmand vm4, vm3  }
0x172: {  	vm3 =	vmor vm5, vm3  }
0x173: {  	v48 =	vsel vm3, $0x1, v5  }
0x174: {  	(xrf0) =	vadd.scan.msk.s32 $0xffff, v48;
	_ =	sdelay $0x4  }
0x175: {  	s20 =	spop (v2sf)  }
0x176: {  	v49 =	vsel vm3, $0xFFFFFFFF, v5;
	s2 =	sadd.s32 s2, s20;
	v50, _, _ =	vpop (xrf0)  }
0x177: {  	s13 =	sadd.s32 s28, s2;
	v16 =	vadd.s32 v49, v50  }
0x178: {  	v16 =	vadd.s32 s13, v16  }
0x179: {  	v16 =	vsel vm3, v16, v0  }
0x17a: {  	(v2sf) =	vpush v50, $0xF;
	[tilespmem:s4+$0xFFFFFFD0] =	vst v16  }
0x17b: {  	v16 =	vld [tilespmem:s31+$0xFFFFFFE0];
	_ =	sdelay $0x4  }
0x17c: {  	vm12 =	vle.s32 v15, v7;
	vm3 =	veq.s32 v16, v6  }
0x17d: {  	vm13 =	vgt.s32 v16, v6;
	vm3 =	vmand vm12, vm3  }
0x17e: {  	vm3 =	vmor vm13, vm3  }
0x17f: {  	v51 =	vsel vm3, $0x1, v5  }
0x180: {  	(xrf0) =	vadd.scan.msk.s32 $0xffff, v51;
	_ =	sdelay $0x4  }
0x181: {  	s21 =	spop (v2sf)  }
0x182: {  	v52 =	vsel vm3, $0xFFFFFFFF, v5;
	s2 =	sadd.s32 s2, s21;
	v53, _, _ =	vpop (xrf0)  }
0x183: {  	s13 =	sadd.s32 s28, s2;
	v15 =	vadd.s32 v52, v53  }
0x184: {  	v15 =	vadd.s32 s13, v15  }
0x185: {  	v15 =	vsel vm3, v15, v0  }
0x186: {  	(v2sf) =	vpush v53, $0xF;
	[tilespmem:s4+$0xFFFFFFE0] =	vst v15  }
0x187: {  	v15 =	vld [tilespmem:s31+$0xFFFFFFF0];
	_ =	sdelay $0x4  }
0x188: {  	vm14 =	vle.s32 v14, v7;
	vm3 =	veq.s32 v15, v6  }
0x189: {  	vm15 =	vgt.s32 v15, v6;
	vm3 =	vmand vm14, vm3  }
0x18a: {  	vm3 =	vmor vm15, vm3  }
0x18b: {  	v54 =	vsel vm3, $0x1, v5  }
0x18c: {  	(xrf0) =	vadd.scan.msk.s32 $0xffff, v54;
	_ =	sdelay $0x4  }
0x18d: {  	s22 =	spop (v2sf)  }
0x18e: {  	v55 =	vsel vm3, $0xFFFFFFFF, v5;
	s2 =	sadd.s32 s2, s22;
	v56, _, _ =	vpop (xrf0)  }
0x18f: {  	s13 =	sadd.s32 s28, s2;
	v14 =	vadd.s32 v55, v56  }
0x190: {  	v14 =	vadd.s32 s13, v14  }
0x191: {  	v14 =	vsel vm3, v14, v0  }
0x192: {  	(v2sf) =	vpush v56, $0xF;
	[tilespmem:s4+$0xFFFFFFF0] =	vst v14  }
0x193: {  	v14 =	vld [tilespmem:s31+$0x0];
	_ =	sdelay $0x4  }
0x194: {  	vm8 =	vle.s32 v13, v7;
	vm3 =	veq.s32 v14, v6  }
0x195: {  	vm9 =	vgt.s32 v14, v6;
	vm3 =	vmand vm8, vm3  }
0x196: {  	vm3 =	vmor vm9, vm3  }
0x197: {  	v57 =	vsel vm3, $0x1, v5  }
0x198: {  	(xrf0) =	vadd.scan.msk.s32 $0xffff, v57;
	_ =	sdelay $0x4  }
0x199: {  	s23 =	spop (v2sf)  }
0x19a: {  	v58 =	vsel vm3, $0xFFFFFFFF, v5;
	s2 =	sadd.s32 s2, s23;
	v59, _, _ =	vpop (xrf0)  }
0x19b: {  	s13 =	sadd.s32 s28, s2;
	v13 =	vadd.s32 v58, v59  }
0x19c: {  	v13 =	vadd.s32 s13, v13  }
0x19d: {  	v13 =	vsel vm3, v13, v0  }
0x19e: {  	(v2sf) =	vpush v59, $0xF;
	[tilespmem:s4+$0x0] =	vst v13  }
0x19f: {  	v13 =	vld [tilespmem:s31+$0x10];
	_ =	sdelay $0x4  }
0x1a0: {  	vm10 =	vle.s32 v12, v7;
	vm3 =	veq.s32 v13, v6  }
0x1a1: {  	vm11 =	vgt.s32 v13, v6;
	vm3 =	vmand vm10, vm3  }
0x1a2: {  	vm3 =	vmor vm11, vm3  }
0x1a3: {  	v60 =	vsel vm3, $0x1, v5  }
0x1a4: {  	(xrf0) =	vadd.scan.msk.s32 $0xffff, v60;
	_ =	sdelay $0x4  }
0x1a5: {  	s30 =	spop (v2sf)  }
0x1a6: {  	v61 =	vsel vm3, $0xFFFFFFFF, v5;
	s2 =	sadd.s32 s2, s30;
	v62, _, _ =	vpop (xrf0)  }
0x1a7: {  	s13 =	sadd.s32 s28, s2;
	v12 =	vadd.s32 v61, v62  }
0x1a8: {  	v12 =	vadd.s32 s13, v12  }
0x1a9: {  	v12 =	vsel vm3, v12, v0  }
0x1aa: {  	(v2sf) =	vpush v62, $0xF;
	[tilespmem:s4+$0x10] =	vst v12  }
0x1ab: {  	v12 =	vld [tilespmem:s31+$0x20];
	_ =	sdelay $0x4  }
0x1ac: {  	vm12 =	vle.s32 v11, v7;
	vm3 =	veq.s32 v12, v6  }
0x1ad: {  	vm13 =	vgt.s32 v12, v6;
	vm3 =	vmand vm12, vm3  }
0x1ae: {  	vm3 =	vmor vm13, vm3  }
0x1af: {  	v11 =	vsel vm3, $0x1, v5  }
0x1b0: {  	(xrf0) =	vadd.scan.msk.s32 $0xffff, v11;
	_ =	sdelay $0x4  }
0x1b1: {  	s19 =	spop (v2sf)  }
0x1b2: {  	v11 =	vsel vm3, $0xFFFFFFFF, v5;
	s2 =	sadd.s32 s2, s19;
	v63, _, _ =	vpop (xrf0)  }
0x1b3: {  	s13 =	sadd.s32 s28, s2;
	v11 =	vadd.s32 v11, v63  }
0x1b4: {  	v11 =	vadd.s32 s13, v11  }
0x1b5: {  	v11 =	vsel vm3, v11, v0  }
0x1b6: {  	[tilespmem:s4+$0x20] =	vst v11  }
0x1b7: {  	v11 =	vld [tilespmem:s31+$0x30];
	_ =	sdelay $0x4  }
0x1b8: {  	vm14 =	vle.s32 v10, v7;
	vm3 =	veq.s32 v11, v6  }
0x1b9: {  	vm15 =	vgt.s32 v11, v6;
	vm3 =	vmand vm14, vm3  }
0x1ba: {  	vm3 =	vmor vm15, vm3  }
0x1bb: {  	v10 =	vsel vm3, $0x1, v5  }
0x1bc: {  	(xrf0) =	vadd.scan.msk.s32 $0xffff, v10;
	_ =	sdelay $0x1  }
0x1bd: {  	(v2sf) =	vpush v63, $0xF;
	_ =	sdelay $0x3  }
0x1be: {  	v10, _, _ =	vpop (xrf0)  }
0x1bf: {  	(v2sf) =	vpush v10, $0xF;
	_ =	sdelay $0x9  }
0x1c0: {  	s20 =	spop (v2sf)  }
0x1c1: {  	v11 =	vsel vm3, $0xFFFFFFFF, v5;
	s2 =	sadd.s32 s2, s20  }
0x1c2: {  	s2 =	sadd.s32 s28, s2;
	v10 =	vadd.s32 v11, v10  }
0x1c3: {  	v10 =	vadd.s32 s2, v10  }
0x1c4: {  	v10 =	vsel vm3, v10, v0  }
0x1c5: {  	[tilespmem:s4+$0x30] =	vst v10;
	s21 =	spop (v2sf)  }
0x1c6: {  	_ =	swait.ge [sflag:s24], $0x1200  }
0x1c7: {  	[sflag:s24] =	ssyncset.done $0x0  }
0x1c8: {  	[sflag:s24] =	ssyncadd.s32 $0xFFFFEE00  }
0x1c9: {  	_ =	swait.ge [sflag:s24], $0x1200  }
0x1ca: {  	[sflag:s24] =	ssyncset.done $0x0  }
0x1cb: {  	[sflag:s24] =	ssyncadd.s32 $0xFFFFEE00  }
0x1cc: {  	_ =	swait.ge [sflag:s24], $0x1200  }
0x1cd: {  	[sflag:s24] =	ssyncset.done $0x0  }
0x1ce: {  	[sflag:s24] =	ssyncadd.s32 $0xFFFFEE00  }
0x1cf: {  	_ =	swait.ge [sflag:s24], $0x1200  }
0x1d0: {  	[sflag:s24] =	ssyncset.done $0x0  }
0x1d1: {  	[sflag:s24] =	ssyncadd.s32 $0xFFFFEE00  }
0x1d2: {  	_ =	swait.ge [sflag:s24], $0x1200  }
0x1d3: {  	[sflag:s24] =	ssyncset.done $0x0  }
0x1d4: {  	s2 =	simm.s32 $0x2680;
	s4 =	simm.s32 $0x1200;
	[sflag:s24] =	ssyncadd.s32 $0xFFFFEE00  }
0x1d5: {  	[spmem:s16] =	stream.indirect.scatter [tilespmem:s2], [sflag:$0x1], $0x1, s4, s15, $0xb8;
	[tilespmem:$0x92E0] =	vst v63  }
0x1d6: {  	s22 =	simm.s32 $0x3880  }
0x1d7: {  	[spmem:s17] =	stream.indirect.scatter [tilespmem:s22], [sflag:$0x1], $0x1, s4, s15, $0xb8;
	[tilespmem:$0x92E0] =	vst v63  }
0x1d8: {  	s23 =	simm.s32 $0x4A80  }
0x1d9: {  	[spmem:s25] =	stream.indirect.scatter [tilespmem:s23], [sflag:$0x1], $0x1, s4, s15, $0xb8;
	[tilespmem:$0x92E0] =	vst v63  }
0x1da: {  	s30 =	simm.s32 $0x5C80;
	s13 =	simm.s32 $0x400  }
0x1db: {  	[spmem:s29] =	stream.indirect.scatter [tilespmem:s30], [sflag:$0x1], $0x1, s4, s15, $0xb8;
	[tilespmem:$0x92E0] =	vst v63  }
0x1dc: {  	s31 =	simm.s32 $0x6E80;
	s28 =	simm.s32 $0x0;
	s2 =	simm.s32 $0x80  }
0x1dd: {  	[spmem:s0] =	stream.indirect.scatter [tilespmem:s31], [sflag:$0x1], $0x1, s4, s15, $0xb8;
	[tilespmem:$0x92E0] =	vst v63  }
.LBB2_5:
0x1de: {  	[spmem:s5] =	stream.indirect.scatter [tilespmem:s28], [sflag:$0x1], $0x1, s4, s15, $0xb8;
	[tilespmem:$0x92E0] =	vst v63  }
0x1df: {  	s19 =	sshra.s32 s13, $0x2;
	s20 =	sadd.s32 $0x2680, s2;
	s4 =	sadd.s32 $0x1200, s2  }
0x1e0: {  	[spmem:s16] =	stream.indirect.scatter [tilespmem:s20], [sflag:$0x1], $0x1, s4, s15, $0xb8;
	[tilespmem:$0x92E0] =	vst v63  }
0x1e1: {  	p3 =	sne.s32 s13, $0x4600;
	s13 =	sadd.s32 $0x200, s13;
	s20 =	sadd.s32 $0x3880, s2  }
0x1e2: {  	[spmem:s17] =	stream.indirect.scatter [tilespmem:s20], [sflag:$0x1], $0x1, s4, s15, $0xb8;
	[tilespmem:$0x92E0] =	vst v63  }
0x1e3: {  	s28 =	smov.u32 s2;
	s20 =	sadd.s32 $0x4A80, s2;
	s2 =	smov.u32 s19  }
0x1e4: {  	[spmem:s25] =	stream.indirect.scatter [tilespmem:s20], [sflag:$0x1], $0x1, s4, s15, $0xb8;
	[tilespmem:$0x92E0] =	vst v63  }
.Ltmp4:
0x1e5: {  	_ = 	snop;
	(pc) =	sbr.rel @p3 .LBB2_5-.Ltmp4, $4  }
0x1e6: {  	s19 =	sadd.s32 $0x5C80, s28  }
0x1e7: {  	[spmem:s29] =	stream.indirect.scatter [tilespmem:s19], [sflag:$0x1], $0x1, s4, s15, $0xb8;
	[tilespmem:$0x92E0] =	vst v63  }
0x1e8: {  	s19 =	sadd.s32 $0x6E80, s28  }
0x1e9: {  	[spmem:s0] =	stream.indirect.scatter [tilespmem:s19], [sflag:$0x1], $0x1, s4, s15, $0xb8;
	[tilespmem:$0x92E0] =	vst v63  }
0x1ea: {  	[spmem:s5] =	stream.indirect.scatter [tilespmem:s28], [sflag:$0x1], $0x1, s4, s15, $0xb8;
	[tilespmem:$0x92E0] =	vst v63  }
0x1eb: {  	s19 =	sadd.s32 $0x2680, s2;
	s13 =	sadd.s32 $0x1200, s2  }
0x1ec: {  	[spmem:s16] =	stream.indirect.scatter [tilespmem:s19], [sflag:$0x1], $0x1, s13, s15, $0xb8;
	[tilespmem:$0x92E0] =	vst v63  }
0x1ed: {  	s20 =	sadd.s32 $0x3880, s2  }
0x1ee: {  	[spmem:s17] =	stream.indirect.scatter [tilespmem:s20], [sflag:$0x1], $0x1, s13, s15, $0xb8;
	[tilespmem:$0x92E0] =	vst v63  }
0x1ef: {  	s21 =	sadd.s32 $0x4A80, s2  }
0x1f0: {  	[spmem:s25] =	stream.indirect.scatter [tilespmem:s21], [sflag:$0x1], $0x1, s13, s15, $0xb8;
	[tilespmem:$0x92E0] =	vst v63  }
0x1f1: {  	s22 =	sadd.s32 $0x5C80, s2  }
0x1f2: {  	[spmem:s29] =	stream.indirect.scatter [tilespmem:s22], [sflag:$0x1], $0x1, s13, s15, $0xb8;
	[tilespmem:$0x92E0] =	vst v63  }
0x1f3: {  	s23 =	sadd.s32 $0x6E80, s2  }
0x1f4: {  	[spmem:s0] =	stream.indirect.scatter [tilespmem:s23], [sflag:$0x1], $0x1, s13, s15, $0xb8;
	[tilespmem:$0x92E0] =	vst v63  }
0x1f5: {  	_ = 	snop  }
0x1f6: {  	[spmem:s5] =	stream.indirect.scatter [tilespmem:s2], [sflag:$0x1], $0x1, s13, s15, $0xb8;
	[tilespmem:$0x92E0] =	vst v63  }
0x1f7: {  	_ =	swait.ge [sflag:s26], $0x1200  }
0x1f8: {  	[sflag:s26] =	ssyncset.done $0x0  }
0x1f9: {  	[sflag:s26] =	ssyncadd.s32 $0xFFFFEE00  }
0x1fa: {  	_ =	swait.ge [sflag:s26], $0x1200  }
0x1fb: {  	[sflag:s26] =	ssyncset.done $0x0  }
0x1fc: {  	[sflag:s26] =	ssyncadd.s32 $0xFFFFEE00  }
0x1fd: {  	_ =	swait.ge [sflag:s26], $0x1200  }
0x1fe: {  	[sflag:s26] =	ssyncset.done $0x0  }
0x1ff: {  	[sflag:s26] =	ssyncadd.s32 $0xFFFFEE00  }
0x200: {  	_ =	swait.ge [sflag:s26], $0x1200  }
0x201: {  	[sflag:s26] =	ssyncset.done $0x0  }
0x202: {  	[sflag:s26] =	ssyncadd.s32 $0xFFFFEE00  }
0x203: {  	_ =	swait.ge [sflag:s26], $0x1200  }
0x204: {  	[sflag:s26] =	ssyncset.done $0x0  }
0x205: {  	v8 =	vpsel p2, v8, v9;
	[sflag:s26] =	ssyncadd.s32 $0xFFFFEE00  }
0x206: {  	v8 =	vnsel vm0, $0x0, v8;
	_ =	swait.ge [sflag:s26], $0x1200  }
0x207: {  	(xrf0) =	vadd.scan.msk.s32 $0xffff, v8;
	_ =	sdelay $0x5  }
0x208: {  	v8, _, _ =	vpop (xrf0)  }
0x209: {  	(v2sf) =	vpush v8, $0xF;
	_ =	sdelay $0x1  }
0x20a: {  	[sflag:s26] =	ssyncset.done $0x0  }
0x20b: {  	s22 =	simm.s32 $0x2680;
	s13 =	rddreg [dreg:$0xe];
	[sflag:s26] =	ssyncadd.s32 $0xFFFFEE00  }
0x20c: {  	[tilespmem:s22], [sflag:$0x2] =	stream.strided.gather [hbm4b:s13+s15], $0x1200, s18, s15, $0x38;
	[tilespmem:$0x92E0] =	vst v63  }
0x20d: {  	s23 =	simm.s32 $0x3880;
	s19 =	rddreg [dreg:$0xf]  }
0x20e: {  	[tilespmem:s23], [sflag:$0x2] =	stream.strided.gather [hbm4b:s19+s15], $0x1200, s18, s15, $0x38;
	[tilespmem:$0x92E0] =	vst v63  }
0x20f: {  	s21 =	simm.s32 $0x4A80;
	s20 =	rddreg [dreg:$0x10]  }
0x210: {  	[tilespmem:s21], [sflag:$0x2] =	stream.strided.gather [hbm4b:s20+s15], $0x1200, s18, s15, $0x38;
	[tilespmem:$0x92E0] =	vst v63  }
0x211: {  	s13 =	rddreg [dreg:$0x11];
	s19 =	simm.s32 $0x5C80  }
0x212: {  	[tilespmem:s19], [sflag:$0x2] =	stream.strided.gather [hbm4b:s13+s15], $0x1200, s18, s15, $0x38;
	[tilespmem:$0x92E0] =	vst v63  }
0x213: {  	s20 =	rddreg [dreg:$0x12];
	s21 =	simm.s32 $0x6E80  }
0x214: {  	[tilespmem:s21], [sflag:$0x2] =	stream.strided.gather [hbm4b:s20+s15], $0x1200, s18, s15, $0x38;
	[tilespmem:$0x92E0] =	vst v63  }
0x215: {  	s13 =	simm.s32 $0x0;
	s19 =	rddreg [dreg:$0x13]  }
0x216: {  	[tilespmem:s13], [sflag:$0x3] =	stream.strided.gather [hbm4b:s19+s15], $0x1200, s18, s15, $0x38;
	[tilespmem:$0x92E0] =	vst v63  }
0x217: {  	s28 =	spop (v2sf)  }
0x218: {  	_ =	swait.ge [sflag:s14], $0x1200  }
0x219: {  	[sflag:s14] =	ssyncset.done $0x0  }
0x21a: {  	s4 =	simm.s32 $0x40;
	[sflag:s14] =	ssyncadd.s32 $0xFFFFEE00  }
0x21b: {  	v8 =	vld [tilespmem:s4+$0xFFFFFFC0];
	_ =	sdelay $0x1  }
0x21c: {  	s13 =	sadd.s32 $0x0, s3  }
0x21d: {  	s20 =	sadd.s32 $0x12000, s13  }
0x21e: {  	v9 =	vor.u32 s20, v2  }
0x21f: {  	vm4 =	vle.s32 v9, v7;
	vm3 =	veq.s32 v8, v6  }
0x220: {  	vm5 =	vgt.s32 v8, v6;
	vm3 =	vmand vm4, vm3  }
0x221: {  	vm3 =	vmor vm5, vm3  }
0x222: {  	v8 =	vsel vm3, $0x1, v5  }
0x223: {  	(xrf0) =	vadd.scan.msk.s32 $0xffff, v8;
	_ =	sdelay $0x4  }
0x224: {  	s21 =	sadd.s32 $0x0, s28;
	v8 =	vsel vm3, $0xFFFFFFFF, v5  }
0x225: {  	v8 =	vadd.s32 s21, v8;
	v9, _, _ =	vpop (xrf0)  }
0x226: {  	v8 =	vadd.s32 v9, v8  }
0x227: {  	s30 =	simm.s32 $0x1240;
	v8 =	vsel vm3, v8, v1  }
0x228: {  	(v2sf) =	vpush v9, $0xF;
	[tilespmem:s30+$0xFFFFFFC0] =	vst v8  }
0x229: {  	v8 =	vld [tilespmem:s4+$0xFFFFFFD0];
	_ =	sdelay $0x2  }
0x22a: {  	s19 =	sadd.s32 $0x12010, s13  }
0x22b: {  	v9 =	vor.u32 s19, v2  }
0x22c: {  	vm4 =	vle.s32 v9, v7;
	vm3 =	veq.s32 v8, v6  }
0x22d: {  	vm5 =	vgt.s32 v8, v6;
	vm3 =	vmand vm4, vm3  }
0x22e: {  	vm3 =	vmor vm5, vm3  }
0x22f: {  	v8 =	vsel vm3, $0x1, v5  }
0x230: {  	(xrf0) =	vadd.scan.msk.s32 $0xffff, v8;
	_ =	sdelay $0x4  }
0x231: {  	s20 =	spop (v2sf)  }
0x232: {  	v8 =	vsel vm3, $0xFFFFFFFF, v5;
	s2 =	sadd.s32 $0x0, s20;
	v9, _, _ =	vpop (xrf0)  }
0x233: {  	s19 =	sadd.s32 s28, s2;
	v8 =	vadd.s32 v8, v9  }
0x234: {  	v8 =	vadd.s32 s19, v8  }
0x235: {  	v8 =	vsel vm3, v8, v1  }
0x236: {  	(v2sf) =	vpush v9, $0xF;
	[tilespmem:s30+$0xFFFFFFD0] =	vst v8  }
0x237: {  	v8 =	vld [tilespmem:s4+$0xFFFFFFE0];
	_ =	sdelay $0x2  }
0x238: {  	s21 =	sadd.s32 $0x12020, s13  }
0x239: {  	v9 =	vor.u32 s21, v2  }
0x23a: {  	vm4 =	vle.s32 v9, v7;
	vm3 =	veq.s32 v8, v6  }
0x23b: {  	vm5 =	vgt.s32 v8, v6;
	vm3 =	vmand vm4, vm3  }
0x23c: {  	vm3 =	vmor vm5, vm3  }
0x23d: {  	v8 =	vsel vm3, $0x1, v5  }
0x23e: {  	(xrf0) =	vadd.scan.msk.s32 $0xffff, v8;
	_ =	sdelay $0x4  }
0x23f: {  	s20 =	spop (v2sf)  }
0x240: {  	v8 =	vsel vm3, $0xFFFFFFFF, v5;
	s2 =	sadd.s32 s2, s20;
	v9, _, _ =	vpop (xrf0)  }
0x241: {  	s19 =	sadd.s32 s28, s2;
	v8 =	vadd.s32 v8, v9  }
0x242: {  	v8 =	vadd.s32 s19, v8  }
0x243: {  	v8 =	vsel vm3, v8, v1  }
0x244: {  	(v2sf) =	vpush v9, $0xF;
	[tilespmem:s30+$0xFFFFFFE0] =	vst v8  }
0x245: {  	v8 =	vld [tilespmem:s4+$0xFFFFFFF0];
	_ =	sdelay $0x2  }
0x246: {  	s21 =	sadd.s32 $0x12030, s13  }
0x247: {  	v9 =	vor.u32 s21, v2  }
0x248: {  	vm4 =	vle.s32 v9, v7;
	vm3 =	veq.s32 v8, v6  }
0x249: {  	vm5 =	vgt.s32 v8, v6;
	vm3 =	vmand vm4, vm3  }
0x24a: {  	vm3 =	vmor vm5, vm3  }
0x24b: {  	v8 =	vsel vm3, $0x1, v5  }
0x24c: {  	(xrf0) =	vadd.scan.msk.s32 $0xffff, v8;
	_ =	sdelay $0x4  }
0x24d: {  	s20 =	spop (v2sf)  }
0x24e: {  	v8 =	vsel vm3, $0xFFFFFFFF, v5;
	s2 =	sadd.s32 s2, s20;
	v9, _, _ =	vpop (xrf0)  }
0x24f: {  	s19 =	sadd.s32 s28, s2;
	v8 =	vadd.s32 v8, v9  }
0x250: {  	v8 =	vadd.s32 s19, v8  }
0x251: {  	v8 =	vsel vm3, v8, v1  }
0x252: {  	(v2sf) =	vpush v9, $0xF;
	[tilespmem:s30+$0xFFFFFFF0] =	vst v8  }
0x253: {  	v8 =	vld [tilespmem:s4+$0x0];
	_ =	sdelay $0x2  }
0x254: {  	s21 =	sadd.s32 $0x12040, s13  }
0x255: {  	v9 =	vor.u32 s21, v2  }
0x256: {  	vm4 =	vle.s32 v9, v7;
	vm3 =	veq.s32 v8, v6  }
0x257: {  	vm5 =	vgt.s32 v8, v6;
	vm3 =	vmand vm4, vm3  }
0x258: {  	vm3 =	vmor vm5, vm3  }
0x259: {  	v8 =	vsel vm3, $0x1, v5  }
0x25a: {  	(xrf0) =	vadd.scan.msk.s32 $0xffff, v8;
	_ =	sdelay $0x4  }
0x25b: {  	s20 =	spop (v2sf)  }
0x25c: {  	v8 =	vsel vm3, $0xFFFFFFFF, v5;
	s2 =	sadd.s32 s2, s20;
	v9, _, _ =	vpop (xrf0)  }
0x25d: {  	s19 =	sadd.s32 s28, s2;
	v8 =	vadd.s32 v8, v9  }
0x25e: {  	v8 =	vadd.s32 s19, v8  }
0x25f: {  	v8 =	vsel vm3, v8, v1  }
0x260: {  	(v2sf) =	vpush v9, $0xF;
	[tilespmem:s30+$0x0] =	vst v8  }
0x261: {  	v8 =	vld [tilespmem:s4+$0x10];
	_ =	sdelay $0x2  }
0x262: {  	s21 =	sadd.s32 $0x12050, s13  }
0x263: {  	v9 =	vor.u32 s21, v2  }
0x264: {  	vm4 =	vle.s32 v9, v7;
	vm3 =	veq.s32 v8, v6  }
0x265: {  	vm5 =	vgt.s32 v8, v6;
	vm3 =	vmand vm4, vm3  }
0x266: {  	vm3 =	vmor vm5, vm3  }
0x267: {  	v8 =	vsel vm3, $0x1, v5  }
0x268: {  	(xrf0) =	vadd.scan.msk.s32 $0xffff, v8;
	_ =	sdelay $0x4  }
0x269: {  	s20 =	spop (v2sf)  }
0x26a: {  	v8 =	vsel vm3, $0xFFFFFFFF, v5;
	s2 =	sadd.s32 s2, s20;
	v9, _, _ =	vpop (xrf0)  }
0x26b: {  	s19 =	sadd.s32 s28, s2;
	v8 =	vadd.s32 v8, v9  }
0x26c: {  	v8 =	vadd.s32 s19, v8  }
0x26d: {  	v8 =	vsel vm3, v8, v1  }
0x26e: {  	(v2sf) =	vpush v9, $0xF;
	[tilespmem:s30+$0x10] =	vst v8  }
0x26f: {  	v8 =	vld [tilespmem:s4+$0x20];
	_ =	sdelay $0x2  }
0x270: {  	s21 =	sadd.s32 $0x12060, s13  }
0x271: {  	v9 =	vor.u32 s21, v2  }
0x272: {  	vm4 =	vle.s32 v9, v7;
	vm3 =	veq.s32 v8, v6  }
0x273: {  	vm5 =	vgt.s32 v8, v6;
	vm3 =	vmand vm4, vm3  }
0x274: {  	vm3 =	vmor vm5, vm3  }
0x275: {  	v8 =	vsel vm3, $0x1, v5  }
0x276: {  	(xrf0) =	vadd.scan.msk.s32 $0xffff, v8;
	_ =	sdelay $0x4  }
0x277: {  	s20 =	spop (v2sf)  }
0x278: {  	v8 =	vsel vm3, $0xFFFFFFFF, v5;
	s2 =	sadd.s32 s2, s20;
	v9, _, _ =	vpop (xrf0)  }
0x279: {  	s19 =	sadd.s32 s28, s2;
	v8 =	vadd.s32 v8, v9  }
0x27a: {  	v8 =	vadd.s32 s19, v8  }
0x27b: {  	v8 =	vsel vm3, v8, v1  }
0x27c: {  	[tilespmem:s30+$0x20] =	vst v8  }
0x27d: {  	(v2sf) =	vpush v9, $0xF;
	v8 =	vld [tilespmem:s4+$0x30];
	_ =	sdelay $0x2  }
0x27e: {  	s21 =	sadd.s32 $0x12070, s13  }
0x27f: {  	v9 =	vor.u32 s21, v2  }
0x280: {  	vm4 =	vle.s32 v9, v7;
	vm3 =	veq.s32 v8, v6  }
0x281: {  	vm5 =	vgt.s32 v8, v6;
	vm3 =	vmand vm4, vm3  }
0x282: {  	vm3 =	vmor vm5, vm3  }
0x283: {  	v8 =	vsel vm3, $0x1, v5  }
0x284: {  	(xrf0) =	vadd.scan.msk.s32 $0xffff, v8;
	_ =	sdelay $0x5  }
0x285: {  	s13 =	spop (v2sf);
	v8, _, _ =	vpop (xrf0)  }
0x286: {  	v9 =	vsel vm3, $0xFFFFFFFF, v5;
	s2 =	sadd.s32 s2, s13;
	(v2sf) =	vpush v8, $0xF  }
0x287: {  	s4 =	sadd.s32 s28, s2;
	v8 =	vadd.s32 v9, v8  }
0x288: {  	v8 =	vadd.s32 s4, v8  }
0x289: {  	v8 =	vsel vm3, v8, v1  }
0x28a: {  	s31 =	simm.s32 $0xC0;
	[tilespmem:s30+$0x30] =	vst v8  }
0x28b: {  	v8 =	vld [tilespmem:s31+$0xFFFFFFC0];
	_ =	sdelay $0x1  }
0x28c: {  	s4 =	sadd.s32 $0x80, s3  }
0x28d: {  	s19 =	sadd.s32 $0x12000, s4  }
0x28e: {  	v9 =	vor.u32 s19, v2  }
0x28f: {  	vm4 =	vle.s32 v9, v7;
	vm3 =	veq.s32 v8, v6  }
0x290: {  	vm5 =	vgt.s32 v8, v6;
	vm3 =	vmand vm4, vm3  }
0x291: {  	s20 =	sadd.s32 $0x12010, s4;
	s21 =	sadd.s32 $0x12020, s4;
	vm3 =	vmor vm5, vm3  }
0x292: {  	v14 =	vor.u32 s20, v2;
	v13 =	vor.u32 s21, v2;
	s20 =	sadd.s32 $0x12030, s4;
	s21 =	sadd.s32 $0x12040, s4;
	v15 =	vsel vm3, $0x1, v5  }
0x293: {  	v12 =	vor.u32 s20, v2;
	s20 =	sadd.s32 $0x12050, s4;
	v11 =	vor.u32 s21, v2;
	s21 =	sadd.s32 $0x12060, s4;
	s4 =	sadd.s32 $0x12070, s4;
	(xrf0) =	vadd.scan.msk.s32 $0xffff, v15  }
0x294: {  	s19 =	simm.s32 $0x100;
	v10 =	vor.u32 s20, v2;
	v9 =	vor.u32 s21, v2;
	v8 =	vor.u32 s4, v2;
	s13 =	spop (v2sf)  }
.LBB2_7:
0x295: {  	s2 =	sadd.s32 s2, s13  }
0x296: {  	s30 =	sadd.s32 $0x80, s30;
	s13 =	smov.u32 s19;
	s4 =	sadd.s32 $0x80, s19  }
0x297: {  	p3 =	sne.s32 s19, $0x1180;
	s19 =	sadd.s32 s28, s2  }
0x298: {  	v15 =	vsel vm3, $0xFFFFFFFF, v5  }
0x299: {  	v15 =	vadd.s32 s19, v15;
	v16, _, _ =	vpop (xrf0)  }
0x29a: {  	v15 =	vadd.s32 v16, v15;
	(v2sf) =	vpush v16, $0xF  }
0x29b: {  	v15 =	vsel vm3, v15, v1  }
0x29c: {  	[tilespmem:s30+$0xFFFFFFC0] =	vst v15  }
0x29d: {  	v15 =	vld [tilespmem:s31+$0xFFFFFFD0];
	_ =	sdelay $0x4  }
0x29e: {  	vm4 =	vle.s32 v14, v7;
	vm3 =	veq.s32 v15, v6  }
0x29f: {  	vm5 =	vgt.s32 v15, v6;
	vm3 =	vmand vm4, vm3  }
0x2a0: {  	vm3 =	vmor vm5, vm3  }
0x2a1: {  	v14 =	vsel vm3, $0x1, v5  }
0x2a2: {  	(xrf0) =	vadd.scan.msk.s32 $0xffff, v14;
	_ =	sdelay $0x2  }
0x2a3: {  	s19 =	spop (v2sf)  }
0x2a4: {  	s2 =	sadd.s32 s2, s19;
	_ =	sdelay $0x1  }
0x2a5: {  	v14 =	vsel vm3, $0xFFFFFFFF, v5;
	v15, _, _ =	vpop (xrf0)  }
0x2a6: {  	s19 =	sadd.s32 s28, s2;
	v14 =	vadd.s32 v14, v15;
	(v2sf) =	vpush v15, $0xF  }
0x2a7: {  	v14 =	vadd.s32 s19, v14  }
0x2a8: {  	v14 =	vsel vm3, v14, v1  }
0x2a9: {  	[tilespmem:s30+$0xFFFFFFD0] =	vst v14  }
0x2aa: {  	v14 =	vld [tilespmem:s31+$0xFFFFFFE0];
	_ =	sdelay $0x4  }
0x2ab: {  	vm4 =	vle.s32 v13, v7;
	vm3 =	veq.s32 v14, v6  }
0x2ac: {  	vm5 =	vgt.s32 v14, v6;
	vm3 =	vmand vm4, vm3  }
0x2ad: {  	vm3 =	vmor vm5, vm3  }
0x2ae: {  	v13 =	vsel vm3, $0x1, v5  }
0x2af: {  	(xrf0) =	vadd.scan.msk.s32 $0xffff, v13;
	_ =	sdelay $0x1  }
0x2b0: {  	s19 =	spop (v2sf)  }
0x2b1: {  	s2 =	sadd.s32 s2, s19;
	_ =	sdelay $0x2  }
0x2b2: {  	v13 =	vsel vm3, $0xFFFFFFFF, v5;
	v14, _, _ =	vpop (xrf0)  }
0x2b3: {  	s19 =	sadd.s32 s28, s2;
	v13 =	vadd.s32 v13, v14;
	(v2sf) =	vpush v14, $0xF  }
0x2b4: {  	v13 =	vadd.s32 s19, v13  }
0x2b5: {  	v13 =	vsel vm3, v13, v1  }
0x2b6: {  	[tilespmem:s30+$0xFFFFFFE0] =	vst v13  }
0x2b7: {  	v13 =	vld [tilespmem:s31+$0xFFFFFFF0];
	_ =	sdelay $0x4  }
0x2b8: {  	vm4 =	vle.s32 v12, v7;
	vm3 =	veq.s32 v13, v6  }
0x2b9: {  	vm5 =	vgt.s32 v13, v6;
	vm3 =	vmand vm4, vm3  }
0x2ba: {  	vm3 =	vmor vm5, vm3  }
0x2bb: {  	v12 =	vsel vm3, $0x1, v5  }
0x2bc: {  	(xrf0) =	vadd.scan.msk.s32 $0xffff, v12;
	_ =	sdelay $0x1  }
0x2bd: {  	s19 =	spop (v2sf)  }
0x2be: {  	s2 =	sadd.s32 s2, s19;
	_ =	sdelay $0x2  }
0x2bf: {  	v12 =	vsel vm3, $0xFFFFFFFF, v5;
	v13, _, _ =	vpop (xrf0)  }
0x2c0: {  	s19 =	sadd.s32 s28, s2;
	v12 =	vadd.s32 v12, v13;
	(v2sf) =	vpush v13, $0xF  }
0x2c1: {  	v12 =	vadd.s32 s19, v12  }
0x2c2: {  	v12 =	vsel vm3, v12, v1  }
0x2c3: {  	[tilespmem:s30+$0xFFFFFFF0] =	vst v12  }
0x2c4: {  	v12 =	vld [tilespmem:s31+$0x0];
	_ =	sdelay $0x4  }
0x2c5: {  	vm4 =	vle.s32 v11, v7;
	vm3 =	veq.s32 v12, v6  }
0x2c6: {  	vm5 =	vgt.s32 v12, v6;
	vm3 =	vmand vm4, vm3  }
0x2c7: {  	vm3 =	vmor vm5, vm3  }
0x2c8: {  	v11 =	vsel vm3, $0x1, v5  }
0x2c9: {  	(xrf0) =	vadd.scan.msk.s32 $0xffff, v11;
	_ =	sdelay $0x1  }
0x2ca: {  	s19 =	spop (v2sf)  }
0x2cb: {  	s2 =	sadd.s32 s2, s19;
	_ =	sdelay $0x2  }
0x2cc: {  	v11 =	vsel vm3, $0xFFFFFFFF, v5;
	v12, _, _ =	vpop (xrf0)  }
0x2cd: {  	s19 =	sadd.s32 s28, s2;
	v11 =	vadd.s32 v11, v12;
	(v2sf) =	vpush v12, $0xF  }
0x2ce: {  	v11 =	vadd.s32 s19, v11  }
0x2cf: {  	v11 =	vsel vm3, v11, v1  }
0x2d0: {  	[tilespmem:s30+$0x0] =	vst v11  }
0x2d1: {  	v11 =	vld [tilespmem:s31+$0x10];
	_ =	sdelay $0x4  }
0x2d2: {  	vm4 =	vle.s32 v10, v7;
	vm3 =	veq.s32 v11, v6  }
0x2d3: {  	vm5 =	vgt.s32 v11, v6;
	vm3 =	vmand vm4, vm3  }
0x2d4: {  	vm3 =	vmor vm5, vm3  }
0x2d5: {  	v10 =	vsel vm3, $0x1, v5  }
0x2d6: {  	(xrf0) =	vadd.scan.msk.s32 $0xffff, v10;
	_ =	sdelay $0x1  }
0x2d7: {  	s19 =	spop (v2sf)  }
0x2d8: {  	s2 =	sadd.s32 s2, s19;
	_ =	sdelay $0x2  }
0x2d9: {  	v10 =	vsel vm3, $0xFFFFFFFF, v5;
	v11, _, _ =	vpop (xrf0)  }
0x2da: {  	s19 =	sadd.s32 s28, s2;
	v10 =	vadd.s32 v10, v11;
	(v2sf) =	vpush v11, $0xF  }
0x2db: {  	v10 =	vadd.s32 s19, v10  }
0x2dc: {  	v10 =	vsel vm3, v10, v1  }
0x2dd: {  	[tilespmem:s30+$0x10] =	vst v10  }
0x2de: {  	v10 =	vld [tilespmem:s31+$0x20];
	_ =	sdelay $0x4  }
0x2df: {  	vm4 =	vle.s32 v9, v7;
	vm3 =	veq.s32 v10, v6  }
0x2e0: {  	vm5 =	vgt.s32 v10, v6;
	vm3 =	vmand vm4, vm3  }
0x2e1: {  	vm3 =	vmor vm5, vm3  }
0x2e2: {  	v9 =	vsel vm3, $0x1, v5  }
0x2e3: {  	(xrf0) =	vadd.scan.msk.s32 $0xffff, v9;
	_ =	sdelay $0x1  }
0x2e4: {  	s19 =	spop (v2sf)  }
0x2e5: {  	s2 =	sadd.s32 s2, s19;
	_ =	sdelay $0x2  }
0x2e6: {  	v9 =	vsel vm3, $0xFFFFFFFF, v5;
	v10, _, _ =	vpop (xrf0)  }
0x2e7: {  	s19 =	sadd.s32 s28, s2;
	v9 =	vadd.s32 v9, v10;
	(v2sf) =	vpush v10, $0xF  }
0x2e8: {  	v9 =	vadd.s32 s19, v9  }
0x2e9: {  	v9 =	vsel vm3, v9, v1  }
0x2ea: {  	[tilespmem:s30+$0x20] =	vst v9  }
0x2eb: {  	v9 =	vld [tilespmem:s31+$0x30];
	_ =	sdelay $0x4  }
0x2ec: {  	vm4 =	vle.s32 v8, v7;
	vm3 =	veq.s32 v9, v6  }
0x2ed: {  	vm5 =	vgt.s32 v9, v6;
	vm3 =	vmand vm4, vm3  }
0x2ee: {  	vm3 =	vmor vm5, vm3  }
0x2ef: {  	v8 =	vsel vm3, $0x1, v5  }
0x2f0: {  	(xrf0) =	vadd.scan.msk.s32 $0xffff, v8;
	_ =	sdelay $0x1  }
0x2f1: {  	s19 =	spop (v2sf)  }
0x2f2: {  	s2 =	sadd.s32 s2, s19;
	_ =	sdelay $0x2  }
0x2f3: {  	v8 =	vsel vm3, $0xFFFFFFFF, v5;
	v9, _, _ =	vpop (xrf0)  }
0x2f4: {  	s19 =	sadd.s32 s28, s2;
	v8 =	vadd.s32 v8, v9;
	(v2sf) =	vpush v9, $0xF  }
0x2f5: {  	v8 =	vadd.s32 s19, v8  }
0x2f6: {  	v8 =	vsel vm3, v8, v1  }
0x2f7: {  	s31 =	sadd.s32 $0x80, s31;
	[tilespmem:s30+$0x30] =	vst v8  }
0x2f8: {  	v8 =	vld [tilespmem:s31+$0xFFFFFFC0];
	_ =	sdelay $0x1  }
0x2f9: {  	s13 =	sadd.s32 s13, s3  }
0x2fa: {  	s20 =	sadd.s32 $0x12010, s13;
	s21 =	sadd.s32 $0x12020, s13;
	s19 =	sadd.s32 $0x12000, s13  }
0x2fb: {  	v14 =	vor.u32 s20, v2;
	s20 =	sadd.s32 $0x12040, s13;
	v13 =	vor.u32 s21, v2;
	s21 =	sadd.s32 $0x12050, s13;
	v9 =	vor.u32 s19, v2;
	s19 =	sadd.s32 $0x12030, s13  }
0x2fc: {  	vm4 =	vle.s32 v9, v7;
	v12 =	vor.u32 s19, v2;
	s19 =	sadd.s32 $0x12060, s13;
	s13 =	sadd.s32 $0x12070, s13;
	vm3 =	veq.s32 v8, v6  }
0x2fd: {  	v11 =	vor.u32 s20, v2;
	vm5 =	vgt.s32 v8, v6;
	vm3 =	vmand vm4, vm3  }
.Ltmp5:
0x2fe: {  	v10 =	vor.u32 s21, v2;
	v9 =	vor.u32 s19, v2;
	vm3 =	vmor vm5, vm3;
	(pc) =	sbr.rel @p3 .LBB2_7-.Ltmp5, $3  }
0x2ff: {  	v8 =	vor.u32 s13, v2;
	v15 =	vsel vm3, $0x1, v5  }
0x300: {  	(xrf0) =	vadd.scan.msk.s32 $0xffff, v15;
	_ =	sdelay $0x1  }
0x301: {  	s19 =	smov.u32 s4;
	s13 =	spop (v2sf)  }
0x302: {  	_ = 	snop  }
0x303: {  	s2 =	sadd.s32 s2, s13  }
0x304: {  	v15 =	vsel vm3, $0xFFFFFFFF, v5;
	s4 =	sadd.s32 s28, s2  }
0x305: {  	v15 =	vadd.s32 s4, v15;
	v16, _, _ =	vpop (xrf0)  }
0x306: {  	v15 =	vadd.s32 v16, v15  }
0x307: {  	s4 =	sadd.s32 $0x80, s30;
	v15 =	vsel vm3, v15, v1  }
0x308: {  	(v2sf) =	vpush v16, $0xF;
	[tilespmem:s4+$0xFFFFFFC0] =	vst v15  }
0x309: {  	v15 =	vld [tilespmem:s31+$0xFFFFFFD0];
	_ =	sdelay $0x4  }
0x30a: {  	vm4 =	vle.s32 v14, v7;
	vm3 =	veq.s32 v15, v6  }
0x30b: {  	vm5 =	vgt.s32 v15, v6;
	vm3 =	vmand vm4, vm3  }
0x30c: {  	vm3 =	vmor vm5, vm3  }
0x30d: {  	v46 =	vsel vm3, $0x1, v5  }
0x30e: {  	(xrf0) =	vadd.scan.msk.s32 $0xffff, v46;
	_ =	sdelay $0x4  }
0x30f: {  	s21 =	spop (v2sf)  }
0x310: {  	v47 =	vsel vm3, $0xFFFFFFFF, v5;
	s2 =	sadd.s32 s2, s21;
	v48, _, _ =	vpop (xrf0)  }
0x311: {  	s13 =	sadd.s32 s28, s2;
	v14 =	vadd.s32 v47, v48  }
0x312: {  	v14 =	vadd.s32 s13, v14  }
0x313: {  	v14 =	vsel vm3, v14, v1  }
0x314: {  	(v2sf) =	vpush v48, $0xF;
	[tilespmem:s4+$0xFFFFFFD0] =	vst v14  }
0x315: {  	v14 =	vld [tilespmem:s31+$0xFFFFFFE0];
	_ =	sdelay $0x4  }
0x316: {  	vm12 =	vle.s32 v13, v7;
	vm3 =	veq.s32 v14, v6  }
0x317: {  	vm13 =	vgt.s32 v14, v6;
	vm3 =	vmand vm12, vm3  }
0x318: {  	vm3 =	vmor vm13, vm3  }
0x319: {  	v49 =	vsel vm3, $0x1, v5  }
0x31a: {  	(xrf0) =	vadd.scan.msk.s32 $0xffff, v49;
	_ =	sdelay $0x4  }
0x31b: {  	s30 =	spop (v2sf)  }
0x31c: {  	v50 =	vsel vm3, $0xFFFFFFFF, v5;
	s2 =	sadd.s32 s2, s30;
	v51, _, _ =	vpop (xrf0)  }
0x31d: {  	s13 =	sadd.s32 s28, s2;
	v13 =	vadd.s32 v50, v51  }
0x31e: {  	v13 =	vadd.s32 s13, v13  }
0x31f: {  	v13 =	vsel vm3, v13, v1  }
0x320: {  	(v2sf) =	vpush v51, $0xF;
	[tilespmem:s4+$0xFFFFFFE0] =	vst v13  }
0x321: {  	v13 =	vld [tilespmem:s31+$0xFFFFFFF0];
	_ =	sdelay $0x4  }
0x322: {  	vm14 =	vle.s32 v12, v7;
	vm3 =	veq.s32 v13, v6  }
0x323: {  	vm15 =	vgt.s32 v13, v6;
	vm3 =	vmand vm14, vm3  }
0x324: {  	vm3 =	vmor vm15, vm3  }
0x325: {  	v52 =	vsel vm3, $0x1, v5  }
0x326: {  	(xrf0) =	vadd.scan.msk.s32 $0xffff, v52;
	_ =	sdelay $0x4  }
0x327: {  	s19 =	spop (v2sf)  }
0x328: {  	v53 =	vsel vm3, $0xFFFFFFFF, v5;
	s2 =	sadd.s32 s2, s19;
	v54, _, _ =	vpop (xrf0)  }
0x329: {  	s13 =	sadd.s32 s28, s2;
	v12 =	vadd.s32 v53, v54  }
0x32a: {  	v12 =	vadd.s32 s13, v12  }
0x32b: {  	v12 =	vsel vm3, v12, v1  }
0x32c: {  	(v2sf) =	vpush v54, $0xF;
	[tilespmem:s4+$0xFFFFFFF0] =	vst v12  }
0x32d: {  	v12 =	vld [tilespmem:s31+$0x0];
	_ =	sdelay $0x4  }
0x32e: {  	vm8 =	vle.s32 v11, v7;
	vm3 =	veq.s32 v12, v6  }
0x32f: {  	vm9 =	vgt.s32 v12, v6;
	vm3 =	vmand vm8, vm3  }
0x330: {  	vm3 =	vmor vm9, vm3  }
0x331: {  	v55 =	vsel vm3, $0x1, v5  }
0x332: {  	(xrf0) =	vadd.scan.msk.s32 $0xffff, v55;
	_ =	sdelay $0x4  }
0x333: {  	s20 =	spop (v2sf)  }
0x334: {  	v56 =	vsel vm3, $0xFFFFFFFF, v5;
	s2 =	sadd.s32 s2, s20;
	v57, _, _ =	vpop (xrf0)  }
0x335: {  	s13 =	sadd.s32 s28, s2;
	v11 =	vadd.s32 v56, v57  }
0x336: {  	v11 =	vadd.s32 s13, v11  }
0x337: {  	v11 =	vsel vm3, v11, v1  }
0x338: {  	(v2sf) =	vpush v57, $0xF;
	[tilespmem:s4+$0x0] =	vst v11  }
0x339: {  	v11 =	vld [tilespmem:s31+$0x10];
	_ =	sdelay $0x4  }
0x33a: {  	vm10 =	vle.s32 v10, v7;
	vm3 =	veq.s32 v11, v6  }
0x33b: {  	vm11 =	vgt.s32 v11, v6;
	vm3 =	vmand vm10, vm3  }
0x33c: {  	vm3 =	vmor vm11, vm3  }
0x33d: {  	v58 =	vsel vm3, $0x1, v5  }
0x33e: {  	(xrf0) =	vadd.scan.msk.s32 $0xffff, v58;
	_ =	sdelay $0x4  }
0x33f: {  	s21 =	spop (v2sf)  }
0x340: {  	v59 =	vsel vm3, $0xFFFFFFFF, v5;
	s2 =	sadd.s32 s2, s21;
	v60, _, _ =	vpop (xrf0)  }
0x341: {  	s13 =	sadd.s32 s28, s2;
	v10 =	vadd.s32 v59, v60  }
0x342: {  	v10 =	vadd.s32 s13, v10  }
0x343: {  	v10 =	vsel vm3, v10, v1  }
0x344: {  	(v2sf) =	vpush v60, $0xF;
	[tilespmem:s4+$0x10] =	vst v10  }
0x345: {  	v10 =	vld [tilespmem:s31+$0x20];
	_ =	sdelay $0x4  }
0x346: {  	vm12 =	vle.s32 v9, v7;
	vm3 =	veq.s32 v10, v6  }
0x347: {  	vm13 =	vgt.s32 v10, v6;
	vm3 =	vmand vm12, vm3  }
0x348: {  	vm3 =	vmor vm13, vm3  }
0x349: {  	v61 =	vsel vm3, $0x1, v5  }
0x34a: {  	(xrf0) =	vadd.scan.msk.s32 $0xffff, v61;
	_ =	sdelay $0x4  }
0x34b: {  	s30 =	spop (v2sf)  }
0x34c: {  	v62 =	vsel vm3, $0xFFFFFFFF, v5;
	s2 =	sadd.s32 s2, s30;
	v63, _, _ =	vpop (xrf0)  }
0x34d: {  	s13 =	sadd.s32 s28, s2;
	v9 =	vadd.s32 v62, v63  }
0x34e: {  	v9 =	vadd.s32 s13, v9  }
0x34f: {  	v9 =	vsel vm3, v9, v1  }
0x350: {  	[tilespmem:s4+$0x20] =	vst v9  }
0x351: {  	v9 =	vld [tilespmem:s31+$0x30];
	_ =	sdelay $0x4  }
0x352: {  	vm14 =	vle.s32 v8, v7;
	vm3 =	veq.s32 v9, v6  }
0x353: {  	vm15 =	vgt.s32 v9, v6;
	vm3 =	vmand vm14, vm3  }
0x354: {  	vm3 =	vmor vm15, vm3  }
0x355: {  	v6 =	vsel vm3, $0x1, v5  }
0x356: {  	(xrf0) =	vadd.scan.msk.s32 $0xffff, v6;
	_ =	sdelay $0x1  }
0x357: {  	(v2sf) =	vpush v63, $0xF;
	_ =	sdelay $0x3  }
0x358: {  	v6, _, _ =	vpop (xrf0)  }
0x359: {  	(v2sf) =	vpush v6, $0xF;
	_ =	sdelay $0x9  }
0x35a: {  	s31 =	spop (v2sf)  }
0x35b: {  	v7 =	vsel vm3, $0xFFFFFFFF, v5;
	s2 =	sadd.s32 s2, s31  }
0x35c: {  	s2 =	sadd.s32 s28, s2;
	v6 =	vadd.s32 v7, v6  }
0x35d: {  	v6 =	vadd.s32 s2, v6  }
0x35e: {  	v6 =	vsel vm3, v6, v1  }
0x35f: {  	[tilespmem:s4+$0x30] =	vst v6;
	s19 =	spop (v2sf)  }
0x360: {  	_ =	swait.ge [sflag:s24], $0x1200  }
0x361: {  	[sflag:s24] =	ssyncset.done $0x0  }
0x362: {  	[sflag:s24] =	ssyncadd.s32 $0xFFFFEE00  }
0x363: {  	_ =	swait.ge [sflag:s24], $0x1200  }
0x364: {  	[sflag:s24] =	ssyncset.done $0x0  }
0x365: {  	[sflag:s24] =	ssyncadd.s32 $0xFFFFEE00  }
0x366: {  	_ =	swait.ge [sflag:s24], $0x1200  }
0x367: {  	[sflag:s24] =	ssyncset.done $0x0  }
0x368: {  	[sflag:s24] =	ssyncadd.s32 $0xFFFFEE00  }
0x369: {  	_ =	swait.ge [sflag:s24], $0x1200  }
0x36a: {  	[sflag:s24] =	ssyncset.done $0x0  }
0x36b: {  	[sflag:s24] =	ssyncadd.s32 $0xFFFFEE00  }
0x36c: {  	_ =	swait.ge [sflag:s24], $0x1200  }
0x36d: {  	[sflag:s24] =	ssyncset.done $0x0  }
0x36e: {  	s2 =	simm.s32 $0x2680;
	s4 =	simm.s32 $0x1200;
	[sflag:s24] =	ssyncadd.s32 $0xFFFFEE00  }
0x36f: {  	[spmem:s16] =	stream.indirect.scatter [tilespmem:s2], [sflag:$0x1], $0x1, s4, s15, $0xb8;
	[tilespmem:$0x92E0] =	vst v63  }
0x370: {  	s20 =	simm.s32 $0x3880  }
0x371: {  	[spmem:s17] =	stream.indirect.scatter [tilespmem:s20], [sflag:$0x1], $0x1, s4, s15, $0xb8;
	[tilespmem:$0x92E0] =	vst v63  }
0x372: {  	s21 =	simm.s32 $0x4A80  }
0x373: {  	[spmem:s25] =	stream.indirect.scatter [tilespmem:s21], [sflag:$0x1], $0x1, s4, s15, $0xb8;
	[tilespmem:$0x92E0] =	vst v63  }
0x374: {  	s30 =	simm.s32 $0x5C80;
	s13 =	simm.s32 $0x400  }
0x375: {  	[spmem:s29] =	stream.indirect.scatter [tilespmem:s30], [sflag:$0x1], $0x1, s4, s15, $0xb8;
	[tilespmem:$0x92E0] =	vst v63  }
0x376: {  	s31 =	simm.s32 $0x6E80;
	s28 =	simm.s32 $0x0;
	s2 =	simm.s32 $0x80  }
0x377: {  	[spmem:s0] =	stream.indirect.scatter [tilespmem:s31], [sflag:$0x1], $0x1, s4, s15, $0xb8;
	[tilespmem:$0x92E0] =	vst v63  }
.LBB2_9:
0x378: {  	[spmem:s5] =	stream.indirect.scatter [tilespmem:s28], [sflag:$0x1], $0x1, s4, s15, $0xb8;
	[tilespmem:$0x92E0] =	vst v63  }
0x379: {  	s19 =	sshra.s32 s13, $0x2;
	s20 =	sadd.s32 $0x2680, s2;
	s4 =	sadd.s32 $0x1200, s2  }
0x37a: {  	[spmem:s16] =	stream.indirect.scatter [tilespmem:s20], [sflag:$0x1], $0x1, s4, s15, $0xb8;
	[tilespmem:$0x92E0] =	vst v63  }
0x37b: {  	p3 =	sne.s32 s13, $0x4600;
	s13 =	sadd.s32 $0x200, s13;
	s20 =	sadd.s32 $0x3880, s2  }
0x37c: {  	[spmem:s17] =	stream.indirect.scatter [tilespmem:s20], [sflag:$0x1], $0x1, s4, s15, $0xb8;
	[tilespmem:$0x92E0] =	vst v63  }
0x37d: {  	s28 =	smov.u32 s2;
	s20 =	sadd.s32 $0x4A80, s2;
	s2 =	smov.u32 s19  }
0x37e: {  	[spmem:s25] =	stream.indirect.scatter [tilespmem:s20], [sflag:$0x1], $0x1, s4, s15, $0xb8;
	[tilespmem:$0x92E0] =	vst v63  }
.Ltmp6:
0x37f: {  	_ = 	snop;
	(pc) =	sbr.rel @p3 .LBB2_9-.Ltmp6, $4  }
0x380: {  	s19 =	sadd.s32 $0x5C80, s28  }
0x381: {  	[spmem:s29] =	stream.indirect.scatter [tilespmem:s19], [sflag:$0x1], $0x1, s4, s15, $0xb8;
	[tilespmem:$0x92E0] =	vst v63  }
0x382: {  	s19 =	sadd.s32 $0x6E80, s28  }
0x383: {  	[spmem:s0] =	stream.indirect.scatter [tilespmem:s19], [sflag:$0x1], $0x1, s4, s15, $0xb8;
	[tilespmem:$0x92E0] =	vst v63  }
0x384: {  	[spmem:s5] =	stream.indirect.scatter [tilespmem:s28], [sflag:$0x1], $0x1, s4, s15, $0xb8;
	[tilespmem:$0x92E0] =	vst v63  }
0x385: {  	s20 =	sadd.s32 $0x2680, s2;
	s13 =	sadd.s32 $0x1200, s2  }
0x386: {  	[spmem:s16] =	stream.indirect.scatter [tilespmem:s20], [sflag:$0x1], $0x1, s13, s15, $0xb8;
	[tilespmem:$0x92E0] =	vst v63  }
0x387: {  	s21 =	sadd.s32 $0x3880, s2  }
0x388: {  	[spmem:s17] =	stream.indirect.scatter [tilespmem:s21], [sflag:$0x1], $0x1, s13, s15, $0xb8;
	[tilespmem:$0x92E0] =	vst v63  }
0x389: {  	s19 =	sadd.s32 $0x4A80, s2  }
0x38a: {  	[spmem:s25] =	stream.indirect.scatter [tilespmem:s19], [sflag:$0x1], $0x1, s13, s15, $0xb8;
	[tilespmem:$0x92E0] =	vst v63  }
0x38b: {  	s20 =	sadd.s32 $0x5C80, s2  }
0x38c: {  	[spmem:s29] =	stream.indirect.scatter [tilespmem:s20], [sflag:$0x1], $0x1, s13, s15, $0xb8;
	[tilespmem:$0x92E0] =	vst v63  }
0x38d: {  	s21 =	sadd.s32 $0x6E80, s2  }
0x38e: {  	[spmem:s0] =	stream.indirect.scatter [tilespmem:s21], [sflag:$0x1], $0x1, s13, s15, $0xb8;
	[tilespmem:$0x92E0] =	vst v63  }
0x38f: {  	_ = 	snop  }
0x390: {  	[spmem:s5] =	stream.indirect.scatter [tilespmem:s2], [sflag:$0x1], $0x1, s13, s15, $0xb8;
	[tilespmem:$0x92E0] =	vst v63  }
0x391: {  	_ =	swait.ge [sflag:s26], $0x1200  }
0x392: {  	[sflag:s26] =	ssyncset.done $0x0  }
0x393: {  	[sflag:s26] =	ssyncadd.s32 $0xFFFFEE00  }
0x394: {  	_ =	swait.ge [sflag:s26], $0x1200  }
0x395: {  	[sflag:s26] =	ssyncset.done $0x0  }
0x396: {  	[sflag:s26] =	ssyncadd.s32 $0xFFFFEE00  }
0x397: {  	_ =	swait.ge [sflag:s26], $0x1200  }
0x398: {  	[sflag:s26] =	ssyncset.done $0x0  }
0x399: {  	[sflag:s26] =	ssyncadd.s32 $0xFFFFEE00  }
0x39a: {  	_ =	swait.ge [sflag:s26], $0x1200  }
0x39b: {  	[sflag:s26] =	ssyncset.done $0x0  }
0x39c: {  	[sflag:s26] =	ssyncadd.s32 $0xFFFFEE00  }
0x39d: {  	_ =	swait.ge [sflag:s26], $0x1200  }
0x39e: {  	[sflag:s26] =	ssyncset.done $0x0  }
0x39f: {  	[sflag:s26] =	ssyncadd.s32 $0xFFFFEE00  }
0x3a0: {  	_ =	swait.ge [sflag:s26], $0x1200  }
0x3a1: {  	s19 =	sld [smem:$0x7FD]  }
0x3a2: {  	[sflag:s26] =	ssyncset.done $0x0  }
0x3a3: {  	s20 =	simm.s32 $0x2600;
	s2 =	simm.s32 $0x0;
	[sflag:s26] =	ssyncadd.s32 $0xFFFFEE00  }
0x3a4: {  	[tilespmem:s20], [sflag:$0x3] =	stream.linear.gather [hbm4b:s19+s2], $0x80, $0x38;
	[tilespmem:$0x92E0] =	vst v63  }
0x3a5: {  	_ =	swait.ge [sflag:s14], $0x80  }
0x3a6: {  	[sflag:s14] =	ssyncset.done $0x0  }
0x3a7: {  	[sflag:s14] =	ssyncadd.s32 $0xFFFFFF80  }
0x3a8: {  	v6 =	vld [tilespmem:$0x2600]  }
0x3a9: {  	v8 =	vld [tilespmem:$0x2610];
	_ =	sdelay $0x3  }
0x3aa: {  	v7 =	vnsel vm1, $0x0, v6  }
0x3ab: {  	(xrf0) =	vadd.scan.msk.s32 $0xffff, v7;
	v7 =	vsel vm2, $0x0, v6;
	v6 =	vpsel p2, v6, v8  }
0x3ac: {  	(xrf0) =	vadd.scan.msk.s32 $0xffff, v7;
	v6 =	vnsel vm0, $0x0, v6  }
0x3ad: {  	(xrf0) =	vadd.scan.msk.s32 $0xffff, v6;
	_ =	sdelay $0x3  }
0x3ae: {  	v6, _, _ =	vpop (xrf0)  }
0x3af: {  	v7, _, _ =	vpop (xrf0)  }
0x3b0: {  	v9, _, _ =	vpop (xrf0)  }
0x3b1: {  	(v2sf) =	vpush v9, $0xF;
	_ =	sdelay $0x2  }
0x3b2: {  	s21 =	rddreg [dreg:$0x15]  }
0x3b3: {  	v9 =	vld [tilespmem:$0x2620];
	[tilespmem:s22], [sflag:$0x2] =	stream.strided.gather [hbm4b:s21+s15], $0x1200, s18, s15, $0x38  }
0x3b4: {  	s22 =	rddreg [dreg:$0x16]  }
0x3b5: {  	[tilespmem:s23], [sflag:$0x2] =	stream.strided.gather [hbm4b:s22+s15], $0x1200, s18, s15, $0x38;
	[tilespmem:$0x92E0] =	vst v63  }
0x3b6: {  	s19 =	simm.s32 $0x4A80;
	s13 =	rddreg [dreg:$0x17]  }
0x3b7: {  	[tilespmem:s19], [sflag:$0x2] =	stream.strided.gather [hbm4b:s13+s15], $0x1200, s18, s15, $0x38;
	[tilespmem:$0x92E0] =	vst v63  }
0x3b8: {  	s20 =	rddreg [dreg:$0x18];
	s21 =	simm.s32 $0x5C80  }
0x3b9: {  	[tilespmem:s21], [sflag:$0x2] =	stream.strided.gather [hbm4b:s20+s15], $0x1200, s18, s15, $0x38;
	[tilespmem:$0x92E0] =	vst v63  }
0x3ba: {  	s22 =	rddreg [dreg:$0x19];
	s23 =	simm.s32 $0x6E80  }
0x3bb: {  	[tilespmem:s23], [sflag:$0x2] =	stream.strided.gather [hbm4b:s22+s15], $0x1200, s18, s15, $0x38;
	[tilespmem:$0x92E0] =	vst v63  }
0x3bc: {  	s13 =	rddreg [dreg:$0x1a]  }
0x3bd: {  	[tilespmem:s2], [sflag:$0x3] =	stream.strided.gather [hbm4b:s13+s15], $0x1200, s18, s15, $0x38;
	[tilespmem:$0x92E0] =	vst v63  }
0x3be: {  	s19 =	spop (v2sf)  }
0x3bf: {  	_ =	swait.ge [sflag:s14], $0x1200  }
0x3c0: {  	[sflag:s14] =	ssyncset.done $0x0  }
0x3c1: {  	s4 =	simm.s32 $0x40;
	[sflag:s14] =	ssyncadd.s32 $0xFFFFEE00  }
0x3c2: {  	v10 =	vld [tilespmem:s4+$0xFFFFFFC0];
	_ =	sdelay $0x2  }
0x3c3: {  	v6 =	vbroadcast v6, $0xF;
	v7 =	vbroadcast v7, $0xF;
	s13 =	sadd.s32 $0x0, s3  }
0x3c4: {  	v11 =	vor.u32 s13, v2  }
0x3c5: {  	vm4 =	vle.s32 v11, v7;
	vm3 =	veq.s32 v10, v6  }
0x3c6: {  	vm5 =	vgt.s32 v10, v6;
	vm3 =	vmand vm4, vm3  }
0x3c7: {  	vm3 =	vmor vm5, vm3  }
0x3c8: {  	v10 =	vsel vm3, $0x1, v5  }
0x3c9: {  	(xrf0) =	vadd.scan.msk.s32 $0xffff, v10;
	_ =	sdelay $0x3  }
0x3ca: {  	s28 =	sadd.s32 $0x1880, s19  }
0x3cb: {  	s19 =	sadd.s32 $0x0, s28;
	v10 =	vsel vm3, $0xFFFFFFFF, v5  }
0x3cc: {  	v10 =	vadd.s32 s19, v10;
	v11, _, _ =	vpop (xrf0)  }
0x3cd: {  	v10 =	vadd.s32 v11, v10  }
0x3ce: {  	s30 =	simm.s32 $0x1240;
	v10 =	vsel vm3, v10, v3  }
0x3cf: {  	(v2sf) =	vpush v11, $0xF;
	[tilespmem:s30+$0xFFFFFFC0] =	vst v10  }
0x3d0: {  	v10 =	vld [tilespmem:s4+$0xFFFFFFD0];
	_ =	sdelay $0x2  }
0x3d1: {  	s20 =	sadd.s32 $0x10, s13  }
0x3d2: {  	v11 =	vor.u32 s20, v2  }
0x3d3: {  	vm4 =	vle.s32 v11, v7;
	vm3 =	veq.s32 v10, v6  }
0x3d4: {  	vm5 =	vgt.s32 v10, v6;
	vm3 =	vmand vm4, vm3  }
0x3d5: {  	vm3 =	vmor vm5, vm3  }
0x3d6: {  	v10 =	vsel vm3, $0x1, v5  }
0x3d7: {  	(xrf0) =	vadd.scan.msk.s32 $0xffff, v10;
	_ =	sdelay $0x4  }
0x3d8: {  	s21 =	spop (v2sf)  }
0x3d9: {  	v10 =	vsel vm3, $0xFFFFFFFF, v5;
	s2 =	sadd.s32 $0x0, s21;
	v11, _, _ =	vpop (xrf0)  }
0x3da: {  	s19 =	sadd.s32 s28, s2;
	v10 =	vadd.s32 v10, v11  }
0x3db: {  	v10 =	vadd.s32 s19, v10  }
0x3dc: {  	v10 =	vsel vm3, v10, v3  }
0x3dd: {  	(v2sf) =	vpush v11, $0xF;
	[tilespmem:s30+$0xFFFFFFD0] =	vst v10  }
0x3de: {  	v10 =	vld [tilespmem:s4+$0xFFFFFFE0];
	_ =	sdelay $0x2  }
0x3df: {  	s22 =	sadd.s32 $0x20, s13  }
0x3e0: {  	v11 =	vor.u32 s22, v2  }
0x3e1: {  	vm4 =	vle.s32 v11, v7;
	vm3 =	veq.s32 v10, v6  }
0x3e2: {  	vm5 =	vgt.s32 v10, v6;
	vm3 =	vmand vm4, vm3  }
0x3e3: {  	vm3 =	vmor vm5, vm3  }
0x3e4: {  	v10 =	vsel vm3, $0x1, v5  }
0x3e5: {  	(xrf0) =	vadd.scan.msk.s32 $0xffff, v10;
	_ =	sdelay $0x4  }
0x3e6: {  	s23 =	spop (v2sf)  }
0x3e7: {  	v10 =	vsel vm3, $0xFFFFFFFF, v5;
	s2 =	sadd.s32 s2, s23;
	v11, _, _ =	vpop (xrf0)  }
0x3e8: {  	s19 =	sadd.s32 s28, s2;
	v10 =	vadd.s32 v10, v11  }
0x3e9: {  	v10 =	vadd.s32 s19, v10  }
0x3ea: {  	v10 =	vsel vm3, v10, v3  }
0x3eb: {  	(v2sf) =	vpush v11, $0xF;
	[tilespmem:s30+$0xFFFFFFE0] =	vst v10  }
0x3ec: {  	v10 =	vld [tilespmem:s4+$0xFFFFFFF0];
	_ =	sdelay $0x2  }
0x3ed: {  	s20 =	sadd.s32 $0x30, s13  }
0x3ee: {  	v11 =	vor.u32 s20, v2  }
0x3ef: {  	vm4 =	vle.s32 v11, v7;
	vm3 =	veq.s32 v10, v6  }
0x3f0: {  	vm5 =	vgt.s32 v10, v6;
	vm3 =	vmand vm4, vm3  }
0x3f1: {  	vm3 =	vmor vm5, vm3  }
0x3f2: {  	v10 =	vsel vm3, $0x1, v5  }
0x3f3: {  	(xrf0) =	vadd.scan.msk.s32 $0xffff, v10;
	_ =	sdelay $0x4  }
0x3f4: {  	s21 =	spop (v2sf)  }
0x3f5: {  	v10 =	vsel vm3, $0xFFFFFFFF, v5;
	s2 =	sadd.s32 s2, s21;
	v11, _, _ =	vpop (xrf0)  }
0x3f6: {  	s19 =	sadd.s32 s28, s2;
	v10 =	vadd.s32 v10, v11  }
0x3f7: {  	v10 =	vadd.s32 s19, v10  }
0x3f8: {  	v10 =	vsel vm3, v10, v3  }
0x3f9: {  	(v2sf) =	vpush v11, $0xF;
	[tilespmem:s30+$0xFFFFFFF0] =	vst v10  }
0x3fa: {  	v10 =	vld [tilespmem:s4+$0x0];
	_ =	sdelay $0x2  }
0x3fb: {  	s22 =	sadd.s32 $0x40, s13  }
0x3fc: {  	v11 =	vor.u32 s22, v2  }
0x3fd: {  	vm4 =	vle.s32 v11, v7;
	vm3 =	veq.s32 v10, v6  }
0x3fe: {  	vm5 =	vgt.s32 v10, v6;
	vm3 =	vmand vm4, vm3  }
0x3ff: {  	vm3 =	vmor vm5, vm3  }
0x400: {  	v10 =	vsel vm3, $0x1, v5  }
0x401: {  	(xrf0) =	vadd.scan.msk.s32 $0xffff, v10;
	_ =	sdelay $0x4  }
0x402: {  	s23 =	spop (v2sf)  }
0x403: {  	v10 =	vsel vm3, $0xFFFFFFFF, v5;
	s2 =	sadd.s32 s2, s23;
	v11, _, _ =	vpop (xrf0)  }
0x404: {  	s19 =	sadd.s32 s28, s2;
	v10 =	vadd.s32 v10, v11  }
0x405: {  	v10 =	vadd.s32 s19, v10  }
0x406: {  	v10 =	vsel vm3, v10, v3  }
0x407: {  	(v2sf) =	vpush v11, $0xF;
	[tilespmem:s30+$0x0] =	vst v10  }
0x408: {  	v10 =	vld [tilespmem:s4+$0x10];
	_ =	sdelay $0x2  }
0x409: {  	s20 =	sadd.s32 $0x50, s13  }
0x40a: {  	v11 =	vor.u32 s20, v2  }
0x40b: {  	vm4 =	vle.s32 v11, v7;
	vm3 =	veq.s32 v10, v6  }
0x40c: {  	vm5 =	vgt.s32 v10, v6;
	vm3 =	vmand vm4, vm3  }
0x40d: {  	vm3 =	vmor vm5, vm3  }
0x40e: {  	v10 =	vsel vm3, $0x1, v5  }
0x40f: {  	(xrf0) =	vadd.scan.msk.s32 $0xffff, v10;
	_ =	sdelay $0x4  }
0x410: {  	s21 =	spop (v2sf)  }
0x411: {  	v10 =	vsel vm3, $0xFFFFFFFF, v5;
	s2 =	sadd.s32 s2, s21;
	v11, _, _ =	vpop (xrf0)  }
0x412: {  	s19 =	sadd.s32 s28, s2;
	v10 =	vadd.s32 v10, v11  }
0x413: {  	v10 =	vadd.s32 s19, v10  }
0x414: {  	v10 =	vsel vm3, v10, v3  }
0x415: {  	(v2sf) =	vpush v11, $0xF;
	[tilespmem:s30+$0x10] =	vst v10  }
0x416: {  	v10 =	vld [tilespmem:s4+$0x20];
	_ =	sdelay $0x2  }
0x417: {  	s22 =	sadd.s32 $0x60, s13  }
0x418: {  	v11 =	vor.u32 s22, v2  }
0x419: {  	vm4 =	vle.s32 v11, v7;
	vm3 =	veq.s32 v10, v6  }
0x41a: {  	vm5 =	vgt.s32 v10, v6;
	vm3 =	vmand vm4, vm3  }
0x41b: {  	vm3 =	vmor vm5, vm3  }
0x41c: {  	v10 =	vsel vm3, $0x1, v5  }
0x41d: {  	(xrf0) =	vadd.scan.msk.s32 $0xffff, v10;
	_ =	sdelay $0x4  }
0x41e: {  	s23 =	spop (v2sf)  }
0x41f: {  	v10 =	vsel vm3, $0xFFFFFFFF, v5;
	s2 =	sadd.s32 s2, s23;
	v11, _, _ =	vpop (xrf0)  }
0x420: {  	s19 =	sadd.s32 s28, s2;
	v10 =	vadd.s32 v10, v11  }
0x421: {  	v10 =	vadd.s32 s19, v10  }
0x422: {  	v10 =	vsel vm3, v10, v3  }
0x423: {  	[tilespmem:s30+$0x20] =	vst v10  }
0x424: {  	(v2sf) =	vpush v11, $0xF;
	v10 =	vld [tilespmem:s4+$0x30];
	_ =	sdelay $0x2  }
0x425: {  	s20 =	sadd.s32 $0x70, s13  }
0x426: {  	v11 =	vor.u32 s20, v2  }
0x427: {  	vm4 =	vle.s32 v11, v7;
	vm3 =	veq.s32 v10, v6  }
0x428: {  	vm5 =	vgt.s32 v10, v6;
	vm3 =	vmand vm4, vm3  }
0x429: {  	vm3 =	vmor vm5, vm3  }
0x42a: {  	v10 =	vsel vm3, $0x1, v5  }
0x42b: {  	(xrf0) =	vadd.scan.msk.s32 $0xffff, v10;
	_ =	sdelay $0x5  }
0x42c: {  	s21 =	spop (v2sf);
	v10, _, _ =	vpop (xrf0)  }
0x42d: {  	v11 =	vsel vm3, $0xFFFFFFFF, v5;
	s2 =	sadd.s32 s2, s21;
	(v2sf) =	vpush v10, $0xF  }
0x42e: {  	s4 =	sadd.s32 s28, s2;
	v10 =	vadd.s32 v11, v10  }
0x42f: {  	v10 =	vadd.s32 s4, v10  }
0x430: {  	v10 =	vsel vm3, v10, v3  }
0x431: {  	s31 =	simm.s32 $0xC0;
	[tilespmem:s30+$0x30] =	vst v10  }
0x432: {  	v10 =	vld [tilespmem:s31+$0xFFFFFFC0];
	_ =	sdelay $0x2  }
0x433: {  	s4 =	sadd.s32 $0x80, s3  }
0x434: {  	v11 =	vor.u32 s4, v2  }
0x435: {  	vm4 =	vle.s32 v11, v7;
	vm3 =	veq.s32 v10, v6  }
0x436: {  	vm5 =	vgt.s32 v10, v6;
	vm3 =	vmand vm4, vm3  }
0x437: {  	s22 =	sadd.s32 $0x10, s4;
	vm3 =	vmor vm5, vm3  }
0x438: {  	s23 =	sadd.s32 $0x20, s4;
	s20 =	sadd.s32 $0x30, s4;
	s21 =	sadd.s32 $0x40, s4;
	v16 =	vor.u32 s22, v2;
	v17 =	vsel vm3, $0x1, v5  }
0x439: {  	v15 =	vor.u32 s23, v2;
	v14 =	vor.u32 s20, v2;
	s22 =	sadd.s32 $0x50, s4;
	v13 =	vor.u32 s21, v2;
	s23 =	sadd.s32 $0x60, s4;
	s4 =	sadd.s32 $0x70, s4;
	(xrf0) =	vadd.scan.msk.s32 $0xffff, v17  }
0x43a: {  	s19 =	simm.s32 $0x100;
	v12 =	vor.u32 s22, v2;
	v11 =	vor.u32 s23, v2;
	v10 =	vor.u32 s4, v2;
	s13 =	spop (v2sf)  }
.LBB2_11:
0x43b: {  	s2 =	sadd.s32 s2, s13  }
0x43c: {  	s30 =	sadd.s32 $0x80, s30;
	s13 =	smov.u32 s19;
	s4 =	sadd.s32 $0x80, s19  }
0x43d: {  	p3 =	sne.s32 s19, $0x1180;
	s19 =	sadd.s32 s28, s2  }
0x43e: {  	v17 =	vsel vm3, $0xFFFFFFFF, v5  }
0x43f: {  	v17 =	vadd.s32 s19, v17;
	v18, _, _ =	vpop (xrf0)  }
0x440: {  	v17 =	vadd.s32 v18, v17;
	(v2sf) =	vpush v18, $0xF  }
0x441: {  	v17 =	vsel vm3, v17, v3  }
0x442: {  	[tilespmem:s30+$0xFFFFFFC0] =	vst v17  }
0x443: {  	v17 =	vld [tilespmem:s31+$0xFFFFFFD0];
	_ =	sdelay $0x4  }
0x444: {  	vm4 =	vle.s32 v16, v7;
	vm3 =	veq.s32 v17, v6  }
0x445: {  	vm5 =	vgt.s32 v17, v6;
	vm3 =	vmand vm4, vm3  }
0x446: {  	vm3 =	vmor vm5, vm3  }
0x447: {  	v16 =	vsel vm3, $0x1, v5  }
0x448: {  	(xrf0) =	vadd.scan.msk.s32 $0xffff, v16;
	_ =	sdelay $0x2  }
0x449: {  	s19 =	spop (v2sf)  }
0x44a: {  	s2 =	sadd.s32 s2, s19;
	_ =	sdelay $0x1  }
0x44b: {  	v16 =	vsel vm3, $0xFFFFFFFF, v5;
	v17, _, _ =	vpop (xrf0)  }
0x44c: {  	s19 =	sadd.s32 s28, s2;
	v16 =	vadd.s32 v16, v17;
	(v2sf) =	vpush v17, $0xF  }
0x44d: {  	v16 =	vadd.s32 s19, v16  }
0x44e: {  	v16 =	vsel vm3, v16, v3  }
0x44f: {  	[tilespmem:s30+$0xFFFFFFD0] =	vst v16  }
0x450: {  	v16 =	vld [tilespmem:s31+$0xFFFFFFE0];
	_ =	sdelay $0x4  }
0x451: {  	vm4 =	vle.s32 v15, v7;
	vm3 =	veq.s32 v16, v6  }
0x452: {  	vm5 =	vgt.s32 v16, v6;
	vm3 =	vmand vm4, vm3  }
0x453: {  	vm3 =	vmor vm5, vm3  }
0x454: {  	v15 =	vsel vm3, $0x1, v5  }
0x455: {  	(xrf0) =	vadd.scan.msk.s32 $0xffff, v15;
	_ =	sdelay $0x1  }
0x456: {  	s19 =	spop (v2sf)  }
0x457: {  	s2 =	sadd.s32 s2, s19;
	_ =	sdelay $0x2  }
0x458: {  	v15 =	vsel vm3, $0xFFFFFFFF, v5;
	v16, _, _ =	vpop (xrf0)  }
0x459: {  	s19 =	sadd.s32 s28, s2;
	v15 =	vadd.s32 v15, v16;
	(v2sf) =	vpush v16, $0xF  }
0x45a: {  	v15 =	vadd.s32 s19, v15  }
0x45b: {  	v15 =	vsel vm3, v15, v3  }
0x45c: {  	[tilespmem:s30+$0xFFFFFFE0] =	vst v15  }
0x45d: {  	v15 =	vld [tilespmem:s31+$0xFFFFFFF0];
	_ =	sdelay $0x4  }
0x45e: {  	vm4 =	vle.s32 v14, v7;
	vm3 =	veq.s32 v15, v6  }
0x45f: {  	vm5 =	vgt.s32 v15, v6;
	vm3 =	vmand vm4, vm3  }
0x460: {  	vm3 =	vmor vm5, vm3  }
0x461: {  	v14 =	vsel vm3, $0x1, v5  }
0x462: {  	(xrf0) =	vadd.scan.msk.s32 $0xffff, v14;
	_ =	sdelay $0x1  }
0x463: {  	s19 =	spop (v2sf)  }
0x464: {  	s2 =	sadd.s32 s2, s19;
	_ =	sdelay $0x2  }
0x465: {  	v14 =	vsel vm3, $0xFFFFFFFF, v5;
	v15, _, _ =	vpop (xrf0)  }
0x466: {  	s19 =	sadd.s32 s28, s2;
	v14 =	vadd.s32 v14, v15;
	(v2sf) =	vpush v15, $0xF  }
0x467: {  	v14 =	vadd.s32 s19, v14  }
0x468: {  	v14 =	vsel vm3, v14, v3  }
0x469: {  	[tilespmem:s30+$0xFFFFFFF0] =	vst v14  }
0x46a: {  	v14 =	vld [tilespmem:s31+$0x0];
	_ =	sdelay $0x4  }
0x46b: {  	vm4 =	vle.s32 v13, v7;
	vm3 =	veq.s32 v14, v6  }
0x46c: {  	vm5 =	vgt.s32 v14, v6;
	vm3 =	vmand vm4, vm3  }
0x46d: {  	vm3 =	vmor vm5, vm3  }
0x46e: {  	v13 =	vsel vm3, $0x1, v5  }
0x46f: {  	(xrf0) =	vadd.scan.msk.s32 $0xffff, v13;
	_ =	sdelay $0x1  }
0x470: {  	s19 =	spop (v2sf)  }
0x471: {  	s2 =	sadd.s32 s2, s19;
	_ =	sdelay $0x2  }
0x472: {  	v13 =	vsel vm3, $0xFFFFFFFF, v5;
	v14, _, _ =	vpop (xrf0)  }
0x473: {  	s19 =	sadd.s32 s28, s2;
	v13 =	vadd.s32 v13, v14;
	(v2sf) =	vpush v14, $0xF  }
0x474: {  	v13 =	vadd.s32 s19, v13  }
0x475: {  	v13 =	vsel vm3, v13, v3  }
0x476: {  	[tilespmem:s30+$0x0] =	vst v13  }
0x477: {  	v13 =	vld [tilespmem:s31+$0x10];
	_ =	sdelay $0x4  }
0x478: {  	vm4 =	vle.s32 v12, v7;
	vm3 =	veq.s32 v13, v6  }
0x479: {  	vm5 =	vgt.s32 v13, v6;
	vm3 =	vmand vm4, vm3  }
0x47a: {  	vm3 =	vmor vm5, vm3  }
0x47b: {  	v12 =	vsel vm3, $0x1, v5  }
0x47c: {  	(xrf0) =	vadd.scan.msk.s32 $0xffff, v12;
	_ =	sdelay $0x1  }
0x47d: {  	s19 =	spop (v2sf)  }
0x47e: {  	s2 =	sadd.s32 s2, s19;
	_ =	sdelay $0x2  }
0x47f: {  	v12 =	vsel vm3, $0xFFFFFFFF, v5;
	v13, _, _ =	vpop (xrf0)  }
0x480: {  	s19 =	sadd.s32 s28, s2;
	v12 =	vadd.s32 v12, v13;
	(v2sf) =	vpush v13, $0xF  }
0x481: {  	v12 =	vadd.s32 s19, v12  }
0x482: {  	v12 =	vsel vm3, v12, v3  }
0x483: {  	[tilespmem:s30+$0x10] =	vst v12  }
0x484: {  	v12 =	vld [tilespmem:s31+$0x20];
	_ =	sdelay $0x4  }
0x485: {  	vm4 =	vle.s32 v11, v7;
	vm3 =	veq.s32 v12, v6  }
0x486: {  	vm5 =	vgt.s32 v12, v6;
	vm3 =	vmand vm4, vm3  }
0x487: {  	vm3 =	vmor vm5, vm3  }
0x488: {  	v11 =	vsel vm3, $0x1, v5  }
0x489: {  	(xrf0) =	vadd.scan.msk.s32 $0xffff, v11;
	_ =	sdelay $0x1  }
0x48a: {  	s19 =	spop (v2sf)  }
0x48b: {  	s2 =	sadd.s32 s2, s19;
	_ =	sdelay $0x2  }
0x48c: {  	v11 =	vsel vm3, $0xFFFFFFFF, v5;
	v12, _, _ =	vpop (xrf0)  }
0x48d: {  	s19 =	sadd.s32 s28, s2;
	v11 =	vadd.s32 v11, v12;
	(v2sf) =	vpush v12, $0xF  }
0x48e: {  	v11 =	vadd.s32 s19, v11  }
0x48f: {  	v11 =	vsel vm3, v11, v3  }
0x490: {  	[tilespmem:s30+$0x20] =	vst v11  }
0x491: {  	v11 =	vld [tilespmem:s31+$0x30];
	_ =	sdelay $0x4  }
0x492: {  	vm4 =	vle.s32 v10, v7;
	vm3 =	veq.s32 v11, v6  }
0x493: {  	vm5 =	vgt.s32 v11, v6;
	vm3 =	vmand vm4, vm3  }
0x494: {  	vm3 =	vmor vm5, vm3  }
0x495: {  	v10 =	vsel vm3, $0x1, v5  }
0x496: {  	(xrf0) =	vadd.scan.msk.s32 $0xffff, v10;
	_ =	sdelay $0x1  }
0x497: {  	s19 =	spop (v2sf)  }
0x498: {  	s2 =	sadd.s32 s2, s19;
	_ =	sdelay $0x2  }
0x499: {  	v10 =	vsel vm3, $0xFFFFFFFF, v5;
	v11, _, _ =	vpop (xrf0)  }
0x49a: {  	s19 =	sadd.s32 s28, s2;
	v10 =	vadd.s32 v10, v11;
	(v2sf) =	vpush v11, $0xF  }
0x49b: {  	v10 =	vadd.s32 s19, v10  }
0x49c: {  	v10 =	vsel vm3, v10, v3  }
0x49d: {  	s31 =	sadd.s32 $0x80, s31;
	[tilespmem:s30+$0x30] =	vst v10  }
0x49e: {  	v10 =	vld [tilespmem:s31+$0xFFFFFFC0];
	_ =	sdelay $0x2  }
0x49f: {  	s13 =	sadd.s32 s13, s3  }
0x4a0: {  	s20 =	sadd.s32 $0x20, s13;
	s21 =	sadd.s32 $0x30, s13;
	v11 =	vor.u32 s13, v2;
	s19 =	sadd.s32 $0x10, s13  }
0x4a1: {  	s22 =	sadd.s32 $0x50, s13;
	s23 =	sadd.s32 $0x60, s13;
	vm4 =	vle.s32 v11, v7;
	v16 =	vor.u32 s19, v2;
	s19 =	sadd.s32 $0x40, s13;
	vm3 =	veq.s32 v10, v6  }
0x4a2: {  	v15 =	vor.u32 s20, v2;
	s13 =	sadd.s32 $0x70, s13;
	vm5 =	vgt.s32 v10, v6;
	vm3 =	vmand vm4, vm3  }
.Ltmp7:
0x4a3: {  	v14 =	vor.u32 s21, v2;
	v13 =	vor.u32 s19, v2;
	vm3 =	vmor vm5, vm3;
	(pc) =	sbr.rel @p3 .LBB2_11-.Ltmp7, $3  }
0x4a4: {  	v12 =	vor.u32 s22, v2;
	v11 =	vor.u32 s23, v2;
	v17 =	vsel vm3, $0x1, v5  }
0x4a5: {  	v10 =	vor.u32 s13, v2;
	(xrf0) =	vadd.scan.msk.s32 $0xffff, v17;
	_ =	sdelay $0x1  }
0x4a6: {  	s19 =	smov.u32 s4;
	s13 =	spop (v2sf)  }
0x4a7: {  	_ = 	snop  }
0x4a8: {  	s2 =	sadd.s32 s2, s13  }
0x4a9: {  	v17 =	vsel vm3, $0xFFFFFFFF, v5;
	s4 =	sadd.s32 s28, s2  }
0x4aa: {  	v17 =	vadd.s32 s4, v17;
	v18, _, _ =	vpop (xrf0)  }
0x4ab: {  	v17 =	vadd.s32 v18, v17  }
0x4ac: {  	s4 =	sadd.s32 $0x80, s30;
	v17 =	vsel vm3, v17, v3  }
0x4ad: {  	(v2sf) =	vpush v18, $0xF;
	[tilespmem:s4+$0xFFFFFFC0] =	vst v17  }
0x4ae: {  	v17 =	vld [tilespmem:s31+$0xFFFFFFD0];
	_ =	sdelay $0x4  }
0x4af: {  	vm4 =	vle.s32 v16, v7;
	vm3 =	veq.s32 v17, v6  }
0x4b0: {  	vm5 =	vgt.s32 v17, v6;
	vm3 =	vmand vm4, vm3  }
0x4b1: {  	vm3 =	vmor vm5, vm3  }
0x4b2: {  	v48 =	vsel vm3, $0x1, v5  }
0x4b3: {  	(xrf0) =	vadd.scan.msk.s32 $0xffff, v48;
	_ =	sdelay $0x4  }
0x4b4: {  	s20 =	spop (v2sf)  }
0x4b5: {  	v49 =	vsel vm3, $0xFFFFFFFF, v5;
	s2 =	sadd.s32 s2, s20;
	v50, _, _ =	vpop (xrf0)  }
0x4b6: {  	s13 =	sadd.s32 s28, s2;
	v16 =	vadd.s32 v49, v50  }
0x4b7: {  	v16 =	vadd.s32 s13, v16  }
0x4b8: {  	v16 =	vsel vm3, v16, v3  }
0x4b9: {  	(v2sf) =	vpush v50, $0xF;
	[tilespmem:s4+$0xFFFFFFD0] =	vst v16  }
0x4ba: {  	v16 =	vld [tilespmem:s31+$0xFFFFFFE0];
	_ =	sdelay $0x4  }
0x4bb: {  	vm12 =	vle.s32 v15, v7;
	vm3 =	veq.s32 v16, v6  }
0x4bc: {  	vm13 =	vgt.s32 v16, v6;
	vm3 =	vmand vm12, vm3  }
0x4bd: {  	vm3 =	vmor vm13, vm3  }
0x4be: {  	v51 =	vsel vm3, $0x1, v5  }
0x4bf: {  	(xrf0) =	vadd.scan.msk.s32 $0xffff, v51;
	_ =	sdelay $0x4  }
0x4c0: {  	s21 =	spop (v2sf)  }
0x4c1: {  	v52 =	vsel vm3, $0xFFFFFFFF, v5;
	s2 =	sadd.s32 s2, s21;
	v53, _, _ =	vpop (xrf0)  }
0x4c2: {  	s13 =	sadd.s32 s28, s2;
	v15 =	vadd.s32 v52, v53  }
0x4c3: {  	v15 =	vadd.s32 s13, v15  }
0x4c4: {  	v15 =	vsel vm3, v15, v3  }
0x4c5: {  	(v2sf) =	vpush v53, $0xF;
	[tilespmem:s4+$0xFFFFFFE0] =	vst v15  }
0x4c6: {  	v15 =	vld [tilespmem:s31+$0xFFFFFFF0];
	_ =	sdelay $0x4  }
0x4c7: {  	vm14 =	vle.s32 v14, v7;
	vm3 =	veq.s32 v15, v6  }
0x4c8: {  	vm15 =	vgt.s32 v15, v6;
	vm3 =	vmand vm14, vm3  }
0x4c9: {  	vm3 =	vmor vm15, vm3  }
0x4ca: {  	v54 =	vsel vm3, $0x1, v5  }
0x4cb: {  	(xrf0) =	vadd.scan.msk.s32 $0xffff, v54;
	_ =	sdelay $0x4  }
0x4cc: {  	s22 =	spop (v2sf)  }
0x4cd: {  	v55 =	vsel vm3, $0xFFFFFFFF, v5;
	s2 =	sadd.s32 s2, s22;
	v56, _, _ =	vpop (xrf0)  }
0x4ce: {  	s13 =	sadd.s32 s28, s2;
	v14 =	vadd.s32 v55, v56  }
0x4cf: {  	v14 =	vadd.s32 s13, v14  }
0x4d0: {  	v14 =	vsel vm3, v14, v3  }
0x4d1: {  	(v2sf) =	vpush v56, $0xF;
	[tilespmem:s4+$0xFFFFFFF0] =	vst v14  }
0x4d2: {  	v14 =	vld [tilespmem:s31+$0x0];
	_ =	sdelay $0x4  }
0x4d3: {  	vm8 =	vle.s32 v13, v7;
	vm3 =	veq.s32 v14, v6  }
0x4d4: {  	vm9 =	vgt.s32 v14, v6;
	vm3 =	vmand vm8, vm3  }
0x4d5: {  	vm3 =	vmor vm9, vm3  }
0x4d6: {  	v57 =	vsel vm3, $0x1, v5  }
0x4d7: {  	(xrf0) =	vadd.scan.msk.s32 $0xffff, v57;
	_ =	sdelay $0x4  }
0x4d8: {  	s23 =	spop (v2sf)  }
0x4d9: {  	v58 =	vsel vm3, $0xFFFFFFFF, v5;
	s2 =	sadd.s32 s2, s23;
	v59, _, _ =	vpop (xrf0)  }
0x4da: {  	s13 =	sadd.s32 s28, s2;
	v13 =	vadd.s32 v58, v59  }
0x4db: {  	v13 =	vadd.s32 s13, v13  }
0x4dc: {  	v13 =	vsel vm3, v13, v3  }
0x4dd: {  	(v2sf) =	vpush v59, $0xF;
	[tilespmem:s4+$0x0] =	vst v13  }
0x4de: {  	v13 =	vld [tilespmem:s31+$0x10];
	_ =	sdelay $0x4  }
0x4df: {  	vm10 =	vle.s32 v12, v7;
	vm3 =	veq.s32 v13, v6  }
0x4e0: {  	vm11 =	vgt.s32 v13, v6;
	vm3 =	vmand vm10, vm3  }
0x4e1: {  	vm3 =	vmor vm11, vm3  }
0x4e2: {  	v60 =	vsel vm3, $0x1, v5  }
0x4e3: {  	(xrf0) =	vadd.scan.msk.s32 $0xffff, v60;
	_ =	sdelay $0x4  }
0x4e4: {  	s30 =	spop (v2sf)  }
0x4e5: {  	v61 =	vsel vm3, $0xFFFFFFFF, v5;
	s2 =	sadd.s32 s2, s30;
	v62, _, _ =	vpop (xrf0)  }
0x4e6: {  	s13 =	sadd.s32 s28, s2;
	v12 =	vadd.s32 v61, v62  }
0x4e7: {  	v12 =	vadd.s32 s13, v12  }
0x4e8: {  	v12 =	vsel vm3, v12, v3  }
0x4e9: {  	(v2sf) =	vpush v62, $0xF;
	[tilespmem:s4+$0x10] =	vst v12  }
0x4ea: {  	v12 =	vld [tilespmem:s31+$0x20];
	_ =	sdelay $0x4  }
0x4eb: {  	vm12 =	vle.s32 v11, v7;
	vm3 =	veq.s32 v12, v6  }
0x4ec: {  	vm13 =	vgt.s32 v12, v6;
	vm3 =	vmand vm12, vm3  }
0x4ed: {  	vm3 =	vmor vm13, vm3  }
0x4ee: {  	v11 =	vsel vm3, $0x1, v5  }
0x4ef: {  	(xrf0) =	vadd.scan.msk.s32 $0xffff, v11;
	_ =	sdelay $0x4  }
0x4f0: {  	s19 =	spop (v2sf)  }
0x4f1: {  	v11 =	vsel vm3, $0xFFFFFFFF, v5;
	s2 =	sadd.s32 s2, s19;
	v63, _, _ =	vpop (xrf0)  }
0x4f2: {  	s13 =	sadd.s32 s28, s2;
	v11 =	vadd.s32 v11, v63  }
0x4f3: {  	v11 =	vadd.s32 s13, v11  }
0x4f4: {  	v11 =	vsel vm3, v11, v3  }
0x4f5: {  	[tilespmem:s4+$0x20] =	vst v11  }
0x4f6: {  	v11 =	vld [tilespmem:s31+$0x30];
	_ =	sdelay $0x4  }
0x4f7: {  	vm14 =	vle.s32 v10, v7;
	vm3 =	veq.s32 v11, v6  }
0x4f8: {  	vm15 =	vgt.s32 v11, v6;
	vm3 =	vmand vm14, vm3  }
0x4f9: {  	vm3 =	vmor vm15, vm3  }
0x4fa: {  	v10 =	vsel vm3, $0x1, v5  }
0x4fb: {  	(xrf0) =	vadd.scan.msk.s32 $0xffff, v10;
	_ =	sdelay $0x1  }
0x4fc: {  	(v2sf) =	vpush v63, $0xF;
	_ =	sdelay $0x3  }
0x4fd: {  	v10, _, _ =	vpop (xrf0)  }
0x4fe: {  	(v2sf) =	vpush v10, $0xF;
	_ =	sdelay $0x9  }
0x4ff: {  	s20 =	spop (v2sf)  }
0x500: {  	v11 =	vsel vm3, $0xFFFFFFFF, v5;
	s2 =	sadd.s32 s2, s20  }
0x501: {  	s2 =	sadd.s32 s28, s2;
	v10 =	vadd.s32 v11, v10  }
0x502: {  	v10 =	vadd.s32 s2, v10  }
0x503: {  	v10 =	vsel vm3, v10, v3  }
0x504: {  	[tilespmem:s4+$0x30] =	vst v10;
	s21 =	spop (v2sf)  }
0x505: {  	_ =	swait.ge [sflag:s24], $0x1200  }
0x506: {  	[sflag:s24] =	ssyncset.done $0x0  }
0x507: {  	[sflag:s24] =	ssyncadd.s32 $0xFFFFEE00  }
0x508: {  	_ =	swait.ge [sflag:s24], $0x1200  }
0x509: {  	[sflag:s24] =	ssyncset.done $0x0  }
0x50a: {  	[sflag:s24] =	ssyncadd.s32 $0xFFFFEE00  }
0x50b: {  	_ =	swait.ge [sflag:s24], $0x1200  }
0x50c: {  	[sflag:s24] =	ssyncset.done $0x0  }
0x50d: {  	[sflag:s24] =	ssyncadd.s32 $0xFFFFEE00  }
0x50e: {  	_ =	swait.ge [sflag:s24], $0x1200  }
0x50f: {  	[sflag:s24] =	ssyncset.done $0x0  }
0x510: {  	[sflag:s24] =	ssyncadd.s32 $0xFFFFEE00  }
0x511: {  	_ =	swait.ge [sflag:s24], $0x1200  }
0x512: {  	[sflag:s24] =	ssyncset.done $0x0  }
0x513: {  	s2 =	simm.s32 $0x2680;
	s4 =	simm.s32 $0x1200;
	[sflag:s24] =	ssyncadd.s32 $0xFFFFEE00  }
0x514: {  	[spmem:s16] =	stream.indirect.scatter [tilespmem:s2], [sflag:$0x1], $0x1, s4, s15, $0xb8;
	[tilespmem:$0x92E0] =	vst v63  }
0x515: {  	s22 =	simm.s32 $0x3880  }
0x516: {  	[spmem:s17] =	stream.indirect.scatter [tilespmem:s22], [sflag:$0x1], $0x1, s4, s15, $0xb8;
	[tilespmem:$0x92E0] =	vst v63  }
0x517: {  	s23 =	simm.s32 $0x4A80  }
0x518: {  	[spmem:s25] =	stream.indirect.scatter [tilespmem:s23], [sflag:$0x1], $0x1, s4, s15, $0xb8;
	[tilespmem:$0x92E0] =	vst v63  }
0x519: {  	s30 =	simm.s32 $0x5C80;
	s13 =	simm.s32 $0x400  }
0x51a: {  	[spmem:s29] =	stream.indirect.scatter [tilespmem:s30], [sflag:$0x1], $0x1, s4, s15, $0xb8;
	[tilespmem:$0x92E0] =	vst v63  }
0x51b: {  	s31 =	simm.s32 $0x6E80;
	s28 =	simm.s32 $0x0;
	s2 =	simm.s32 $0x80  }
0x51c: {  	[spmem:s0] =	stream.indirect.scatter [tilespmem:s31], [sflag:$0x1], $0x1, s4, s15, $0xb8;
	[tilespmem:$0x92E0] =	vst v63  }
.LBB2_13:
0x51d: {  	[spmem:s5] =	stream.indirect.scatter [tilespmem:s28], [sflag:$0x1], $0x1, s4, s15, $0xb8;
	[tilespmem:$0x92E0] =	vst v63  }
0x51e: {  	s19 =	sshra.s32 s13, $0x2;
	s20 =	sadd.s32 $0x2680, s2;
	s4 =	sadd.s32 $0x1200, s2  }
0x51f: {  	[spmem:s16] =	stream.indirect.scatter [tilespmem:s20], [sflag:$0x1], $0x1, s4, s15, $0xb8;
	[tilespmem:$0x92E0] =	vst v63  }
0x520: {  	p3 =	sne.s32 s13, $0x4600;
	s13 =	sadd.s32 $0x200, s13;
	s20 =	sadd.s32 $0x3880, s2  }
0x521: {  	[spmem:s17] =	stream.indirect.scatter [tilespmem:s20], [sflag:$0x1], $0x1, s4, s15, $0xb8;
	[tilespmem:$0x92E0] =	vst v63  }
0x522: {  	s28 =	smov.u32 s2;
	s20 =	sadd.s32 $0x4A80, s2;
	s2 =	smov.u32 s19  }
0x523: {  	[spmem:s25] =	stream.indirect.scatter [tilespmem:s20], [sflag:$0x1], $0x1, s4, s15, $0xb8;
	[tilespmem:$0x92E0] =	vst v63  }
.Ltmp8:
0x524: {  	_ = 	snop;
	(pc) =	sbr.rel @p3 .LBB2_13-.Ltmp8, $4  }
0x525: {  	s19 =	sadd.s32 $0x5C80, s28  }
0x526: {  	[spmem:s29] =	stream.indirect.scatter [tilespmem:s19], [sflag:$0x1], $0x1, s4, s15, $0xb8;
	[tilespmem:$0x92E0] =	vst v63  }
0x527: {  	s19 =	sadd.s32 $0x6E80, s28  }
0x528: {  	[spmem:s0] =	stream.indirect.scatter [tilespmem:s19], [sflag:$0x1], $0x1, s4, s15, $0xb8;
	[tilespmem:$0x92E0] =	vst v63  }
0x529: {  	[spmem:s5] =	stream.indirect.scatter [tilespmem:s28], [sflag:$0x1], $0x1, s4, s15, $0xb8;
	[tilespmem:$0x92E0] =	vst v63  }
0x52a: {  	s19 =	sadd.s32 $0x2680, s2;
	s13 =	sadd.s32 $0x1200, s2  }
0x52b: {  	[spmem:s16] =	stream.indirect.scatter [tilespmem:s19], [sflag:$0x1], $0x1, s13, s15, $0xb8;
	[tilespmem:$0x92E0] =	vst v63  }
0x52c: {  	s20 =	sadd.s32 $0x3880, s2  }
0x52d: {  	[spmem:s17] =	stream.indirect.scatter [tilespmem:s20], [sflag:$0x1], $0x1, s13, s15, $0xb8;
	[tilespmem:$0x92E0] =	vst v63  }
0x52e: {  	s21 =	sadd.s32 $0x4A80, s2  }
0x52f: {  	[spmem:s25] =	stream.indirect.scatter [tilespmem:s21], [sflag:$0x1], $0x1, s13, s15, $0xb8;
	[tilespmem:$0x92E0] =	vst v63  }
0x530: {  	s22 =	sadd.s32 $0x5C80, s2  }
0x531: {  	[spmem:s29] =	stream.indirect.scatter [tilespmem:s22], [sflag:$0x1], $0x1, s13, s15, $0xb8;
	[tilespmem:$0x92E0] =	vst v63  }
0x532: {  	s23 =	sadd.s32 $0x6E80, s2  }
0x533: {  	[spmem:s0] =	stream.indirect.scatter [tilespmem:s23], [sflag:$0x1], $0x1, s13, s15, $0xb8;
	[tilespmem:$0x92E0] =	vst v63  }
0x534: {  	_ = 	snop  }
0x535: {  	[spmem:s5] =	stream.indirect.scatter [tilespmem:s2], [sflag:$0x1], $0x1, s13, s15, $0xb8;
	[tilespmem:$0x92E0] =	vst v63  }
0x536: {  	_ =	swait.ge [sflag:s26], $0x1200  }
0x537: {  	[sflag:s26] =	ssyncset.done $0x0  }
0x538: {  	[sflag:s26] =	ssyncadd.s32 $0xFFFFEE00  }
0x539: {  	_ =	swait.ge [sflag:s26], $0x1200  }
0x53a: {  	[sflag:s26] =	ssyncset.done $0x0  }
0x53b: {  	[sflag:s26] =	ssyncadd.s32 $0xFFFFEE00  }
0x53c: {  	_ =	swait.ge [sflag:s26], $0x1200  }
0x53d: {  	[sflag:s26] =	ssyncset.done $0x0  }
0x53e: {  	[sflag:s26] =	ssyncadd.s32 $0xFFFFEE00  }
0x53f: {  	_ =	swait.ge [sflag:s26], $0x1200  }
0x540: {  	[sflag:s26] =	ssyncset.done $0x0  }
0x541: {  	[sflag:s26] =	ssyncadd.s32 $0xFFFFEE00  }
0x542: {  	_ =	swait.ge [sflag:s26], $0x1200  }
0x543: {  	[sflag:s26] =	ssyncset.done $0x0  }
0x544: {  	v8 =	vpsel p2, v8, v9;
	[sflag:s26] =	ssyncadd.s32 $0xFFFFEE00  }
0x545: {  	v8 =	vnsel vm0, $0x0, v8;
	_ =	swait.ge [sflag:s26], $0x1200  }
0x546: {  	(xrf0) =	vadd.scan.msk.s32 $0xffff, v8;
	_ =	sdelay $0x5  }
0x547: {  	v8, _, _ =	vpop (xrf0)  }
0x548: {  	[sflag:s26] =	ssyncset.done $0x0;
	(v2sf) =	vpush v8, $0xF  }
0x549: {  	s22 =	simm.s32 $0x2680;
	s13 =	rddreg [dreg:$0x1b];
	[sflag:s26] =	ssyncadd.s32 $0xFFFFEE00  }
0x54a: {  	[tilespmem:s22], [sflag:$0x2] =	stream.strided.gather [hbm4b:s13+s15], $0x1200, s18, s15, $0x38;
	[tilespmem:$0x92E0] =	vst v63  }
0x54b: {  	s23 =	simm.s32 $0x3880;
	s19 =	rddreg [dreg:$0x1c]  }
0x54c: {  	[tilespmem:s23], [sflag:$0x2] =	stream.strided.gather [hbm4b:s19+s15], $0x1200, s18, s15, $0x38;
	[tilespmem:$0x92E0] =	vst v63  }
0x54d: {  	s21 =	simm.s32 $0x4A80;
	s20 =	rddreg [dreg:$0x1d]  }
0x54e: {  	[tilespmem:s21], [sflag:$0x2] =	stream.strided.gather [hbm4b:s20+s15], $0x1200, s18, s15, $0x38;
	[tilespmem:$0x92E0] =	vst v63  }
0x54f: {  	s4 =	rddreg [dreg:$0x1e];
	s13 =	simm.s32 $0x5C80  }
0x550: {  	[tilespmem:s13], [sflag:$0x2] =	stream.strided.gather [hbm4b:s4+s15], $0x1200, s18, s15, $0x38;
	[tilespmem:$0x92E0] =	vst v63  }
0x551: {  	s19 =	rddreg [dreg:$0x1f];
	s20 =	simm.s32 $0x6E80  }
0x552: {  	[tilespmem:s20], [sflag:$0x2] =	stream.strided.gather [hbm4b:s19+s15], $0x1200, s18, s15, $0x38;
	[tilespmem:$0x92E0] =	vst v63  }
0x553: {  	s20 =	sld [smem:$0x7FC];
	_ =	sdelay $0x1  }
0x554: {  	s19 =	simm.s32 $0x0  }
0x555: {  	[tilespmem:s19], [sflag:$0x3] =	stream.strided.gather [hbm4b:s20+s15], $0x1200, s18, s15, $0x38;
	[tilespmem:$0x92E0] =	vst v63  }
0x556: {  	s21 =	spop (v2sf)  }
0x557: {  	_ =	swait.ge [sflag:s14], $0x1200  }
0x558: {  	[sflag:s14] =	ssyncset.done $0x0  }
0x559: {  	s4 =	simm.s32 $0x40;
	[sflag:s14] =	ssyncadd.s32 $0xFFFFEE00  }
0x55a: {  	v8 =	vld [tilespmem:s4+$0xFFFFFFC0];
	_ =	sdelay $0x1  }
0x55b: {  	s13 =	sadd.s32 $0x0, s3  }
0x55c: {  	s19 =	sadd.s32 $0x12000, s13  }
0x55d: {  	v9 =	vor.u32 s19, v2  }
0x55e: {  	vm4 =	vle.s32 v9, v7;
	vm3 =	veq.s32 v8, v6  }
0x55f: {  	vm5 =	vgt.s32 v8, v6;
	vm3 =	vmand vm4, vm3  }
0x560: {  	vm3 =	vmor vm5, vm3  }
0x561: {  	v8 =	vsel vm3, $0x1, v5  }
0x562: {  	(xrf0) =	vadd.scan.msk.s32 $0xffff, v8;
	_ =	sdelay $0x3  }
0x563: {  	s28 =	sadd.s32 $0x1880, s21  }
0x564: {  	s2 =	sadd.s32 $0x0, s28;
	v8 =	vsel vm3, $0xFFFFFFFF, v5  }
0x565: {  	v8 =	vadd.s32 s2, v8;
	v9, _, _ =	vpop (xrf0)  }
0x566: {  	v8 =	vadd.s32 v9, v8  }
0x567: {  	s30 =	simm.s32 $0x1240;
	v8 =	vsel vm3, v8, v4  }
0x568: {  	(v2sf) =	vpush v9, $0xF;
	[tilespmem:s30+$0xFFFFFFC0] =	vst v8  }
0x569: {  	v8 =	vld [tilespmem:s4+$0xFFFFFFD0];
	_ =	sdelay $0x2  }
0x56a: {  	s21 =	sadd.s32 $0x12010, s13  }
0x56b: {  	v9 =	vor.u32 s21, v2  }
0x56c: {  	vm4 =	vle.s32 v9, v7;
	vm3 =	veq.s32 v8, v6  }
0x56d: {  	vm5 =	vgt.s32 v8, v6;
	vm3 =	vmand vm4, vm3  }
0x56e: {  	vm3 =	vmor vm5, vm3  }
0x56f: {  	v8 =	vsel vm3, $0x1, v5  }
0x570: {  	(xrf0) =	vadd.scan.msk.s32 $0xffff, v8;
	_ =	sdelay $0x4  }
0x571: {  	s19 =	spop (v2sf)  }
0x572: {  	v8 =	vsel vm3, $0xFFFFFFFF, v5;
	s2 =	sadd.s32 $0x0, s19;
	v9, _, _ =	vpop (xrf0)  }
0x573: {  	s20 =	sadd.s32 s28, s2;
	v8 =	vadd.s32 v8, v9  }
0x574: {  	v8 =	vadd.s32 s20, v8  }
0x575: {  	v8 =	vsel vm3, v8, v4  }
0x576: {  	(v2sf) =	vpush v9, $0xF;
	[tilespmem:s30+$0xFFFFFFD0] =	vst v8  }
0x577: {  	v8 =	vld [tilespmem:s4+$0xFFFFFFE0];
	_ =	sdelay $0x2  }
0x578: {  	s21 =	sadd.s32 $0x12020, s13  }
0x579: {  	v9 =	vor.u32 s21, v2  }
0x57a: {  	vm4 =	vle.s32 v9, v7;
	vm3 =	veq.s32 v8, v6  }
0x57b: {  	vm5 =	vgt.s32 v8, v6;
	vm3 =	vmand vm4, vm3  }
0x57c: {  	vm3 =	vmor vm5, vm3  }
0x57d: {  	v8 =	vsel vm3, $0x1, v5  }
0x57e: {  	(xrf0) =	vadd.scan.msk.s32 $0xffff, v8;
	_ =	sdelay $0x4  }
0x57f: {  	s20 =	spop (v2sf)  }
0x580: {  	v8 =	vsel vm3, $0xFFFFFFFF, v5;
	s2 =	sadd.s32 s2, s20;
	v9, _, _ =	vpop (xrf0)  }
0x581: {  	s19 =	sadd.s32 s28, s2;
	v8 =	vadd.s32 v8, v9  }
0x582: {  	v8 =	vadd.s32 s19, v8  }
0x583: {  	v8 =	vsel vm3, v8, v4  }
0x584: {  	(v2sf) =	vpush v9, $0xF;
	[tilespmem:s30+$0xFFFFFFE0] =	vst v8  }
0x585: {  	v8 =	vld [tilespmem:s4+$0xFFFFFFF0];
	_ =	sdelay $0x2  }
0x586: {  	s21 =	sadd.s32 $0x12030, s13  }
0x587: {  	v9 =	vor.u32 s21, v2  }
0x588: {  	vm4 =	vle.s32 v9, v7;
	vm3 =	veq.s32 v8, v6  }
0x589: {  	vm5 =	vgt.s32 v8, v6;
	vm3 =	vmand vm4, vm3  }
0x58a: {  	vm3 =	vmor vm5, vm3  }
0x58b: {  	v8 =	vsel vm3, $0x1, v5  }
0x58c: {  	(xrf0) =	vadd.scan.msk.s32 $0xffff, v8;
	_ =	sdelay $0x4  }
0x58d: {  	s20 =	spop (v2sf)  }
0x58e: {  	v8 =	vsel vm3, $0xFFFFFFFF, v5;
	s2 =	sadd.s32 s2, s20;
	v9, _, _ =	vpop (xrf0)  }
0x58f: {  	s19 =	sadd.s32 s28, s2;
	v8 =	vadd.s32 v8, v9  }
0x590: {  	v8 =	vadd.s32 s19, v8  }
0x591: {  	v8 =	vsel vm3, v8, v4  }
0x592: {  	(v2sf) =	vpush v9, $0xF;
	[tilespmem:s30+$0xFFFFFFF0] =	vst v8  }
0x593: {  	v8 =	vld [tilespmem:s4+$0x0];
	_ =	sdelay $0x2  }
0x594: {  	s21 =	sadd.s32 $0x12040, s13  }
0x595: {  	v9 =	vor.u32 s21, v2  }
0x596: {  	vm4 =	vle.s32 v9, v7;
	vm3 =	veq.s32 v8, v6  }
0x597: {  	vm5 =	vgt.s32 v8, v6;
	vm3 =	vmand vm4, vm3  }
0x598: {  	vm3 =	vmor vm5, vm3  }
0x599: {  	v8 =	vsel vm3, $0x1, v5  }
0x59a: {  	(xrf0) =	vadd.scan.msk.s32 $0xffff, v8;
	_ =	sdelay $0x4  }
0x59b: {  	s20 =	spop (v2sf)  }
0x59c: {  	v8 =	vsel vm3, $0xFFFFFFFF, v5;
	s2 =	sadd.s32 s2, s20;
	v9, _, _ =	vpop (xrf0)  }
0x59d: {  	s19 =	sadd.s32 s28, s2;
	v8 =	vadd.s32 v8, v9  }
0x59e: {  	v8 =	vadd.s32 s19, v8  }
0x59f: {  	v8 =	vsel vm3, v8, v4  }
0x5a0: {  	(v2sf) =	vpush v9, $0xF;
	[tilespmem:s30+$0x0] =	vst v8  }
0x5a1: {  	v8 =	vld [tilespmem:s4+$0x10];
	_ =	sdelay $0x2  }
0x5a2: {  	s21 =	sadd.s32 $0x12050, s13  }
0x5a3: {  	v9 =	vor.u32 s21, v2  }
0x5a4: {  	vm4 =	vle.s32 v9, v7;
	vm3 =	veq.s32 v8, v6  }
0x5a5: {  	vm5 =	vgt.s32 v8, v6;
	vm3 =	vmand vm4, vm3  }
0x5a6: {  	vm3 =	vmor vm5, vm3  }
0x5a7: {  	v8 =	vsel vm3, $0x1, v5  }
0x5a8: {  	(xrf0) =	vadd.scan.msk.s32 $0xffff, v8;
	_ =	sdelay $0x4  }
0x5a9: {  	s20 =	spop (v2sf)  }
0x5aa: {  	v8 =	vsel vm3, $0xFFFFFFFF, v5;
	s2 =	sadd.s32 s2, s20;
	v9, _, _ =	vpop (xrf0)  }
0x5ab: {  	s19 =	sadd.s32 s28, s2;
	v8 =	vadd.s32 v8, v9  }
0x5ac: {  	v8 =	vadd.s32 s19, v8  }
0x5ad: {  	v8 =	vsel vm3, v8, v4  }
0x5ae: {  	(v2sf) =	vpush v9, $0xF;
	[tilespmem:s30+$0x10] =	vst v8  }
0x5af: {  	v8 =	vld [tilespmem:s4+$0x20];
	_ =	sdelay $0x2  }
0x5b0: {  	s21 =	sadd.s32 $0x12060, s13  }
0x5b1: {  	v9 =	vor.u32 s21, v2  }
0x5b2: {  	vm4 =	vle.s32 v9, v7;
	vm3 =	veq.s32 v8, v6  }
0x5b3: {  	vm5 =	vgt.s32 v8, v6;
	vm3 =	vmand vm4, vm3  }
0x5b4: {  	vm3 =	vmor vm5, vm3  }
0x5b5: {  	v8 =	vsel vm3, $0x1, v5  }
0x5b6: {  	(xrf0) =	vadd.scan.msk.s32 $0xffff, v8;
	_ =	sdelay $0x4  }
0x5b7: {  	s20 =	spop (v2sf)  }
0x5b8: {  	v8 =	vsel vm3, $0xFFFFFFFF, v5;
	s2 =	sadd.s32 s2, s20;
	v9, _, _ =	vpop (xrf0)  }
0x5b9: {  	s19 =	sadd.s32 s28, s2;
	v8 =	vadd.s32 v8, v9  }
0x5ba: {  	v8 =	vadd.s32 s19, v8  }
0x5bb: {  	v8 =	vsel vm3, v8, v4  }
0x5bc: {  	[tilespmem:s30+$0x20] =	vst v8  }
0x5bd: {  	(v2sf) =	vpush v9, $0xF;
	v8 =	vld [tilespmem:s4+$0x30];
	_ =	sdelay $0x2  }
0x5be: {  	s21 =	sadd.s32 $0x12070, s13  }
0x5bf: {  	v9 =	vor.u32 s21, v2  }
0x5c0: {  	vm4 =	vle.s32 v9, v7;
	vm3 =	veq.s32 v8, v6  }
0x5c1: {  	vm5 =	vgt.s32 v8, v6;
	vm3 =	vmand vm4, vm3  }
0x5c2: {  	vm3 =	vmor vm5, vm3  }
0x5c3: {  	v8 =	vsel vm3, $0x1, v5  }
0x5c4: {  	(xrf0) =	vadd.scan.msk.s32 $0xffff, v8;
	_ =	sdelay $0x5  }
0x5c5: {  	s13 =	spop (v2sf);
	v8, _, _ =	vpop (xrf0)  }
0x5c6: {  	v9 =	vsel vm3, $0xFFFFFFFF, v5;
	s2 =	sadd.s32 s2, s13;
	(v2sf) =	vpush v8, $0xF  }
0x5c7: {  	s4 =	sadd.s32 s28, s2;
	v8 =	vadd.s32 v9, v8  }
0x5c8: {  	v8 =	vadd.s32 s4, v8  }
0x5c9: {  	v8 =	vsel vm3, v8, v4  }
0x5ca: {  	s31 =	simm.s32 $0xC0;
	[tilespmem:s30+$0x30] =	vst v8  }
0x5cb: {  	v8 =	vld [tilespmem:s31+$0xFFFFFFC0];
	_ =	sdelay $0x1  }
0x5cc: {  	s4 =	sadd.s32 $0x80, s3  }
0x5cd: {  	s19 =	sadd.s32 $0x12000, s4  }
0x5ce: {  	v9 =	vor.u32 s19, v2  }
0x5cf: {  	vm4 =	vle.s32 v9, v7;
	vm3 =	veq.s32 v8, v6  }
0x5d0: {  	vm5 =	vgt.s32 v8, v6;
	vm3 =	vmand vm4, vm3  }
0x5d1: {  	s20 =	sadd.s32 $0x12010, s4;
	s21 =	sadd.s32 $0x12020, s4;
	vm3 =	vmor vm5, vm3  }
0x5d2: {  	v14 =	vor.u32 s20, v2;
	v13 =	vor.u32 s21, v2;
	s20 =	sadd.s32 $0x12030, s4;
	s21 =	sadd.s32 $0x12040, s4;
	v15 =	vsel vm3, $0x1, v5  }
0x5d3: {  	v12 =	vor.u32 s20, v2;
	s20 =	sadd.s32 $0x12050, s4;
	v11 =	vor.u32 s21, v2;
	s21 =	sadd.s32 $0x12060, s4;
	s4 =	sadd.s32 $0x12070, s4;
	(xrf0) =	vadd.scan.msk.s32 $0xffff, v15  }
0x5d4: {  	s19 =	simm.s32 $0x100;
	v10 =	vor.u32 s20, v2;
	v9 =	vor.u32 s21, v2;
	v8 =	vor.u32 s4, v2;
	s13 =	spop (v2sf)  }
.LBB2_15:
0x5d5: {  	s2 =	sadd.s32 s2, s13  }
0x5d6: {  	s30 =	sadd.s32 $0x80, s30;
	s13 =	smov.u32 s19;
	s4 =	sadd.s32 $0x80, s19  }
0x5d7: {  	p3 =	sne.s32 s19, $0x1180;
	s19 =	sadd.s32 s28, s2  }
0x5d8: {  	v15 =	vsel vm3, $0xFFFFFFFF, v5  }
0x5d9: {  	v15 =	vadd.s32 s19, v15;
	v16, _, _ =	vpop (xrf0)  }
0x5da: {  	v15 =	vadd.s32 v16, v15;
	(v2sf) =	vpush v16, $0xF  }
0x5db: {  	v15 =	vsel vm3, v15, v4  }
0x5dc: {  	[tilespmem:s30+$0xFFFFFFC0] =	vst v15  }
0x5dd: {  	v15 =	vld [tilespmem:s31+$0xFFFFFFD0];
	_ =	sdelay $0x4  }
0x5de: {  	vm4 =	vle.s32 v14, v7;
	vm3 =	veq.s32 v15, v6  }
0x5df: {  	vm5 =	vgt.s32 v15, v6;
	vm3 =	vmand vm4, vm3  }
0x5e0: {  	vm3 =	vmor vm5, vm3  }
0x5e1: {  	v14 =	vsel vm3, $0x1, v5  }
0x5e2: {  	(xrf0) =	vadd.scan.msk.s32 $0xffff, v14;
	_ =	sdelay $0x2  }
0x5e3: {  	s19 =	spop (v2sf)  }
0x5e4: {  	s2 =	sadd.s32 s2, s19;
	_ =	sdelay $0x1  }
0x5e5: {  	v14 =	vsel vm3, $0xFFFFFFFF, v5;
	v15, _, _ =	vpop (xrf0)  }
0x5e6: {  	s19 =	sadd.s32 s28, s2;
	v14 =	vadd.s32 v14, v15;
	(v2sf) =	vpush v15, $0xF  }
0x5e7: {  	v14 =	vadd.s32 s19, v14  }
0x5e8: {  	v14 =	vsel vm3, v14, v4  }
0x5e9: {  	[tilespmem:s30+$0xFFFFFFD0] =	vst v14  }
0x5ea: {  	v14 =	vld [tilespmem:s31+$0xFFFFFFE0];
	_ =	sdelay $0x4  }
0x5eb: {  	vm4 =	vle.s32 v13, v7;
	vm3 =	veq.s32 v14, v6  }
0x5ec: {  	vm5 =	vgt.s32 v14, v6;
	vm3 =	vmand vm4, vm3  }
0x5ed: {  	vm3 =	vmor vm5, vm3  }
0x5ee: {  	v13 =	vsel vm3, $0x1, v5  }
0x5ef: {  	(xrf0) =	vadd.scan.msk.s32 $0xffff, v13;
	_ =	sdelay $0x1  }
0x5f0: {  	s19 =	spop (v2sf)  }
0x5f1: {  	s2 =	sadd.s32 s2, s19;
	_ =	sdelay $0x2  }
0x5f2: {  	v13 =	vsel vm3, $0xFFFFFFFF, v5;
	v14, _, _ =	vpop (xrf0)  }
0x5f3: {  	s19 =	sadd.s32 s28, s2;
	v13 =	vadd.s32 v13, v14;
	(v2sf) =	vpush v14, $0xF  }
0x5f4: {  	v13 =	vadd.s32 s19, v13  }
0x5f5: {  	v13 =	vsel vm3, v13, v4  }
0x5f6: {  	[tilespmem:s30+$0xFFFFFFE0] =	vst v13  }
0x5f7: {  	v13 =	vld [tilespmem:s31+$0xFFFFFFF0];
	_ =	sdelay $0x4  }
0x5f8: {  	vm4 =	vle.s32 v12, v7;
	vm3 =	veq.s32 v13, v6  }
0x5f9: {  	vm5 =	vgt.s32 v13, v6;
	vm3 =	vmand vm4, vm3  }
0x5fa: {  	vm3 =	vmor vm5, vm3  }
0x5fb: {  	v12 =	vsel vm3, $0x1, v5  }
0x5fc: {  	(xrf0) =	vadd.scan.msk.s32 $0xffff, v12;
	_ =	sdelay $0x1  }
0x5fd: {  	s19 =	spop (v2sf)  }
0x5fe: {  	s2 =	sadd.s32 s2, s19;
	_ =	sdelay $0x2  }
0x5ff: {  	v12 =	vsel vm3, $0xFFFFFFFF, v5;
	v13, _, _ =	vpop (xrf0)  }
0x600: {  	s19 =	sadd.s32 s28, s2;
	v12 =	vadd.s32 v12, v13;
	(v2sf) =	vpush v13, $0xF  }
0x601: {  	v12 =	vadd.s32 s19, v12  }
0x602: {  	v12 =	vsel vm3, v12, v4  }
0x603: {  	[tilespmem:s30+$0xFFFFFFF0] =	vst v12  }
0x604: {  	v12 =	vld [tilespmem:s31+$0x0];
	_ =	sdelay $0x4  }
0x605: {  	vm4 =	vle.s32 v11, v7;
	vm3 =	veq.s32 v12, v6  }
0x606: {  	vm5 =	vgt.s32 v12, v6;
	vm3 =	vmand vm4, vm3  }
0x607: {  	vm3 =	vmor vm5, vm3  }
0x608: {  	v11 =	vsel vm3, $0x1, v5  }
0x609: {  	(xrf0) =	vadd.scan.msk.s32 $0xffff, v11;
	_ =	sdelay $0x1  }
0x60a: {  	s19 =	spop (v2sf)  }
0x60b: {  	s2 =	sadd.s32 s2, s19;
	_ =	sdelay $0x2  }
0x60c: {  	v11 =	vsel vm3, $0xFFFFFFFF, v5;
	v12, _, _ =	vpop (xrf0)  }
0x60d: {  	s19 =	sadd.s32 s28, s2;
	v11 =	vadd.s32 v11, v12;
	(v2sf) =	vpush v12, $0xF  }
0x60e: {  	v11 =	vadd.s32 s19, v11  }
0x60f: {  	v11 =	vsel vm3, v11, v4  }
0x610: {  	[tilespmem:s30+$0x0] =	vst v11  }
0x611: {  	v11 =	vld [tilespmem:s31+$0x10];
	_ =	sdelay $0x4  }
0x612: {  	vm4 =	vle.s32 v10, v7;
	vm3 =	veq.s32 v11, v6  }
0x613: {  	vm5 =	vgt.s32 v11, v6;
	vm3 =	vmand vm4, vm3  }
0x614: {  	vm3 =	vmor vm5, vm3  }
0x615: {  	v10 =	vsel vm3, $0x1, v5  }
0x616: {  	(xrf0) =	vadd.scan.msk.s32 $0xffff, v10;
	_ =	sdelay $0x1  }
0x617: {  	s19 =	spop (v2sf)  }
0x618: {  	s2 =	sadd.s32 s2, s19;
	_ =	sdelay $0x2  }
0x619: {  	v10 =	vsel vm3, $0xFFFFFFFF, v5;
	v11, _, _ =	vpop (xrf0)  }
0x61a: {  	s19 =	sadd.s32 s28, s2;
	v10 =	vadd.s32 v10, v11;
	(v2sf) =	vpush v11, $0xF  }
0x61b: {  	v10 =	vadd.s32 s19, v10  }
0x61c: {  	v10 =	vsel vm3, v10, v4  }
0x61d: {  	[tilespmem:s30+$0x10] =	vst v10  }
0x61e: {  	v10 =	vld [tilespmem:s31+$0x20];
	_ =	sdelay $0x4  }
0x61f: {  	vm4 =	vle.s32 v9, v7;
	vm3 =	veq.s32 v10, v6  }
0x620: {  	vm5 =	vgt.s32 v10, v6;
	vm3 =	vmand vm4, vm3  }
0x621: {  	vm3 =	vmor vm5, vm3  }
0x622: {  	v9 =	vsel vm3, $0x1, v5  }
0x623: {  	(xrf0) =	vadd.scan.msk.s32 $0xffff, v9;
	_ =	sdelay $0x1  }
0x624: {  	s19 =	spop (v2sf)  }
0x625: {  	s2 =	sadd.s32 s2, s19;
	_ =	sdelay $0x2  }
0x626: {  	v9 =	vsel vm3, $0xFFFFFFFF, v5;
	v10, _, _ =	vpop (xrf0)  }
0x627: {  	s19 =	sadd.s32 s28, s2;
	v9 =	vadd.s32 v9, v10;
	(v2sf) =	vpush v10, $0xF  }
0x628: {  	v9 =	vadd.s32 s19, v9  }
0x629: {  	v9 =	vsel vm3, v9, v4  }
0x62a: {  	[tilespmem:s30+$0x20] =	vst v9  }
0x62b: {  	v9 =	vld [tilespmem:s31+$0x30];
	_ =	sdelay $0x4  }
0x62c: {  	vm4 =	vle.s32 v8, v7;
	vm3 =	veq.s32 v9, v6  }
0x62d: {  	vm5 =	vgt.s32 v9, v6;
	vm3 =	vmand vm4, vm3  }
0x62e: {  	vm3 =	vmor vm5, vm3  }
0x62f: {  	v8 =	vsel vm3, $0x1, v5  }
0x630: {  	(xrf0) =	vadd.scan.msk.s32 $0xffff, v8;
	_ =	sdelay $0x1  }
0x631: {  	s19 =	spop (v2sf)  }
0x632: {  	s2 =	sadd.s32 s2, s19;
	_ =	sdelay $0x2  }
0x633: {  	v8 =	vsel vm3, $0xFFFFFFFF, v5;
	v9, _, _ =	vpop (xrf0)  }
0x634: {  	s19 =	sadd.s32 s28, s2;
	v8 =	vadd.s32 v8, v9;
	(v2sf) =	vpush v9, $0xF  }
0x635: {  	v8 =	vadd.s32 s19, v8  }
0x636: {  	v8 =	vsel vm3, v8, v4  }
0x637: {  	s31 =	sadd.s32 $0x80, s31;
	[tilespmem:s30+$0x30] =	vst v8  }
0x638: {  	v8 =	vld [tilespmem:s31+$0xFFFFFFC0];
	_ =	sdelay $0x1  }
0x639: {  	s13 =	sadd.s32 s13, s3  }
0x63a: {  	s20 =	sadd.s32 $0x12010, s13;
	s21 =	sadd.s32 $0x12020, s13;
	s19 =	sadd.s32 $0x12000, s13  }
0x63b: {  	v14 =	vor.u32 s20, v2;
	s20 =	sadd.s32 $0x12040, s13;
	v13 =	vor.u32 s21, v2;
	s21 =	sadd.s32 $0x12050, s13;
	v9 =	vor.u32 s19, v2;
	s19 =	sadd.s32 $0x12030, s13  }
0x63c: {  	vm4 =	vle.s32 v9, v7;
	v12 =	vor.u32 s19, v2;
	s19 =	sadd.s32 $0x12060, s13;
	s13 =	sadd.s32 $0x12070, s13;
	vm3 =	veq.s32 v8, v6  }
0x63d: {  	v11 =	vor.u32 s20, v2;
	vm5 =	vgt.s32 v8, v6;
	vm3 =	vmand vm4, vm3  }
.Ltmp9:
0x63e: {  	v10 =	vor.u32 s21, v2;
	v9 =	vor.u32 s19, v2;
	vm3 =	vmor vm5, vm3;
	(pc) =	sbr.rel @p3 .LBB2_15-.Ltmp9, $3  }
0x63f: {  	v8 =	vor.u32 s13, v2;
	v15 =	vsel vm3, $0x1, v5  }
0x640: {  	(xrf0) =	vadd.scan.msk.s32 $0xffff, v15;
	_ =	sdelay $0x1  }
0x641: {  	s19 =	smov.u32 s4;
	s13 =	spop (v2sf)  }
0x642: {  	_ = 	snop  }
0x643: {  	s2 =	sadd.s32 s2, s13  }
0x644: {  	v15 =	vsel vm3, $0xFFFFFFFF, v5;
	s4 =	sadd.s32 s28, s2  }
0x645: {  	v15 =	vadd.s32 s4, v15;
	v16, _, _ =	vpop (xrf0)  }
0x646: {  	v15 =	vadd.s32 v16, v15  }
0x647: {  	s4 =	sadd.s32 $0x80, s30;
	v15 =	vsel vm3, v15, v4  }
0x648: {  	(v2sf) =	vpush v16, $0xF;
	[tilespmem:s4+$0xFFFFFFC0] =	vst v15  }
0x649: {  	v15 =	vld [tilespmem:s31+$0xFFFFFFD0];
	_ =	sdelay $0x4  }
0x64a: {  	vm4 =	vle.s32 v14, v7;
	vm3 =	veq.s32 v15, v6  }
0x64b: {  	vm5 =	vgt.s32 v15, v6;
	vm3 =	vmand vm4, vm3  }
0x64c: {  	vm3 =	vmor vm5, vm3  }
0x64d: {  	v46 =	vsel vm3, $0x1, v5  }
0x64e: {  	(xrf0) =	vadd.scan.msk.s32 $0xffff, v46;
	_ =	sdelay $0x4  }
0x64f: {  	s21 =	spop (v2sf)  }
0x650: {  	v47 =	vsel vm3, $0xFFFFFFFF, v5;
	s2 =	sadd.s32 s2, s21;
	v48, _, _ =	vpop (xrf0)  }
0x651: {  	s13 =	sadd.s32 s28, s2;
	v14 =	vadd.s32 v47, v48  }
0x652: {  	v14 =	vadd.s32 s13, v14  }
0x653: {  	v14 =	vsel vm3, v14, v4  }
0x654: {  	(v2sf) =	vpush v48, $0xF;
	[tilespmem:s4+$0xFFFFFFD0] =	vst v14  }
0x655: {  	v14 =	vld [tilespmem:s31+$0xFFFFFFE0];
	_ =	sdelay $0x4  }
0x656: {  	vm12 =	vle.s32 v13, v7;
	vm3 =	veq.s32 v14, v6  }
0x657: {  	vm13 =	vgt.s32 v14, v6;
	vm3 =	vmand vm12, vm3  }
0x658: {  	vm3 =	vmor vm13, vm3  }
0x659: {  	v49 =	vsel vm3, $0x1, v5  }
0x65a: {  	(xrf0) =	vadd.scan.msk.s32 $0xffff, v49;
	_ =	sdelay $0x4  }
0x65b: {  	s30 =	spop (v2sf)  }
0x65c: {  	v50 =	vsel vm3, $0xFFFFFFFF, v5;
	s2 =	sadd.s32 s2, s30;
	v51, _, _ =	vpop (xrf0)  }
0x65d: {  	s13 =	sadd.s32 s28, s2;
	v13 =	vadd.s32 v50, v51  }
0x65e: {  	v13 =	vadd.s32 s13, v13  }
0x65f: {  	v13 =	vsel vm3, v13, v4  }
0x660: {  	(v2sf) =	vpush v51, $0xF;
	[tilespmem:s4+$0xFFFFFFE0] =	vst v13  }
0x661: {  	v13 =	vld [tilespmem:s31+$0xFFFFFFF0];
	_ =	sdelay $0x4  }
0x662: {  	vm14 =	vle.s32 v12, v7;
	vm3 =	veq.s32 v13, v6  }
0x663: {  	vm15 =	vgt.s32 v13, v6;
	vm3 =	vmand vm14, vm3  }
0x664: {  	vm3 =	vmor vm15, vm3  }
0x665: {  	v52 =	vsel vm3, $0x1, v5  }
0x666: {  	(xrf0) =	vadd.scan.msk.s32 $0xffff, v52;
	_ =	sdelay $0x4  }
0x667: {  	s19 =	spop (v2sf)  }
0x668: {  	v53 =	vsel vm3, $0xFFFFFFFF, v5;
	s2 =	sadd.s32 s2, s19;
	v54, _, _ =	vpop (xrf0)  }
0x669: {  	s13 =	sadd.s32 s28, s2;
	v12 =	vadd.s32 v53, v54  }
0x66a: {  	v12 =	vadd.s32 s13, v12  }
0x66b: {  	v12 =	vsel vm3, v12, v4  }
0x66c: {  	(v2sf) =	vpush v54, $0xF;
	[tilespmem:s4+$0xFFFFFFF0] =	vst v12  }
0x66d: {  	v12 =	vld [tilespmem:s31+$0x0];
	_ =	sdelay $0x4  }
0x66e: {  	vm8 =	vle.s32 v11, v7;
	vm3 =	veq.s32 v12, v6  }
0x66f: {  	vm9 =	vgt.s32 v12, v6;
	vm3 =	vmand vm8, vm3  }
0x670: {  	vm3 =	vmor vm9, vm3  }
0x671: {  	v55 =	vsel vm3, $0x1, v5  }
0x672: {  	(xrf0) =	vadd.scan.msk.s32 $0xffff, v55;
	_ =	sdelay $0x4  }
0x673: {  	s20 =	spop (v2sf)  }
0x674: {  	v56 =	vsel vm3, $0xFFFFFFFF, v5;
	s2 =	sadd.s32 s2, s20;
	v57, _, _ =	vpop (xrf0)  }
0x675: {  	s13 =	sadd.s32 s28, s2;
	v11 =	vadd.s32 v56, v57  }
0x676: {  	v11 =	vadd.s32 s13, v11  }
0x677: {  	v11 =	vsel vm3, v11, v4  }
0x678: {  	(v2sf) =	vpush v57, $0xF;
	[tilespmem:s4+$0x0] =	vst v11  }
0x679: {  	v11 =	vld [tilespmem:s31+$0x10];
	_ =	sdelay $0x4  }
0x67a: {  	vm10 =	vle.s32 v10, v7;
	vm3 =	veq.s32 v11, v6  }
0x67b: {  	vm11 =	vgt.s32 v11, v6;
	vm3 =	vmand vm10, vm3  }
0x67c: {  	vm3 =	vmor vm11, vm3  }
0x67d: {  	v58 =	vsel vm3, $0x1, v5  }
0x67e: {  	(xrf0) =	vadd.scan.msk.s32 $0xffff, v58;
	_ =	sdelay $0x4  }
0x67f: {  	s21 =	spop (v2sf)  }
0x680: {  	v59 =	vsel vm3, $0xFFFFFFFF, v5;
	s2 =	sadd.s32 s2, s21;
	v60, _, _ =	vpop (xrf0)  }
0x681: {  	s13 =	sadd.s32 s28, s2;
	v10 =	vadd.s32 v59, v60  }
0x682: {  	v10 =	vadd.s32 s13, v10  }
0x683: {  	v10 =	vsel vm3, v10, v4  }
0x684: {  	(v2sf) =	vpush v60, $0xF;
	[tilespmem:s4+$0x10] =	vst v10  }
0x685: {  	v10 =	vld [tilespmem:s31+$0x20];
	_ =	sdelay $0x4  }
0x686: {  	vm12 =	vle.s32 v9, v7;
	vm3 =	veq.s32 v10, v6  }
0x687: {  	vm13 =	vgt.s32 v10, v6;
	vm3 =	vmand vm12, vm3  }
0x688: {  	vm3 =	vmor vm13, vm3  }
0x689: {  	v61 =	vsel vm3, $0x1, v5  }
0x68a: {  	(xrf0) =	vadd.scan.msk.s32 $0xffff, v61;
	_ =	sdelay $0x4  }
0x68b: {  	s30 =	spop (v2sf)  }
0x68c: {  	v62 =	vsel vm3, $0xFFFFFFFF, v5;
	s2 =	sadd.s32 s2, s30;
	v63, _, _ =	vpop (xrf0)  }
0x68d: {  	s13 =	sadd.s32 s28, s2;
	v9 =	vadd.s32 v62, v63  }
0x68e: {  	v9 =	vadd.s32 s13, v9  }
0x68f: {  	v9 =	vsel vm3, v9, v4  }
0x690: {  	[tilespmem:s4+$0x20] =	vst v9  }
0x691: {  	v9 =	vld [tilespmem:s31+$0x30];
	_ =	sdelay $0x4  }
0x692: {  	vm14 =	vle.s32 v8, v7;
	vm3 =	veq.s32 v9, v6  }
0x693: {  	vm15 =	vgt.s32 v9, v6;
	vm3 =	vmand vm14, vm3  }
0x694: {  	vm3 =	vmor vm15, vm3  }
0x695: {  	v6 =	vsel vm3, $0x1, v5  }
0x696: {  	(xrf0) =	vadd.scan.msk.s32 $0xffff, v6;
	_ =	sdelay $0x1  }
0x697: {  	(v2sf) =	vpush v63, $0xF;
	_ =	sdelay $0x3  }
0x698: {  	v6, _, _ =	vpop (xrf0)  }
0x699: {  	(v2sf) =	vpush v6, $0xF;
	_ =	sdelay $0x9  }
0x69a: {  	s31 =	spop (v2sf)  }
0x69b: {  	v7 =	vsel vm3, $0xFFFFFFFF, v5;
	s2 =	sadd.s32 s2, s31  }
0x69c: {  	s2 =	sadd.s32 s28, s2;
	v6 =	vadd.s32 v7, v6  }
0x69d: {  	v6 =	vadd.s32 s2, v6  }
0x69e: {  	v6 =	vsel vm3, v6, v4  }
0x69f: {  	[tilespmem:s4+$0x30] =	vst v6;
	s19 =	spop (v2sf)  }
0x6a0: {  	_ =	swait.ge [sflag:s24], $0x1200  }
0x6a1: {  	[sflag:s24] =	ssyncset.done $0x0  }
0x6a2: {  	[sflag:s24] =	ssyncadd.s32 $0xFFFFEE00  }
0x6a3: {  	_ =	swait.ge [sflag:s24], $0x1200  }
0x6a4: {  	[sflag:s24] =	ssyncset.done $0x0  }
0x6a5: {  	[sflag:s24] =	ssyncadd.s32 $0xFFFFEE00  }
0x6a6: {  	_ =	swait.ge [sflag:s24], $0x1200  }
0x6a7: {  	[sflag:s24] =	ssyncset.done $0x0  }
0x6a8: {  	[sflag:s24] =	ssyncadd.s32 $0xFFFFEE00  }
0x6a9: {  	_ =	swait.ge [sflag:s24], $0x1200  }
0x6aa: {  	[sflag:s24] =	ssyncset.done $0x0  }
0x6ab: {  	[sflag:s24] =	ssyncadd.s32 $0xFFFFEE00  }
0x6ac: {  	_ =	swait.ge [sflag:s24], $0x1200  }
0x6ad: {  	[sflag:s24] =	ssyncset.done $0x0  }
0x6ae: {  	s2 =	simm.s32 $0x2680;
	s4 =	simm.s32 $0x1200;
	[sflag:s24] =	ssyncadd.s32 $0xFFFFEE00  }
0x6af: {  	[spmem:s16] =	stream.indirect.scatter [tilespmem:s2], [sflag:$0x1], $0x1, s4, s15, $0xb8;
	[tilespmem:$0x92E0] =	vst v63  }
0x6b0: {  	s20 =	simm.s32 $0x3880  }
0x6b1: {  	[spmem:s17] =	stream.indirect.scatter [tilespmem:s20], [sflag:$0x1], $0x1, s4, s15, $0xb8;
	[tilespmem:$0x92E0] =	vst v63  }
0x6b2: {  	s21 =	simm.s32 $0x4A80  }
0x6b3: {  	[spmem:s25] =	stream.indirect.scatter [tilespmem:s21], [sflag:$0x1], $0x1, s4, s15, $0xb8;
	[tilespmem:$0x92E0] =	vst v63  }
0x6b4: {  	s30 =	simm.s32 $0x5C80;
	s13 =	simm.s32 $0x400  }
0x6b5: {  	[spmem:s29] =	stream.indirect.scatter [tilespmem:s30], [sflag:$0x1], $0x1, s4, s15, $0xb8;
	[tilespmem:$0x92E0] =	vst v63  }
0x6b6: {  	s31 =	simm.s32 $0x6E80;
	s28 =	simm.s32 $0x0;
	s2 =	simm.s32 $0x80  }
0x6b7: {  	[spmem:s0] =	stream.indirect.scatter [tilespmem:s31], [sflag:$0x1], $0x1, s4, s15, $0xb8;
	[tilespmem:$0x92E0] =	vst v63  }
.LBB2_17:
0x6b8: {  	[spmem:s5] =	stream.indirect.scatter [tilespmem:s28], [sflag:$0x1], $0x1, s4, s15, $0xb8;
	[tilespmem:$0x92E0] =	vst v63  }
0x6b9: {  	s19 =	sshra.s32 s13, $0x2;
	s20 =	sadd.s32 $0x2680, s2;
	s4 =	sadd.s32 $0x1200, s2  }
0x6ba: {  	[spmem:s16] =	stream.indirect.scatter [tilespmem:s20], [sflag:$0x1], $0x1, s4, s15, $0xb8;
	[tilespmem:$0x92E0] =	vst v63  }
0x6bb: {  	p3 =	sne.s32 s13, $0x4600;
	s13 =	sadd.s32 $0x200, s13;
	s20 =	sadd.s32 $0x3880, s2  }
0x6bc: {  	[spmem:s17] =	stream.indirect.scatter [tilespmem:s20], [sflag:$0x1], $0x1, s4, s15, $0xb8;
	[tilespmem:$0x92E0] =	vst v63  }
0x6bd: {  	s28 =	smov.u32 s2;
	s20 =	sadd.s32 $0x4A80, s2;
	s2 =	smov.u32 s19  }
0x6be: {  	[spmem:s25] =	stream.indirect.scatter [tilespmem:s20], [sflag:$0x1], $0x1, s4, s15, $0xb8;
	[tilespmem:$0x92E0] =	vst v63  }
.Ltmp10:
0x6bf: {  	_ = 	snop;
	(pc) =	sbr.rel @p3 .LBB2_17-.Ltmp10, $4  }
0x6c0: {  	s19 =	sadd.s32 $0x5C80, s28  }
0x6c1: {  	[spmem:s29] =	stream.indirect.scatter [tilespmem:s19], [sflag:$0x1], $0x1, s4, s15, $0xb8;
	[tilespmem:$0x92E0] =	vst v63  }
0x6c2: {  	s19 =	sadd.s32 $0x6E80, s28  }
0x6c3: {  	[spmem:s0] =	stream.indirect.scatter [tilespmem:s19], [sflag:$0x1], $0x1, s4, s15, $0xb8;
	[tilespmem:$0x92E0] =	vst v63  }
.Ltmp11:
0x6c4: {  	_ = 	snop;
	(pc) =	sbr.rel .LBB2_18-.Ltmp11, $1  }
0x6c5: {  	_ =	sdelay $0x3  }
.LBB2_20:
0x6c6: {  	_ =	sfence.sel $0x180000  }
0x6c7: {  	[bflag:$0x0] =	sbarrier.arrive $0xFFFF  }
0x6c8: {  	_ =	strace $0x90000047  }
0x6c9: {  	[bflag:$0x2] =	sbarrier.arrive $0xFFFF  }
0x6ca: {  	p0 =	sne.s32 s20, $0x0;
	s0 =	rddreg [dreg:$0x8]  }
0x6cb: {  	s0 =	sadd.s32 @!p0 $0x100000, s0  }
0x6cc: {  	[sflag:s0] =	ssyncadd.tile.s32 @!p0 $0x1;
	_ =	shalt  }
.Lfunc_end2:
_tile_overlayer_lowered:
.L_overlay_start_2:
0x6cd: {  	(tag) =	ssettag $0x2  }
0x6ce: {  	s0 =	rddreg [dreg:$0x0];
	s2 =	stileid.u32  }
0x6cf: {  	s1 =	rddreg [dreg:$0x1];
	p0 =	sne.s32 s2, $0x0  }
0x6d0: {  	s3 =	rddreg [dreg:$0x2];
	[bflag:$0x3] =	sbarrier.arrive $0xFFFF;
	s2 =	simm.s32 @!p0 $0x1C03  }
0x6d1: {  	[timem:s3], [sflag:s2] =	dma.local @!p0 [hbm:s0], s1  }
0x6d2: {  	s0 =	simm.s32 @!p0 $0x3  }
0x6d3: {  	_ =	swait.ge @!p0 [sflag:s0], s1  }
0x6d4: {  	s1 =	ssub.s32 @!p0 $0x0, s1;
	[sflag:s0] =	ssyncset.done @!p0 $0x0  }
0x6d5: {  	[sflag:s0] =	ssyncadd.s32 @!p0 s1  }
0x6d6: {  	[bflag:$0x3] =	sbarrier.arrive $0xFFFF  }
0x6d7: {  	_ =	shalt  }

</sc_bundles>
